<compile_context>
chip_gen: v7x
topology: tpu7x:2x2x1
jax: 0.10.2.dev20260603
libtpu: 0.0.44.dev20260713+nightly
codegen_flags: <defaults>
</compile_context>

<pallas_src>
import functools

import jax
import jax.numpy as jnp
import numpy as np
from jax import lax
from jax.experimental import pallas as pl
from jax.experimental.pallas import tpu as pltpu
from jax.experimental.pallas import tpu_sc as plsc

B = 2
PP = 4096
D = 768
K = 8
R = 512
C = 4096
NEG_MASK = np.float32(-1e9)
NEG_INIT = np.float32(-1e30)
BIGI = np.int32(2 ** 30)


def _proj_body(x_ref, wq_ref, bq_ref, wk_ref, bk_ref, wv_ref, bv_ref,
               q_ref, k_ref, v_ref):
    x = x_ref[0]

    def proj(w_ref, b_ref):
        y = lax.dot_general(x, w_ref[...], (((1,), (1,)), ((), ())),
                            preferred_element_type=jnp.float32)
        return y + b_ref[...]

    def norm(a):
        n = jnp.sqrt(jnp.sum(a * a, axis=-1, keepdims=True))
        return a / jnp.maximum(n, 1e-12)

    q_ref[0] = norm(proj(wq_ref, bq_ref))
    k_ref[0] = norm(proj(wk_ref, bk_ref))
    v_ref[0] = proj(wv_ref, bv_ref)


def _project(x, Wq, bq, Wk, bk, Wv, bv):
    grid = (B, PP // R)
    blk_w = pl.BlockSpec((D, D), lambda b, i: (0, 0))
    blk_b = pl.BlockSpec((1, D), lambda b, i: (0, 0))
    blk_row = pl.BlockSpec((1, R, D), lambda b, i: (b, i, 0))
    out_sd = jax.ShapeDtypeStruct((B, PP, D), jnp.float32)
    return pl.pallas_call(
        _proj_body,
        grid=grid,
        in_specs=[blk_row, blk_w, blk_b, blk_w, blk_b, blk_w, blk_b],
        out_specs=[blk_row, blk_row, blk_row],
        out_shape=[out_sd, out_sd, out_sd],
    )(x, Wq, bq.reshape(1, D), Wk, bk.reshape(1, D), Wv, bv.reshape(1, D))


def _topk_body(q_ref, k_ref, routes_ref, weights_ref):
    rt = pl.program_id(0)
    r0 = rt * R

    q = q_ref[0]
    k = k_ref[0]
    s = lax.dot_general(q, k, (((1,), (1,)), ((), ())),
                        preferred_element_type=jnp.float32)
    cols = lax.broadcasted_iota(jnp.int32, (R, C), 1)
    rows = r0 + lax.broadcasted_iota(jnp.int32, (R, 1), 0)
    s = jnp.where((cols == 0) | (cols == rows), NEG_MASK, s)

    vals, idxs = [], []
    for _ in range(K):
        m = jnp.max(s, axis=1, keepdims=True)
        hit = s == m
        sel = jnp.min(jnp.where(hit, cols, BIGI), axis=1, keepdims=True)
        vals.append(m)
        idxs.append(sel)
        s = jnp.where(hit & (cols == sel), NEG_INIT, s)

    tv = jnp.concatenate(vals, axis=1) / jnp.float32(0.1)
    mx = jnp.max(tv, axis=1, keepdims=True)
    e = jnp.exp(tv - mx)
    weights_ref[0] = e / jnp.sum(e, axis=1, keepdims=True)
    routes_ref[0] = jnp.concatenate(idxs, axis=1) - 1


def _topk_route(q, k, b):
    grid = (PP // R,)
    return pl.pallas_call(
        _topk_body,
        grid=grid,
        in_specs=[
            pl.BlockSpec((1, R, D), lambda rt: (b, rt, 0)),
            pl.BlockSpec((1, C, D), lambda rt: (b, 0, 0)),
        ],
        out_specs=[
            pl.BlockSpec((1, R, K), lambda rt: (0, rt, 0)),
            pl.BlockSpec((1, R, K), lambda rt: (0, rt, 0)),
        ],
        out_shape=[
            jax.ShapeDtypeStruct((1, PP, K), jnp.int32),
            jax.ShapeDtypeStruct((1, PP, K), jnp.float32),
        ],
    )(q, k)



SC_ROWS = 4096
SC_NW = 32
SC_RPW = SC_ROWS // SC_NW
SC_CH = 8
SC_NCH = SC_RPW // SC_CH


def _lane_bcast(vec, lane):
    idx = jnp.full((16, 1), lane, jnp.int32)
    dn = lax.GatherDimensionNumbers(
        offset_dims=(), collapsed_slice_dims=(0,), start_index_map=(0,))
    return lax.gather(vec, idx, dn, (1,),
                      mode=lax.GatherScatterMode.PROMISE_IN_BOUNDS)


def _sc_body(v_hbm, gidx_hbm, w_hbm, out_hbm,
             idx_all, w_all, rows_a, rows_b, acc_v, sem_a, sem_b):
    nc = 2
    wid = lax.axis_index("s") * nc + lax.axis_index("c")
    base_row = wid * SC_RPW
    ibase = base_row * K
    pltpu.sync_copy(gidx_hbm.at[pl.ds(ibase, SC_RPW * K)], idx_all)
    pltpu.sync_copy(w_hbm.at[pl.ds(ibase, SC_RPW * K)], w_all)

    def start_gather(ci, rows_ref, sem):
        pltpu.async_copy(
            v_hbm.at[idx_all.at[pl.ds(ci * (SC_CH * K), SC_CH * K)]],
            rows_ref, sem)

    def drain(rows_ref, sem):
        pltpu.make_async_copy(v_hbm.at[pl.ds(0, SC_CH * K)], rows_ref,
                              sem).wait()

    def compute(ci, rows_ref):
        def row_body(r, _):
            wvec = w_all[pl.ds(ci * (SC_CH * K) + (r // 2) * 16, 16)]
            half = (r % 2) * K
            wk = [_lane_bcast(wvec, half + kk) for kk in range(K)]

            def dc_body(dc, _):
                a = rows_ref[r * K, pl.ds(dc * 16, 16)] * wk[0]
                for kk in range(1, K):
                    a = a + rows_ref[r * K + kk, pl.ds(dc * 16, 16)] * wk[kk]
                acc_v[r, pl.ds(dc * 16, 16)] = a
                return 0

            lax.fori_loop(0, D // 16, dc_body, 0, unroll=4)
            return 0

        lax.fori_loop(0, SC_CH, row_body, 0)
        rbase = base_row + ci * SC_CH
        pltpu.sync_copy(acc_v, out_hbm.at[pl.ds(rbase, SC_CH)])

    start_gather(0, rows_a, sem_a)

    def pair_body(i, _):
        ca = 2 * i
        cb = 2 * i + 1
        start_gather(cb, rows_b, sem_b)
        drain(rows_a, sem_a)
        compute(ca, rows_a)
        nxt = lax.rem(ca + 2, SC_NCH)
        start_gather(nxt, rows_a, sem_a)
        drain(rows_b, sem_b)
        compute(cb, rows_b)
        return 0

    lax.fori_loop(0, SC_NCH // 2, pair_body, 0)
    drain(rows_a, sem_a)


def _sc_combine(v_flat, gidx, w_flat):
    mesh = plsc.VectorSubcoreMesh(core_axis_name="c", subcore_axis_name="s")
    fn = functools.partial(
        pl.kernel,
        mesh=mesh,
        out_type=jax.ShapeDtypeStruct((SC_ROWS, D), jnp.float32),
        scratch_types=[
            pltpu.VMEM((SC_RPW * K,), jnp.int32),
            pltpu.VMEM((SC_RPW * K,), jnp.float32),
            pltpu.VMEM((SC_CH * K, D), jnp.float32),
            pltpu.VMEM((SC_CH * K, D), jnp.float32),
            pltpu.VMEM((SC_CH, D), jnp.float32),
            pltpu.SemaphoreType.DMA,
            pltpu.SemaphoreType.DMA,
        ],
    )(_sc_body)
    return fn(v_flat, gidx, w_flat)


def kernel(x, Wq, bq, Wk, bk, Wv, bv):
    q, k, v = _project(x, Wq, bq, Wk, bk, Wv, bv)
    v_flat = v.reshape(B * PP, D)

    routes_b, weights_b, feats_b = [], [], []
    for b in range(B):
        r_full, w_full = _topk_route(q, k, b)
        routes1 = r_full[0, 1:, :]
        weights1 = w_full[0, 1:, :]
        gidx = jnp.pad((routes1 + (b * PP + 1)).reshape(-1), (0, K))
        w_flat = jnp.pad(weights1.reshape(-1), (0, K))
        feat = _sc_combine(v_flat, gidx, w_flat)
        routes_b.append(routes1)
        weights_b.append(weights1)
        feats_b.append(feat[: PP - 1])

    routes = jnp.stack(routes_b)
    weights = jnp.stack(weights_b)
    features = jnp.stack(feats_b)
    return (routes, weights, features)

# --- scband reference (transcript-rebuilt; emitter-appended) ---
"""Pipeline reference for scband-baseline-wormhole-router-23158463660089 (READ-ONLY COPY).

The authoritative reference and input builder live on the scoring server;
editing this copy changes nothing except your own understanding.
"""

import jax, jax.numpy as jnp
import numpy as np


def _normalize(a):
    n = jnp.linalg.norm(a, axis=-1, keepdims=True)
    return a / jnp.maximum(n, 1e-12)


def setup_inputs(seed: int = 0) -> dict:
    key = jax.random.key(seed)
    ks = jax.random.split(key, 7)
    B, S, D = 2, 4096, 768
    s = 1.0 / np.sqrt(D)
    x = jax.random.normal(ks[0], (B, S, D), dtype=jnp.float32)
    Wq = jax.random.uniform(ks[1], (D, D), minval=-s, maxval=s, dtype=jnp.float32)
    bq = jax.random.uniform(ks[2], (D,), minval=-s, maxval=s, dtype=jnp.float32)
    Wk = jax.random.uniform(ks[3], (D, D), minval=-s, maxval=s, dtype=jnp.float32)
    bk = jax.random.uniform(ks[4], (D,), minval=-s, maxval=s, dtype=jnp.float32)
    Wv = jax.random.uniform(ks[5], (D, D), minval=-s, maxval=s, dtype=jnp.float32)
    bv = jax.random.uniform(ks[6], (D,), minval=-s, maxval=s, dtype=jnp.float32)
    return {"x": x, "Wq": Wq, "bq": bq, "Wk": Wk, "bk": bk, "Wv": Wv, "bv": bv}


def reference(x, Wq, bq, Wk, bk, Wv, bv):
    num_routes = 8
    temperature = 0.1
    # skip_first=True
    x = x[:, 1:, :]
    B, P, D = x.shape
    q = _normalize(x @ Wq.T + bq)
    k = _normalize(x @ Wk.T + bk)
    v = x @ Wv.T + bv
    scores = jnp.einsum('bpd,bqd->bpq', q, k)
    mask = jnp.eye(P, dtype=bool)
    scores = jnp.where(mask[None, :, :], jnp.float32(-1e9), scores)
    topk_scores, routes = jax.lax.top_k(scores / temperature, num_routes)
    weights = jax.nn.softmax(topk_scores, axis=-1)
    v_gathered = jax.vmap(lambda vb, rb: vb[rb])(v, routes)  # [B, P, K, D]
    features = jnp.einsum('bpk,bpkd->bpd', weights, v_gathered)
    return (routes, weights, features)

if __name__ == "__main__":
    import jax
    _d = setup_inputs()
    print(jax.jit(kernel)(*tuple(_d.values())))

</pallas_src>

<mosaic_0001>
#map = affine_map<(d0, d1) -> (0, 0)>
#map1 = affine_map<(d0, d1) -> (0)>
module attributes {stable_mosaic.version = 14 : i64} {
  func.func @_sc_body(%arg0: i32, %arg1: i32, %arg2: memref<8192x768xf32, #tpu.memory_space<hbm>>, %arg3: memref<32768xi32, #tpu.memory_space<hbm>>, %arg4: memref<32768xf32, #tpu.memory_space<hbm>>, %arg5: memref<4096x768xf32, #tpu.memory_space<hbm>>, %arg6: memref<1024xi32, #tpu.memory_space<vmem>>, %arg7: memref<1024xf32, #tpu.memory_space<vmem>>, %arg8: memref<64x768xf32, #tpu.memory_space<vmem>>, %arg9: memref<64x768xf32, #tpu.memory_space<vmem>>, %arg10: memref<8x768xf32, #tpu.memory_space<vmem>>, %arg11: memref<!tpu.dma_semaphore, #tpu.memory_space<semaphore_mem>>, %arg12: memref<!tpu.dma_semaphore, #tpu.memory_space<semaphore_mem>>) attributes {dimension_semantics = [#tpu.dimension_semantics<core_parallel>, #tpu.dimension_semantics<subcore_parallel>], iteration_bounds = array<i64: 2, 16>, scalar_prefetch = 0 : i64, scratch_operands = 7 : i64, tpu.core_type = #tpu.core_type<sc_vector_subcore>, window_params = [{transform_indices = #map}, {transform_indices = #map1}, {transform_indices = #map1}, {transform_indices = #map}]} {
    %mul3A = arith.constant 2 : i32
    %mul3A_0 = arith.muli %arg1, %mul3A : i32
    %add3A = arith.addi %mul3A_0, %arg0 : i32
    %mul3A_1 = arith.constant 128 : i32
    %mul3A_2 = arith.muli %add3A, %mul3A_1 : i32
    %mul3A_3 = arith.constant 8 : i32
    %mul3A_4 = arith.muli %mul3A_2, %mul3A_3 : i32
    "tpu.region"() ({
      %run_scoped3A = tpu.sem_alloc : memref<!tpu.dma_semaphore, #tpu.memory_space<semaphore_mem>>
      %dma_start3A_20 = tpu.memref_slice %arg3[%mul3A_4] : memref<32768xi32, #tpu.memory_space<hbm>> -> memref<1024xi32, #tpu.memory_space<hbm>>
      %dma_start3A_21 = tpu.memref_slice %arg3[%mul3A_4] : memref<32768xi32, #tpu.memory_space<hbm>> -> memref<1024xi32, #tpu.memory_space<hbm>>
      tpu.enqueue_dma source(%dma_start3A_21 : memref<1024xi32, #tpu.memory_space<hbm>>) target(%arg6 : memref<1024xi32, #tpu.memory_space<vmem>>) target_semaphore(%run_scoped3A : memref<!tpu.dma_semaphore, #tpu.memory_space<semaphore_mem>>)
      %dma_wait3A_22 = tpu.memref_slice %arg3[%mul3A_4] : memref<32768xi32, #tpu.memory_space<hbm>> -> memref<1024xi32, #tpu.memory_space<hbm>>
      %dma_wait3A_23 = tpu.memref_slice %arg3[%mul3A_4] : memref<32768xi32, #tpu.memory_space<hbm>> -> memref<1024xi32, #tpu.memory_space<hbm>>
      tpu.wait_dma2 semaphore(%run_scoped3A : memref<!tpu.dma_semaphore, #tpu.memory_space<semaphore_mem>>) src(%dma_wait3A_23 : memref<1024xi32, #tpu.memory_space<hbm>>) dst(%arg6 : memref<1024xi32, #tpu.memory_space<vmem>>)
      tpu.yield
    }) : () -> ()
    "tpu.region"() ({
      %run_scoped3A = tpu.sem_alloc : memref<!tpu.dma_semaphore, #tpu.memory_space<semaphore_mem>>
      %dma_start3A_20 = tpu.memref_slice %arg4[%mul3A_4] : memref<32768xf32, #tpu.memory_space<hbm>> -> memref<1024xf32, #tpu.memory_space<hbm>>
      %dma_start3A_21 = tpu.memref_slice %arg4[%mul3A_4] : memref<32768xf32, #tpu.memory_space<hbm>> -> memref<1024xf32, #tpu.memory_space<hbm>>
      tpu.enqueue_dma source(%dma_start3A_21 : memref<1024xf32, #tpu.memory_space<hbm>>) target(%arg7 : memref<1024xf32, #tpu.memory_space<vmem>>) target_semaphore(%run_scoped3A : memref<!tpu.dma_semaphore, #tpu.memory_space<semaphore_mem>>)
      %dma_wait3A_22 = tpu.memref_slice %arg4[%mul3A_4] : memref<32768xf32, #tpu.memory_space<hbm>> -> memref<1024xf32, #tpu.memory_space<hbm>>
      %dma_wait3A_23 = tpu.memref_slice %arg4[%mul3A_4] : memref<32768xf32, #tpu.memory_space<hbm>> -> memref<1024xf32, #tpu.memory_space<hbm>>
      tpu.wait_dma2 semaphore(%run_scoped3A : memref<!tpu.dma_semaphore, #tpu.memory_space<semaphore_mem>>) src(%dma_wait3A_23 : memref<1024xf32, #tpu.memory_space<hbm>>) dst(%arg7 : memref<1024xf32, #tpu.memory_space<vmem>>)
      tpu.yield
    }) : () -> ()
    %dma_start3A = arith.constant 0 : i32
    %dma_start3A_5 = tpu.memref_slice %arg6[%dma_start3A] : memref<1024xi32, #tpu.memory_space<vmem>> -> memref<64xi32, #tpu.memory_space<vmem>>
    %dma_start3A_6 = arith.constant 0 : i32
    %dma_start3A_7 = arith.constant 0 : i32
    %dma_start3A_8 = tpu.memref_slice %arg2[%dma_start3A_6, %dma_start3A_7] : memref<8192x768xf32, #tpu.memory_space<hbm>> -> memref<8192x768xf32, #tpu.memory_space<hbm>>
    tpu.enqueue_indirect_dma source(%dma_start3A_8 : memref<8192x768xf32, #tpu.memory_space<hbm>>) target(%arg8 : memref<64x768xf32, #tpu.memory_space<vmem>>) offsets(%dma_start3A_5 : memref<64xi32, #tpu.memory_space<vmem>>) semaphore(%arg11 : memref<!tpu.dma_semaphore, #tpu.memory_space<semaphore_mem>>)
    %scan3A = arith.constant 0 : i32
    %scan3A_9 = arith.constant 0 : i32
    %scan3A_10 = arith.constant 8 : i32
    %scan3A_11 = arith.addi %scan3A_9, %scan3A_10 : i32
    %scan3A_12 = arith.constant 1 : i32
    %scan3A_13 = scf.for %scan3A_20 = %scan3A_9 to %scan3A_11 step %scan3A_12 iter_args(%scan3A_21 = %scan3A) -> (i32)  : i32 {
      %mul3A_22 = arith.constant 2 : i32
      %mul3A_23 = arith.muli %mul3A_22, %scan3A_20 : i32
      %mul3A_24 = arith.constant 2 : i32
      %mul3A_25 = arith.muli %mul3A_24, %scan3A_20 : i32
      %add3A_26 = arith.constant 1 : i32
      %add3A_27 = arith.addi %mul3A_25, %add3A_26 : i32
      %mul3A_28 = arith.constant 64 : i32
      %mul3A_29 = arith.muli %add3A_27, %mul3A_28 : i32
      %dma_start3A_30 = tpu.memref_slice %arg6[%mul3A_29] : memref<1024xi32, #tpu.memory_space<vmem>> -> memref<64xi32, #tpu.memory_space<vmem>>
      %dma_start3A_31 = arith.constant 0 : i32
      %dma_start3A_32 = arith.constant 0 : i32
      %dma_start3A_33 = tpu.memref_slice %arg2[%dma_start3A_31, %dma_start3A_32] : memref<8192x768xf32, #tpu.memory_space<hbm>> -> memref<8192x768xf32, #tpu.memory_space<hbm>>
      tpu.enqueue_indirect_dma source(%dma_start3A_33 : memref<8192x768xf32, #tpu.memory_space<hbm>>) target(%arg9 : memref<64x768xf32, #tpu.memory_space<vmem>>) offsets(%dma_start3A_30 : memref<64xi32, #tpu.memory_space<vmem>>) semaphore(%arg12 : memref<!tpu.dma_semaphore, #tpu.memory_space<semaphore_mem>>)
      %dma_wait3A_34 = arith.constant 0 : i32
      %dma_wait3A_35 = arith.constant 0 : i32
      %dma_wait3A_36 = tpu.memref_slice %arg2[%dma_wait3A_34, %dma_wait3A_35] : memref<8192x768xf32, #tpu.memory_space<hbm>> -> memref<64x768xf32, #tpu.memory_space<hbm>>
      %dma_wait3A_37 = arith.constant 0 : i32
      %dma_wait3A_38 = arith.constant 0 : i32
      %dma_wait3A_39 = tpu.memref_slice %arg2[%dma_wait3A_37, %dma_wait3A_38] : memref<8192x768xf32, #tpu.memory_space<hbm>> -> memref<64x768xf32, #tpu.memory_space<hbm>>
      tpu.wait_dma2 semaphore(%arg11 : memref<!tpu.dma_semaphore, #tpu.memory_space<semaphore_mem>>) src(%dma_wait3A_39 : memref<64x768xf32, #tpu.memory_space<hbm>>) dst(%arg8 : memref<64x768xf32, #tpu.memory_space<vmem>>)
      %scan3A_40 = arith.constant 0 : i32
      %scan3A_41 = arith.constant 0 : i32
      %scan3A_42 = arith.constant 8 : i32
      %scan3A_43 = arith.addi %scan3A_41, %scan3A_42 : i32
      %scan3A_44 = arith.constant 1 : i32
      %scan3A_45 = scf.for %scan3A_76 = %scan3A_41 to %scan3A_43 step %scan3A_44 iter_args(%scan3A_77 = %scan3A_40) -> (i32)  : i32 {
        %mul3A_78 = arith.constant 64 : i32
        %mul3A_79 = arith.muli %mul3A_23, %mul3A_78 : i32
        %jit3A = arith.constant 2 : i32
        %div3A = arith.divsi %scan3A_76, %jit3A : i32
        %sign3A = arith.constant 0 : i32
        %sign3A_80 = arith.cmpi sgt, %scan3A_76, %sign3A : i32
        %sign3A_81 = arith.extui %sign3A_80 : i1 to i32
        %sign3A_82 = arith.constant 0 : i32
        %sign3A_83 = arith.cmpi slt, %scan3A_76, %sign3A_82 : i32
        %sign3A_84 = arith.extui %sign3A_83 : i1 to i32
        %sign3A_85 = arith.subi %sign3A_81, %sign3A_84 : i32
        %sign3A_86 = arith.constant 0 : i32
        %sign3A_87 = arith.cmpi sgt, %jit3A, %sign3A_86 : i32
        %sign3A_88 = arith.extui %sign3A_87 : i1 to i32
        %sign3A_89 = arith.constant 0 : i32
        %sign3A_90 = arith.cmpi slt, %jit3A, %sign3A_89 : i32
        %sign3A_91 = arith.extui %sign3A_90 : i1 to i32
        %sign3A_92 = arith.subi %sign3A_88, %sign3A_91 : i32
        %ne3A = arith.cmpi ne, %sign3A_85, %sign3A_92 : i32
        %rem3A_93 = arith.remsi %scan3A_76, %jit3A : i32
        %ne3A_94 = arith.constant 0 : i32
        %ne3A_95 = arith.cmpi ne, %rem3A_93, %ne3A_94 : i32
        %and3A = arith.andi %ne3A, %ne3A_95 : i1
        %sub3A = arith.constant 1 : i32
        %sub3A_96 = arith.subi %div3A, %sub3A : i32
        %select_n3A = arith.select %and3A, %sub3A_96, %div3A : i32
        %mul3A_97 = arith.constant 16 : i32
        %mul3A_98 = arith.muli %select_n3A, %mul3A_97 : i32
        %add3A_99 = arith.addi %mul3A_79, %mul3A_98 : i32
        %get3A = arith.index_cast %add3A_99 : i32 to index
        %get3A_100 = tpu.vector_load %arg7[%get3A] {strides = array<i32>} : memref<1024xf32, #tpu.memory_space<vmem>>, vector<16xf32>,
        %get3A_101 = vector.shape_cast %get3A_100 : vector<16xf32> to vector<16xf32>
        %jit3A_102 = arith.constant 2 : i32
        %eq3A = arith.constant 0 : i32
        %eq3A_103 = arith.cmpi eq, %jit3A_102, %eq3A : i32
        %jit3A_104 = arith.constant 1 : i32
        %select_n3A_105 = arith.select %eq3A_103, %jit3A_104, %jit3A_102 : i32
        %rem3A_106 = arith.remsi %scan3A_76, %select_n3A_105 : i32
        %ne3A_107 = arith.constant 0 : i32
        %ne3A_108 = arith.cmpi ne, %rem3A_106, %ne3A_107 : i32
        %lt3A = arith.constant 0 : i32
        %lt3A_109 = arith.cmpi slt, %rem3A_106, %lt3A : i32
        %lt3A_110 = arith.constant 0 : i32
        %lt3A_111 = arith.cmpi slt, %select_n3A_105, %lt3A_110 : i32
        %ne3A_112 = arith.xori %lt3A_109, %lt3A_111 : i1
        %and3A_113 = arith.andi %ne3A_112, %ne3A_108 : i1
        %add3A_114 = arith.addi %rem3A_106, %select_n3A_105 : i32
        %select_n3A_115 = arith.select %and3A_113, %add3A_114, %rem3A_106 : i32
        %mul3A_116 = arith.constant 8 : i32
        %mul3A_117 = arith.muli %select_n3A_115, %mul3A_116 : i32
        %add3A_118 = arith.constant 0 : i32
        %add3A_119 = arith.addi %mul3A_117, %add3A_118 : i32
        %broadcast_in_dim3A = vector.broadcast %add3A_119 : i32 to vector<16x1xi32>
        %gather3A = vector.shape_cast %broadcast_in_dim3A : vector<16x1xi32> to vector<16xi32>
        %gather3A_120 = tpu.dynamic_gather %get3A_101[%gather3A] in [0] : vector<16xf32>, vector<16xi32> -> vector<16xf32>
        %add3A_121 = arith.constant 1 : i32
        %add3A_122 = arith.addi %mul3A_117, %add3A_121 : i32
        %broadcast_in_dim3A_123 = vector.broadcast %add3A_122 : i32 to vector<16x1xi32>
        %gather3A_124 = vector.shape_cast %broadcast_in_dim3A_123 : vector<16x1xi32> to vector<16xi32>
        %gather3A_125 = tpu.dynamic_gather %get3A_101[%gather3A_124] in [0] : vector<16xf32>, vector<16xi32> -> vector<16xf32>
        %add3A_126 = arith.constant 2 : i32
        %add3A_127 = arith.addi %mul3A_117, %add3A_126 : i32
        %broadcast_in_dim3A_128 = vector.broadcast %add3A_127 : i32 to vector<16x1xi32>
        %gather3A_129 = vector.shape_cast %broadcast_in_dim3A_128 : vector<16x1xi32> to vector<16xi32>
        %gather3A_130 = tpu.dynamic_gather %get3A_101[%gather3A_129] in [0] : vector<16xf32>, vector<16xi32> -> vector<16xf32>
        %add3A_131 = arith.constant 3 : i32
        %add3A_132 = arith.addi %mul3A_117, %add3A_131 : i32
        %broadcast_in_dim3A_133 = vector.broadcast %add3A_132 : i32 to vector<16x1xi32>
        %gather3A_134 = vector.shape_cast %broadcast_in_dim3A_133 : vector<16x1xi32> to vector<16xi32>
        %gather3A_135 = tpu.dynamic_gather %get3A_101[%gather3A_134] in [0] : vector<16xf32>, vector<16xi32> -> vector<16xf32>
        %add3A_136 = arith.constant 4 : i32
        %add3A_137 = arith.addi %mul3A_117, %add3A_136 : i32
        %broadcast_in_dim3A_138 = vector.broadcast %add3A_137 : i32 to vector<16x1xi32>
        %gather3A_139 = vector.shape_cast %broadcast_in_dim3A_138 : vector<16x1xi32> to vector<16xi32>
        %gather3A_140 = tpu.dynamic_gather %get3A_101[%gather3A_139] in [0] : vector<16xf32>, vector<16xi32> -> vector<16xf32>
        %add3A_141 = arith.constant 5 : i32
        %add3A_142 = arith.addi %mul3A_117, %add3A_141 : i32
        %broadcast_in_dim3A_143 = vector.broadcast %add3A_142 : i32 to vector<16x1xi32>
        %gather3A_144 = vector.shape_cast %broadcast_in_dim3A_143 : vector<16x1xi32> to vector<16xi32>
        %gather3A_145 = tpu.dynamic_gather %get3A_101[%gather3A_144] in [0] : vector<16xf32>, vector<16xi32> -> vector<16xf32>
        %add3A_146 = arith.constant 6 : i32
        %add3A_147 = arith.addi %mul3A_117, %add3A_146 : i32
        %broadcast_in_dim3A_148 = vector.broadcast %add3A_147 : i32 to vector<16x1xi32>
        %gather3A_149 = vector.shape_cast %broadcast_in_dim3A_148 : vector<16x1xi32> to vector<16xi32>
        %gather3A_150 = tpu.dynamic_gather %get3A_101[%gather3A_149] in [0] : vector<16xf32>, vector<16xi32> -> vector<16xf32>
        %add3A_151 = arith.constant 7 : i32
        %add3A_152 = arith.addi %mul3A_117, %add3A_151 : i32
        %broadcast_in_dim3A_153 = vector.broadcast %add3A_152 : i32 to vector<16x1xi32>
        %gather3A_154 = vector.shape_cast %broadcast_in_dim3A_153 : vector<16x1xi32> to vector<16xi32>
        %gather3A_155 = tpu.dynamic_gather %get3A_101[%gather3A_154] in [0] : vector<16xf32>, vector<16xi32> -> vector<16xf32>
        %scan3A_156 = arith.constant 0 : i32
        %scan3A_157 = arith.constant 0 : i32
        %scan3A_158 = arith.constant 48 : i32
        %scan3A_159 = arith.addi %scan3A_157, %scan3A_158 : i32
        %scan3A_160 = arith.constant 4 : i32
        %scan3A_161 = scf.for %scan3A_164 = %scan3A_157 to %scan3A_159 step %scan3A_160 iter_args(%scan3A_165 = %scan3A_156) -> (i32)  : i32 {
          %mul3A_166 = arith.constant 8 : i32
          %mul3A_167 = arith.muli %scan3A_76, %mul3A_166 : i32
          %mul3A_168 = arith.constant 16 : i32
          %mul3A_169 = arith.muli %scan3A_164, %mul3A_168 : i32
          %get3A_170 = arith.index_cast %mul3A_167 : i32 to index
          %get3A_171 = arith.index_cast %mul3A_169 : i32 to index
          %get3A_172 = tpu.vector_load %arg8[%get3A_170, %get3A_171] {strides = array<i32>} : memref<64x768xf32, #tpu.memory_space<vmem>>, vector<1x16xf32>,
          %get3A_173 = vector.shape_cast %get3A_172 : vector<1x16xf32> to vector<16xf32>
          %mul3A_174 = arith.mulf %get3A_173, %gather3A_120 : vector<16xf32>
          %mul3A_175 = arith.constant 8 : i32
          %mul3A_176 = arith.muli %scan3A_76, %mul3A_175 : i32
          %add3A_177 = arith.constant 1 : i32
          %add3A_178 = arith.addi %mul3A_176, %add3A_177 : i32
          %mul3A_179 = arith.constant 16 : i32
          %mul3A_180 = arith.muli %scan3A_164, %mul3A_179 : i32
          %get3A_181 = arith.index_cast %add3A_178 : i32 to index
          %get3A_182 = arith.index_cast %mul3A_180 : i32 to index
          %get3A_183 = tpu.vector_load %arg8[%get3A_181, %get3A_182] {strides = array<i32>} : memref<64x768xf32, #tpu.memory_space<vmem>>, vector<1x16xf32>,
          %get3A_184 = vector.shape_cast %get3A_183 : vector<1x16xf32> to vector<16xf32>
          %mul3A_185 = arith.mulf %get3A_184, %gather3A_125 : vector<16xf32>
          %add3A_186 = arith.addf %mul3A_174, %mul3A_185 : vector<16xf32>
          %mul3A_187 = arith.constant 8 : i32
          %mul3A_188 = arith.muli %scan3A_76, %mul3A_187 : i32
          %add3A_189 = arith.constant 2 : i32
          %add3A_190 = arith.addi %mul3A_188, %add3A_189 : i32
          %mul3A_191 = arith.constant 16 : i32
          %mul3A_192 = arith.muli %scan3A_164, %mul3A_191 : i32
          %get3A_193 = arith.index_cast %add3A_190 : i32 to index
          %get3A_194 = arith.index_cast %mul3A_192 : i32 to index
          %get3A_195 = tpu.vector_load %arg8[%get3A_193, %get3A_194] {strides = array<i32>} : memref<64x768xf32, #tpu.memory_space<vmem>>, vector<1x16xf32>,
          %get3A_196 = vector.shape_cast %get3A_195 : vector<1x16xf32> to vector<16xf32>
          %mul3A_197 = arith.mulf %get3A_196, %gather3A_130 : vector<16xf32>
          %add3A_198 = arith.addf %add3A_186, %mul3A_197 : vector<16xf32>
          %mul3A_199 = arith.constant 8 : i32
          %mul3A_200 = arith.muli %scan3A_76, %mul3A_199 : i32
          %add3A_201 = arith.constant 3 : i32
          %add3A_202 = arith.addi %mul3A_200, %add3A_201 : i32
          %mul3A_203 = arith.constant 16 : i32
          %mul3A_204 = arith.muli %scan3A_164, %mul3A_203 : i32
          %get3A_205 = arith.index_cast %add3A_202 : i32 to index
          %get3A_206 = arith.index_cast %mul3A_204 : i32 to index
          %get3A_207 = tpu.vector_load %arg8[%get3A_205, %get3A_206] {strides = array<i32>} : memref<64x768xf32, #tpu.memory_space<vmem>>, vector<1x16xf32>,
          %get3A_208 = vector.shape_cast %get3A_207 : vector<1x16xf32> to vector<16xf32>
          %mul3A_209 = arith.mulf %get3A_208, %gather3A_135 : vector<16xf32>
          %add3A_210 = arith.addf %add3A_198, %mul3A_209 : vector<16xf32>
          %mul3A_211 = arith.constant 8 : i32
          %mul3A_212 = arith.muli %scan3A_76, %mul3A_211 : i32
          %add3A_213 = arith.constant 4 : i32
          %add3A_214 = arith.addi %mul3A_212, %add3A_213 : i32
          %mul3A_215 = arith.constant 16 : i32
          %mul3A_216 = arith.muli %scan3A_164, %mul3A_215 : i32
          %get3A_217 = arith.index_cast %add3A_214 : i32 to index
          %get3A_218 = arith.index_cast %mul3A_216 : i32 to index
          %get3A_219 = tpu.vector_load %arg8[%get3A_217, %get3A_218] {strides = array<i32>} : memref<64x768xf32, #tpu.memory_space<vmem>>, vector<1x16xf32>,
          %get3A_220 = vector.shape_cast %get3A_219 : vector<1x16xf32> to vector<16xf32>
          %mul3A_221 = arith.mulf %get3A_220, %gather3A_140 : vector<16xf32>
          %add3A_222 = arith.addf %add3A_210, %mul3A_221 : vector<16xf32>
          %mul3A_223 = arith.constant 8 : i32
          %mul3A_224 = arith.muli %scan3A_76, %mul3A_223 : i32
          %add3A_225 = arith.constant 5 : i32
          %add3A_226 = arith.addi %mul3A_224, %add3A_225 : i32
          %mul3A_227 = arith.constant 16 : i32
          %mul3A_228 = arith.muli %scan3A_164, %mul3A_227 : i32
          %get3A_229 = arith.index_cast %add3A_226 : i32 to index
          %get3A_230 = arith.index_cast %mul3A_228 : i32 to index
          %get3A_231 = tpu.vector_load %arg8[%get3A_229, %get3A_230] {strides = array<i32>} : memref<64x768xf32, #tpu.memory_space<vmem>>, vector<1x16xf32>,
          %get3A_232 = vector.shape_cast %get3A_231 : vector<1x16xf32> to vector<16xf32>
          %mul3A_233 = arith.mulf %get3A_232, %gather3A_145 : vector<16xf32>
          %add3A_234 = arith.addf %add3A_222, %mul3A_233 : vector<16xf32>
          %mul3A_235 = arith.constant 8 : i32
          %mul3A_236 = arith.muli %scan3A_76, %mul3A_235 : i32
          %add3A_237 = arith.constant 6 : i32
          %add3A_238 = arith.addi %mul3A_236, %add3A_237 : i32
          %mul3A_239 = arith.constant 16 : i32
          %mul3A_240 = arith.muli %scan3A_164, %mul3A_239 : i32
          %get3A_241 = arith.index_cast %add3A_238 : i32 to index
          %get3A_242 = arith.index_cast %mul3A_240 : i32 to index
          %get3A_243 = tpu.vector_load %arg8[%get3A_241, %get3A_242] {strides = array<i32>} : memref<64x768xf32, #tpu.memory_space<vmem>>, vector<1x16xf32>,
          %get3A_244 = vector.shape_cast %get3A_243 : vector<1x16xf32> to vector<16xf32>
          %mul3A_245 = arith.mulf %get3A_244, %gather3A_150 : vector<16xf32>
          %add3A_246 = arith.addf %add3A_234, %mul3A_245 : vector<16xf32>
          %mul3A_247 = arith.constant 8 : i32
          %mul3A_248 = arith.muli %scan3A_76, %mul3A_247 : i32
          %add3A_249 = arith.constant 7 : i32
          %add3A_250 = arith.addi %mul3A_248, %add3A_249 : i32
          %mul3A_251 = arith.constant 16 : i32
          %mul3A_252 = arith.muli %scan3A_164, %mul3A_251 : i32
          %get3A_253 = arith.index_cast %add3A_250 : i32 to index
          %get3A_254 = arith.index_cast %mul3A_252 : i32 to index
          %get3A_255 = tpu.vector_load %arg8[%get3A_253, %get3A_254] {strides = array<i32>} : memref<64x768xf32, #tpu.memory_space<vmem>>, vector<1x16xf32>,
          %get3A_256 = vector.shape_cast %get3A_255 : vector<1x16xf32> to vector<16xf32>
          %mul3A_257 = arith.mulf %get3A_256, %gather3A_155 : vector<16xf32>
          %add3A_258 = arith.addf %add3A_246, %mul3A_257 : vector<16xf32>
          %mul3A_259 = arith.constant 16 : i32
          %mul3A_260 = arith.muli %scan3A_164, %mul3A_259 : i32
          %swap3A = arith.index_cast %scan3A_76 : i32 to index
          %swap3A_261 = arith.index_cast %mul3A_260 : i32 to index
          %swap3A_262 = tpu.vector_load %arg10[%swap3A, %swap3A_261] {strides = array<i32>} : memref<8x768xf32, #tpu.memory_space<vmem>>, vector<1x16xf32>,
          %swap3A_263 = vector.shape_cast %swap3A_262 : vector<1x16xf32> to vector<16xf32>
          %swap3A_264 = vector.shape_cast %add3A_258 : vector<16xf32> to vector<1x16xf32>
          tpu.vector_store %arg10[%swap3A, %swap3A_261], %swap3A_264 {strides = array<i32>} : memref<8x768xf32, #tpu.memory_space<vmem>>, vector<1x16xf32>,
          %scan3A_265 = arith.constant 0 : i32
          %scan3A_266 = arith.constant 1 : i32
          %scan3A_267 = arith.addi %scan3A_164, %scan3A_266 : i32
          %mul3A_268 = arith.constant 8 : i32
          %mul3A_269 = arith.muli %scan3A_76, %mul3A_268 : i32
          %mul3A_270 = arith.constant 16 : i32
          %mul3A_271 = arith.muli %scan3A_267, %mul3A_270 : i32
          %get3A_272 = arith.index_cast %mul3A_269 : i32 to index
          %get3A_273 = arith.index_cast %mul3A_271 : i32 to index
          %get3A_274 = tpu.vector_load %arg8[%get3A_272, %get3A_273] {strides = array<i32>} : memref<64x768xf32, #tpu.memory_space<vmem>>, vector<1x16xf32>,
          %get3A_275 = vector.shape_cast %get3A_274 : vector<1x16xf32> to vector<16xf32>
          %mul3A_276 = arith.mulf %get3A_275, %gather3A_120 : vector<16xf32>
          %mul3A_277 = arith.constant 8 : i32
          %mul3A_278 = arith.muli %scan3A_76, %mul3A_277 : i32
          %add3A_279 = arith.constant 1 : i32
          %add3A_280 = arith.addi %mul3A_278, %add3A_279 : i32
          %mul3A_281 = arith.constant 16 : i32
          %mul3A_282 = arith.muli %scan3A_267, %mul3A_281 : i32
          %get3A_283 = arith.index_cast %add3A_280 : i32 to index
          %get3A_284 = arith.index_cast %mul3A_282 : i32 to index
          %get3A_285 = tpu.vector_load %arg8[%get3A_283, %get3A_284] {strides = array<i32>} : memref<64x768xf32, #tpu.memory_space<vmem>>, vector<1x16xf32>,
          %get3A_286 = vector.shape_cast %get3A_285 : vector<1x16xf32> to vector<16xf32>
          %mul3A_287 = arith.mulf %get3A_286, %gather3A_125 : vector<16xf32>
          %add3A_288 = arith.addf %mul3A_276, %mul3A_287 : vector<16xf32>
          %mul3A_289 = arith.constant 8 : i32
          %mul3A_290 = arith.muli %scan3A_76, %mul3A_289 : i32
          %add3A_291 = arith.constant 2 : i32
          %add3A_292 = arith.addi %mul3A_290, %add3A_291 : i32
          %mul3A_293 = arith.constant 16 : i32
          %mul3A_294 = arith.muli %scan3A_267, %mul3A_293 : i32
          %get3A_295 = arith.index_cast %add3A_292 : i32 to index
          %get3A_296 = arith.index_cast %mul3A_294 : i32 to index
          %get3A_297 = tpu.vector_load %arg8[%get3A_295, %get3A_296] {strides = array<i32>} : memref<64x768xf32, #tpu.memory_space<vmem>>, vector<1x16xf32>,
          %get3A_298 = vector.shape_cast %get3A_297 : vector<1x16xf32> to vector<16xf32>
          %mul3A_299 = arith.mulf %get3A_298, %gather3A_130 : vector<16xf32>
          %add3A_300 = arith.addf %add3A_288, %mul3A_299 : vector<16xf32>
          %mul3A_301 = arith.constant 8 : i32
          %mul3A_302 = arith.muli %scan3A_76, %mul3A_301 : i32
          %add3A_303 = arith.constant 3 : i32
          %add3A_304 = arith.addi %mul3A_302, %add3A_303 : i32
          %mul3A_305 = arith.constant 16 : i32
          %mul3A_306 = arith.muli %scan3A_267, %mul3A_305 : i32
          %get3A_307 = arith.index_cast %add3A_304 : i32 to index
          %get3A_308 = arith.index_cast %mul3A_306 : i32 to index
          %get3A_309 = tpu.vector_load %arg8[%get3A_307, %get3A_308] {strides = array<i32>} : memref<64x768xf32, #tpu.memory_space<vmem>>, vector<1x16xf32>,
          %get3A_310 = vector.shape_cast %get3A_309 : vector<1x16xf32> to vector<16xf32>
          %mul3A_311 = arith.mulf %get3A_310, %gather3A_135 : vector<16xf32>
          %add3A_312 = arith.addf %add3A_300, %mul3A_311 : vector<16xf32>
          %mul3A_313 = arith.constant 8 : i32
          %mul3A_314 = arith.muli %scan3A_76, %mul3A_313 : i32
          %add3A_315 = arith.constant 4 : i32
          %add3A_316 = arith.addi %mul3A_314, %add3A_315 : i32
          %mul3A_317 = arith.constant 16 : i32
          %mul3A_318 = arith.muli %scan3A_267, %mul3A_317 : i32
          %get3A_319 = arith.index_cast %add3A_316 : i32 to index
          %get3A_320 = arith.index_cast %mul3A_318 : i32 to index
          %get3A_321 = tpu.vector_load %arg8[%get3A_319, %get3A_320] {strides = array<i32>} : memref<64x768xf32, #tpu.memory_space<vmem>>, vector<1x16xf32>,
          %get3A_322 = vector.shape_cast %get3A_321 : vector<1x16xf32> to vector<16xf32>
          %mul3A_323 = arith.mulf %get3A_322, %gather3A_140 : vector<16xf32>
          %add3A_324 = arith.addf %add3A_312, %mul3A_323 : vector<16xf32>
          %mul3A_325 = arith.constant 8 : i32
          %mul3A_326 = arith.muli %scan3A_76, %mul3A_325 : i32
          %add3A_327 = arith.constant 5 : i32
          %add3A_328 = arith.addi %mul3A_326, %add3A_327 : i32
          %mul3A_329 = arith.constant 16 : i32
          %mul3A_330 = arith.muli %scan3A_267, %mul3A_329 : i32
          %get3A_331 = arith.index_cast %add3A_328 : i32 to index
          %get3A_332 = arith.index_cast %mul3A_330 : i32 to index
          %get3A_333 = tpu.vector_load %arg8[%get3A_331, %get3A_332] {strides = array<i32>} : memref<64x768xf32, #tpu.memory_space<vmem>>, vector<1x16xf32>,
          %get3A_334 = vector.shape_cast %get3A_333 : vector<1x16xf32> to vector<16xf32>
          %mul3A_335 = arith.mulf %get3A_334, %gather3A_145 : vector<16xf32>
          %add3A_336 = arith.addf %add3A_324, %mul3A_335 : vector<16xf32>
          %mul3A_337 = arith.constant 8 : i32
          %mul3A_338 = arith.muli %scan3A_76, %mul3A_337 : i32
          %add3A_339 = arith.constant 6 : i32
          %add3A_340 = arith.addi %mul3A_338, %add3A_339 : i32
          %mul3A_341 = arith.constant 16 : i32
          %mul3A_342 = arith.muli %scan3A_267, %mul3A_341 : i32
          %get3A_343 = arith.index_cast %add3A_340 : i32 to index
          %get3A_344 = arith.index_cast %mul3A_342 : i32 to index
          %get3A_345 = tpu.vector_load %arg8[%get3A_343, %get3A_344] {strides = array<i32>} : memref<64x768xf32, #tpu.memory_space<vmem>>, vector<1x16xf32>,
          %get3A_346 = vector.shape_cast %get3A_345 : vector<1x16xf32> to vector<16xf32>
          %mul3A_347 = arith.mulf %get3A_346, %gather3A_150 : vector<16xf32>
          %add3A_348 = arith.addf %add3A_336, %mul3A_347 : vector<16xf32>
          %mul3A_349 = arith.constant 8 : i32
          %mul3A_350 = arith.muli %scan3A_76, %mul3A_349 : i32
          %add3A_351 = arith.constant 7 : i32
          %add3A_352 = arith.addi %mul3A_350, %add3A_351 : i32
          %mul3A_353 = arith.constant 16 : i32
          %mul3A_354 = arith.muli %scan3A_267, %mul3A_353 : i32
          %get3A_355 = arith.index_cast %add3A_352 : i32 to index
          %get3A_356 = arith.index_cast %mul3A_354 : i32 to index
          %get3A_357 = tpu.vector_load %arg8[%get3A_355, %get3A_356] {strides = array<i32>} : memref<64x768xf32, #tpu.memory_space<vmem>>, vector<1x16xf32>,
          %get3A_358 = vector.shape_cast %get3A_357 : vector<1x16xf32> to vector<16xf32>
          %mul3A_359 = arith.mulf %get3A_358, %gather3A_155 : vector<16xf32>
          %add3A_360 = arith.addf %add3A_348, %mul3A_359 : vector<16xf32>
          %mul3A_361 = arith.constant 16 : i32
          %mul3A_362 = arith.muli %scan3A_267, %mul3A_361 : i32
          %swap3A_363 = arith.index_cast %scan3A_76 : i32 to index
          %swap3A_364 = arith.index_cast %mul3A_362 : i32 to index
          %swap3A_365 = tpu.vector_load %arg10[%swap3A_363, %swap3A_364] {strides = array<i32>} : memref<8x768xf32, #tpu.memory_space<vmem>>, vector<1x16xf32>,
          %swap3A_366 = vector.shape_cast %swap3A_365 : vector<1x16xf32> to vector<16xf32>
          %swap3A_367 = vector.shape_cast %add3A_360 : vector<16xf32> to vector<1x16xf32>
          tpu.vector_store %arg10[%swap3A_363, %swap3A_364], %swap3A_367 {strides = array<i32>} : memref<8x768xf32, #tpu.memory_space<vmem>>, vector<1x16xf32>,
          %scan3A_368 = arith.constant 0 : i32
          %scan3A_369 = arith.constant 2 : i32
          %scan3A_370 = arith.addi %scan3A_164, %scan3A_369 : i32
          %mul3A_371 = arith.constant 8 : i32
          %mul3A_372 = arith.muli %scan3A_76, %mul3A_371 : i32
          %mul3A_373 = arith.constant 16 : i32
          %mul3A_374 = arith.muli %scan3A_370, %mul3A_373 : i32
          %get3A_375 = arith.index_cast %mul3A_372 : i32 to index
          %get3A_376 = arith.index_cast %mul3A_374 : i32 to index
          %get3A_377 = tpu.vector_load %arg8[%get3A_375, %get3A_376] {strides = array<i32>} : memref<64x768xf32, #tpu.memory_space<vmem>>, vector<1x16xf32>,
          %get3A_378 = vector.shape_cast %get3A_377 : vector<1x16xf32> to vector<16xf32>
          %mul3A_379 = arith.mulf %get3A_378, %gather3A_120 : vector<16xf32>
          %mul3A_380 = arith.constant 8 : i32
          %mul3A_381 = arith.muli %scan3A_76, %mul3A_380 : i32
          %add3A_382 = arith.constant 1 : i32
          %add3A_383 = arith.addi %mul3A_381, %add3A_382 : i32
          %mul3A_384 = arith.constant 16 : i32
          %mul3A_385 = arith.muli %scan3A_370, %mul3A_384 : i32
          %get3A_386 = arith.index_cast %add3A_383 : i32 to index
          %get3A_387 = arith.index_cast %mul3A_385 : i32 to index
          %get3A_388 = tpu.vector_load %arg8[%get3A_386, %get3A_387] {strides = array<i32>} : memref<64x768xf32, #tpu.memory_space<vmem>>, vector<1x16xf32>,
          %get3A_389 = vector.shape_cast %get3A_388 : vector<1x16xf32> to vector<16xf32>
          %mul3A_390 = arith.mulf %get3A_389, %gather3A_125 : vector<16xf32>
          %add3A_391 = arith.addf %mul3A_379, %mul3A_390 : vector<16xf32>
          %mul3A_392 = arith.constant 8 : i32
          %mul3A_393 = arith.muli %scan3A_76, %mul3A_392 : i32
          %add3A_394 = arith.constant 2 : i32
          %add3A_395 = arith.addi %mul3A_393, %add3A_394 : i32
          %mul3A_396 = arith.constant 16 : i32
          %mul3A_397 = arith.muli %scan3A_370, %mul3A_396 : i32
          %get3A_398 = arith.index_cast %add3A_395 : i32 to index
          %get3A_399 = arith.index_cast %mul3A_397 : i32 to index
          %get3A_400 = tpu.vector_load %arg8[%get3A_398, %get3A_399] {strides = array<i32>} : memref<64x768xf32, #tpu.memory_space<vmem>>, vector<1x16xf32>,
          %get3A_401 = vector.shape_cast %get3A_400 : vector<1x16xf32> to vector<16xf32>
          %mul3A_402 = arith.mulf %get3A_401, %gather3A_130 : vector<16xf32>
          %add3A_403 = arith.addf %add3A_391, %mul3A_402 : vector<16xf32>
          %mul3A_404 = arith.constant 8 : i32
          %mul3A_405 = arith.muli %scan3A_76, %mul3A_404 : i32
          %add3A_406 = arith.constant 3 : i32
          %add3A_407 = arith.addi %mul3A_405, %add3A_406 : i32
          %mul3A_408 = arith.constant 16 : i32
          %mul3A_409 = arith.muli %scan3A_370, %mul3A_408 : i32
          %get3A_410 = arith.index_cast %add3A_407 : i32 to index
          %get3A_411 = arith.index_cast %mul3A_409 : i32 to index
          %get3A_412 = tpu.vector_load %arg8[%get3A_410, %get3A_411] {strides = array<i32>} : memref<64x768xf32, #tpu.memory_space<vmem>>, vector<1x16xf32>,
          %get3A_413 = vector.shape_cast %get3A_412 : vector<1x16xf32> to vector<16xf32>
          %mul3A_414 = arith.mulf %get3A_413, %gather3A_135 : vector<16xf32>
          %add3A_415 = arith.addf %add3A_403, %mul3A_414 : vector<16xf32>
          %mul3A_416 = arith.constant 8 : i32
          %mul3A_417 = arith.muli %scan3A_76, %mul3A_416 : i32
          %add3A_418 = arith.constant 4 : i32
          %add3A_419 = arith.addi %mul3A_417, %add3A_418 : i32
          %mul3A_420 = arith.constant 16 : i32
          %mul3A_421 = arith.muli %scan3A_370, %mul3A_420 : i32
          %get3A_422 = arith.index_cast %add3A_419 : i32 to index
          %get3A_423 = arith.index_cast %mul3A_421 : i32 to index
          %get3A_424 = tpu.vector_load %arg8[%get3A_422, %get3A_423] {strides = array<i32>} : memref<64x768xf32, #tpu.memory_space<vmem>>, vector<1x16xf32>,
          %get3A_425 = vector.shape_cast %get3A_424 : vector<1x16xf32> to vector<16xf32>
          %mul3A_426 = arith.mulf %get3A_425, %gather3A_140 : vector<16xf32>
          %add3A_427 = arith.addf %add3A_415, %mul3A_426 : vector<16xf32>
          %mul3A_428 = arith.constant 8 : i32
          %mul3A_429 = arith.muli %scan3A_76, %mul3A_428 : i32
          %add3A_430 = arith.constant 5 : i32
          %add3A_431 = arith.addi %mul3A_429, %add3A_430 : i32
          %mul3A_432 = arith.constant 16 : i32
          %mul3A_433 = arith.muli %scan3A_370, %mul3A_432 : i32
          %get3A_434 = arith.index_cast %add3A_431 : i32 to index
          %get3A_435 = arith.index_cast %mul3A_433 : i32 to index
          %get3A_436 = tpu.vector_load %arg8[%get3A_434, %get3A_435] {strides = array<i32>} : memref<64x768xf32, #tpu.memory_space<vmem>>, vector<1x16xf32>,
          %get3A_437 = vector.shape_cast %get3A_436 : vector<1x16xf32> to vector<16xf32>
          %mul3A_438 = arith.mulf %get3A_437, %gather3A_145 : vector<16xf32>
          %add3A_439 = arith.addf %add3A_427, %mul3A_438 : vector<16xf32>
          %mul3A_440 = arith.constant 8 : i32
          %mul3A_441 = arith.muli %scan3A_76, %mul3A_440 : i32
          %add3A_442 = arith.constant 6 : i32
          %add3A_443 = arith.addi %mul3A_441, %add3A_442 : i32
          %mul3A_444 = arith.constant 16 : i32
          %mul3A_445 = arith.muli %scan3A_370, %mul3A_444 : i32
          %get3A_446 = arith.index_cast %add3A_443 : i32 to index
          %get3A_447 = arith.index_cast %mul3A_445 : i32 to index
          %get3A_448 = tpu.vector_load %arg8[%get3A_446, %get3A_447] {strides = array<i32>} : memref<64x768xf32, #tpu.memory_space<vmem>>, vector<1x16xf32>,
          %get3A_449 = vector.shape_cast %get3A_448 : vector<1x16xf32> to vector<16xf32>
          %mul3A_450 = arith.mulf %get3A_449, %gather3A_150 : vector<16xf32>
          %add3A_451 = arith.addf %add3A_439, %mul3A_450 : vector<16xf32>
          %mul3A_452 = arith.constant 8 : i32
          %mul3A_453 = arith.muli %scan3A_76, %mul3A_452 : i32
          %add3A_454 = arith.constant 7 : i32
          %add3A_455 = arith.addi %mul3A_453, %add3A_454 : i32
          %mul3A_456 = arith.constant 16 : i32
          %mul3A_457 = arith.muli %scan3A_370, %mul3A_456 : i32
          %get3A_458 = arith.index_cast %add3A_455 : i32 to index
          %get3A_459 = arith.index_cast %mul3A_457 : i32 to index
          %get3A_460 = tpu.vector_load %arg8[%get3A_458, %get3A_459] {strides = array<i32>} : memref<64x768xf32, #tpu.memory_space<vmem>>, vector<1x16xf32>,
          %get3A_461 = vector.shape_cast %get3A_460 : vector<1x16xf32> to vector<16xf32>
          %mul3A_462 = arith.mulf %get3A_461, %gather3A_155 : vector<16xf32>
          %add3A_463 = arith.addf %add3A_451, %mul3A_462 : vector<16xf32>
          %mul3A_464 = arith.constant 16 : i32
          %mul3A_465 = arith.muli %scan3A_370, %mul3A_464 : i32
          %swap3A_466 = arith.index_cast %scan3A_76 : i32 to index
          %swap3A_467 = arith.index_cast %mul3A_465 : i32 to index
          %swap3A_468 = tpu.vector_load %arg10[%swap3A_466, %swap3A_467] {strides = array<i32>} : memref<8x768xf32, #tpu.memory_space<vmem>>, vector<1x16xf32>,
          %swap3A_469 = vector.shape_cast %swap3A_468 : vector<1x16xf32> to vector<16xf32>
          %swap3A_470 = vector.shape_cast %add3A_463 : vector<16xf32> to vector<1x16xf32>
          tpu.vector_store %arg10[%swap3A_466, %swap3A_467], %swap3A_470 {strides = array<i32>} : memref<8x768xf32, #tpu.memory_space<vmem>>, vector<1x16xf32>,
          %scan3A_471 = arith.constant 0 : i32
          %scan3A_472 = arith.constant 3 : i32
          %scan3A_473 = arith.addi %scan3A_164, %scan3A_472 : i32
          %mul3A_474 = arith.constant 8 : i32
          %mul3A_475 = arith.muli %scan3A_76, %mul3A_474 : i32
          %mul3A_476 = arith.constant 16 : i32
          %mul3A_477 = arith.muli %scan3A_473, %mul3A_476 : i32
          %get3A_478 = arith.index_cast %mul3A_475 : i32 to index
          %get3A_479 = arith.index_cast %mul3A_477 : i32 to index
          %get3A_480 = tpu.vector_load %arg8[%get3A_478, %get3A_479] {strides = array<i32>} : memref<64x768xf32, #tpu.memory_space<vmem>>, vector<1x16xf32>,
          %get3A_481 = vector.shape_cast %get3A_480 : vector<1x16xf32> to vector<16xf32>
          %mul3A_482 = arith.mulf %get3A_481, %gather3A_120 : vector<16xf32>
          %mul3A_483 = arith.constant 8 : i32
          %mul3A_484 = arith.muli %scan3A_76, %mul3A_483 : i32
          %add3A_485 = arith.constant 1 : i32
          %add3A_486 = arith.addi %mul3A_484, %add3A_485 : i32
          %mul3A_487 = arith.constant 16 : i32
          %mul3A_488 = arith.muli %scan3A_473, %mul3A_487 : i32
          %get3A_489 = arith.index_cast %add3A_486 : i32 to index
          %get3A_490 = arith.index_cast %mul3A_488 : i32 to index
          %get3A_491 = tpu.vector_load %arg8[%get3A_489, %get3A_490] {strides = array<i32>} : memref<64x768xf32, #tpu.memory_space<vmem>>, vector<1x16xf32>,
          %get3A_492 = vector.shape_cast %get3A_491 : vector<1x16xf32> to vector<16xf32>
          %mul3A_493 = arith.mulf %get3A_492, %gather3A_125 : vector<16xf32>
          %add3A_494 = arith.addf %mul3A_482, %mul3A_493 : vector<16xf32>
          %mul3A_495 = arith.constant 8 : i32
          %mul3A_496 = arith.muli %scan3A_76, %mul3A_495 : i32
          %add3A_497 = arith.constant 2 : i32
          %add3A_498 = arith.addi %mul3A_496, %add3A_497 : i32
          %mul3A_499 = arith.constant 16 : i32
          %mul3A_500 = arith.muli %scan3A_473, %mul3A_499 : i32
          %get3A_501 = arith.index_cast %add3A_498 : i32 to index
          %get3A_502 = arith.index_cast %mul3A_500 : i32 to index
          %get3A_503 = tpu.vector_load %arg8[%get3A_501, %get3A_502] {strides = array<i32>} : memref<64x768xf32, #tpu.memory_space<vmem>>, vector<1x16xf32>,
          %get3A_504 = vector.shape_cast %get3A_503 : vector<1x16xf32> to vector<16xf32>
          %mul3A_505 = arith.mulf %get3A_504, %gather3A_130 : vector<16xf32>
          %add3A_506 = arith.addf %add3A_494, %mul3A_505 : vector<16xf32>
          %mul3A_507 = arith.constant 8 : i32
          %mul3A_508 = arith.muli %scan3A_76, %mul3A_507 : i32
          %add3A_509 = arith.constant 3 : i32
          %add3A_510 = arith.addi %mul3A_508, %add3A_509 : i32
          %mul3A_511 = arith.constant 16 : i32
          %mul3A_512 = arith.muli %scan3A_473, %mul3A_511 : i32
          %get3A_513 = arith.index_cast %add3A_510 : i32 to index
          %get3A_514 = arith.index_cast %mul3A_512 : i32 to index
          %get3A_515 = tpu.vector_load %arg8[%get3A_513, %get3A_514] {strides = array<i32>} : memref<64x768xf32, #tpu.memory_space<vmem>>, vector<1x16xf32>,
          %get3A_516 = vector.shape_cast %get3A_515 : vector<1x16xf32> to vector<16xf32>
          %mul3A_517 = arith.mulf %get3A_516, %gather3A_135 : vector<16xf32>
          %add3A_518 = arith.addf %add3A_506, %mul3A_517 : vector<16xf32>
          %mul3A_519 = arith.constant 8 : i32
          %mul3A_520 = arith.muli %scan3A_76, %mul3A_519 : i32
          %add3A_521 = arith.constant 4 : i32
          %add3A_522 = arith.addi %mul3A_520, %add3A_521 : i32
          %mul3A_523 = arith.constant 16 : i32
          %mul3A_524 = arith.muli %scan3A_473, %mul3A_523 : i32
          %get3A_525 = arith.index_cast %add3A_522 : i32 to index
          %get3A_526 = arith.index_cast %mul3A_524 : i32 to index
          %get3A_527 = tpu.vector_load %arg8[%get3A_525, %get3A_526] {strides = array<i32>} : memref<64x768xf32, #tpu.memory_space<vmem>>, vector<1x16xf32>,
          %get3A_528 = vector.shape_cast %get3A_527 : vector<1x16xf32> to vector<16xf32>
          %mul3A_529 = arith.mulf %get3A_528, %gather3A_140 : vector<16xf32>
          %add3A_530 = arith.addf %add3A_518, %mul3A_529 : vector<16xf32>
          %mul3A_531 = arith.constant 8 : i32
          %mul3A_532 = arith.muli %scan3A_76, %mul3A_531 : i32
          %add3A_533 = arith.constant 5 : i32
          %add3A_534 = arith.addi %mul3A_532, %add3A_533 : i32
          %mul3A_535 = arith.constant 16 : i32
          %mul3A_536 = arith.muli %scan3A_473, %mul3A_535 : i32
          %get3A_537 = arith.index_cast %add3A_534 : i32 to index
          %get3A_538 = arith.index_cast %mul3A_536 : i32 to index
          %get3A_539 = tpu.vector_load %arg8[%get3A_537, %get3A_538] {strides = array<i32>} : memref<64x768xf32, #tpu.memory_space<vmem>>, vector<1x16xf32>,
          %get3A_540 = vector.shape_cast %get3A_539 : vector<1x16xf32> to vector<16xf32>
          %mul3A_541 = arith.mulf %get3A_540, %gather3A_145 : vector<16xf32>
          %add3A_542 = arith.addf %add3A_530, %mul3A_541 : vector<16xf32>
          %mul3A_543 = arith.constant 8 : i32
          %mul3A_544 = arith.muli %scan3A_76, %mul3A_543 : i32
          %add3A_545 = arith.constant 6 : i32
          %add3A_546 = arith.addi %mul3A_544, %add3A_545 : i32
          %mul3A_547 = arith.constant 16 : i32
          %mul3A_548 = arith.muli %scan3A_473, %mul3A_547 : i32
          %get3A_549 = arith.index_cast %add3A_546 : i32 to index
          %get3A_550 = arith.index_cast %mul3A_548 : i32 to index
          %get3A_551 = tpu.vector_load %arg8[%get3A_549, %get3A_550] {strides = array<i32>} : memref<64x768xf32, #tpu.memory_space<vmem>>, vector<1x16xf32>,
          %get3A_552 = vector.shape_cast %get3A_551 : vector<1x16xf32> to vector<16xf32>
          %mul3A_553 = arith.mulf %get3A_552, %gather3A_150 : vector<16xf32>
          %add3A_554 = arith.addf %add3A_542, %mul3A_553 : vector<16xf32>
          %mul3A_555 = arith.constant 8 : i32
          %mul3A_556 = arith.muli %scan3A_76, %mul3A_555 : i32
          %add3A_557 = arith.constant 7 : i32
          %add3A_558 = arith.addi %mul3A_556, %add3A_557 : i32
          %mul3A_559 = arith.constant 16 : i32
          %mul3A_560 = arith.muli %scan3A_473, %mul3A_559 : i32
          %get3A_561 = arith.index_cast %add3A_558 : i32 to index
          %get3A_562 = arith.index_cast %mul3A_560 : i32 to index
          %get3A_563 = tpu.vector_load %arg8[%get3A_561, %get3A_562] {strides = array<i32>} : memref<64x768xf32, #tpu.memory_space<vmem>>, vector<1x16xf32>,
          %get3A_564 = vector.shape_cast %get3A_563 : vector<1x16xf32> to vector<16xf32>
          %mul3A_565 = arith.mulf %get3A_564, %gather3A_155 : vector<16xf32>
          %add3A_566 = arith.addf %add3A_554, %mul3A_565 : vector<16xf32>
          %mul3A_567 = arith.constant 16 : i32
          %mul3A_568 = arith.muli %scan3A_473, %mul3A_567 : i32
          %swap3A_569 = arith.index_cast %scan3A_76 : i32 to index
          %swap3A_570 = arith.index_cast %mul3A_568 : i32 to index
          %swap3A_571 = tpu.vector_load %arg10[%swap3A_569, %swap3A_570] {strides = array<i32>} : memref<8x768xf32, #tpu.memory_space<vmem>>, vector<1x16xf32>,
          %swap3A_572 = vector.shape_cast %swap3A_571 : vector<1x16xf32> to vector<16xf32>
          %swap3A_573 = vector.shape_cast %add3A_566 : vector<16xf32> to vector<1x16xf32>
          tpu.vector_store %arg10[%swap3A_569, %swap3A_570], %swap3A_573 {strides = array<i32>} : memref<8x768xf32, #tpu.memory_space<vmem>>, vector<1x16xf32>,
          %scan3A_574 = arith.constant 0 : i32
          scf.yield %scan3A_574 : i32
        }
        %scan3A_162 = arith.constant 48 : i32
        %scan3A_163 = arith.constant 0 : i32
        scf.yield %scan3A_163 : i32
      }
      %scan3A_46 = arith.constant 8 : i32
      %mul3A_47 = arith.constant 8 : i32
      %mul3A_48 = arith.muli %mul3A_23, %mul3A_47 : i32
      %add3A_49 = arith.addi %mul3A_2, %mul3A_48 : i32
      "tpu.region"() ({
        %run_scoped3A = tpu.sem_alloc : memref<!tpu.dma_semaphore, #tpu.memory_space<semaphore_mem>>
        %dma_start3A_76 = arith.constant 0 : i32
        %dma_start3A_77 = tpu.memref_slice %arg5[%add3A_49, %dma_start3A_76] : memref<4096x768xf32, #tpu.memory_space<hbm>> -> memref<8x768xf32, #tpu.memory_space<hbm>>
        %dma_start3A_78 = arith.constant 0 : i32
        %dma_start3A_79 = tpu.memref_slice %arg5[%add3A_49, %dma_start3A_78] : memref<4096x768xf32, #tpu.memory_space<hbm>> -> memref<8x768xf32, #tpu.memory_space<hbm>>
        tpu.enqueue_dma source(%arg10 : memref<8x768xf32, #tpu.memory_space<vmem>>) target(%dma_start3A_79 : memref<8x768xf32, #tpu.memory_space<hbm>>) target_semaphore(%run_scoped3A : memref<!tpu.dma_semaphore, #tpu.memory_space<semaphore_mem>>)
        %dma_wait3A_80 = arith.constant 0 : i32
        %dma_wait3A_81 = tpu.memref_slice %arg5[%add3A_49, %dma_wait3A_80] : memref<4096x768xf32, #tpu.memory_space<hbm>> -> memref<8x768xf32, #tpu.memory_space<hbm>>
        %dma_wait3A_82 = arith.constant 0 : i32
        %dma_wait3A_83 = tpu.memref_slice %arg5[%add3A_49, %dma_wait3A_82] : memref<4096x768xf32, #tpu.memory_space<hbm>> -> memref<8x768xf32, #tpu.memory_space<hbm>>
        tpu.wait_dma2 semaphore(%run_scoped3A : memref<!tpu.dma_semaphore, #tpu.memory_space<semaphore_mem>>) src(%arg10 : memref<8x768xf32, #tpu.memory_space<vmem>>) dst(%dma_wait3A_83 : memref<8x768xf32, #tpu.memory_space<hbm>>)
        tpu.yield
      }) : () -> ()
      %add3A_50 = arith.constant 2 : i32
      %add3A_51 = arith.addi %mul3A_23, %add3A_50 : i32
      %rem3A = arith.constant 16 : i32
      %rem3A_52 = arith.remsi %add3A_51, %rem3A : i32
      %mul3A_53 = arith.constant 64 : i32
      %mul3A_54 = arith.muli %rem3A_52, %mul3A_53 : i32
      %dma_start3A_55 = tpu.memref_slice %arg6[%mul3A_54] : memref<1024xi32, #tpu.memory_space<vmem>> -> memref<64xi32, #tpu.memory_space<vmem>>
      %dma_start3A_56 = arith.constant 0 : i32
      %dma_start3A_57 = arith.constant 0 : i32
      %dma_start3A_58 = tpu.memref_slice %arg2[%dma_start3A_56, %dma_start3A_57] : memref<8192x768xf32, #tpu.memory_space<hbm>> -> memref<8192x768xf32, #tpu.memory_space<hbm>>
      tpu.enqueue_indirect_dma source(%dma_start3A_58 : memref<8192x768xf32, #tpu.memory_space<hbm>>) target(%arg8 : memref<64x768xf32, #tpu.memory_space<vmem>>) offsets(%dma_start3A_55 : memref<64xi32, #tpu.memory_space<vmem>>) semaphore(%arg11 : memref<!tpu.dma_semaphore, #tpu.memory_space<semaphore_mem>>)
      %dma_wait3A_59 = arith.constant 0 : i32
      %dma_wait3A_60 = arith.constant 0 : i32
      %dma_wait3A_61 = tpu.memref_slice %arg2[%dma_wait3A_59, %dma_wait3A_60] : memref<8192x768xf32, #tpu.memory_space<hbm>> -> memref<64x768xf32, #tpu.memory_space<hbm>>
      %dma_wait3A_62 = arith.constant 0 : i32
      %dma_wait3A_63 = arith.constant 0 : i32
      %dma_wait3A_64 = tpu.memref_slice %arg2[%dma_wait3A_62, %dma_wait3A_63] : memref<8192x768xf32, #tpu.memory_space<hbm>> -> memref<64x768xf32, #tpu.memory_space<hbm>>
      tpu.wait_dma2 semaphore(%arg12 : memref<!tpu.dma_semaphore, #tpu.memory_space<semaphore_mem>>) src(%dma_wait3A_64 : memref<64x768xf32, #tpu.memory_space<hbm>>) dst(%arg9 : memref<64x768xf32, #tpu.memory_space<vmem>>)
      %scan3A_65 = arith.constant 0 : i32
      %scan3A_66 = arith.constant 0 : i32
      %scan3A_67 = arith.constant 8 : i32
      %scan3A_68 = arith.addi %scan3A_66, %scan3A_67 : i32
      %scan3A_69 = arith.constant 1 : i32
      %scan3A_70 = scf.for %scan3A_76 = %scan3A_66 to %scan3A_68 step %scan3A_69 iter_args(%scan3A_77 = %scan3A_65) -> (i32)  : i32 {
        %mul3A_78 = arith.constant 64 : i32
        %mul3A_79 = arith.muli %add3A_27, %mul3A_78 : i32
        %jit3A = arith.constant 2 : i32
        %div3A = arith.divsi %scan3A_76, %jit3A : i32
        %sign3A = arith.constant 0 : i32
        %sign3A_80 = arith.cmpi sgt, %scan3A_76, %sign3A : i32
        %sign3A_81 = arith.extui %sign3A_80 : i1 to i32
        %sign3A_82 = arith.constant 0 : i32
        %sign3A_83 = arith.cmpi slt, %scan3A_76, %sign3A_82 : i32
        %sign3A_84 = arith.extui %sign3A_83 : i1 to i32
        %sign3A_85 = arith.subi %sign3A_81, %sign3A_84 : i32
        %sign3A_86 = arith.constant 0 : i32
        %sign3A_87 = arith.cmpi sgt, %jit3A, %sign3A_86 : i32
        %sign3A_88 = arith.extui %sign3A_87 : i1 to i32
        %sign3A_89 = arith.constant 0 : i32
        %sign3A_90 = arith.cmpi slt, %jit3A, %sign3A_89 : i32
        %sign3A_91 = arith.extui %sign3A_90 : i1 to i32
        %sign3A_92 = arith.subi %sign3A_88, %sign3A_91 : i32
        %ne3A = arith.cmpi ne, %sign3A_85, %sign3A_92 : i32
        %rem3A_93 = arith.remsi %scan3A_76, %jit3A : i32
        %ne3A_94 = arith.constant 0 : i32
        %ne3A_95 = arith.cmpi ne, %rem3A_93, %ne3A_94 : i32
        %and3A = arith.andi %ne3A, %ne3A_95 : i1
        %sub3A = arith.constant 1 : i32
        %sub3A_96 = arith.subi %div3A, %sub3A : i32
        %select_n3A = arith.select %and3A, %sub3A_96, %div3A : i32
        %mul3A_97 = arith.constant 16 : i32
        %mul3A_98 = arith.muli %select_n3A, %mul3A_97 : i32
        %add3A_99 = arith.addi %mul3A_79, %mul3A_98 : i32
        %get3A = arith.index_cast %add3A_99 : i32 to index
        %get3A_100 = tpu.vector_load %arg7[%get3A] {strides = array<i32>} : memref<1024xf32, #tpu.memory_space<vmem>>, vector<16xf32>,
        %get3A_101 = vector.shape_cast %get3A_100 : vector<16xf32> to vector<16xf32>
        %jit3A_102 = arith.constant 2 : i32
        %eq3A = arith.constant 0 : i32
        %eq3A_103 = arith.cmpi eq, %jit3A_102, %eq3A : i32
        %jit3A_104 = arith.constant 1 : i32
        %select_n3A_105 = arith.select %eq3A_103, %jit3A_104, %jit3A_102 : i32
        %rem3A_106 = arith.remsi %scan3A_76, %select_n3A_105 : i32
        %ne3A_107 = arith.constant 0 : i32
        %ne3A_108 = arith.cmpi ne, %rem3A_106, %ne3A_107 : i32
        %lt3A = arith.constant 0 : i32
        %lt3A_109 = arith.cmpi slt, %rem3A_106, %lt3A : i32
        %lt3A_110 = arith.constant 0 : i32
        %lt3A_111 = arith.cmpi slt, %select_n3A_105, %lt3A_110 : i32
        %ne3A_112 = arith.xori %lt3A_109, %lt3A_111 : i1
        %and3A_113 = arith.andi %ne3A_112, %ne3A_108 : i1
        %add3A_114 = arith.addi %rem3A_106, %select_n3A_105 : i32
        %select_n3A_115 = arith.select %and3A_113, %add3A_114, %rem3A_106 : i32
        %mul3A_116 = arith.constant 8 : i32
        %mul3A_117 = arith.muli %select_n3A_115, %mul3A_116 : i32
        %add3A_118 = arith.constant 0 : i32
        %add3A_119 = arith.addi %mul3A_117, %add3A_118 : i32
        %broadcast_in_dim3A = vector.broadcast %add3A_119 : i32 to vector<16x1xi32>
        %gather3A = vector.shape_cast %broadcast_in_dim3A : vector<16x1xi32> to vector<16xi32>
        %gather3A_120 = tpu.dynamic_gather %get3A_101[%gather3A] in [0] : vector<16xf32>, vector<16xi32> -> vector<16xf32>
        %add3A_121 = arith.constant 1 : i32
        %add3A_122 = arith.addi %mul3A_117, %add3A_121 : i32
        %broadcast_in_dim3A_123 = vector.broadcast %add3A_122 : i32 to vector<16x1xi32>
        %gather3A_124 = vector.shape_cast %broadcast_in_dim3A_123 : vector<16x1xi32> to vector<16xi32>
        %gather3A_125 = tpu.dynamic_gather %get3A_101[%gather3A_124] in [0] : vector<16xf32>, vector<16xi32> -> vector<16xf32>
        %add3A_126 = arith.constant 2 : i32
        %add3A_127 = arith.addi %mul3A_117, %add3A_126 : i32
        %broadcast_in_dim3A_128 = vector.broadcast %add3A_127 : i32 to vector<16x1xi32>
        %gather3A_129 = vector.shape_cast %broadcast_in_dim3A_128 : vector<16x1xi32> to vector<16xi32>
        %gather3A_130 = tpu.dynamic_gather %get3A_101[%gather3A_129] in [0] : vector<16xf32>, vector<16xi32> -> vector<16xf32>
        %add3A_131 = arith.constant 3 : i32
        %add3A_132 = arith.addi %mul3A_117, %add3A_131 : i32
        %broadcast_in_dim3A_133 = vector.broadcast %add3A_132 : i32 to vector<16x1xi32>
        %gather3A_134 = vector.shape_cast %broadcast_in_dim3A_133 : vector<16x1xi32> to vector<16xi32>
        %gather3A_135 = tpu.dynamic_gather %get3A_101[%gather3A_134] in [0] : vector<16xf32>, vector<16xi32> -> vector<16xf32>
        %add3A_136 = arith.constant 4 : i32
        %add3A_137 = arith.addi %mul3A_117, %add3A_136 : i32
        %broadcast_in_dim3A_138 = vector.broadcast %add3A_137 : i32 to vector<16x1xi32>
        %gather3A_139 = vector.shape_cast %broadcast_in_dim3A_138 : vector<16x1xi32> to vector<16xi32>
        %gather3A_140 = tpu.dynamic_gather %get3A_101[%gather3A_139] in [0] : vector<16xf32>, vector<16xi32> -> vector<16xf32>
        %add3A_141 = arith.constant 5 : i32
        %add3A_142 = arith.addi %mul3A_117, %add3A_141 : i32
        %broadcast_in_dim3A_143 = vector.broadcast %add3A_142 : i32 to vector<16x1xi32>
        %gather3A_144 = vector.shape_cast %broadcast_in_dim3A_143 : vector<16x1xi32> to vector<16xi32>
        %gather3A_145 = tpu.dynamic_gather %get3A_101[%gather3A_144] in [0] : vector<16xf32>, vector<16xi32> -> vector<16xf32>
        %add3A_146 = arith.constant 6 : i32
        %add3A_147 = arith.addi %mul3A_117, %add3A_146 : i32
        %broadcast_in_dim3A_148 = vector.broadcast %add3A_147 : i32 to vector<16x1xi32>
        %gather3A_149 = vector.shape_cast %broadcast_in_dim3A_148 : vector<16x1xi32> to vector<16xi32>
        %gather3A_150 = tpu.dynamic_gather %get3A_101[%gather3A_149] in [0] : vector<16xf32>, vector<16xi32> -> vector<16xf32>
        %add3A_151 = arith.constant 7 : i32
        %add3A_152 = arith.addi %mul3A_117, %add3A_151 : i32
        %broadcast_in_dim3A_153 = vector.broadcast %add3A_152 : i32 to vector<16x1xi32>
        %gather3A_154 = vector.shape_cast %broadcast_in_dim3A_153 : vector<16x1xi32> to vector<16xi32>
        %gather3A_155 = tpu.dynamic_gather %get3A_101[%gather3A_154] in [0] : vector<16xf32>, vector<16xi32> -> vector<16xf32>
        %scan3A_156 = arith.constant 0 : i32
        %scan3A_157 = arith.constant 0 : i32
        %scan3A_158 = arith.constant 48 : i32
        %scan3A_159 = arith.addi %scan3A_157, %scan3A_158 : i32
        %scan3A_160 = arith.constant 4 : i32
        %scan3A_161 = scf.for %scan3A_164 = %scan3A_157 to %scan3A_159 step %scan3A_160 iter_args(%scan3A_165 = %scan3A_156) -> (i32)  : i32 {
          %mul3A_166 = arith.constant 8 : i32
          %mul3A_167 = arith.muli %scan3A_76, %mul3A_166 : i32
          %mul3A_168 = arith.constant 16 : i32
          %mul3A_169 = arith.muli %scan3A_164, %mul3A_168 : i32
          %get3A_170 = arith.index_cast %mul3A_167 : i32 to index
          %get3A_171 = arith.index_cast %mul3A_169 : i32 to index
          %get3A_172 = tpu.vector_load %arg9[%get3A_170, %get3A_171] {strides = array<i32>} : memref<64x768xf32, #tpu.memory_space<vmem>>, vector<1x16xf32>,
          %get3A_173 = vector.shape_cast %get3A_172 : vector<1x16xf32> to vector<16xf32>
          %mul3A_174 = arith.mulf %get3A_173, %gather3A_120 : vector<16xf32>
          %mul3A_175 = arith.constant 8 : i32
          %mul3A_176 = arith.muli %scan3A_76, %mul3A_175 : i32
          %add3A_177 = arith.constant 1 : i32
          %add3A_178 = arith.addi %mul3A_176, %add3A_177 : i32
          %mul3A_179 = arith.constant 16 : i32
          %mul3A_180 = arith.muli %scan3A_164, %mul3A_179 : i32
          %get3A_181 = arith.index_cast %add3A_178 : i32 to index
          %get3A_182 = arith.index_cast %mul3A_180 : i32 to index
          %get3A_183 = tpu.vector_load %arg9[%get3A_181, %get3A_182] {strides = array<i32>} : memref<64x768xf32, #tpu.memory_space<vmem>>, vector<1x16xf32>,
          %get3A_184 = vector.shape_cast %get3A_183 : vector<1x16xf32> to vector<16xf32>
          %mul3A_185 = arith.mulf %get3A_184, %gather3A_125 : vector<16xf32>
          %add3A_186 = arith.addf %mul3A_174, %mul3A_185 : vector<16xf32>
          %mul3A_187 = arith.constant 8 : i32
          %mul3A_188 = arith.muli %scan3A_76, %mul3A_187 : i32
          %add3A_189 = arith.constant 2 : i32
          %add3A_190 = arith.addi %mul3A_188, %add3A_189 : i32
          %mul3A_191 = arith.constant 16 : i32
          %mul3A_192 = arith.muli %scan3A_164, %mul3A_191 : i32
          %get3A_193 = arith.index_cast %add3A_190 : i32 to index
          %get3A_194 = arith.index_cast %mul3A_192 : i32 to index
          %get3A_195 = tpu.vector_load %arg9[%get3A_193, %get3A_194] {strides = array<i32>} : memref<64x768xf32, #tpu.memory_space<vmem>>, vector<1x16xf32>,
          %get3A_196 = vector.shape_cast %get3A_195 : vector<1x16xf32> to vector<16xf32>
          %mul3A_197 = arith.mulf %get3A_196, %gather3A_130 : vector<16xf32>
          %add3A_198 = arith.addf %add3A_186, %mul3A_197 : vector<16xf32>
          %mul3A_199 = arith.constant 8 : i32
          %mul3A_200 = arith.muli %scan3A_76, %mul3A_199 : i32
          %add3A_201 = arith.constant 3 : i32
          %add3A_202 = arith.addi %mul3A_200, %add3A_201 : i32
          %mul3A_203 = arith.constant 16 : i32
          %mul3A_204 = arith.muli %scan3A_164, %mul3A_203 : i32
          %get3A_205 = arith.index_cast %add3A_202 : i32 to index
          %get3A_206 = arith.index_cast %mul3A_204 : i32 to index
          %get3A_207 = tpu.vector_load %arg9[%get3A_205, %get3A_206] {strides = array<i32>} : memref<64x768xf32, #tpu.memory_space<vmem>>, vector<1x16xf32>,
          %get3A_208 = vector.shape_cast %get3A_207 : vector<1x16xf32> to vector<16xf32>
          %mul3A_209 = arith.mulf %get3A_208, %gather3A_135 : vector<16xf32>
          %add3A_210 = arith.addf %add3A_198, %mul3A_209 : vector<16xf32>
          %mul3A_211 = arith.constant 8 : i32
          %mul3A_212 = arith.muli %scan3A_76, %mul3A_211 : i32
          %add3A_213 = arith.constant 4 : i32
          %add3A_214 = arith.addi %mul3A_212, %add3A_213 : i32
          %mul3A_215 = arith.constant 16 : i32
          %mul3A_216 = arith.muli %scan3A_164, %mul3A_215 : i32
          %get3A_217 = arith.index_cast %add3A_214 : i32 to index
          %get3A_218 = arith.index_cast %mul3A_216 : i32 to index
          %get3A_219 = tpu.vector_load %arg9[%get3A_217, %get3A_218] {strides = array<i32>} : memref<64x768xf32, #tpu.memory_space<vmem>>, vector<1x16xf32>,
          %get3A_220 = vector.shape_cast %get3A_219 : vector<1x16xf32> to vector<16xf32>
          %mul3A_221 = arith.mulf %get3A_220, %gather3A_140 : vector<16xf32>
          %add3A_222 = arith.addf %add3A_210, %mul3A_221 : vector<16xf32>
          %mul3A_223 = arith.constant 8 : i32
          %mul3A_224 = arith.muli %scan3A_76, %mul3A_223 : i32
          %add3A_225 = arith.constant 5 : i32
          %add3A_226 = arith.addi %mul3A_224, %add3A_225 : i32
          %mul3A_227 = arith.constant 16 : i32
          %mul3A_228 = arith.muli %scan3A_164, %mul3A_227 : i32
          %get3A_229 = arith.index_cast %add3A_226 : i32 to index
          %get3A_230 = arith.index_cast %mul3A_228 : i32 to index
          %get3A_231 = tpu.vector_load %arg9[%get3A_229, %get3A_230] {strides = array<i32>} : memref<64x768xf32, #tpu.memory_space<vmem>>, vector<1x16xf32>,
          %get3A_232 = vector.shape_cast %get3A_231 : vector<1x16xf32> to vector<16xf32>
          %mul3A_233 = arith.mulf %get3A_232, %gather3A_145 : vector<16xf32>
          %add3A_234 = arith.addf %add3A_222, %mul3A_233 : vector<16xf32>
          %mul3A_235 = arith.constant 8 : i32
          %mul3A_236 = arith.muli %scan3A_76, %mul3A_235 : i32
          %add3A_237 = arith.constant 6 : i32
          %add3A_238 = arith.addi %mul3A_236, %add3A_237 : i32
          %mul3A_239 = arith.constant 16 : i32
          %mul3A_240 = arith.muli %scan3A_164, %mul3A_239 : i32
          %get3A_241 = arith.index_cast %add3A_238 : i32 to index
          %get3A_242 = arith.index_cast %mul3A_240 : i32 to index
          %get3A_243 = tpu.vector_load %arg9[%get3A_241, %get3A_242] {strides = array<i32>} : memref<64x768xf32, #tpu.memory_space<vmem>>, vector<1x16xf32>,
          %get3A_244 = vector.shape_cast %get3A_243 : vector<1x16xf32> to vector<16xf32>
          %mul3A_245 = arith.mulf %get3A_244, %gather3A_150 : vector<16xf32>
          %add3A_246 = arith.addf %add3A_234, %mul3A_245 : vector<16xf32>
          %mul3A_247 = arith.constant 8 : i32
          %mul3A_248 = arith.muli %scan3A_76, %mul3A_247 : i32
          %add3A_249 = arith.constant 7 : i32
          %add3A_250 = arith.addi %mul3A_248, %add3A_249 : i32
          %mul3A_251 = arith.constant 16 : i32
          %mul3A_252 = arith.muli %scan3A_164, %mul3A_251 : i32
          %get3A_253 = arith.index_cast %add3A_250 : i32 to index
          %get3A_254 = arith.index_cast %mul3A_252 : i32 to index
          %get3A_255 = tpu.vector_load %arg9[%get3A_253, %get3A_254] {strides = array<i32>} : memref<64x768xf32, #tpu.memory_space<vmem>>, vector<1x16xf32>,
          %get3A_256 = vector.shape_cast %get3A_255 : vector<1x16xf32> to vector<16xf32>
          %mul3A_257 = arith.mulf %get3A_256, %gather3A_155 : vector<16xf32>
          %add3A_258 = arith.addf %add3A_246, %mul3A_257 : vector<16xf32>
          %mul3A_259 = arith.constant 16 : i32
          %mul3A_260 = arith.muli %scan3A_164, %mul3A_259 : i32
          %swap3A = arith.index_cast %scan3A_76 : i32 to index
          %swap3A_261 = arith.index_cast %mul3A_260 : i32 to index
          %swap3A_262 = tpu.vector_load %arg10[%swap3A, %swap3A_261] {strides = array<i32>} : memref<8x768xf32, #tpu.memory_space<vmem>>, vector<1x16xf32>,
          %swap3A_263 = vector.shape_cast %swap3A_262 : vector<1x16xf32> to vector<16xf32>
          %swap3A_264 = vector.shape_cast %add3A_258 : vector<16xf32> to vector<1x16xf32>
          tpu.vector_store %arg10[%swap3A, %swap3A_261], %swap3A_264 {strides = array<i32>} : memref<8x768xf32, #tpu.memory_space<vmem>>, vector<1x16xf32>,
          %scan3A_265 = arith.constant 0 : i32
          %scan3A_266 = arith.constant 1 : i32
          %scan3A_267 = arith.addi %scan3A_164, %scan3A_266 : i32
          %mul3A_268 = arith.constant 8 : i32
          %mul3A_269 = arith.muli %scan3A_76, %mul3A_268 : i32
          %mul3A_270 = arith.constant 16 : i32
          %mul3A_271 = arith.muli %scan3A_267, %mul3A_270 : i32
          %get3A_272 = arith.index_cast %mul3A_269 : i32 to index
          %get3A_273 = arith.index_cast %mul3A_271 : i32 to index
          %get3A_274 = tpu.vector_load %arg9[%get3A_272, %get3A_273] {strides = array<i32>} : memref<64x768xf32, #tpu.memory_space<vmem>>, vector<1x16xf32>,
          %get3A_275 = vector.shape_cast %get3A_274 : vector<1x16xf32> to vector<16xf32>
          %mul3A_276 = arith.mulf %get3A_275, %gather3A_120 : vector<16xf32>
          %mul3A_277 = arith.constant 8 : i32
          %mul3A_278 = arith.muli %scan3A_76, %mul3A_277 : i32
          %add3A_279 = arith.constant 1 : i32
          %add3A_280 = arith.addi %mul3A_278, %add3A_279 : i32
          %mul3A_281 = arith.constant 16 : i32
          %mul3A_282 = arith.muli %scan3A_267, %mul3A_281 : i32
          %get3A_283 = arith.index_cast %add3A_280 : i32 to index
          %get3A_284 = arith.index_cast %mul3A_282 : i32 to index
          %get3A_285 = tpu.vector_load %arg9[%get3A_283, %get3A_284] {strides = array<i32>} : memref<64x768xf32, #tpu.memory_space<vmem>>, vector<1x16xf32>,
          %get3A_286 = vector.shape_cast %get3A_285 : vector<1x16xf32> to vector<16xf32>
          %mul3A_287 = arith.mulf %get3A_286, %gather3A_125 : vector<16xf32>
          %add3A_288 = arith.addf %mul3A_276, %mul3A_287 : vector<16xf32>
          %mul3A_289 = arith.constant 8 : i32
          %mul3A_290 = arith.muli %scan3A_76, %mul3A_289 : i32
          %add3A_291 = arith.constant 2 : i32
          %add3A_292 = arith.addi %mul3A_290, %add3A_291 : i32
          %mul3A_293 = arith.constant 16 : i32
          %mul3A_294 = arith.muli %scan3A_267, %mul3A_293 : i32
          %get3A_295 = arith.index_cast %add3A_292 : i32 to index
          %get3A_296 = arith.index_cast %mul3A_294 : i32 to index
          %get3A_297 = tpu.vector_load %arg9[%get3A_295, %get3A_296] {strides = array<i32>} : memref<64x768xf32, #tpu.memory_space<vmem>>, vector<1x16xf32>,
          %get3A_298 = vector.shape_cast %get3A_297 : vector<1x16xf32> to vector<16xf32>
          %mul3A_299 = arith.mulf %get3A_298, %gather3A_130 : vector<16xf32>
          %add3A_300 = arith.addf %add3A_288, %mul3A_299 : vector<16xf32>
          %mul3A_301 = arith.constant 8 : i32
          %mul3A_302 = arith.muli %scan3A_76, %mul3A_301 : i32
          %add3A_303 = arith.constant 3 : i32
          %add3A_304 = arith.addi %mul3A_302, %add3A_303 : i32
          %mul3A_305 = arith.constant 16 : i32
          %mul3A_306 = arith.muli %scan3A_267, %mul3A_305 : i32
          %get3A_307 = arith.index_cast %add3A_304 : i32 to index
          %get3A_308 = arith.index_cast %mul3A_306 : i32 to index
          %get3A_309 = tpu.vector_load %arg9[%get3A_307, %get3A_308] {strides = array<i32>} : memref<64x768xf32, #tpu.memory_space<vmem>>, vector<1x16xf32>,
          %get3A_310 = vector.shape_cast %get3A_309 : vector<1x16xf32> to vector<16xf32>
          %mul3A_311 = arith.mulf %get3A_310, %gather3A_135 : vector<16xf32>
          %add3A_312 = arith.addf %add3A_300, %mul3A_311 : vector<16xf32>
          %mul3A_313 = arith.constant 8 : i32
          %mul3A_314 = arith.muli %scan3A_76, %mul3A_313 : i32
          %add3A_315 = arith.constant 4 : i32
          %add3A_316 = arith.addi %mul3A_314, %add3A_315 : i32
          %mul3A_317 = arith.constant 16 : i32
          %mul3A_318 = arith.muli %scan3A_267, %mul3A_317 : i32
          %get3A_319 = arith.index_cast %add3A_316 : i32 to index
          %get3A_320 = arith.index_cast %mul3A_318 : i32 to index
          %get3A_321 = tpu.vector_load %arg9[%get3A_319, %get3A_320] {strides = array<i32>} : memref<64x768xf32, #tpu.memory_space<vmem>>, vector<1x16xf32>,
          %get3A_322 = vector.shape_cast %get3A_321 : vector<1x16xf32> to vector<16xf32>
          %mul3A_323 = arith.mulf %get3A_322, %gather3A_140 : vector<16xf32>
          %add3A_324 = arith.addf %add3A_312, %mul3A_323 : vector<16xf32>
          %mul3A_325 = arith.constant 8 : i32
          %mul3A_326 = arith.muli %scan3A_76, %mul3A_325 : i32
          %add3A_327 = arith.constant 5 : i32
          %add3A_328 = arith.addi %mul3A_326, %add3A_327 : i32
          %mul3A_329 = arith.constant 16 : i32
          %mul3A_330 = arith.muli %scan3A_267, %mul3A_329 : i32
          %get3A_331 = arith.index_cast %add3A_328 : i32 to index
          %get3A_332 = arith.index_cast %mul3A_330 : i32 to index
          %get3A_333 = tpu.vector_load %arg9[%get3A_331, %get3A_332] {strides = array<i32>} : memref<64x768xf32, #tpu.memory_space<vmem>>, vector<1x16xf32>,
          %get3A_334 = vector.shape_cast %get3A_333 : vector<1x16xf32> to vector<16xf32>
          %mul3A_335 = arith.mulf %get3A_334, %gather3A_145 : vector<16xf32>
          %add3A_336 = arith.addf %add3A_324, %mul3A_335 : vector<16xf32>
          %mul3A_337 = arith.constant 8 : i32
          %mul3A_338 = arith.muli %scan3A_76, %mul3A_337 : i32
          %add3A_339 = arith.constant 6 : i32
          %add3A_340 = arith.addi %mul3A_338, %add3A_339 : i32
          %mul3A_341 = arith.constant 16 : i32
          %mul3A_342 = arith.muli %scan3A_267, %mul3A_341 : i32
          %get3A_343 = arith.index_cast %add3A_340 : i32 to index
          %get3A_344 = arith.index_cast %mul3A_342 : i32 to index
          %get3A_345 = tpu.vector_load %arg9[%get3A_343, %get3A_344] {strides = array<i32>} : memref<64x768xf32, #tpu.memory_space<vmem>>, vector<1x16xf32>,
          %get3A_346 = vector.shape_cast %get3A_345 : vector<1x16xf32> to vector<16xf32>
          %mul3A_347 = arith.mulf %get3A_346, %gather3A_150 : vector<16xf32>
          %add3A_348 = arith.addf %add3A_336, %mul3A_347 : vector<16xf32>
          %mul3A_349 = arith.constant 8 : i32
          %mul3A_350 = arith.muli %scan3A_76, %mul3A_349 : i32
          %add3A_351 = arith.constant 7 : i32
          %add3A_352 = arith.addi %mul3A_350, %add3A_351 : i32
          %mul3A_353 = arith.constant 16 : i32
          %mul3A_354 = arith.muli %scan3A_267, %mul3A_353 : i32
          %get3A_355 = arith.index_cast %add3A_352 : i32 to index
          %get3A_356 = arith.index_cast %mul3A_354 : i32 to index
          %get3A_357 = tpu.vector_load %arg9[%get3A_355, %get3A_356] {strides = array<i32>} : memref<64x768xf32, #tpu.memory_space<vmem>>, vector<1x16xf32>,
          %get3A_358 = vector.shape_cast %get3A_357 : vector<1x16xf32> to vector<16xf32>
          %mul3A_359 = arith.mulf %get3A_358, %gather3A_155 : vector<16xf32>
          %add3A_360 = arith.addf %add3A_348, %mul3A_359 : vector<16xf32>
          %mul3A_361 = arith.constant 16 : i32
          %mul3A_362 = arith.muli %scan3A_267, %mul3A_361 : i32
          %swap3A_363 = arith.index_cast %scan3A_76 : i32 to index
          %swap3A_364 = arith.index_cast %mul3A_362 : i32 to index
          %swap3A_365 = tpu.vector_load %arg10[%swap3A_363, %swap3A_364] {strides = array<i32>} : memref<8x768xf32, #tpu.memory_space<vmem>>, vector<1x16xf32>,
          %swap3A_366 = vector.shape_cast %swap3A_365 : vector<1x16xf32> to vector<16xf32>
          %swap3A_367 = vector.shape_cast %add3A_360 : vector<16xf32> to vector<1x16xf32>
          tpu.vector_store %arg10[%swap3A_363, %swap3A_364], %swap3A_367 {strides = array<i32>} : memref<8x768xf32, #tpu.memory_space<vmem>>, vector<1x16xf32>,
          %scan3A_368 = arith.constant 0 : i32
          %scan3A_369 = arith.constant 2 : i32
          %scan3A_370 = arith.addi %scan3A_164, %scan3A_369 : i32
          %mul3A_371 = arith.constant 8 : i32
          %mul3A_372 = arith.muli %scan3A_76, %mul3A_371 : i32
          %mul3A_373 = arith.constant 16 : i32
          %mul3A_374 = arith.muli %scan3A_370, %mul3A_373 : i32
          %get3A_375 = arith.index_cast %mul3A_372 : i32 to index
          %get3A_376 = arith.index_cast %mul3A_374 : i32 to index
          %get3A_377 = tpu.vector_load %arg9[%get3A_375, %get3A_376] {strides = array<i32>} : memref<64x768xf32, #tpu.memory_space<vmem>>, vector<1x16xf32>,
          %get3A_378 = vector.shape_cast %get3A_377 : vector<1x16xf32> to vector<16xf32>
          %mul3A_379 = arith.mulf %get3A_378, %gather3A_120 : vector<16xf32>
          %mul3A_380 = arith.constant 8 : i32
          %mul3A_381 = arith.muli %scan3A_76, %mul3A_380 : i32
          %add3A_382 = arith.constant 1 : i32
          %add3A_383 = arith.addi %mul3A_381, %add3A_382 : i32
          %mul3A_384 = arith.constant 16 : i32
          %mul3A_385 = arith.muli %scan3A_370, %mul3A_384 : i32
          %get3A_386 = arith.index_cast %add3A_383 : i32 to index
          %get3A_387 = arith.index_cast %mul3A_385 : i32 to index
          %get3A_388 = tpu.vector_load %arg9[%get3A_386, %get3A_387] {strides = array<i32>} : memref<64x768xf32, #tpu.memory_space<vmem>>, vector<1x16xf32>,
          %get3A_389 = vector.shape_cast %get3A_388 : vector<1x16xf32> to vector<16xf32>
          %mul3A_390 = arith.mulf %get3A_389, %gather3A_125 : vector<16xf32>
          %add3A_391 = arith.addf %mul3A_379, %mul3A_390 : vector<16xf32>
          %mul3A_392 = arith.constant 8 : i32
          %mul3A_393 = arith.muli %scan3A_76, %mul3A_392 : i32
          %add3A_394 = arith.constant 2 : i32
          %add3A_395 = arith.addi %mul3A_393, %add3A_394 : i32
          %mul3A_396 = arith.constant 16 : i32
          %mul3A_397 = arith.muli %scan3A_370, %mul3A_396 : i32
          %get3A_398 = arith.index_cast %add3A_395 : i32 to index
          %get3A_399 = arith.index_cast %mul3A_397 : i32 to index
          %get3A_400 = tpu.vector_load %arg9[%get3A_398, %get3A_399] {strides = array<i32>} : memref<64x768xf32, #tpu.memory_space<vmem>>, vector<1x16xf32>,
          %get3A_401 = vector.shape_cast %get3A_400 : vector<1x16xf32> to vector<16xf32>
          %mul3A_402 = arith.mulf %get3A_401, %gather3A_130 : vector<16xf32>
          %add3A_403 = arith.addf %add3A_391, %mul3A_402 : vector<16xf32>
          %mul3A_404 = arith.constant 8 : i32
          %mul3A_405 = arith.muli %scan3A_76, %mul3A_404 : i32
          %add3A_406 = arith.constant 3 : i32
          %add3A_407 = arith.addi %mul3A_405, %add3A_406 : i32
          %mul3A_408 = arith.constant 16 : i32
          %mul3A_409 = arith.muli %scan3A_370, %mul3A_408 : i32
          %get3A_410 = arith.index_cast %add3A_407 : i32 to index
          %get3A_411 = arith.index_cast %mul3A_409 : i32 to index
          %get3A_412 = tpu.vector_load %arg9[%get3A_410, %get3A_411] {strides = array<i32>} : memref<64x768xf32, #tpu.memory_space<vmem>>, vector<1x16xf32>,
          %get3A_413 = vector.shape_cast %get3A_412 : vector<1x16xf32> to vector<16xf32>
          %mul3A_414 = arith.mulf %get3A_413, %gather3A_135 : vector<16xf32>
          %add3A_415 = arith.addf %add3A_403, %mul3A_414 : vector<16xf32>
          %mul3A_416 = arith.constant 8 : i32
          %mul3A_417 = arith.muli %scan3A_76, %mul3A_416 : i32
          %add3A_418 = arith.constant 4 : i32
          %add3A_419 = arith.addi %mul3A_417, %add3A_418 : i32
          %mul3A_420 = arith.constant 16 : i32
          %mul3A_421 = arith.muli %scan3A_370, %mul3A_420 : i32
          %get3A_422 = arith.index_cast %add3A_419 : i32 to index
          %get3A_423 = arith.index_cast %mul3A_421 : i32 to index
          %get3A_424 = tpu.vector_load %arg9[%get3A_422, %get3A_423] {strides = array<i32>} : memref<64x768xf32, #tpu.memory_space<vmem>>, vector<1x16xf32>,
          %get3A_425 = vector.shape_cast %get3A_424 : vector<1x16xf32> to vector<16xf32>
          %mul3A_426 = arith.mulf %get3A_425, %gather3A_140 : vector<16xf32>
          %add3A_427 = arith.addf %add3A_415, %mul3A_426 : vector<16xf32>
          %mul3A_428 = arith.constant 8 : i32
          %mul3A_429 = arith.muli %scan3A_76, %mul3A_428 : i32
          %add3A_430 = arith.constant 5 : i32
          %add3A_431 = arith.addi %mul3A_429, %add3A_430 : i32
          %mul3A_432 = arith.constant 16 : i32
          %mul3A_433 = arith.muli %scan3A_370, %mul3A_432 : i32
          %get3A_434 = arith.index_cast %add3A_431 : i32 to index
          %get3A_435 = arith.index_cast %mul3A_433 : i32 to index
          %get3A_436 = tpu.vector_load %arg9[%get3A_434, %get3A_435] {strides = array<i32>} : memref<64x768xf32, #tpu.memory_space<vmem>>, vector<1x16xf32>,
          %get3A_437 = vector.shape_cast %get3A_436 : vector<1x16xf32> to vector<16xf32>
          %mul3A_438 = arith.mulf %get3A_437, %gather3A_145 : vector<16xf32>
          %add3A_439 = arith.addf %add3A_427, %mul3A_438 : vector<16xf32>
          %mul3A_440 = arith.constant 8 : i32
          %mul3A_441 = arith.muli %scan3A_76, %mul3A_440 : i32
          %add3A_442 = arith.constant 6 : i32
          %add3A_443 = arith.addi %mul3A_441, %add3A_442 : i32
          %mul3A_444 = arith.constant 16 : i32
          %mul3A_445 = arith.muli %scan3A_370, %mul3A_444 : i32
          %get3A_446 = arith.index_cast %add3A_443 : i32 to index
          %get3A_447 = arith.index_cast %mul3A_445 : i32 to index
          %get3A_448 = tpu.vector_load %arg9[%get3A_446, %get3A_447] {strides = array<i32>} : memref<64x768xf32, #tpu.memory_space<vmem>>, vector<1x16xf32>,
          %get3A_449 = vector.shape_cast %get3A_448 : vector<1x16xf32> to vector<16xf32>
          %mul3A_450 = arith.mulf %get3A_449, %gather3A_150 : vector<16xf32>
          %add3A_451 = arith.addf %add3A_439, %mul3A_450 : vector<16xf32>
          %mul3A_452 = arith.constant 8 : i32
          %mul3A_453 = arith.muli %scan3A_76, %mul3A_452 : i32
          %add3A_454 = arith.constant 7 : i32
          %add3A_455 = arith.addi %mul3A_453, %add3A_454 : i32
          %mul3A_456 = arith.constant 16 : i32
          %mul3A_457 = arith.muli %scan3A_370, %mul3A_456 : i32
          %get3A_458 = arith.index_cast %add3A_455 : i32 to index
          %get3A_459 = arith.index_cast %mul3A_457 : i32 to index
          %get3A_460 = tpu.vector_load %arg9[%get3A_458, %get3A_459] {strides = array<i32>} : memref<64x768xf32, #tpu.memory_space<vmem>>, vector<1x16xf32>,
          %get3A_461 = vector.shape_cast %get3A_460 : vector<1x16xf32> to vector<16xf32>
          %mul3A_462 = arith.mulf %get3A_461, %gather3A_155 : vector<16xf32>
          %add3A_463 = arith.addf %add3A_451, %mul3A_462 : vector<16xf32>
          %mul3A_464 = arith.constant 16 : i32
          %mul3A_465 = arith.muli %scan3A_370, %mul3A_464 : i32
          %swap3A_466 = arith.index_cast %scan3A_76 : i32 to index
          %swap3A_467 = arith.index_cast %mul3A_465 : i32 to index
          %swap3A_468 = tpu.vector_load %arg10[%swap3A_466, %swap3A_467] {strides = array<i32>} : memref<8x768xf32, #tpu.memory_space<vmem>>, vector<1x16xf32>,
          %swap3A_469 = vector.shape_cast %swap3A_468 : vector<1x16xf32> to vector<16xf32>
          %swap3A_470 = vector.shape_cast %add3A_463 : vector<16xf32> to vector<1x16xf32>
          tpu.vector_store %arg10[%swap3A_466, %swap3A_467], %swap3A_470 {strides = array<i32>} : memref<8x768xf32, #tpu.memory_space<vmem>>, vector<1x16xf32>,
          %scan3A_471 = arith.constant 0 : i32
          %scan3A_472 = arith.constant 3 : i32
          %scan3A_473 = arith.addi %scan3A_164, %scan3A_472 : i32
          %mul3A_474 = arith.constant 8 : i32
          %mul3A_475 = arith.muli %scan3A_76, %mul3A_474 : i32
          %mul3A_476 = arith.constant 16 : i32
          %mul3A_477 = arith.muli %scan3A_473, %mul3A_476 : i32
          %get3A_478 = arith.index_cast %mul3A_475 : i32 to index
          %get3A_479 = arith.index_cast %mul3A_477 : i32 to index
          %get3A_480 = tpu.vector_load %arg9[%get3A_478, %get3A_479] {strides = array<i32>} : memref<64x768xf32, #tpu.memory_space<vmem>>, vector<1x16xf32>,
          %get3A_481 = vector.shape_cast %get3A_480 : vector<1x16xf32> to vector<16xf32>
          %mul3A_482 = arith.mulf %get3A_481, %gather3A_120 : vector<16xf32>
          %mul3A_483 = arith.constant 8 : i32
          %mul3A_484 = arith.muli %scan3A_76, %mul3A_483 : i32
          %add3A_485 = arith.constant 1 : i32
          %add3A_486 = arith.addi %mul3A_484, %add3A_485 : i32
          %mul3A_487 = arith.constant 16 : i32
          %mul3A_488 = arith.muli %scan3A_473, %mul3A_487 : i32
          %get3A_489 = arith.index_cast %add3A_486 : i32 to index
          %get3A_490 = arith.index_cast %mul3A_488 : i32 to index
          %get3A_491 = tpu.vector_load %arg9[%get3A_489, %get3A_490] {strides = array<i32>} : memref<64x768xf32, #tpu.memory_space<vmem>>, vector<1x16xf32>,
          %get3A_492 = vector.shape_cast %get3A_491 : vector<1x16xf32> to vector<16xf32>
          %mul3A_493 = arith.mulf %get3A_492, %gather3A_125 : vector<16xf32>
          %add3A_494 = arith.addf %mul3A_482, %mul3A_493 : vector<16xf32>
          %mul3A_495 = arith.constant 8 : i32
          %mul3A_496 = arith.muli %scan3A_76, %mul3A_495 : i32
          %add3A_497 = arith.constant 2 : i32
          %add3A_498 = arith.addi %mul3A_496, %add3A_497 : i32
          %mul3A_499 = arith.constant 16 : i32
          %mul3A_500 = arith.muli %scan3A_473, %mul3A_499 : i32
          %get3A_501 = arith.index_cast %add3A_498 : i32 to index
          %get3A_502 = arith.index_cast %mul3A_500 : i32 to index
          %get3A_503 = tpu.vector_load %arg9[%get3A_501, %get3A_502] {strides = array<i32>} : memref<64x768xf32, #tpu.memory_space<vmem>>, vector<1x16xf32>,
          %get3A_504 = vector.shape_cast %get3A_503 : vector<1x16xf32> to vector<16xf32>
          %mul3A_505 = arith.mulf %get3A_504, %gather3A_130 : vector<16xf32>
          %add3A_506 = arith.addf %add3A_494, %mul3A_505 : vector<16xf32>
          %mul3A_507 = arith.constant 8 : i32
          %mul3A_508 = arith.muli %scan3A_76, %mul3A_507 : i32
          %add3A_509 = arith.constant 3 : i32
          %add3A_510 = arith.addi %mul3A_508, %add3A_509 : i32
          %mul3A_511 = arith.constant 16 : i32
          %mul3A_512 = arith.muli %scan3A_473, %mul3A_511 : i32
          %get3A_513 = arith.index_cast %add3A_510 : i32 to index
          %get3A_514 = arith.index_cast %mul3A_512 : i32 to index
          %get3A_515 = tpu.vector_load %arg9[%get3A_513, %get3A_514] {strides = array<i32>} : memref<64x768xf32, #tpu.memory_space<vmem>>, vector<1x16xf32>,
          %get3A_516 = vector.shape_cast %get3A_515 : vector<1x16xf32> to vector<16xf32>
          %mul3A_517 = arith.mulf %get3A_516, %gather3A_135 : vector<16xf32>
          %add3A_518 = arith.addf %add3A_506, %mul3A_517 : vector<16xf32>
          %mul3A_519 = arith.constant 8 : i32
          %mul3A_520 = arith.muli %scan3A_76, %mul3A_519 : i32
          %add3A_521 = arith.constant 4 : i32
          %add3A_522 = arith.addi %mul3A_520, %add3A_521 : i32
          %mul3A_523 = arith.constant 16 : i32
          %mul3A_524 = arith.muli %scan3A_473, %mul3A_523 : i32
          %get3A_525 = arith.index_cast %add3A_522 : i32 to index
          %get3A_526 = arith.index_cast %mul3A_524 : i32 to index
          %get3A_527 = tpu.vector_load %arg9[%get3A_525, %get3A_526] {strides = array<i32>} : memref<64x768xf32, #tpu.memory_space<vmem>>, vector<1x16xf32>,
          %get3A_528 = vector.shape_cast %get3A_527 : vector<1x16xf32> to vector<16xf32>
          %mul3A_529 = arith.mulf %get3A_528, %gather3A_140 : vector<16xf32>
          %add3A_530 = arith.addf %add3A_518, %mul3A_529 : vector<16xf32>
          %mul3A_531 = arith.constant 8 : i32
          %mul3A_532 = arith.muli %scan3A_76, %mul3A_531 : i32
          %add3A_533 = arith.constant 5 : i32
          %add3A_534 = arith.addi %mul3A_532, %add3A_533 : i32
          %mul3A_535 = arith.constant 16 : i32
          %mul3A_536 = arith.muli %scan3A_473, %mul3A_535 : i32
          %get3A_537 = arith.index_cast %add3A_534 : i32 to index
          %get3A_538 = arith.index_cast %mul3A_536 : i32 to index
          %get3A_539 = tpu.vector_load %arg9[%get3A_537, %get3A_538] {strides = array<i32>} : memref<64x768xf32, #tpu.memory_space<vmem>>, vector<1x16xf32>,
          %get3A_540 = vector.shape_cast %get3A_539 : vector<1x16xf32> to vector<16xf32>
          %mul3A_541 = arith.mulf %get3A_540, %gather3A_145 : vector<16xf32>
          %add3A_542 = arith.addf %add3A_530, %mul3A_541 : vector<16xf32>
          %mul3A_543 = arith.constant 8 : i32
          %mul3A_544 = arith.muli %scan3A_76, %mul3A_543 : i32
          %add3A_545 = arith.constant 6 : i32
          %add3A_546 = arith.addi %mul3A_544, %add3A_545 : i32
          %mul3A_547 = arith.constant 16 : i32
          %mul3A_548 = arith.muli %scan3A_473, %mul3A_547 : i32
          %get3A_549 = arith.index_cast %add3A_546 : i32 to index
          %get3A_550 = arith.index_cast %mul3A_548 : i32 to index
          %get3A_551 = tpu.vector_load %arg9[%get3A_549, %get3A_550] {strides = array<i32>} : memref<64x768xf32, #tpu.memory_space<vmem>>, vector<1x16xf32>,
          %get3A_552 = vector.shape_cast %get3A_551 : vector<1x16xf32> to vector<16xf32>
          %mul3A_553 = arith.mulf %get3A_552, %gather3A_150 : vector<16xf32>
          %add3A_554 = arith.addf %add3A_542, %mul3A_553 : vector<16xf32>
          %mul3A_555 = arith.constant 8 : i32
          %mul3A_556 = arith.muli %scan3A_76, %mul3A_555 : i32
          %add3A_557 = arith.constant 7 : i32
          %add3A_558 = arith.addi %mul3A_556, %add3A_557 : i32
          %mul3A_559 = arith.constant 16 : i32
          %mul3A_560 = arith.muli %scan3A_473, %mul3A_559 : i32
          %get3A_561 = arith.index_cast %add3A_558 : i32 to index
          %get3A_562 = arith.index_cast %mul3A_560 : i32 to index
          %get3A_563 = tpu.vector_load %arg9[%get3A_561, %get3A_562] {strides = array<i32>} : memref<64x768xf32, #tpu.memory_space<vmem>>, vector<1x16xf32>,
          %get3A_564 = vector.shape_cast %get3A_563 : vector<1x16xf32> to vector<16xf32>
          %mul3A_565 = arith.mulf %get3A_564, %gather3A_155 : vector<16xf32>
          %add3A_566 = arith.addf %add3A_554, %mul3A_565 : vector<16xf32>
          %mul3A_567 = arith.constant 16 : i32
          %mul3A_568 = arith.muli %scan3A_473, %mul3A_567 : i32
          %swap3A_569 = arith.index_cast %scan3A_76 : i32 to index
          %swap3A_570 = arith.index_cast %mul3A_568 : i32 to index
          %swap3A_571 = tpu.vector_load %arg10[%swap3A_569, %swap3A_570] {strides = array<i32>} : memref<8x768xf32, #tpu.memory_space<vmem>>, vector<1x16xf32>,
          %swap3A_572 = vector.shape_cast %swap3A_571 : vector<1x16xf32> to vector<16xf32>
          %swap3A_573 = vector.shape_cast %add3A_566 : vector<16xf32> to vector<1x16xf32>
          tpu.vector_store %arg10[%swap3A_569, %swap3A_570], %swap3A_573 {strides = array<i32>} : memref<8x768xf32, #tpu.memory_space<vmem>>, vector<1x16xf32>,
          %scan3A_574 = arith.constant 0 : i32
          scf.yield %scan3A_574 : i32
        }
        %scan3A_162 = arith.constant 48 : i32
        %scan3A_163 = arith.constant 0 : i32
        scf.yield %scan3A_163 : i32
      }
      %scan3A_71 = arith.constant 8 : i32
      %mul3A_72 = arith.constant 8 : i32
      %mul3A_73 = arith.muli %add3A_27, %mul3A_72 : i32
      %add3A_74 = arith.addi %mul3A_2, %mul3A_73 : i32
      "tpu.region"() ({
        %run_scoped3A = tpu.sem_alloc : memref<!tpu.dma_semaphore, #tpu.memory_space<semaphore_mem>>
        %dma_start3A_76 = arith.constant 0 : i32
        %dma_start3A_77 = tpu.memref_slice %arg5[%add3A_74, %dma_start3A_76] : memref<4096x768xf32, #tpu.memory_space<hbm>> -> memref<8x768xf32, #tpu.memory_space<hbm>>
        %dma_start3A_78 = arith.constant 0 : i32
        %dma_start3A_79 = tpu.memref_slice %arg5[%add3A_74, %dma_start3A_78] : memref<4096x768xf32, #tpu.memory_space<hbm>> -> memref<8x768xf32, #tpu.memory_space<hbm>>
        tpu.enqueue_dma source(%arg10 : memref<8x768xf32, #tpu.memory_space<vmem>>) target(%dma_start3A_79 : memref<8x768xf32, #tpu.memory_space<hbm>>) target_semaphore(%run_scoped3A : memref<!tpu.dma_semaphore, #tpu.memory_space<semaphore_mem>>)
        %dma_wait3A_80 = arith.constant 0 : i32
        %dma_wait3A_81 = tpu.memref_slice %arg5[%add3A_74, %dma_wait3A_80] : memref<4096x768xf32, #tpu.memory_space<hbm>> -> memref<8x768xf32, #tpu.memory_space<hbm>>
        %dma_wait3A_82 = arith.constant 0 : i32
        %dma_wait3A_83 = tpu.memref_slice %arg5[%add3A_74, %dma_wait3A_82] : memref<4096x768xf32, #tpu.memory_space<hbm>> -> memref<8x768xf32, #tpu.memory_space<hbm>>
        tpu.wait_dma2 semaphore(%run_scoped3A : memref<!tpu.dma_semaphore, #tpu.memory_space<semaphore_mem>>) src(%arg10 : memref<8x768xf32, #tpu.memory_space<vmem>>) dst(%dma_wait3A_83 : memref<8x768xf32, #tpu.memory_space<hbm>>)
        tpu.yield
      }) : () -> ()
      %scan3A_75 = arith.constant 0 : i32
      scf.yield %scan3A_75 : i32
    }
    %scan3A_14 = arith.constant 8 : i32
    %dma_wait3A = arith.constant 0 : i32
    %dma_wait3A_15 = arith.constant 0 : i32
    %dma_wait3A_16 = tpu.memref_slice %arg2[%dma_wait3A, %dma_wait3A_15] : memref<8192x768xf32, #tpu.memory_space<hbm>> -> memref<64x768xf32, #tpu.memory_space<hbm>>
    %dma_wait3A_17 = arith.constant 0 : i32
    %dma_wait3A_18 = arith.constant 0 : i32
    %dma_wait3A_19 = tpu.memref_slice %arg2[%dma_wait3A_17, %dma_wait3A_18] : memref<8192x768xf32, #tpu.memory_space<hbm>> -> memref<64x768xf32, #tpu.memory_space<hbm>>
    tpu.wait_dma2 semaphore(%arg11 : memref<!tpu.dma_semaphore, #tpu.memory_space<semaphore_mem>>) src(%dma_wait3A_19 : memref<64x768xf32, #tpu.memory_space<hbm>>) dst(%arg8 : memref<64x768xf32, #tpu.memory_space<vmem>>)
    return
  }
}

#map = affine_map<(d0, d1) -> (0, 0)>
#map1 = affine_map<(d0, d1) -> (0)>
module attributes {stable_mosaic.version = 14 : i64} {
  func.func @_sc_body(%arg0: i32, %arg1: i32, %arg2: memref<8192x768xf32, #tpu.memory_space<hbm>>, %arg3: memref<32768xi32, #tpu.memory_space<hbm>>, %arg4: memref<32768xf32, #tpu.memory_space<hbm>>, %arg5: memref<4096x768xf32, #tpu.memory_space<hbm>>, %arg6: memref<1024xi32, #tpu.memory_space<vmem>>, %arg7: memref<1024xf32, #tpu.memory_space<vmem>>, %arg8: memref<64x768xf32, #tpu.memory_space<vmem>>, %arg9: memref<64x768xf32, #tpu.memory_space<vmem>>, %arg10: memref<8x768xf32, #tpu.memory_space<vmem>>, %arg11: memref<!tpu.dma_semaphore, #tpu.memory_space<semaphore_mem>>, %arg12: memref<!tpu.dma_semaphore, #tpu.memory_space<semaphore_mem>>) attributes {dimension_semantics = [#tpu.dimension_semantics<core_parallel>, #tpu.dimension_semantics<subcore_parallel>], iteration_bounds = array<i64: 2, 16>, scalar_prefetch = 0 : i64, scratch_operands = 7 : i64, tpu.core_type = #tpu.core_type<sc_vector_subcore>, window_params = [{transform_indices = #map}, {transform_indices = #map1}, {transform_indices = #map1}, {transform_indices = #map}]} {
    %mul3A = arith.constant 2 : i32
    %mul3A_0 = arith.muli %arg1, %mul3A : i32
    %add3A = arith.addi %mul3A_0, %arg0 : i32
    %mul3A_1 = arith.constant 128 : i32
    %mul3A_2 = arith.muli %add3A, %mul3A_1 : i32
    %mul3A_3 = arith.constant 8 : i32
    %mul3A_4 = arith.muli %mul3A_2, %mul3A_3 : i32
    "tpu.region"() ({
      %run_scoped3A = tpu.sem_alloc : memref<!tpu.dma_semaphore, #tpu.memory_space<semaphore_mem>>
      %dma_start3A_20 = tpu.memref_slice %arg3[%mul3A_4] : memref<32768xi32, #tpu.memory_space<hbm>> -> memref<1024xi32, #tpu.memory_space<hbm>>
      %dma_start3A_21 = tpu.memref_slice %arg3[%mul3A_4] : memref<32768xi32, #tpu.memory_space<hbm>> -> memref<1024xi32, #tpu.memory_space<hbm>>
      tpu.enqueue_dma source(%dma_start3A_21 : memref<1024xi32, #tpu.memory_space<hbm>>) target(%arg6 : memref<1024xi32, #tpu.memory_space<vmem>>) target_semaphore(%run_scoped3A : memref<!tpu.dma_semaphore, #tpu.memory_space<semaphore_mem>>)
      %dma_wait3A_22 = tpu.memref_slice %arg3[%mul3A_4] : memref<32768xi32, #tpu.memory_space<hbm>> -> memref<1024xi32, #tpu.memory_space<hbm>>
      %dma_wait3A_23 = tpu.memref_slice %arg3[%mul3A_4] : memref<32768xi32, #tpu.memory_space<hbm>> -> memref<1024xi32, #tpu.memory_space<hbm>>
      tpu.wait_dma2 semaphore(%run_scoped3A : memref<!tpu.dma_semaphore, #tpu.memory_space<semaphore_mem>>) src(%dma_wait3A_23 : memref<1024xi32, #tpu.memory_space<hbm>>) dst(%arg6 : memref<1024xi32, #tpu.memory_space<vmem>>)
      tpu.yield
    }) : () -> ()
    "tpu.region"() ({
      %run_scoped3A = tpu.sem_alloc : memref<!tpu.dma_semaphore, #tpu.memory_space<semaphore_mem>>
      %dma_start3A_20 = tpu.memref_slice %arg4[%mul3A_4] : memref<32768xf32, #tpu.memory_space<hbm>> -> memref<1024xf32, #tpu.memory_space<hbm>>
      %dma_start3A_21 = tpu.memref_slice %arg4[%mul3A_4] : memref<32768xf32, #tpu.memory_space<hbm>> -> memref<1024xf32, #tpu.memory_space<hbm>>
      tpu.enqueue_dma source(%dma_start3A_21 : memref<1024xf32, #tpu.memory_space<hbm>>) target(%arg7 : memref<1024xf32, #tpu.memory_space<vmem>>) target_semaphore(%run_scoped3A : memref<!tpu.dma_semaphore, #tpu.memory_space<semaphore_mem>>)
      %dma_wait3A_22 = tpu.memref_slice %arg4[%mul3A_4] : memref<32768xf32, #tpu.memory_space<hbm>> -> memref<1024xf32, #tpu.memory_space<hbm>>
      %dma_wait3A_23 = tpu.memref_slice %arg4[%mul3A_4] : memref<32768xf32, #tpu.memory_space<hbm>> -> memref<1024xf32, #tpu.memory_space<hbm>>
      tpu.wait_dma2 semaphore(%run_scoped3A : memref<!tpu.dma_semaphore, #tpu.memory_space<semaphore_mem>>) src(%dma_wait3A_23 : memref<1024xf32, #tpu.memory_space<hbm>>) dst(%arg7 : memref<1024xf32, #tpu.memory_space<vmem>>)
      tpu.yield
    }) : () -> ()
    %dma_start3A = arith.constant 0 : i32
    %dma_start3A_5 = tpu.memref_slice %arg6[%dma_start3A] : memref<1024xi32, #tpu.memory_space<vmem>> -> memref<64xi32, #tpu.memory_space<vmem>>
    %dma_start3A_6 = arith.constant 0 : i32
    %dma_start3A_7 = arith.constant 0 : i32
    %dma_start3A_8 = tpu.memref_slice %arg2[%dma_start3A_6, %dma_start3A_7] : memref<8192x768xf32, #tpu.memory_space<hbm>> -> memref<8192x768xf32, #tpu.memory_space<hbm>>
    tpu.enqueue_indirect_dma source(%dma_start3A_8 : memref<8192x768xf32, #tpu.memory_space<hbm>>) target(%arg8 : memref<64x768xf32, #tpu.memory_space<vmem>>) offsets(%dma_start3A_5 : memref<64xi32, #tpu.memory_space<vmem>>) semaphore(%arg11 : memref<!tpu.dma_semaphore, #tpu.memory_space<semaphore_mem>>)
    %scan3A = arith.constant 0 : i32
    %scan3A_9 = arith.constant 0 : i32
    %scan3A_10 = arith.constant 8 : i32
    %scan3A_11 = arith.addi %scan3A_9, %scan3A_10 : i32
    %scan3A_12 = arith.constant 1 : i32
    %scan3A_13 = scf.for %scan3A_20 = %scan3A_9 to %scan3A_11 step %scan3A_12 iter_args(%scan3A_21 = %scan3A) -> (i32)  : i32 {
      %mul3A_22 = arith.constant 2 : i32
      %mul3A_23 = arith.muli %mul3A_22, %scan3A_20 : i32
      %mul3A_24 = arith.constant 2 : i32
      %mul3A_25 = arith.muli %mul3A_24, %scan3A_20 : i32
      %add3A_26 = arith.constant 1 : i32
      %add3A_27 = arith.addi %mul3A_25, %add3A_26 : i32
      %mul3A_28 = arith.constant 64 : i32
      %mul3A_29 = arith.muli %add3A_27, %mul3A_28 : i32
      %dma_start3A_30 = tpu.memref_slice %arg6[%mul3A_29] : memref<1024xi32, #tpu.memory_space<vmem>> -> memref<64xi32, #tpu.memory_space<vmem>>
      %dma_start3A_31 = arith.constant 0 : i32
      %dma_start3A_32 = arith.constant 0 : i32
      %dma_start3A_33 = tpu.memref_slice %arg2[%dma_start3A_31, %dma_start3A_32] : memref<8192x768xf32, #tpu.memory_space<hbm>> -> memref<8192x768xf32, #tpu.memory_space<hbm>>
      tpu.enqueue_indirect_dma source(%dma_start3A_33 : memref<8192x768xf32, #tpu.memory_space<hbm>>) target(%arg9 : memref<64x768xf32, #tpu.memory_space<vmem>>) offsets(%dma_start3A_30 : memref<64xi32, #tpu.memory_space<vmem>>) semaphore(%arg12 : memref<!tpu.dma_semaphore, #tpu.memory_space<semaphore_mem>>)
      %dma_wait3A_34 = arith.constant 0 : i32
      %dma_wait3A_35 = arith.constant 0 : i32
      %dma_wait3A_36 = tpu.memref_slice %arg2[%dma_wait3A_34, %dma_wait3A_35] : memref<8192x768xf32, #tpu.memory_space<hbm>> -> memref<64x768xf32, #tpu.memory_space<hbm>>
      %dma_wait3A_37 = arith.constant 0 : i32
      %dma_wait3A_38 = arith.constant 0 : i32
      %dma_wait3A_39 = tpu.memref_slice %arg2[%dma_wait3A_37, %dma_wait3A_38] : memref<8192x768xf32, #tpu.memory_space<hbm>> -> memref<64x768xf32, #tpu.memory_space<hbm>>
      tpu.wait_dma2 semaphore(%arg11 : memref<!tpu.dma_semaphore, #tpu.memory_space<semaphore_mem>>) src(%dma_wait3A_39 : memref<64x768xf32, #tpu.memory_space<hbm>>) dst(%arg8 : memref<64x768xf32, #tpu.memory_space<vmem>>)
      %scan3A_40 = arith.constant 0 : i32
      %scan3A_41 = arith.constant 0 : i32
      %scan3A_42 = arith.constant 8 : i32
      %scan3A_43 = arith.addi %scan3A_41, %scan3A_42 : i32
      %scan3A_44 = arith.constant 1 : i32
      %scan3A_45 = scf.for %scan3A_76 = %scan3A_41 to %scan3A_43 step %scan3A_44 iter_args(%scan3A_77 = %scan3A_40) -> (i32)  : i32 {
        %mul3A_78 = arith.constant 64 : i32
        %mul3A_79 = arith.muli %mul3A_23, %mul3A_78 : i32
        %jit3A = arith.constant 2 : i32
        %div3A = arith.divsi %scan3A_76, %jit3A : i32
        %sign3A = arith.constant 0 : i32
        %sign3A_80 = arith.cmpi sgt, %scan3A_76, %sign3A : i32
        %sign3A_81 = arith.extui %sign3A_80 : i1 to i32
        %sign3A_82 = arith.constant 0 : i32
        %sign3A_83 = arith.cmpi slt, %scan3A_76, %sign3A_82 : i32
        %sign3A_84 = arith.extui %sign3A_83 : i1 to i32
        %sign3A_85 = arith.subi %sign3A_81, %sign3A_84 : i32
        %sign3A_86 = arith.constant 0 : i32
        %sign3A_87 = arith.cmpi sgt, %jit3A, %sign3A_86 : i32
        %sign3A_88 = arith.extui %sign3A_87 : i1 to i32
        %sign3A_89 = arith.constant 0 : i32
        %sign3A_90 = arith.cmpi slt, %jit3A, %sign3A_89 : i32
        %sign3A_91 = arith.extui %sign3A_90 : i1 to i32
        %sign3A_92 = arith.subi %sign3A_88, %sign3A_91 : i32
        %ne3A = arith.cmpi ne, %sign3A_85, %sign3A_92 : i32
        %rem3A_93 = arith.remsi %scan3A_76, %jit3A : i32
        %ne3A_94 = arith.constant 0 : i32
        %ne3A_95 = arith.cmpi ne, %rem3A_93, %ne3A_94 : i32
        %and3A = arith.andi %ne3A, %ne3A_95 : i1
        %sub3A = arith.constant 1 : i32
        %sub3A_96 = arith.subi %div3A, %sub3A : i32
        %select_n3A = arith.select %and3A, %sub3A_96, %div3A : i32
        %mul3A_97 = arith.constant 16 : i32
        %mul3A_98 = arith.muli %select_n3A, %mul3A_97 : i32
        %add3A_99 = arith.addi %mul3A_79, %mul3A_98 : i32
        %get3A = arith.index_cast %add3A_99 : i32 to index
        %get3A_100 = tpu.vector_load %arg7[%get3A] {strides = array<i32>} : memref<1024xf32, #tpu.memory_space<vmem>>, vector<16xf32>,
        %get3A_101 = vector.shape_cast %get3A_100 : vector<16xf32> to vector<16xf32>
        %jit3A_102 = arith.constant 2 : i32
        %eq3A = arith.constant 0 : i32
        %eq3A_103 = arith.cmpi eq, %jit3A_102, %eq3A : i32
        %jit3A_104 = arith.constant 1 : i32
        %select_n3A_105 = arith.select %eq3A_103, %jit3A_104, %jit3A_102 : i32
        %rem3A_106 = arith.remsi %scan3A_76, %select_n3A_105 : i32
        %ne3A_107 = arith.constant 0 : i32
        %ne3A_108 = arith.cmpi ne, %rem3A_106, %ne3A_107 : i32
        %lt3A = arith.constant 0 : i32
        %lt3A_109 = arith.cmpi slt, %rem3A_106, %lt3A : i32
        %lt3A_110 = arith.constant 0 : i32
        %lt3A_111 = arith.cmpi slt, %select_n3A_105, %lt3A_110 : i32
        %ne3A_112 = arith.xori %lt3A_109, %lt3A_111 : i1
        %and3A_113 = arith.andi %ne3A_112, %ne3A_108 : i1
        %add3A_114 = arith.addi %rem3A_106, %select_n3A_105 : i32
        %select_n3A_115 = arith.select %and3A_113, %add3A_114, %rem3A_106 : i32
        %mul3A_116 = arith.constant 8 : i32
        %mul3A_117 = arith.muli %select_n3A_115, %mul3A_116 : i32
        %add3A_118 = arith.constant 0 : i32
        %add3A_119 = arith.addi %mul3A_117, %add3A_118 : i32
        %broadcast_in_dim3A = vector.broadcast %add3A_119 : i32 to vector<16x1xi32>
        %gather3A = vector.shape_cast %broadcast_in_dim3A : vector<16x1xi32> to vector<16xi32>
        %gather3A_120 = tpu.dynamic_gather %get3A_101[%gather3A] in [0] : vector<16xf32>, vector<16xi32> -> vector<16xf32>
        %add3A_121 = arith.constant 1 : i32
        %add3A_122 = arith.addi %mul3A_117, %add3A_121 : i32
        %broadcast_in_dim3A_123 = vector.broadcast %add3A_122 : i32 to vector<16x1xi32>
        %gather3A_124 = vector.shape_cast %broadcast_in_dim3A_123 : vector<16x1xi32> to vector<16xi32>
        %gather3A_125 = tpu.dynamic_gather %get3A_101[%gather3A_124] in [0] : vector<16xf32>, vector<16xi32> -> vector<16xf32>
        %add3A_126 = arith.constant 2 : i32
        %add3A_127 = arith.addi %mul3A_117, %add3A_126 : i32
        %broadcast_in_dim3A_128 = vector.broadcast %add3A_127 : i32 to vector<16x1xi32>
        %gather3A_129 = vector.shape_cast %broadcast_in_dim3A_128 : vector<16x1xi32> to vector<16xi32>
        %gather3A_130 = tpu.dynamic_gather %get3A_101[%gather3A_129] in [0] : vector<16xf32>, vector<16xi32> -> vector<16xf32>
        %add3A_131 = arith.constant 3 : i32
        %add3A_132 = arith.addi %mul3A_117, %add3A_131 : i32
        %broadcast_in_dim3A_133 = vector.broadcast %add3A_132 : i32 to vector<16x1xi32>
        %gather3A_134 = vector.shape_cast %broadcast_in_dim3A_133 : vector<16x1xi32> to vector<16xi32>
        %gather3A_135 = tpu.dynamic_gather %get3A_101[%gather3A_134] in [0] : vector<16xf32>, vector<16xi32> -> vector<16xf32>
        %add3A_136 = arith.constant 4 : i32
        %add3A_137 = arith.addi %mul3A_117, %add3A_136 : i32
        %broadcast_in_dim3A_138 = vector.broadcast %add3A_137 : i32 to vector<16x1xi32>
        %gather3A_139 = vector.shape_cast %broadcast_in_dim3A_138 : vector<16x1xi32> to vector<16xi32>
        %gather3A_140 = tpu.dynamic_gather %get3A_101[%gather3A_139] in [0] : vector<16xf32>, vector<16xi32> -> vector<16xf32>
        %add3A_141 = arith.constant 5 : i32
        %add3A_142 = arith.addi %mul3A_117, %add3A_141 : i32
        %broadcast_in_dim3A_143 = vector.broadcast %add3A_142 : i32 to vector<16x1xi32>
        %gather3A_144 = vector.shape_cast %broadcast_in_dim3A_143 : vector<16x1xi32> to vector<16xi32>
        %gather3A_145 = tpu.dynamic_gather %get3A_101[%gather3A_144] in [0] : vector<16xf32>, vector<16xi32> -> vector<16xf32>
        %add3A_146 = arith.constant 6 : i32
        %add3A_147 = arith.addi %mul3A_117, %add3A_146 : i32
        %broadcast_in_dim3A_148 = vector.broadcast %add3A_147 : i32 to vector<16x1xi32>
        %gather3A_149 = vector.shape_cast %broadcast_in_dim3A_148 : vector<16x1xi32> to vector<16xi32>
        %gather3A_150 = tpu.dynamic_gather %get3A_101[%gather3A_149] in [0] : vector<16xf32>, vector<16xi32> -> vector<16xf32>
        %add3A_151 = arith.constant 7 : i32
        %add3A_152 = arith.addi %mul3A_117, %add3A_151 : i32
        %broadcast_in_dim3A_153 = vector.broadcast %add3A_152 : i32 to vector<16x1xi32>
        %gather3A_154 = vector.shape_cast %broadcast_in_dim3A_153 : vector<16x1xi32> to vector<16xi32>
        %gather3A_155 = tpu.dynamic_gather %get3A_101[%gather3A_154] in [0] : vector<16xf32>, vector<16xi32> -> vector<16xf32>
        %scan3A_156 = arith.constant 0 : i32
        %scan3A_157 = arith.constant 0 : i32
        %scan3A_158 = arith.constant 48 : i32
        %scan3A_159 = arith.addi %scan3A_157, %scan3A_158 : i32
        %scan3A_160 = arith.constant 4 : i32
        %scan3A_161 = scf.for %scan3A_164 = %scan3A_157 to %scan3A_159 step %scan3A_160 iter_args(%scan3A_165 = %scan3A_156) -> (i32)  : i32 {
          %mul3A_166 = arith.constant 8 : i32
          %mul3A_167 = arith.muli %scan3A_76, %mul3A_166 : i32
          %mul3A_168 = arith.constant 16 : i32
          %mul3A_169 = arith.muli %scan3A_164, %mul3A_168 : i32
          %get3A_170 = arith.index_cast %mul3A_167 : i32 to index
          %get3A_171 = arith.index_cast %mul3A_169 : i32 to index
          %get3A_172 = tpu.vector_load %arg8[%get3A_170, %get3A_171] {strides = array<i32>} : memref<64x768xf32, #tpu.memory_space<vmem>>, vector<1x16xf32>,
          %get3A_173 = vector.shape_cast %get3A_172 : vector<1x16xf32> to vector<16xf32>
          %mul3A_174 = arith.mulf %get3A_173, %gather3A_120 : vector<16xf32>
          %mul3A_175 = arith.constant 8 : i32
          %mul3A_176 = arith.muli %scan3A_76, %mul3A_175 : i32
          %add3A_177 = arith.constant 1 : i32
          %add3A_178 = arith.addi %mul3A_176, %add3A_177 : i32
          %mul3A_179 = arith.constant 16 : i32
          %mul3A_180 = arith.muli %scan3A_164, %mul3A_179 : i32
          %get3A_181 = arith.index_cast %add3A_178 : i32 to index
          %get3A_182 = arith.index_cast %mul3A_180 : i32 to index
          %get3A_183 = tpu.vector_load %arg8[%get3A_181, %get3A_182] {strides = array<i32>} : memref<64x768xf32, #tpu.memory_space<vmem>>, vector<1x16xf32>,
          %get3A_184 = vector.shape_cast %get3A_183 : vector<1x16xf32> to vector<16xf32>
          %mul3A_185 = arith.mulf %get3A_184, %gather3A_125 : vector<16xf32>
          %add3A_186 = arith.addf %mul3A_174, %mul3A_185 : vector<16xf32>
          %mul3A_187 = arith.constant 8 : i32
          %mul3A_188 = arith.muli %scan3A_76, %mul3A_187 : i32
          %add3A_189 = arith.constant 2 : i32
          %add3A_190 = arith.addi %mul3A_188, %add3A_189 : i32
          %mul3A_191 = arith.constant 16 : i32
          %mul3A_192 = arith.muli %scan3A_164, %mul3A_191 : i32
          %get3A_193 = arith.index_cast %add3A_190 : i32 to index
          %get3A_194 = arith.index_cast %mul3A_192 : i32 to index
          %get3A_195 = tpu.vector_load %arg8[%get3A_193, %get3A_194] {strides = array<i32>} : memref<64x768xf32, #tpu.memory_space<vmem>>, vector<1x16xf32>,
          %get3A_196 = vector.shape_cast %get3A_195 : vector<1x16xf32> to vector<16xf32>
          %mul3A_197 = arith.mulf %get3A_196, %gather3A_130 : vector<16xf32>
          %add3A_198 = arith.addf %add3A_186, %mul3A_197 : vector<16xf32>
          %mul3A_199 = arith.constant 8 : i32
          %mul3A_200 = arith.muli %scan3A_76, %mul3A_199 : i32
          %add3A_201 = arith.constant 3 : i32
          %add3A_202 = arith.addi %mul3A_200, %add3A_201 : i32
          %mul3A_203 = arith.constant 16 : i32
          %mul3A_204 = arith.muli %scan3A_164, %mul3A_203 : i32
          %get3A_205 = arith.index_cast %add3A_202 : i32 to index
          %get3A_206 = arith.index_cast %mul3A_204 : i32 to index
          %get3A_207 = tpu.vector_load %arg8[%get3A_205, %get3A_206] {strides = array<i32>} : memref<64x768xf32, #tpu.memory_space<vmem>>, vector<1x16xf32>,
          %get3A_208 = vector.shape_cast %get3A_207 : vector<1x16xf32> to vector<16xf32>
          %mul3A_209 = arith.mulf %get3A_208, %gather3A_135 : vector<16xf32>
          %add3A_210 = arith.addf %add3A_198, %mul3A_209 : vector<16xf32>
          %mul3A_211 = arith.constant 8 : i32
          %mul3A_212 = arith.muli %scan3A_76, %mul3A_211 : i32
          %add3A_213 = arith.constant 4 : i32
          %add3A_214 = arith.addi %mul3A_212, %add3A_213 : i32
          %mul3A_215 = arith.constant 16 : i32
          %mul3A_216 = arith.muli %scan3A_164, %mul3A_215 : i32
          %get3A_217 = arith.index_cast %add3A_214 : i32 to index
          %get3A_218 = arith.index_cast %mul3A_216 : i32 to index
          %get3A_219 = tpu.vector_load %arg8[%get3A_217, %get3A_218] {strides = array<i32>} : memref<64x768xf32, #tpu.memory_space<vmem>>, vector<1x16xf32>,
          %get3A_220 = vector.shape_cast %get3A_219 : vector<1x16xf32> to vector<16xf32>
          %mul3A_221 = arith.mulf %get3A_220, %gather3A_140 : vector<16xf32>
          %add3A_222 = arith.addf %add3A_210, %mul3A_221 : vector<16xf32>
          %mul3A_223 = arith.constant 8 : i32
          %mul3A_224 = arith.muli %scan3A_76, %mul3A_223 : i32
          %add3A_225 = arith.constant 5 : i32
          %add3A_226 = arith.addi %mul3A_224, %add3A_225 : i32
          %mul3A_227 = arith.constant 16 : i32
          %mul3A_228 = arith.muli %scan3A_164, %mul3A_227 : i32
          %get3A_229 = arith.index_cast %add3A_226 : i32 to index
          %get3A_230 = arith.index_cast %mul3A_228 : i32 to index
          %get3A_231 = tpu.vector_load %arg8[%get3A_229, %get3A_230] {strides = array<i32>} : memref<64x768xf32, #tpu.memory_space<vmem>>, vector<1x16xf32>,
          %get3A_232 = vector.shape_cast %get3A_231 : vector<1x16xf32> to vector<16xf32>
          %mul3A_233 = arith.mulf %get3A_232, %gather3A_145 : vector<16xf32>
          %add3A_234 = arith.addf %add3A_222, %mul3A_233 : vector<16xf32>
          %mul3A_235 = arith.constant 8 : i32
          %mul3A_236 = arith.muli %scan3A_76, %mul3A_235 : i32
          %add3A_237 = arith.constant 6 : i32
          %add3A_238 = arith.addi %mul3A_236, %add3A_237 : i32
          %mul3A_239 = arith.constant 16 : i32
          %mul3A_240 = arith.muli %scan3A_164, %mul3A_239 : i32
          %get3A_241 = arith.index_cast %add3A_238 : i32 to index
          %get3A_242 = arith.index_cast %mul3A_240 : i32 to index
          %get3A_243 = tpu.vector_load %arg8[%get3A_241, %get3A_242] {strides = array<i32>} : memref<64x768xf32, #tpu.memory_space<vmem>>, vector<1x16xf32>,
          %get3A_244 = vector.shape_cast %get3A_243 : vector<1x16xf32> to vector<16xf32>
          %mul3A_245 = arith.mulf %get3A_244, %gather3A_150 : vector<16xf32>
          %add3A_246 = arith.addf %add3A_234, %mul3A_245 : vector<16xf32>
          %mul3A_247 = arith.constant 8 : i32
          %mul3A_248 = arith.muli %scan3A_76, %mul3A_247 : i32
          %add3A_249 = arith.constant 7 : i32
          %add3A_250 = arith.addi %mul3A_248, %add3A_249 : i32
          %mul3A_251 = arith.constant 16 : i32
          %mul3A_252 = arith.muli %scan3A_164, %mul3A_251 : i32
          %get3A_253 = arith.index_cast %add3A_250 : i32 to index
          %get3A_254 = arith.index_cast %mul3A_252 : i32 to index
          %get3A_255 = tpu.vector_load %arg8[%get3A_253, %get3A_254] {strides = array<i32>} : memref<64x768xf32, #tpu.memory_space<vmem>>, vector<1x16xf32>,
          %get3A_256 = vector.shape_cast %get3A_255 : vector<1x16xf32> to vector<16xf32>
          %mul3A_257 = arith.mulf %get3A_256, %gather3A_155 : vector<16xf32>
          %add3A_258 = arith.addf %add3A_246, %mul3A_257 : vector<16xf32>
          %mul3A_259 = arith.constant 16 : i32
          %mul3A_260 = arith.muli %scan3A_164, %mul3A_259 : i32
          %swap3A = arith.index_cast %scan3A_76 : i32 to index
          %swap3A_261 = arith.index_cast %mul3A_260 : i32 to index
          %swap3A_262 = tpu.vector_load %arg10[%swap3A, %swap3A_261] {strides = array<i32>} : memref<8x768xf32, #tpu.memory_space<vmem>>, vector<1x16xf32>,
          %swap3A_263 = vector.shape_cast %swap3A_262 : vector<1x16xf32> to vector<16xf32>
          %swap3A_264 = vector.shape_cast %add3A_258 : vector<16xf32> to vector<1x16xf32>
          tpu.vector_store %arg10[%swap3A, %swap3A_261], %swap3A_264 {strides = array<i32>} : memref<8x768xf32, #tpu.memory_space<vmem>>, vector<1x16xf32>,
          %scan3A_265 = arith.constant 0 : i32
          %scan3A_266 = arith.constant 1 : i32
          %scan3A_267 = arith.addi %scan3A_164, %scan3A_266 : i32
          %mul3A_268 = arith.constant 8 : i32
          %mul3A_269 = arith.muli %scan3A_76, %mul3A_268 : i32
          %mul3A_270 = arith.constant 16 : i32
          %mul3A_271 = arith.muli %scan3A_267, %mul3A_270 : i32
          %get3A_272 = arith.index_cast %mul3A_269 : i32 to index
          %get3A_273 = arith.index_cast %mul3A_271 : i32 to index
          %get3A_274 = tpu.vector_load %arg8[%get3A_272, %get3A_273] {strides = array<i32>} : memref<64x768xf32, #tpu.memory_space<vmem>>, vector<1x16xf32>,
          %get3A_275 = vector.shape_cast %get3A_274 : vector<1x16xf32> to vector<16xf32>
          %mul3A_276 = arith.mulf %get3A_275, %gather3A_120 : vector<16xf32>
          %mul3A_277 = arith.constant 8 : i32
          %mul3A_278 = arith.muli %scan3A_76, %mul3A_277 : i32
          %add3A_279 = arith.constant 1 : i32
          %add3A_280 = arith.addi %mul3A_278, %add3A_279 : i32
          %mul3A_281 = arith.constant 16 : i32
          %mul3A_282 = arith.muli %scan3A_267, %mul3A_281 : i32
          %get3A_283 = arith.index_cast %add3A_280 : i32 to index
          %get3A_284 = arith.index_cast %mul3A_282 : i32 to index
          %get3A_285 = tpu.vector_load %arg8[%get3A_283, %get3A_284] {strides = array<i32>} : memref<64x768xf32, #tpu.memory_space<vmem>>, vector<1x16xf32>,
          %get3A_286 = vector.shape_cast %get3A_285 : vector<1x16xf32> to vector<16xf32>
          %mul3A_287 = arith.mulf %get3A_286, %gather3A_125 : vector<16xf32>
          %add3A_288 = arith.addf %mul3A_276, %mul3A_287 : vector<16xf32>
          %mul3A_289 = arith.constant 8 : i32
          %mul3A_290 = arith.muli %scan3A_76, %mul3A_289 : i32
          %add3A_291 = arith.constant 2 : i32
          %add3A_292 = arith.addi %mul3A_290, %add3A_291 : i32
          %mul3A_293 = arith.constant 16 : i32
          %mul3A_294 = arith.muli %scan3A_267, %mul3A_293 : i32
          %get3A_295 = arith.index_cast %add3A_292 : i32 to index
          %get3A_296 = arith.index_cast %mul3A_294 : i32 to index
          %get3A_297 = tpu.vector_load %arg8[%get3A_295, %get3A_296] {strides = array<i32>} : memref<64x768xf32, #tpu.memory_space<vmem>>, vector<1x16xf32>,
          %get3A_298 = vector.shape_cast %get3A_297 : vector<1x16xf32> to vector<16xf32>
          %mul3A_299 = arith.mulf %get3A_298, %gather3A_130 : vector<16xf32>
          %add3A_300 = arith.addf %add3A_288, %mul3A_299 : vector<16xf32>
          %mul3A_301 = arith.constant 8 : i32
          %mul3A_302 = arith.muli %scan3A_76, %mul3A_301 : i32
          %add3A_303 = arith.constant 3 : i32
          %add3A_304 = arith.addi %mul3A_302, %add3A_303 : i32
          %mul3A_305 = arith.constant 16 : i32
          %mul3A_306 = arith.muli %scan3A_267, %mul3A_305 : i32
          %get3A_307 = arith.index_cast %add3A_304 : i32 to index
          %get3A_308 = arith.index_cast %mul3A_306 : i32 to index
          %get3A_309 = tpu.vector_load %arg8[%get3A_307, %get3A_308] {strides = array<i32>} : memref<64x768xf32, #tpu.memory_space<vmem>>, vector<1x16xf32>,
          %get3A_310 = vector.shape_cast %get3A_309 : vector<1x16xf32> to vector<16xf32>
          %mul3A_311 = arith.mulf %get3A_310, %gather3A_135 : vector<16xf32>
          %add3A_312 = arith.addf %add3A_300, %mul3A_311 : vector<16xf32>
          %mul3A_313 = arith.constant 8 : i32
          %mul3A_314 = arith.muli %scan3A_76, %mul3A_313 : i32
          %add3A_315 = arith.constant 4 : i32
          %add3A_316 = arith.addi %mul3A_314, %add3A_315 : i32
          %mul3A_317 = arith.constant 16 : i32
          %mul3A_318 = arith.muli %scan3A_267, %mul3A_317 : i32
          %get3A_319 = arith.index_cast %add3A_316 : i32 to index
          %get3A_320 = arith.index_cast %mul3A_318 : i32 to index
          %get3A_321 = tpu.vector_load %arg8[%get3A_319, %get3A_320] {strides = array<i32>} : memref<64x768xf32, #tpu.memory_space<vmem>>, vector<1x16xf32>,
          %get3A_322 = vector.shape_cast %get3A_321 : vector<1x16xf32> to vector<16xf32>
          %mul3A_323 = arith.mulf %get3A_322, %gather3A_140 : vector<16xf32>
          %add3A_324 = arith.addf %add3A_312, %mul3A_323 : vector<16xf32>
          %mul3A_325 = arith.constant 8 : i32
          %mul3A_326 = arith.muli %scan3A_76, %mul3A_325 : i32
          %add3A_327 = arith.constant 5 : i32
          %add3A_328 = arith.addi %mul3A_326, %add3A_327 : i32
          %mul3A_329 = arith.constant 16 : i32
          %mul3A_330 = arith.muli %scan3A_267, %mul3A_329 : i32
          %get3A_331 = arith.index_cast %add3A_328 : i32 to index
          %get3A_332 = arith.index_cast %mul3A_330 : i32 to index
          %get3A_333 = tpu.vector_load %arg8[%get3A_331, %get3A_332] {strides = array<i32>} : memref<64x768xf32, #tpu.memory_space<vmem>>, vector<1x16xf32>,
          %get3A_334 = vector.shape_cast %get3A_333 : vector<1x16xf32> to vector<16xf32>
          %mul3A_335 = arith.mulf %get3A_334, %gather3A_145 : vector<16xf32>
          %add3A_336 = arith.addf %add3A_324, %mul3A_335 : vector<16xf32>
          %mul3A_337 = arith.constant 8 : i32
          %mul3A_338 = arith.muli %scan3A_76, %mul3A_337 : i32
          %add3A_339 = arith.constant 6 : i32
          %add3A_340 = arith.addi %mul3A_338, %add3A_339 : i32
          %mul3A_341 = arith.constant 16 : i32
          %mul3A_342 = arith.muli %scan3A_267, %mul3A_341 : i32
          %get3A_343 = arith.index_cast %add3A_340 : i32 to index
          %get3A_344 = arith.index_cast %mul3A_342 : i32 to index
          %get3A_345 = tpu.vector_load %arg8[%get3A_343, %get3A_344] {strides = array<i32>} : memref<64x768xf32, #tpu.memory_space<vmem>>, vector<1x16xf32>,
          %get3A_346 = vector.shape_cast %get3A_345 : vector<1x16xf32> to vector<16xf32>
          %mul3A_347 = arith.mulf %get3A_346, %gather3A_150 : vector<16xf32>
          %add3A_348 = arith.addf %add3A_336, %mul3A_347 : vector<16xf32>
          %mul3A_349 = arith.constant 8 : i32
          %mul3A_350 = arith.muli %scan3A_76, %mul3A_349 : i32
          %add3A_351 = arith.constant 7 : i32
          %add3A_352 = arith.addi %mul3A_350, %add3A_351 : i32
          %mul3A_353 = arith.constant 16 : i32
          %mul3A_354 = arith.muli %scan3A_267, %mul3A_353 : i32
          %get3A_355 = arith.index_cast %add3A_352 : i32 to index
          %get3A_356 = arith.index_cast %mul3A_354 : i32 to index
          %get3A_357 = tpu.vector_load %arg8[%get3A_355, %get3A_356] {strides = array<i32>} : memref<64x768xf32, #tpu.memory_space<vmem>>, vector<1x16xf32>,
          %get3A_358 = vector.shape_cast %get3A_357 : vector<1x16xf32> to vector<16xf32>
          %mul3A_359 = arith.mulf %get3A_358, %gather3A_155 : vector<16xf32>
          %add3A_360 = arith.addf %add3A_348, %mul3A_359 : vector<16xf32>
          %mul3A_361 = arith.constant 16 : i32
          %mul3A_362 = arith.muli %scan3A_267, %mul3A_361 : i32
          %swap3A_363 = arith.index_cast %scan3A_76 : i32 to index
          %swap3A_364 = arith.index_cast %mul3A_362 : i32 to index
          %swap3A_365 = tpu.vector_load %arg10[%swap3A_363, %swap3A_364] {strides = array<i32>} : memref<8x768xf32, #tpu.memory_space<vmem>>, vector<1x16xf32>,
          %swap3A_366 = vector.shape_cast %swap3A_365 : vector<1x16xf32> to vector<16xf32>
          %swap3A_367 = vector.shape_cast %add3A_360 : vector<16xf32> to vector<1x16xf32>
          tpu.vector_store %arg10[%swap3A_363, %swap3A_364], %swap3A_367 {strides = array<i32>} : memref<8x768xf32, #tpu.memory_space<vmem>>, vector<1x16xf32>,
          %scan3A_368 = arith.constant 0 : i32
          %scan3A_369 = arith.constant 2 : i32
          %scan3A_370 = arith.addi %scan3A_164, %scan3A_369 : i32
          %mul3A_371 = arith.constant 8 : i32
          %mul3A_372 = arith.muli %scan3A_76, %mul3A_371 : i32
          %mul3A_373 = arith.constant 16 : i32
          %mul3A_374 = arith.muli %scan3A_370, %mul3A_373 : i32
          %get3A_375 = arith.index_cast %mul3A_372 : i32 to index
          %get3A_376 = arith.index_cast %mul3A_374 : i32 to index
          %get3A_377 = tpu.vector_load %arg8[%get3A_375, %get3A_376] {strides = array<i32>} : memref<64x768xf32, #tpu.memory_space<vmem>>, vector<1x16xf32>,
          %get3A_378 = vector.shape_cast %get3A_377 : vector<1x16xf32> to vector<16xf32>
          %mul3A_379 = arith.mulf %get3A_378, %gather3A_120 : vector<16xf32>
          %mul3A_380 = arith.constant 8 : i32
          %mul3A_381 = arith.muli %scan3A_76, %mul3A_380 : i32
          %add3A_382 = arith.constant 1 : i32
          %add3A_383 = arith.addi %mul3A_381, %add3A_382 : i32
          %mul3A_384 = arith.constant 16 : i32
          %mul3A_385 = arith.muli %scan3A_370, %mul3A_384 : i32
          %get3A_386 = arith.index_cast %add3A_383 : i32 to index
          %get3A_387 = arith.index_cast %mul3A_385 : i32 to index
          %get3A_388 = tpu.vector_load %arg8[%get3A_386, %get3A_387] {strides = array<i32>} : memref<64x768xf32, #tpu.memory_space<vmem>>, vector<1x16xf32>,
          %get3A_389 = vector.shape_cast %get3A_388 : vector<1x16xf32> to vector<16xf32>
          %mul3A_390 = arith.mulf %get3A_389, %gather3A_125 : vector<16xf32>
          %add3A_391 = arith.addf %mul3A_379, %mul3A_390 : vector<16xf32>
          %mul3A_392 = arith.constant 8 : i32
          %mul3A_393 = arith.muli %scan3A_76, %mul3A_392 : i32
          %add3A_394 = arith.constant 2 : i32
          %add3A_395 = arith.addi %mul3A_393, %add3A_394 : i32
          %mul3A_396 = arith.constant 16 : i32
          %mul3A_397 = arith.muli %scan3A_370, %mul3A_396 : i32
          %get3A_398 = arith.index_cast %add3A_395 : i32 to index
          %get3A_399 = arith.index_cast %mul3A_397 : i32 to index
          %get3A_400 = tpu.vector_load %arg8[%get3A_398, %get3A_399] {strides = array<i32>} : memref<64x768xf32, #tpu.memory_space<vmem>>, vector<1x16xf32>,
          %get3A_401 = vector.shape_cast %get3A_400 : vector<1x16xf32> to vector<16xf32>
          %mul3A_402 = arith.mulf %get3A_401, %gather3A_130 : vector<16xf32>
          %add3A_403 = arith.addf %add3A_391, %mul3A_402 : vector<16xf32>
          %mul3A_404 = arith.constant 8 : i32
          %mul3A_405 = arith.muli %scan3A_76, %mul3A_404 : i32
          %add3A_406 = arith.constant 3 : i32
          %add3A_407 = arith.addi %mul3A_405, %add3A_406 : i32
          %mul3A_408 = arith.constant 16 : i32
          %mul3A_409 = arith.muli %scan3A_370, %mul3A_408 : i32
          %get3A_410 = arith.index_cast %add3A_407 : i32 to index
          %get3A_411 = arith.index_cast %mul3A_409 : i32 to index
          %get3A_412 = tpu.vector_load %arg8[%get3A_410, %get3A_411] {strides = array<i32>} : memref<64x768xf32, #tpu.memory_space<vmem>>, vector<1x16xf32>,
          %get3A_413 = vector.shape_cast %get3A_412 : vector<1x16xf32> to vector<16xf32>
          %mul3A_414 = arith.mulf %get3A_413, %gather3A_135 : vector<16xf32>
          %add3A_415 = arith.addf %add3A_403, %mul3A_414 : vector<16xf32>
          %mul3A_416 = arith.constant 8 : i32
          %mul3A_417 = arith.muli %scan3A_76, %mul3A_416 : i32
          %add3A_418 = arith.constant 4 : i32
          %add3A_419 = arith.addi %mul3A_417, %add3A_418 : i32
          %mul3A_420 = arith.constant 16 : i32
          %mul3A_421 = arith.muli %scan3A_370, %mul3A_420 : i32
          %get3A_422 = arith.index_cast %add3A_419 : i32 to index
          %get3A_423 = arith.index_cast %mul3A_421 : i32 to index
          %get3A_424 = tpu.vector_load %arg8[%get3A_422, %get3A_423] {strides = array<i32>} : memref<64x768xf32, #tpu.memory_space<vmem>>, vector<1x16xf32>,
          %get3A_425 = vector.shape_cast %get3A_424 : vector<1x16xf32> to vector<16xf32>
          %mul3A_426 = arith.mulf %get3A_425, %gather3A_140 : vector<16xf32>
          %add3A_427 = arith.addf %add3A_415, %mul3A_426 : vector<16xf32>
          %mul3A_428 = arith.constant 8 : i32
          %mul3A_429 = arith.muli %scan3A_76, %mul3A_428 : i32
          %add3A_430 = arith.constant 5 : i32
          %add3A_431 = arith.addi %mul3A_429, %add3A_430 : i32
          %mul3A_432 = arith.constant 16 : i32
          %mul3A_433 = arith.muli %scan3A_370, %mul3A_432 : i32
          %get3A_434 = arith.index_cast %add3A_431 : i32 to index
          %get3A_435 = arith.index_cast %mul3A_433 : i32 to index
          %get3A_436 = tpu.vector_load %arg8[%get3A_434, %get3A_435] {strides = array<i32>} : memref<64x768xf32, #tpu.memory_space<vmem>>, vector<1x16xf32>,
          %get3A_437 = vector.shape_cast %get3A_436 : vector<1x16xf32> to vector<16xf32>
          %mul3A_438 = arith.mulf %get3A_437, %gather3A_145 : vector<16xf32>
          %add3A_439 = arith.addf %add3A_427, %mul3A_438 : vector<16xf32>
          %mul3A_440 = arith.constant 8 : i32
          %mul3A_441 = arith.muli %scan3A_76, %mul3A_440 : i32
          %add3A_442 = arith.constant 6 : i32
          %add3A_443 = arith.addi %mul3A_441, %add3A_442 : i32
          %mul3A_444 = arith.constant 16 : i32
          %mul3A_445 = arith.muli %scan3A_370, %mul3A_444 : i32
          %get3A_446 = arith.index_cast %add3A_443 : i32 to index
          %get3A_447 = arith.index_cast %mul3A_445 : i32 to index
          %get3A_448 = tpu.vector_load %arg8[%get3A_446, %get3A_447] {strides = array<i32>} : memref<64x768xf32, #tpu.memory_space<vmem>>, vector<1x16xf32>,
          %get3A_449 = vector.shape_cast %get3A_448 : vector<1x16xf32> to vector<16xf32>
          %mul3A_450 = arith.mulf %get3A_449, %gather3A_150 : vector<16xf32>
          %add3A_451 = arith.addf %add3A_439, %mul3A_450 : vector<16xf32>
          %mul3A_452 = arith.constant 8 : i32
          %mul3A_453 = arith.muli %scan3A_76, %mul3A_452 : i32
          %add3A_454 = arith.constant 7 : i32
          %add3A_455 = arith.addi %mul3A_453, %add3A_454 : i32
          %mul3A_456 = arith.constant 16 : i32
          %mul3A_457 = arith.muli %scan3A_370, %mul3A_456 : i32
          %get3A_458 = arith.index_cast %add3A_455 : i32 to index
          %get3A_459 = arith.index_cast %mul3A_457 : i32 to index
          %get3A_460 = tpu.vector_load %arg8[%get3A_458, %get3A_459] {strides = array<i32>} : memref<64x768xf32, #tpu.memory_space<vmem>>, vector<1x16xf32>,
          %get3A_461 = vector.shape_cast %get3A_460 : vector<1x16xf32> to vector<16xf32>
          %mul3A_462 = arith.mulf %get3A_461, %gather3A_155 : vector<16xf32>
          %add3A_463 = arith.addf %add3A_451, %mul3A_462 : vector<16xf32>
          %mul3A_464 = arith.constant 16 : i32
          %mul3A_465 = arith.muli %scan3A_370, %mul3A_464 : i32
          %swap3A_466 = arith.index_cast %scan3A_76 : i32 to index
          %swap3A_467 = arith.index_cast %mul3A_465 : i32 to index
          %swap3A_468 = tpu.vector_load %arg10[%swap3A_466, %swap3A_467] {strides = array<i32>} : memref<8x768xf32, #tpu.memory_space<vmem>>, vector<1x16xf32>,
          %swap3A_469 = vector.shape_cast %swap3A_468 : vector<1x16xf32> to vector<16xf32>
          %swap3A_470 = vector.shape_cast %add3A_463 : vector<16xf32> to vector<1x16xf32>
          tpu.vector_store %arg10[%swap3A_466, %swap3A_467], %swap3A_470 {strides = array<i32>} : memref<8x768xf32, #tpu.memory_space<vmem>>, vector<1x16xf32>,
          %scan3A_471 = arith.constant 0 : i32
          %scan3A_472 = arith.constant 3 : i32
          %scan3A_473 = arith.addi %scan3A_164, %scan3A_472 : i32
          %mul3A_474 = arith.constant 8 : i32
          %mul3A_475 = arith.muli %scan3A_76, %mul3A_474 : i32
          %mul3A_476 = arith.constant 16 : i32
          %mul3A_477 = arith.muli %scan3A_473, %mul3A_476 : i32
          %get3A_478 = arith.index_cast %mul3A_475 : i32 to index
          %get3A_479 = arith.index_cast %mul3A_477 : i32 to index
          %get3A_480 = tpu.vector_load %arg8[%get3A_478, %get3A_479] {strides = array<i32>} : memref<64x768xf32, #tpu.memory_space<vmem>>, vector<1x16xf32>,
          %get3A_481 = vector.shape_cast %get3A_480 : vector<1x16xf32> to vector<16xf32>
          %mul3A_482 = arith.mulf %get3A_481, %gather3A_120 : vector<16xf32>
          %mul3A_483 = arith.constant 8 : i32
          %mul3A_484 = arith.muli %scan3A_76, %mul3A_483 : i32
          %add3A_485 = arith.constant 1 : i32
          %add3A_486 = arith.addi %mul3A_484, %add3A_485 : i32
          %mul3A_487 = arith.constant 16 : i32
          %mul3A_488 = arith.muli %scan3A_473, %mul3A_487 : i32
          %get3A_489 = arith.index_cast %add3A_486 : i32 to index
          %get3A_490 = arith.index_cast %mul3A_488 : i32 to index
          %get3A_491 = tpu.vector_load %arg8[%get3A_489, %get3A_490] {strides = array<i32>} : memref<64x768xf32, #tpu.memory_space<vmem>>, vector<1x16xf32>,
          %get3A_492 = vector.shape_cast %get3A_491 : vector<1x16xf32> to vector<16xf32>
          %mul3A_493 = arith.mulf %get3A_492, %gather3A_125 : vector<16xf32>
          %add3A_494 = arith.addf %mul3A_482, %mul3A_493 : vector<16xf32>
          %mul3A_495 = arith.constant 8 : i32
          %mul3A_496 = arith.muli %scan3A_76, %mul3A_495 : i32
          %add3A_497 = arith.constant 2 : i32
          %add3A_498 = arith.addi %mul3A_496, %add3A_497 : i32
          %mul3A_499 = arith.constant 16 : i32
          %mul3A_500 = arith.muli %scan3A_473, %mul3A_499 : i32
          %get3A_501 = arith.index_cast %add3A_498 : i32 to index
          %get3A_502 = arith.index_cast %mul3A_500 : i32 to index
          %get3A_503 = tpu.vector_load %arg8[%get3A_501, %get3A_502] {strides = array<i32>} : memref<64x768xf32, #tpu.memory_space<vmem>>, vector<1x16xf32>,
          %get3A_504 = vector.shape_cast %get3A_503 : vector<1x16xf32> to vector<16xf32>
          %mul3A_505 = arith.mulf %get3A_504, %gather3A_130 : vector<16xf32>
          %add3A_506 = arith.addf %add3A_494, %mul3A_505 : vector<16xf32>
          %mul3A_507 = arith.constant 8 : i32
          %mul3A_508 = arith.muli %scan3A_76, %mul3A_507 : i32
          %add3A_509 = arith.constant 3 : i32
          %add3A_510 = arith.addi %mul3A_508, %add3A_509 : i32
          %mul3A_511 = arith.constant 16 : i32
          %mul3A_512 = arith.muli %scan3A_473, %mul3A_511 : i32
          %get3A_513 = arith.index_cast %add3A_510 : i32 to index
          %get3A_514 = arith.index_cast %mul3A_512 : i32 to index
          %get3A_515 = tpu.vector_load %arg8[%get3A_513, %get3A_514] {strides = array<i32>} : memref<64x768xf32, #tpu.memory_space<vmem>>, vector<1x16xf32>,
          %get3A_516 = vector.shape_cast %get3A_515 : vector<1x16xf32> to vector<16xf32>
          %mul3A_517 = arith.mulf %get3A_516, %gather3A_135 : vector<16xf32>
          %add3A_518 = arith.addf %add3A_506, %mul3A_517 : vector<16xf32>
          %mul3A_519 = arith.constant 8 : i32
          %mul3A_520 = arith.muli %scan3A_76, %mul3A_519 : i32
          %add3A_521 = arith.constant 4 : i32
          %add3A_522 = arith.addi %mul3A_520, %add3A_521 : i32
          %mul3A_523 = arith.constant 16 : i32
          %mul3A_524 = arith.muli %scan3A_473, %mul3A_523 : i32
          %get3A_525 = arith.index_cast %add3A_522 : i32 to index
          %get3A_526 = arith.index_cast %mul3A_524 : i32 to index
          %get3A_527 = tpu.vector_load %arg8[%get3A_525, %get3A_526] {strides = array<i32>} : memref<64x768xf32, #tpu.memory_space<vmem>>, vector<1x16xf32>,
          %get3A_528 = vector.shape_cast %get3A_527 : vector<1x16xf32> to vector<16xf32>
          %mul3A_529 = arith.mulf %get3A_528, %gather3A_140 : vector<16xf32>
          %add3A_530 = arith.addf %add3A_518, %mul3A_529 : vector<16xf32>
          %mul3A_531 = arith.constant 8 : i32
          %mul3A_532 = arith.muli %scan3A_76, %mul3A_531 : i32
          %add3A_533 = arith.constant 5 : i32
          %add3A_534 = arith.addi %mul3A_532, %add3A_533 : i32
          %mul3A_535 = arith.constant 16 : i32
          %mul3A_536 = arith.muli %scan3A_473, %mul3A_535 : i32
          %get3A_537 = arith.index_cast %add3A_534 : i32 to index
          %get3A_538 = arith.index_cast %mul3A_536 : i32 to index
          %get3A_539 = tpu.vector_load %arg8[%get3A_537, %get3A_538] {strides = array<i32>} : memref<64x768xf32, #tpu.memory_space<vmem>>, vector<1x16xf32>,
          %get3A_540 = vector.shape_cast %get3A_539 : vector<1x16xf32> to vector<16xf32>
          %mul3A_541 = arith.mulf %get3A_540, %gather3A_145 : vector<16xf32>
          %add3A_542 = arith.addf %add3A_530, %mul3A_541 : vector<16xf32>
          %mul3A_543 = arith.constant 8 : i32
          %mul3A_544 = arith.muli %scan3A_76, %mul3A_543 : i32
          %add3A_545 = arith.constant 6 : i32
          %add3A_546 = arith.addi %mul3A_544, %add3A_545 : i32
          %mul3A_547 = arith.constant 16 : i32
          %mul3A_548 = arith.muli %scan3A_473, %mul3A_547 : i32
          %get3A_549 = arith.index_cast %add3A_546 : i32 to index
          %get3A_550 = arith.index_cast %mul3A_548 : i32 to index
          %get3A_551 = tpu.vector_load %arg8[%get3A_549, %get3A_550] {strides = array<i32>} : memref<64x768xf32, #tpu.memory_space<vmem>>, vector<1x16xf32>,
          %get3A_552 = vector.shape_cast %get3A_551 : vector<1x16xf32> to vector<16xf32>
          %mul3A_553 = arith.mulf %get3A_552, %gather3A_150 : vector<16xf32>
          %add3A_554 = arith.addf %add3A_542, %mul3A_553 : vector<16xf32>
          %mul3A_555 = arith.constant 8 : i32
          %mul3A_556 = arith.muli %scan3A_76, %mul3A_555 : i32
          %add3A_557 = arith.constant 7 : i32
          %add3A_558 = arith.addi %mul3A_556, %add3A_557 : i32
          %mul3A_559 = arith.constant 16 : i32
          %mul3A_560 = arith.muli %scan3A_473, %mul3A_559 : i32
          %get3A_561 = arith.index_cast %add3A_558 : i32 to index
          %get3A_562 = arith.index_cast %mul3A_560 : i32 to index
          %get3A_563 = tpu.vector_load %arg8[%get3A_561, %get3A_562] {strides = array<i32>} : memref<64x768xf32, #tpu.memory_space<vmem>>, vector<1x16xf32>,
          %get3A_564 = vector.shape_cast %get3A_563 : vector<1x16xf32> to vector<16xf32>
          %mul3A_565 = arith.mulf %get3A_564, %gather3A_155 : vector<16xf32>
          %add3A_566 = arith.addf %add3A_554, %mul3A_565 : vector<16xf32>
          %mul3A_567 = arith.constant 16 : i32
          %mul3A_568 = arith.muli %scan3A_473, %mul3A_567 : i32
          %swap3A_569 = arith.index_cast %scan3A_76 : i32 to index
          %swap3A_570 = arith.index_cast %mul3A_568 : i32 to index
          %swap3A_571 = tpu.vector_load %arg10[%swap3A_569, %swap3A_570] {strides = array<i32>} : memref<8x768xf32, #tpu.memory_space<vmem>>, vector<1x16xf32>,
          %swap3A_572 = vector.shape_cast %swap3A_571 : vector<1x16xf32> to vector<16xf32>
          %swap3A_573 = vector.shape_cast %add3A_566 : vector<16xf32> to vector<1x16xf32>
          tpu.vector_store %arg10[%swap3A_569, %swap3A_570], %swap3A_573 {strides = array<i32>} : memref<8x768xf32, #tpu.memory_space<vmem>>, vector<1x16xf32>,
          %scan3A_574 = arith.constant 0 : i32
          scf.yield %scan3A_574 : i32
        }
        %scan3A_162 = arith.constant 48 : i32
        %scan3A_163 = arith.constant 0 : i32
        scf.yield %scan3A_163 : i32
      }
      %scan3A_46 = arith.constant 8 : i32
      %mul3A_47 = arith.constant 8 : i32
      %mul3A_48 = arith.muli %mul3A_23, %mul3A_47 : i32
      %add3A_49 = arith.addi %mul3A_2, %mul3A_48 : i32
      "tpu.region"() ({
        %run_scoped3A = tpu.sem_alloc : memref<!tpu.dma_semaphore, #tpu.memory_space<semaphore_mem>>
        %dma_start3A_76 = arith.constant 0 : i32
        %dma_start3A_77 = tpu.memref_slice %arg5[%add3A_49, %dma_start3A_76] : memref<4096x768xf32, #tpu.memory_space<hbm>> -> memref<8x768xf32, #tpu.memory_space<hbm>>
        %dma_start3A_78 = arith.constant 0 : i32
        %dma_start3A_79 = tpu.memref_slice %arg5[%add3A_49, %dma_start3A_78] : memref<4096x768xf32, #tpu.memory_space<hbm>> -> memref<8x768xf32, #tpu.memory_space<hbm>>
        tpu.enqueue_dma source(%arg10 : memref<8x768xf32, #tpu.memory_space<vmem>>) target(%dma_start3A_79 : memref<8x768xf32, #tpu.memory_space<hbm>>) target_semaphore(%run_scoped3A : memref<!tpu.dma_semaphore, #tpu.memory_space<semaphore_mem>>)
        %dma_wait3A_80 = arith.constant 0 : i32
        %dma_wait3A_81 = tpu.memref_slice %arg5[%add3A_49, %dma_wait3A_80] : memref<4096x768xf32, #tpu.memory_space<hbm>> -> memref<8x768xf32, #tpu.memory_space<hbm>>
        %dma_wait3A_82 = arith.constant 0 : i32
        %dma_wait3A_83 = tpu.memref_slice %arg5[%add3A_49, %dma_wait3A_82] : memref<4096x768xf32, #tpu.memory_space<hbm>> -> memref<8x768xf32, #tpu.memory_space<hbm>>
        tpu.wait_dma2 semaphore(%run_scoped3A : memref<!tpu.dma_semaphore, #tpu.memory_space<semaphore_mem>>) src(%arg10 : memref<8x768xf32, #tpu.memory_space<vmem>>) dst(%dma_wait3A_83 : memref<8x768xf32, #tpu.memory_space<hbm>>)
        tpu.yield
      }) : () -> ()
      %add3A_50 = arith.constant 2 : i32
      %add3A_51 = arith.addi %mul3A_23, %add3A_50 : i32
      %rem3A = arith.constant 16 : i32
      %rem3A_52 = arith.remsi %add3A_51, %rem3A : i32
      %mul3A_53 = arith.constant 64 : i32
      %mul3A_54 = arith.muli %rem3A_52, %mul3A_53 : i32
      %dma_start3A_55 = tpu.memref_slice %arg6[%mul3A_54] : memref<1024xi32, #tpu.memory_space<vmem>> -> memref<64xi32, #tpu.memory_space<vmem>>
      %dma_start3A_56 = arith.constant 0 : i32
      %dma_start3A_57 = arith.constant 0 : i32
      %dma_start3A_58 = tpu.memref_slice %arg2[%dma_start3A_56, %dma_start3A_57] : memref<8192x768xf32, #tpu.memory_space<hbm>> -> memref<8192x768xf32, #tpu.memory_space<hbm>>
      tpu.enqueue_indirect_dma source(%dma_start3A_58 : memref<8192x768xf32, #tpu.memory_space<hbm>>) target(%arg8 : memref<64x768xf32, #tpu.memory_space<vmem>>) offsets(%dma_start3A_55 : memref<64xi32, #tpu.memory_space<vmem>>) semaphore(%arg11 : memref<!tpu.dma_semaphore, #tpu.memory_space<semaphore_mem>>)
      %dma_wait3A_59 = arith.constant 0 : i32
      %dma_wait3A_60 = arith.constant 0 : i32
      %dma_wait3A_61 = tpu.memref_slice %arg2[%dma_wait3A_59, %dma_wait3A_60] : memref<8192x768xf32, #tpu.memory_space<hbm>> -> memref<64x768xf32, #tpu.memory_space<hbm>>
      %dma_wait3A_62 = arith.constant 0 : i32
      %dma_wait3A_63 = arith.constant 0 : i32
      %dma_wait3A_64 = tpu.memref_slice %arg2[%dma_wait3A_62, %dma_wait3A_63] : memref<8192x768xf32, #tpu.memory_space<hbm>> -> memref<64x768xf32, #tpu.memory_space<hbm>>
      tpu.wait_dma2 semaphore(%arg12 : memref<!tpu.dma_semaphore, #tpu.memory_space<semaphore_mem>>) src(%dma_wait3A_64 : memref<64x768xf32, #tpu.memory_space<hbm>>) dst(%arg9 : memref<64x768xf32, #tpu.memory_space<vmem>>)
      %scan3A_65 = arith.constant 0 : i32
      %scan3A_66 = arith.constant 0 : i32
      %scan3A_67 = arith.constant 8 : i32
      %scan3A_68 = arith.addi %scan3A_66, %scan3A_67 : i32
      %scan3A_69 = arith.constant 1 : i32
      %scan3A_70 = scf.for %scan3A_76 = %scan3A_66 to %scan3A_68 step %scan3A_69 iter_args(%scan3A_77 = %scan3A_65) -> (i32)  : i32 {
        %mul3A_78 = arith.constant 64 : i32
        %mul3A_79 = arith.muli %add3A_27, %mul3A_78 : i32
        %jit3A = arith.constant 2 : i32
        %div3A = arith.divsi %scan3A_76, %jit3A : i32
        %sign3A = arith.constant 0 : i32
        %sign3A_80 = arith.cmpi sgt, %scan3A_76, %sign3A : i32
        %sign3A_81 = arith.extui %sign3A_80 : i1 to i32
        %sign3A_82 = arith.constant 0 : i32
        %sign3A_83 = arith.cmpi slt, %scan3A_76, %sign3A_82 : i32
        %sign3A_84 = arith.extui %sign3A_83 : i1 to i32
        %sign3A_85 = arith.subi %sign3A_81, %sign3A_84 : i32
        %sign3A_86 = arith.constant 0 : i32
        %sign3A_87 = arith.cmpi sgt, %jit3A, %sign3A_86 : i32
        %sign3A_88 = arith.extui %sign3A_87 : i1 to i32
        %sign3A_89 = arith.constant 0 : i32
        %sign3A_90 = arith.cmpi slt, %jit3A, %sign3A_89 : i32
        %sign3A_91 = arith.extui %sign3A_90 : i1 to i32
        %sign3A_92 = arith.subi %sign3A_88, %sign3A_91 : i32
        %ne3A = arith.cmpi ne, %sign3A_85, %sign3A_92 : i32
        %rem3A_93 = arith.remsi %scan3A_76, %jit3A : i32
        %ne3A_94 = arith.constant 0 : i32
        %ne3A_95 = arith.cmpi ne, %rem3A_93, %ne3A_94 : i32
        %and3A = arith.andi %ne3A, %ne3A_95 : i1
        %sub3A = arith.constant 1 : i32
        %sub3A_96 = arith.subi %div3A, %sub3A : i32
        %select_n3A = arith.select %and3A, %sub3A_96, %div3A : i32
        %mul3A_97 = arith.constant 16 : i32
        %mul3A_98 = arith.muli %select_n3A, %mul3A_97 : i32
        %add3A_99 = arith.addi %mul3A_79, %mul3A_98 : i32
        %get3A = arith.index_cast %add3A_99 : i32 to index
        %get3A_100 = tpu.vector_load %arg7[%get3A] {strides = array<i32>} : memref<1024xf32, #tpu.memory_space<vmem>>, vector<16xf32>,
        %get3A_101 = vector.shape_cast %get3A_100 : vector<16xf32> to vector<16xf32>
        %jit3A_102 = arith.constant 2 : i32
        %eq3A = arith.constant 0 : i32
        %eq3A_103 = arith.cmpi eq, %jit3A_102, %eq3A : i32
        %jit3A_104 = arith.constant 1 : i32
        %select_n3A_105 = arith.select %eq3A_103, %jit3A_104, %jit3A_102 : i32
        %rem3A_106 = arith.remsi %scan3A_76, %select_n3A_105 : i32
        %ne3A_107 = arith.constant 0 : i32
        %ne3A_108 = arith.cmpi ne, %rem3A_106, %ne3A_107 : i32
        %lt3A = arith.constant 0 : i32
        %lt3A_109 = arith.cmpi slt, %rem3A_106, %lt3A : i32
        %lt3A_110 = arith.constant 0 : i32
        %lt3A_111 = arith.cmpi slt, %select_n3A_105, %lt3A_110 : i32
        %ne3A_112 = arith.xori %lt3A_109, %lt3A_111 : i1
        %and3A_113 = arith.andi %ne3A_112, %ne3A_108 : i1
        %add3A_114 = arith.addi %rem3A_106, %select_n3A_105 : i32
        %select_n3A_115 = arith.select %and3A_113, %add3A_114, %rem3A_106 : i32
        %mul3A_116 = arith.constant 8 : i32
        %mul3A_117 = arith.muli %select_n3A_115, %mul3A_116 : i32
        %add3A_118 = arith.constant 0 : i32
        %add3A_119 = arith.addi %mul3A_117, %add3A_118 : i32
        %broadcast_in_dim3A = vector.broadcast %add3A_119 : i32 to vector<16x1xi32>
        %gather3A = vector.shape_cast %broadcast_in_dim3A : vector<16x1xi32> to vector<16xi32>
        %gather3A_120 = tpu.dynamic_gather %get3A_101[%gather3A] in [0] : vector<16xf32>, vector<16xi32> -> vector<16xf32>
        %add3A_121 = arith.constant 1 : i32
        %add3A_122 = arith.addi %mul3A_117, %add3A_121 : i32
        %broadcast_in_dim3A_123 = vector.broadcast %add3A_122 : i32 to vector<16x1xi32>
        %gather3A_124 = vector.shape_cast %broadcast_in_dim3A_123 : vector<16x1xi32> to vector<16xi32>
        %gather3A_125 = tpu.dynamic_gather %get3A_101[%gather3A_124] in [0] : vector<16xf32>, vector<16xi32> -> vector<16xf32>
        %add3A_126 = arith.constant 2 : i32
        %add3A_127 = arith.addi %mul3A_117, %add3A_126 : i32
        %broadcast_in_dim3A_128 = vector.broadcast %add3A_127 : i32 to vector<16x1xi32>
        %gather3A_129 = vector.shape_cast %broadcast_in_dim3A_128 : vector<16x1xi32> to vector<16xi32>
        %gather3A_130 = tpu.dynamic_gather %get3A_101[%gather3A_129] in [0] : vector<16xf32>, vector<16xi32> -> vector<16xf32>
        %add3A_131 = arith.constant 3 : i32
        %add3A_132 = arith.addi %mul3A_117, %add3A_131 : i32
        %broadcast_in_dim3A_133 = vector.broadcast %add3A_132 : i32 to vector<16x1xi32>
        %gather3A_134 = vector.shape_cast %broadcast_in_dim3A_133 : vector<16x1xi32> to vector<16xi32>
        %gather3A_135 = tpu.dynamic_gather %get3A_101[%gather3A_134] in [0] : vector<16xf32>, vector<16xi32> -> vector<16xf32>
        %add3A_136 = arith.constant 4 : i32
        %add3A_137 = arith.addi %mul3A_117, %add3A_136 : i32
        %broadcast_in_dim3A_138 = vector.broadcast %add3A_137 : i32 to vector<16x1xi32>
        %gather3A_139 = vector.shape_cast %broadcast_in_dim3A_138 : vector<16x1xi32> to vector<16xi32>
        %gather3A_140 = tpu.dynamic_gather %get3A_101[%gather3A_139] in [0] : vector<16xf32>, vector<16xi32> -> vector<16xf32>
        %add3A_141 = arith.constant 5 : i32
        %add3A_142 = arith.addi %mul3A_117, %add3A_141 : i32
        %broadcast_in_dim3A_143 = vector.broadcast %add3A_142 : i32 to vector<16x1xi32>
        %gather3A_144 = vector.shape_cast %broadcast_in_dim3A_143 : vector<16x1xi32> to vector<16xi32>
        %gather3A_145 = tpu.dynamic_gather %get3A_101[%gather3A_144] in [0] : vector<16xf32>, vector<16xi32> -> vector<16xf32>
        %add3A_146 = arith.constant 6 : i32
        %add3A_147 = arith.addi %mul3A_117, %add3A_146 : i32
        %broadcast_in_dim3A_148 = vector.broadcast %add3A_147 : i32 to vector<16x1xi32>
        %gather3A_149 = vector.shape_cast %broadcast_in_dim3A_148 : vector<16x1xi32> to vector<16xi32>
        %gather3A_150 = tpu.dynamic_gather %get3A_101[%gather3A_149] in [0] : vector<16xf32>, vector<16xi32> -> vector<16xf32>
        %add3A_151 = arith.constant 7 : i32
        %add3A_152 = arith.addi %mul3A_117, %add3A_151 : i32
        %broadcast_in_dim3A_153 = vector.broadcast %add3A_152 : i32 to vector<16x1xi32>
        %gather3A_154 = vector.shape_cast %broadcast_in_dim3A_153 : vector<16x1xi32> to vector<16xi32>
        %gather3A_155 = tpu.dynamic_gather %get3A_101[%gather3A_154] in [0] : vector<16xf32>, vector<16xi32> -> vector<16xf32>
        %scan3A_156 = arith.constant 0 : i32
        %scan3A_157 = arith.constant 0 : i32
        %scan3A_158 = arith.constant 48 : i32
        %scan3A_159 = arith.addi %scan3A_157, %scan3A_158 : i32
        %scan3A_160 = arith.constant 4 : i32
        %scan3A_161 = scf.for %scan3A_164 = %scan3A_157 to %scan3A_159 step %scan3A_160 iter_args(%scan3A_165 = %scan3A_156) -> (i32)  : i32 {
          %mul3A_166 = arith.constant 8 : i32
          %mul3A_167 = arith.muli %scan3A_76, %mul3A_166 : i32
          %mul3A_168 = arith.constant 16 : i32
          %mul3A_169 = arith.muli %scan3A_164, %mul3A_168 : i32
          %get3A_170 = arith.index_cast %mul3A_167 : i32 to index
          %get3A_171 = arith.index_cast %mul3A_169 : i32 to index
          %get3A_172 = tpu.vector_load %arg9[%get3A_170, %get3A_171] {strides = array<i32>} : memref<64x768xf32, #tpu.memory_space<vmem>>, vector<1x16xf32>,
          %get3A_173 = vector.shape_cast %get3A_172 : vector<1x16xf32> to vector<16xf32>
          %mul3A_174 = arith.mulf %get3A_173, %gather3A_120 : vector<16xf32>
          %mul3A_175 = arith.constant 8 : i32
          %mul3A_176 = arith.muli %scan3A_76, %mul3A_175 : i32
          %add3A_177 = arith.constant 1 : i32
          %add3A_178 = arith.addi %mul3A_176, %add3A_177 : i32
          %mul3A_179 = arith.constant 16 : i32
          %mul3A_180 = arith.muli %scan3A_164, %mul3A_179 : i32
          %get3A_181 = arith.index_cast %add3A_178 : i32 to index
          %get3A_182 = arith.index_cast %mul3A_180 : i32 to index
          %get3A_183 = tpu.vector_load %arg9[%get3A_181, %get3A_182] {strides = array<i32>} : memref<64x768xf32, #tpu.memory_space<vmem>>, vector<1x16xf32>,
          %get3A_184 = vector.shape_cast %get3A_183 : vector<1x16xf32> to vector<16xf32>
          %mul3A_185 = arith.mulf %get3A_184, %gather3A_125 : vector<16xf32>
          %add3A_186 = arith.addf %mul3A_174, %mul3A_185 : vector<16xf32>
          %mul3A_187 = arith.constant 8 : i32
          %mul3A_188 = arith.muli %scan3A_76, %mul3A_187 : i32
          %add3A_189 = arith.constant 2 : i32
          %add3A_190 = arith.addi %mul3A_188, %add3A_189 : i32
          %mul3A_191 = arith.constant 16 : i32
          %mul3A_192 = arith.muli %scan3A_164, %mul3A_191 : i32
          %get3A_193 = arith.index_cast %add3A_190 : i32 to index
          %get3A_194 = arith.index_cast %mul3A_192 : i32 to index
          %get3A_195 = tpu.vector_load %arg9[%get3A_193, %get3A_194] {strides = array<i32>} : memref<64x768xf32, #tpu.memory_space<vmem>>, vector<1x16xf32>,
          %get3A_196 = vector.shape_cast %get3A_195 : vector<1x16xf32> to vector<16xf32>
          %mul3A_197 = arith.mulf %get3A_196, %gather3A_130 : vector<16xf32>
          %add3A_198 = arith.addf %add3A_186, %mul3A_197 : vector<16xf32>
          %mul3A_199 = arith.constant 8 : i32
          %mul3A_200 = arith.muli %scan3A_76, %mul3A_199 : i32
          %add3A_201 = arith.constant 3 : i32
          %add3A_202 = arith.addi %mul3A_200, %add3A_201 : i32
          %mul3A_203 = arith.constant 16 : i32
          %mul3A_204 = arith.muli %scan3A_164, %mul3A_203 : i32
          %get3A_205 = arith.index_cast %add3A_202 : i32 to index
          %get3A_206 = arith.index_cast %mul3A_204 : i32 to index
          %get3A_207 = tpu.vector_load %arg9[%get3A_205, %get3A_206] {strides = array<i32>} : memref<64x768xf32, #tpu.memory_space<vmem>>, vector<1x16xf32>,
          %get3A_208 = vector.shape_cast %get3A_207 : vector<1x16xf32> to vector<16xf32>
          %mul3A_209 = arith.mulf %get3A_208, %gather3A_135 : vector<16xf32>
          %add3A_210 = arith.addf %add3A_198, %mul3A_209 : vector<16xf32>
          %mul3A_211 = arith.constant 8 : i32
          %mul3A_212 = arith.muli %scan3A_76, %mul3A_211 : i32
          %add3A_213 = arith.constant 4 : i32
          %add3A_214 = arith.addi %mul3A_212, %add3A_213 : i32
          %mul3A_215 = arith.constant 16 : i32
          %mul3A_216 = arith.muli %scan3A_164, %mul3A_215 : i32
          %get3A_217 = arith.index_cast %add3A_214 : i32 to index
          %get3A_218 = arith.index_cast %mul3A_216 : i32 to index
          %get3A_219 = tpu.vector_load %arg9[%get3A_217, %get3A_218] {strides = array<i32>} : memref<64x768xf32, #tpu.memory_space<vmem>>, vector<1x16xf32>,
          %get3A_220 = vector.shape_cast %get3A_219 : vector<1x16xf32> to vector<16xf32>
          %mul3A_221 = arith.mulf %get3A_220, %gather3A_140 : vector<16xf32>
          %add3A_222 = arith.addf %add3A_210, %mul3A_221 : vector<16xf32>
          %mul3A_223 = arith.constant 8 : i32
          %mul3A_224 = arith.muli %scan3A_76, %mul3A_223 : i32
          %add3A_225 = arith.constant 5 : i32
          %add3A_226 = arith.addi %mul3A_224, %add3A_225 : i32
          %mul3A_227 = arith.constant 16 : i32
          %mul3A_228 = arith.muli %scan3A_164, %mul3A_227 : i32
          %get3A_229 = arith.index_cast %add3A_226 : i32 to index
          %get3A_230 = arith.index_cast %mul3A_228 : i32 to index
          %get3A_231 = tpu.vector_load %arg9[%get3A_229, %get3A_230] {strides = array<i32>} : memref<64x768xf32, #tpu.memory_space<vmem>>, vector<1x16xf32>,
          %get3A_232 = vector.shape_cast %get3A_231 : vector<1x16xf32> to vector<16xf32>
          %mul3A_233 = arith.mulf %get3A_232, %gather3A_145 : vector<16xf32>
          %add3A_234 = arith.addf %add3A_222, %mul3A_233 : vector<16xf32>
          %mul3A_235 = arith.constant 8 : i32
          %mul3A_236 = arith.muli %scan3A_76, %mul3A_235 : i32
          %add3A_237 = arith.constant 6 : i32
          %add3A_238 = arith.addi %mul3A_236, %add3A_237 : i32
          %mul3A_239 = arith.constant 16 : i32
          %mul3A_240 = arith.muli %scan3A_164, %mul3A_239 : i32
          %get3A_241 = arith.index_cast %add3A_238 : i32 to index
          %get3A_242 = arith.index_cast %mul3A_240 : i32 to index
          %get3A_243 = tpu.vector_load %arg9[%get3A_241, %get3A_242] {strides = array<i32>} : memref<64x768xf32, #tpu.memory_space<vmem>>, vector<1x16xf32>,
          %get3A_244 = vector.shape_cast %get3A_243 : vector<1x16xf32> to vector<16xf32>
          %mul3A_245 = arith.mulf %get3A_244, %gather3A_150 : vector<16xf32>
          %add3A_246 = arith.addf %add3A_234, %mul3A_245 : vector<16xf32>
          %mul3A_247 = arith.constant 8 : i32
          %mul3A_248 = arith.muli %scan3A_76, %mul3A_247 : i32
          %add3A_249 = arith.constant 7 : i32
          %add3A_250 = arith.addi %mul3A_248, %add3A_249 : i32
          %mul3A_251 = arith.constant 16 : i32
          %mul3A_252 = arith.muli %scan3A_164, %mul3A_251 : i32
          %get3A_253 = arith.index_cast %add3A_250 : i32 to index
          %get3A_254 = arith.index_cast %mul3A_252 : i32 to index
          %get3A_255 = tpu.vector_load %arg9[%get3A_253, %get3A_254] {strides = array<i32>} : memref<64x768xf32, #tpu.memory_space<vmem>>, vector<1x16xf32>,
          %get3A_256 = vector.shape_cast %get3A_255 : vector<1x16xf32> to vector<16xf32>
          %mul3A_257 = arith.mulf %get3A_256, %gather3A_155 : vector<16xf32>
          %add3A_258 = arith.addf %add3A_246, %mul3A_257 : vector<16xf32>
          %mul3A_259 = arith.constant 16 : i32
          %mul3A_260 = arith.muli %scan3A_164, %mul3A_259 : i32
          %swap3A = arith.index_cast %scan3A_76 : i32 to index
          %swap3A_261 = arith.index_cast %mul3A_260 : i32 to index
          %swap3A_262 = tpu.vector_load %arg10[%swap3A, %swap3A_261] {strides = array<i32>} : memref<8x768xf32, #tpu.memory_space<vmem>>, vector<1x16xf32>,
          %swap3A_263 = vector.shape_cast %swap3A_262 : vector<1x16xf32> to vector<16xf32>
          %swap3A_264 = vector.shape_cast %add3A_258 : vector<16xf32> to vector<1x16xf32>
          tpu.vector_store %arg10[%swap3A, %swap3A_261], %swap3A_264 {strides = array<i32>} : memref<8x768xf32, #tpu.memory_space<vmem>>, vector<1x16xf32>,
          %scan3A_265 = arith.constant 0 : i32
          %scan3A_266 = arith.constant 1 : i32
          %scan3A_267 = arith.addi %scan3A_164, %scan3A_266 : i32
          %mul3A_268 = arith.constant 8 : i32
          %mul3A_269 = arith.muli %scan3A_76, %mul3A_268 : i32
          %mul3A_270 = arith.constant 16 : i32
          %mul3A_271 = arith.muli %scan3A_267, %mul3A_270 : i32
          %get3A_272 = arith.index_cast %mul3A_269 : i32 to index
          %get3A_273 = arith.index_cast %mul3A_271 : i32 to index
          %get3A_274 = tpu.vector_load %arg9[%get3A_272, %get3A_273] {strides = array<i32>} : memref<64x768xf32, #tpu.memory_space<vmem>>, vector<1x16xf32>,
          %get3A_275 = vector.shape_cast %get3A_274 : vector<1x16xf32> to vector<16xf32>
          %mul3A_276 = arith.mulf %get3A_275, %gather3A_120 : vector<16xf32>
          %mul3A_277 = arith.constant 8 : i32
          %mul3A_278 = arith.muli %scan3A_76, %mul3A_277 : i32
          %add3A_279 = arith.constant 1 : i32
          %add3A_280 = arith.addi %mul3A_278, %add3A_279 : i32
          %mul3A_281 = arith.constant 16 : i32
          %mul3A_282 = arith.muli %scan3A_267, %mul3A_281 : i32
          %get3A_283 = arith.index_cast %add3A_280 : i32 to index
          %get3A_284 = arith.index_cast %mul3A_282 : i32 to index
          %get3A_285 = tpu.vector_load %arg9[%get3A_283, %get3A_284] {strides = array<i32>} : memref<64x768xf32, #tpu.memory_space<vmem>>, vector<1x16xf32>,
          %get3A_286 = vector.shape_cast %get3A_285 : vector<1x16xf32> to vector<16xf32>
          %mul3A_287 = arith.mulf %get3A_286, %gather3A_125 : vector<16xf32>
          %add3A_288 = arith.addf %mul3A_276, %mul3A_287 : vector<16xf32>
          %mul3A_289 = arith.constant 8 : i32
          %mul3A_290 = arith.muli %scan3A_76, %mul3A_289 : i32
          %add3A_291 = arith.constant 2 : i32
          %add3A_292 = arith.addi %mul3A_290, %add3A_291 : i32
          %mul3A_293 = arith.constant 16 : i32
          %mul3A_294 = arith.muli %scan3A_267, %mul3A_293 : i32
          %get3A_295 = arith.index_cast %add3A_292 : i32 to index
          %get3A_296 = arith.index_cast %mul3A_294 : i32 to index
          %get3A_297 = tpu.vector_load %arg9[%get3A_295, %get3A_296] {strides = array<i32>} : memref<64x768xf32, #tpu.memory_space<vmem>>, vector<1x16xf32>,
          %get3A_298 = vector.shape_cast %get3A_297 : vector<1x16xf32> to vector<16xf32>
          %mul3A_299 = arith.mulf %get3A_298, %gather3A_130 : vector<16xf32>
          %add3A_300 = arith.addf %add3A_288, %mul3A_299 : vector<16xf32>
          %mul3A_301 = arith.constant 8 : i32
          %mul3A_302 = arith.muli %scan3A_76, %mul3A_301 : i32
          %add3A_303 = arith.constant 3 : i32
          %add3A_304 = arith.addi %mul3A_302, %add3A_303 : i32
          %mul3A_305 = arith.constant 16 : i32
          %mul3A_306 = arith.muli %scan3A_267, %mul3A_305 : i32
          %get3A_307 = arith.index_cast %add3A_304 : i32 to index
          %get3A_308 = arith.index_cast %mul3A_306 : i32 to index
          %get3A_309 = tpu.vector_load %arg9[%get3A_307, %get3A_308] {strides = array<i32>} : memref<64x768xf32, #tpu.memory_space<vmem>>, vector<1x16xf32>,
          %get3A_310 = vector.shape_cast %get3A_309 : vector<1x16xf32> to vector<16xf32>
          %mul3A_311 = arith.mulf %get3A_310, %gather3A_135 : vector<16xf32>
          %add3A_312 = arith.addf %add3A_300, %mul3A_311 : vector<16xf32>
          %mul3A_313 = arith.constant 8 : i32
          %mul3A_314 = arith.muli %scan3A_76, %mul3A_313 : i32
          %add3A_315 = arith.constant 4 : i32
          %add3A_316 = arith.addi %mul3A_314, %add3A_315 : i32
          %mul3A_317 = arith.constant 16 : i32
          %mul3A_318 = arith.muli %scan3A_267, %mul3A_317 : i32
          %get3A_319 = arith.index_cast %add3A_316 : i32 to index
          %get3A_320 = arith.index_cast %mul3A_318 : i32 to index
          %get3A_321 = tpu.vector_load %arg9[%get3A_319, %get3A_320] {strides = array<i32>} : memref<64x768xf32, #tpu.memory_space<vmem>>, vector<1x16xf32>,
          %get3A_322 = vector.shape_cast %get3A_321 : vector<1x16xf32> to vector<16xf32>
          %mul3A_323 = arith.mulf %get3A_322, %gather3A_140 : vector<16xf32>
          %add3A_324 = arith.addf %add3A_312, %mul3A_323 : vector<16xf32>
          %mul3A_325 = arith.constant 8 : i32
          %mul3A_326 = arith.muli %scan3A_76, %mul3A_325 : i32
          %add3A_327 = arith.constant 5 : i32
          %add3A_328 = arith.addi %mul3A_326, %add3A_327 : i32
          %mul3A_329 = arith.constant 16 : i32
          %mul3A_330 = arith.muli %scan3A_267, %mul3A_329 : i32
          %get3A_331 = arith.index_cast %add3A_328 : i32 to index
          %get3A_332 = arith.index_cast %mul3A_330 : i32 to index
          %get3A_333 = tpu.vector_load %arg9[%get3A_331, %get3A_332] {strides = array<i32>} : memref<64x768xf32, #tpu.memory_space<vmem>>, vector<1x16xf32>,
          %get3A_334 = vector.shape_cast %get3A_333 : vector<1x16xf32> to vector<16xf32>
          %mul3A_335 = arith.mulf %get3A_334, %gather3A_145 : vector<16xf32>
          %add3A_336 = arith.addf %add3A_324, %mul3A_335 : vector<16xf32>
          %mul3A_337 = arith.constant 8 : i32
          %mul3A_338 = arith.muli %scan3A_76, %mul3A_337 : i32
          %add3A_339 = arith.constant 6 : i32
          %add3A_340 = arith.addi %mul3A_338, %add3A_339 : i32
          %mul3A_341 = arith.constant 16 : i32
          %mul3A_342 = arith.muli %scan3A_267, %mul3A_341 : i32
          %get3A_343 = arith.index_cast %add3A_340 : i32 to index
          %get3A_344 = arith.index_cast %mul3A_342 : i32 to index
          %get3A_345 = tpu.vector_load %arg9[%get3A_343, %get3A_344] {strides = array<i32>} : memref<64x768xf32, #tpu.memory_space<vmem>>, vector<1x16xf32>,
          %get3A_346 = vector.shape_cast %get3A_345 : vector<1x16xf32> to vector<16xf32>
          %mul3A_347 = arith.mulf %get3A_346, %gather3A_150 : vector<16xf32>
          %add3A_348 = arith.addf %add3A_336, %mul3A_347 : vector<16xf32>
          %mul3A_349 = arith.constant 8 : i32
          %mul3A_350 = arith.muli %scan3A_76, %mul3A_349 : i32
          %add3A_351 = arith.constant 7 : i32
          %add3A_352 = arith.addi %mul3A_350, %add3A_351 : i32
          %mul3A_353 = arith.constant 16 : i32
          %mul3A_354 = arith.muli %scan3A_267, %mul3A_353 : i32
          %get3A_355 = arith.index_cast %add3A_352 : i32 to index
          %get3A_356 = arith.index_cast %mul3A_354 : i32 to index
          %get3A_357 = tpu.vector_load %arg9[%get3A_355, %get3A_356] {strides = array<i32>} : memref<64x768xf32, #tpu.memory_space<vmem>>, vector<1x16xf32>,
          %get3A_358 = vector.shape_cast %get3A_357 : vector<1x16xf32> to vector<16xf32>
          %mul3A_359 = arith.mulf %get3A_358, %gather3A_155 : vector<16xf32>
          %add3A_360 = arith.addf %add3A_348, %mul3A_359 : vector<16xf32>
          %mul3A_361 = arith.constant 16 : i32
          %mul3A_362 = arith.muli %scan3A_267, %mul3A_361 : i32
          %swap3A_363 = arith.index_cast %scan3A_76 : i32 to index
          %swap3A_364 = arith.index_cast %mul3A_362 : i32 to index
          %swap3A_365 = tpu.vector_load %arg10[%swap3A_363, %swap3A_364] {strides = array<i32>} : memref<8x768xf32, #tpu.memory_space<vmem>>, vector<1x16xf32>,
          %swap3A_366 = vector.shape_cast %swap3A_365 : vector<1x16xf32> to vector<16xf32>
          %swap3A_367 = vector.shape_cast %add3A_360 : vector<16xf32> to vector<1x16xf32>
          tpu.vector_store %arg10[%swap3A_363, %swap3A_364], %swap3A_367 {strides = array<i32>} : memref<8x768xf32, #tpu.memory_space<vmem>>, vector<1x16xf32>,
          %scan3A_368 = arith.constant 0 : i32
          %scan3A_369 = arith.constant 2 : i32
          %scan3A_370 = arith.addi %scan3A_164, %scan3A_369 : i32
          %mul3A_371 = arith.constant 8 : i32
          %mul3A_372 = arith.muli %scan3A_76, %mul3A_371 : i32
          %mul3A_373 = arith.constant 16 : i32
          %mul3A_374 = arith.muli %scan3A_370, %mul3A_373 : i32
          %get3A_375 = arith.index_cast %mul3A_372 : i32 to index
          %get3A_376 = arith.index_cast %mul3A_374 : i32 to index
          %get3A_377 = tpu.vector_load %arg9[%get3A_375, %get3A_376] {strides = array<i32>} : memref<64x768xf32, #tpu.memory_space<vmem>>, vector<1x16xf32>,
          %get3A_378 = vector.shape_cast %get3A_377 : vector<1x16xf32> to vector<16xf32>
          %mul3A_379 = arith.mulf %get3A_378, %gather3A_120 : vector<16xf32>
          %mul3A_380 = arith.constant 8 : i32
          %mul3A_381 = arith.muli %scan3A_76, %mul3A_380 : i32
          %add3A_382 = arith.constant 1 : i32
          %add3A_383 = arith.addi %mul3A_381, %add3A_382 : i32
          %mul3A_384 = arith.constant 16 : i32
          %mul3A_385 = arith.muli %scan3A_370, %mul3A_384 : i32
          %get3A_386 = arith.index_cast %add3A_383 : i32 to index
          %get3A_387 = arith.index_cast %mul3A_385 : i32 to index
          %get3A_388 = tpu.vector_load %arg9[%get3A_386, %get3A_387] {strides = array<i32>} : memref<64x768xf32, #tpu.memory_space<vmem>>, vector<1x16xf32>,
          %get3A_389 = vector.shape_cast %get3A_388 : vector<1x16xf32> to vector<16xf32>
          %mul3A_390 = arith.mulf %get3A_389, %gather3A_125 : vector<16xf32>
          %add3A_391 = arith.addf %mul3A_379, %mul3A_390 : vector<16xf32>
          %mul3A_392 = arith.constant 8 : i32
          %mul3A_393 = arith.muli %scan3A_76, %mul3A_392 : i32
          %add3A_394 = arith.constant 2 : i32
          %add3A_395 = arith.addi %mul3A_393, %add3A_394 : i32
          %mul3A_396 = arith.constant 16 : i32
          %mul3A_397 = arith.muli %scan3A_370, %mul3A_396 : i32
          %get3A_398 = arith.index_cast %add3A_395 : i32 to index
          %get3A_399 = arith.index_cast %mul3A_397 : i32 to index
          %get3A_400 = tpu.vector_load %arg9[%get3A_398, %get3A_399] {strides = array<i32>} : memref<64x768xf32, #tpu.memory_space<vmem>>, vector<1x16xf32>,
          %get3A_401 = vector.shape_cast %get3A_400 : vector<1x16xf32> to vector<16xf32>
          %mul3A_402 = arith.mulf %get3A_401, %gather3A_130 : vector<16xf32>
          %add3A_403 = arith.addf %add3A_391, %mul3A_402 : vector<16xf32>
          %mul3A_404 = arith.constant 8 : i32
          %mul3A_405 = arith.muli %scan3A_76, %mul3A_404 : i32
          %add3A_406 = arith.constant 3 : i32
          %add3A_407 = arith.addi %mul3A_405, %add3A_406 : i32
          %mul3A_408 = arith.constant 16 : i32
          %mul3A_409 = arith.muli %scan3A_370, %mul3A_408 : i32
          %get3A_410 = arith.index_cast %add3A_407 : i32 to index
          %get3A_411 = arith.index_cast %mul3A_409 : i32 to index
          %get3A_412 = tpu.vector_load %arg9[%get3A_410, %get3A_411] {strides = array<i32>} : memref<64x768xf32, #tpu.memory_space<vmem>>, vector<1x16xf32>,
          %get3A_413 = vector.shape_cast %get3A_412 : vector<1x16xf32> to vector<16xf32>
          %mul3A_414 = arith.mulf %get3A_413, %gather3A_135 : vector<16xf32>
          %add3A_415 = arith.addf %add3A_403, %mul3A_414 : vector<16xf32>
          %mul3A_416 = arith.constant 8 : i32
          %mul3A_417 = arith.muli %scan3A_76, %mul3A_416 : i32
          %add3A_418 = arith.constant 4 : i32
          %add3A_419 = arith.addi %mul3A_417, %add3A_418 : i32
          %mul3A_420 = arith.constant 16 : i32
          %mul3A_421 = arith.muli %scan3A_370, %mul3A_420 : i32
          %get3A_422 = arith.index_cast %add3A_419 : i32 to index
          %get3A_423 = arith.index_cast %mul3A_421 : i32 to index
          %get3A_424 = tpu.vector_load %arg9[%get3A_422, %get3A_423] {strides = array<i32>} : memref<64x768xf32, #tpu.memory_space<vmem>>, vector<1x16xf32>,
          %get3A_425 = vector.shape_cast %get3A_424 : vector<1x16xf32> to vector<16xf32>
          %mul3A_426 = arith.mulf %get3A_425, %gather3A_140 : vector<16xf32>
          %add3A_427 = arith.addf %add3A_415, %mul3A_426 : vector<16xf32>
          %mul3A_428 = arith.constant 8 : i32
          %mul3A_429 = arith.muli %scan3A_76, %mul3A_428 : i32
          %add3A_430 = arith.constant 5 : i32
          %add3A_431 = arith.addi %mul3A_429, %add3A_430 : i32
          %mul3A_432 = arith.constant 16 : i32
          %mul3A_433 = arith.muli %scan3A_370, %mul3A_432 : i32
          %get3A_434 = arith.index_cast %add3A_431 : i32 to index
          %get3A_435 = arith.index_cast %mul3A_433 : i32 to index
          %get3A_436 = tpu.vector_load %arg9[%get3A_434, %get3A_435] {strides = array<i32>} : memref<64x768xf32, #tpu.memory_space<vmem>>, vector<1x16xf32>,
          %get3A_437 = vector.shape_cast %get3A_436 : vector<1x16xf32> to vector<16xf32>
          %mul3A_438 = arith.mulf %get3A_437, %gather3A_145 : vector<16xf32>
          %add3A_439 = arith.addf %add3A_427, %mul3A_438 : vector<16xf32>
          %mul3A_440 = arith.constant 8 : i32
          %mul3A_441 = arith.muli %scan3A_76, %mul3A_440 : i32
          %add3A_442 = arith.constant 6 : i32
          %add3A_443 = arith.addi %mul3A_441, %add3A_442 : i32
          %mul3A_444 = arith.constant 16 : i32
          %mul3A_445 = arith.muli %scan3A_370, %mul3A_444 : i32
          %get3A_446 = arith.index_cast %add3A_443 : i32 to index
          %get3A_447 = arith.index_cast %mul3A_445 : i32 to index
          %get3A_448 = tpu.vector_load %arg9[%get3A_446, %get3A_447] {strides = array<i32>} : memref<64x768xf32, #tpu.memory_space<vmem>>, vector<1x16xf32>,
          %get3A_449 = vector.shape_cast %get3A_448 : vector<1x16xf32> to vector<16xf32>
          %mul3A_450 = arith.mulf %get3A_449, %gather3A_150 : vector<16xf32>
          %add3A_451 = arith.addf %add3A_439, %mul3A_450 : vector<16xf32>
          %mul3A_452 = arith.constant 8 : i32
          %mul3A_453 = arith.muli %scan3A_76, %mul3A_452 : i32
          %add3A_454 = arith.constant 7 : i32
          %add3A_455 = arith.addi %mul3A_453, %add3A_454 : i32
          %mul3A_456 = arith.constant 16 : i32
          %mul3A_457 = arith.muli %scan3A_370, %mul3A_456 : i32
          %get3A_458 = arith.index_cast %add3A_455 : i32 to index
          %get3A_459 = arith.index_cast %mul3A_457 : i32 to index
          %get3A_460 = tpu.vector_load %arg9[%get3A_458, %get3A_459] {strides = array<i32>} : memref<64x768xf32, #tpu.memory_space<vmem>>, vector<1x16xf32>,
          %get3A_461 = vector.shape_cast %get3A_460 : vector<1x16xf32> to vector<16xf32>
          %mul3A_462 = arith.mulf %get3A_461, %gather3A_155 : vector<16xf32>
          %add3A_463 = arith.addf %add3A_451, %mul3A_462 : vector<16xf32>
          %mul3A_464 = arith.constant 16 : i32
          %mul3A_465 = arith.muli %scan3A_370, %mul3A_464 : i32
          %swap3A_466 = arith.index_cast %scan3A_76 : i32 to index
          %swap3A_467 = arith.index_cast %mul3A_465 : i32 to index
          %swap3A_468 = tpu.vector_load %arg10[%swap3A_466, %swap3A_467] {strides = array<i32>} : memref<8x768xf32, #tpu.memory_space<vmem>>, vector<1x16xf32>,
          %swap3A_469 = vector.shape_cast %swap3A_468 : vector<1x16xf32> to vector<16xf32>
          %swap3A_470 = vector.shape_cast %add3A_463 : vector<16xf32> to vector<1x16xf32>
          tpu.vector_store %arg10[%swap3A_466, %swap3A_467], %swap3A_470 {strides = array<i32>} : memref<8x768xf32, #tpu.memory_space<vmem>>, vector<1x16xf32>,
          %scan3A_471 = arith.constant 0 : i32
          %scan3A_472 = arith.constant 3 : i32
          %scan3A_473 = arith.addi %scan3A_164, %scan3A_472 : i32
          %mul3A_474 = arith.constant 8 : i32
          %mul3A_475 = arith.muli %scan3A_76, %mul3A_474 : i32
          %mul3A_476 = arith.constant 16 : i32
          %mul3A_477 = arith.muli %scan3A_473, %mul3A_476 : i32
          %get3A_478 = arith.index_cast %mul3A_475 : i32 to index
          %get3A_479 = arith.index_cast %mul3A_477 : i32 to index
          %get3A_480 = tpu.vector_load %arg9[%get3A_478, %get3A_479] {strides = array<i32>} : memref<64x768xf32, #tpu.memory_space<vmem>>, vector<1x16xf32>,
          %get3A_481 = vector.shape_cast %get3A_480 : vector<1x16xf32> to vector<16xf32>
          %mul3A_482 = arith.mulf %get3A_481, %gather3A_120 : vector<16xf32>
          %mul3A_483 = arith.constant 8 : i32
          %mul3A_484 = arith.muli %scan3A_76, %mul3A_483 : i32
          %add3A_485 = arith.constant 1 : i32
          %add3A_486 = arith.addi %mul3A_484, %add3A_485 : i32
          %mul3A_487 = arith.constant 16 : i32
          %mul3A_488 = arith.muli %scan3A_473, %mul3A_487 : i32
          %get3A_489 = arith.index_cast %add3A_486 : i32 to index
          %get3A_490 = arith.index_cast %mul3A_488 : i32 to index
          %get3A_491 = tpu.vector_load %arg9[%get3A_489, %get3A_490] {strides = array<i32>} : memref<64x768xf32, #tpu.memory_space<vmem>>, vector<1x16xf32>,
          %get3A_492 = vector.shape_cast %get3A_491 : vector<1x16xf32> to vector<16xf32>
          %mul3A_493 = arith.mulf %get3A_492, %gather3A_125 : vector<16xf32>
          %add3A_494 = arith.addf %mul3A_482, %mul3A_493 : vector<16xf32>
          %mul3A_495 = arith.constant 8 : i32
          %mul3A_496 = arith.muli %scan3A_76, %mul3A_495 : i32
          %add3A_497 = arith.constant 2 : i32
          %add3A_498 = arith.addi %mul3A_496, %add3A_497 : i32
          %mul3A_499 = arith.constant 16 : i32
          %mul3A_500 = arith.muli %scan3A_473, %mul3A_499 : i32
          %get3A_501 = arith.index_cast %add3A_498 : i32 to index
          %get3A_502 = arith.index_cast %mul3A_500 : i32 to index
          %get3A_503 = tpu.vector_load %arg9[%get3A_501, %get3A_502] {strides = array<i32>} : memref<64x768xf32, #tpu.memory_space<vmem>>, vector<1x16xf32>,
          %get3A_504 = vector.shape_cast %get3A_503 : vector<1x16xf32> to vector<16xf32>
          %mul3A_505 = arith.mulf %get3A_504, %gather3A_130 : vector<16xf32>
          %add3A_506 = arith.addf %add3A_494, %mul3A_505 : vector<16xf32>
          %mul3A_507 = arith.constant 8 : i32
          %mul3A_508 = arith.muli %scan3A_76, %mul3A_507 : i32
          %add3A_509 = arith.constant 3 : i32
          %add3A_510 = arith.addi %mul3A_508, %add3A_509 : i32
          %mul3A_511 = arith.constant 16 : i32
          %mul3A_512 = arith.muli %scan3A_473, %mul3A_511 : i32
          %get3A_513 = arith.index_cast %add3A_510 : i32 to index
          %get3A_514 = arith.index_cast %mul3A_512 : i32 to index
          %get3A_515 = tpu.vector_load %arg9[%get3A_513, %get3A_514] {strides = array<i32>} : memref<64x768xf32, #tpu.memory_space<vmem>>, vector<1x16xf32>,
          %get3A_516 = vector.shape_cast %get3A_515 : vector<1x16xf32> to vector<16xf32>
          %mul3A_517 = arith.mulf %get3A_516, %gather3A_135 : vector<16xf32>
          %add3A_518 = arith.addf %add3A_506, %mul3A_517 : vector<16xf32>
          %mul3A_519 = arith.constant 8 : i32
          %mul3A_520 = arith.muli %scan3A_76, %mul3A_519 : i32
          %add3A_521 = arith.constant 4 : i32
          %add3A_522 = arith.addi %mul3A_520, %add3A_521 : i32
          %mul3A_523 = arith.constant 16 : i32
          %mul3A_524 = arith.muli %scan3A_473, %mul3A_523 : i32
          %get3A_525 = arith.index_cast %add3A_522 : i32 to index
          %get3A_526 = arith.index_cast %mul3A_524 : i32 to index
          %get3A_527 = tpu.vector_load %arg9[%get3A_525, %get3A_526] {strides = array<i32>} : memref<64x768xf32, #tpu.memory_space<vmem>>, vector<1x16xf32>,
          %get3A_528 = vector.shape_cast %get3A_527 : vector<1x16xf32> to vector<16xf32>
          %mul3A_529 = arith.mulf %get3A_528, %gather3A_140 : vector<16xf32>
          %add3A_530 = arith.addf %add3A_518, %mul3A_529 : vector<16xf32>
          %mul3A_531 = arith.constant 8 : i32
          %mul3A_532 = arith.muli %scan3A_76, %mul3A_531 : i32
          %add3A_533 = arith.constant 5 : i32
          %add3A_534 = arith.addi %mul3A_532, %add3A_533 : i32
          %mul3A_535 = arith.constant 16 : i32
          %mul3A_536 = arith.muli %scan3A_473, %mul3A_535 : i32
          %get3A_537 = arith.index_cast %add3A_534 : i32 to index
          %get3A_538 = arith.index_cast %mul3A_536 : i32 to index
          %get3A_539 = tpu.vector_load %arg9[%get3A_537, %get3A_538] {strides = array<i32>} : memref<64x768xf32, #tpu.memory_space<vmem>>, vector<1x16xf32>,
          %get3A_540 = vector.shape_cast %get3A_539 : vector<1x16xf32> to vector<16xf32>
          %mul3A_541 = arith.mulf %get3A_540, %gather3A_145 : vector<16xf32>
          %add3A_542 = arith.addf %add3A_530, %mul3A_541 : vector<16xf32>
          %mul3A_543 = arith.constant 8 : i32
          %mul3A_544 = arith.muli %scan3A_76, %mul3A_543 : i32
          %add3A_545 = arith.constant 6 : i32
          %add3A_546 = arith.addi %mul3A_544, %add3A_545 : i32
          %mul3A_547 = arith.constant 16 : i32
          %mul3A_548 = arith.muli %scan3A_473, %mul3A_547 : i32
          %get3A_549 = arith.index_cast %add3A_546 : i32 to index
          %get3A_550 = arith.index_cast %mul3A_548 : i32 to index
          %get3A_551 = tpu.vector_load %arg9[%get3A_549, %get3A_550] {strides = array<i32>} : memref<64x768xf32, #tpu.memory_space<vmem>>, vector<1x16xf32>,
          %get3A_552 = vector.shape_cast %get3A_551 : vector<1x16xf32> to vector<16xf32>
          %mul3A_553 = arith.mulf %get3A_552, %gather3A_150 : vector<16xf32>
          %add3A_554 = arith.addf %add3A_542, %mul3A_553 : vector<16xf32>
          %mul3A_555 = arith.constant 8 : i32
          %mul3A_556 = arith.muli %scan3A_76, %mul3A_555 : i32
          %add3A_557 = arith.constant 7 : i32
          %add3A_558 = arith.addi %mul3A_556, %add3A_557 : i32
          %mul3A_559 = arith.constant 16 : i32
          %mul3A_560 = arith.muli %scan3A_473, %mul3A_559 : i32
          %get3A_561 = arith.index_cast %add3A_558 : i32 to index
          %get3A_562 = arith.index_cast %mul3A_560 : i32 to index
          %get3A_563 = tpu.vector_load %arg9[%get3A_561, %get3A_562] {strides = array<i32>} : memref<64x768xf32, #tpu.memory_space<vmem>>, vector<1x16xf32>,
          %get3A_564 = vector.shape_cast %get3A_563 : vector<1x16xf32> to vector<16xf32>
          %mul3A_565 = arith.mulf %get3A_564, %gather3A_155 : vector<16xf32>
          %add3A_566 = arith.addf %add3A_554, %mul3A_565 : vector<16xf32>
          %mul3A_567 = arith.constant 16 : i32
          %mul3A_568 = arith.muli %scan3A_473, %mul3A_567 : i32
          %swap3A_569 = arith.index_cast %scan3A_76 : i32 to index
          %swap3A_570 = arith.index_cast %mul3A_568 : i32 to index
          %swap3A_571 = tpu.vector_load %arg10[%swap3A_569, %swap3A_570] {strides = array<i32>} : memref<8x768xf32, #tpu.memory_space<vmem>>, vector<1x16xf32>,
          %swap3A_572 = vector.shape_cast %swap3A_571 : vector<1x16xf32> to vector<16xf32>
          %swap3A_573 = vector.shape_cast %add3A_566 : vector<16xf32> to vector<1x16xf32>
          tpu.vector_store %arg10[%swap3A_569, %swap3A_570], %swap3A_573 {strides = array<i32>} : memref<8x768xf32, #tpu.memory_space<vmem>>, vector<1x16xf32>,
          %scan3A_574 = arith.constant 0 : i32
          scf.yield %scan3A_574 : i32
        }
        %scan3A_162 = arith.constant 48 : i32
        %scan3A_163 = arith.constant 0 : i32
        scf.yield %scan3A_163 : i32
      }
      %scan3A_71 = arith.constant 8 : i32
      %mul3A_72 = arith.constant 8 : i32
      %mul3A_73 = arith.muli %add3A_27, %mul3A_72 : i32
      %add3A_74 = arith.addi %mul3A_2, %mul3A_73 : i32
      "tpu.region"() ({
        %run_scoped3A = tpu.sem_alloc : memref<!tpu.dma_semaphore, #tpu.memory_space<semaphore_mem>>
        %dma_start3A_76 = arith.constant 0 : i32
        %dma_start3A_77 = tpu.memref_slice %arg5[%add3A_74, %dma_start3A_76] : memref<4096x768xf32, #tpu.memory_space<hbm>> -> memref<8x768xf32, #tpu.memory_space<hbm>>
        %dma_start3A_78 = arith.constant 0 : i32
        %dma_start3A_79 = tpu.memref_slice %arg5[%add3A_74, %dma_start3A_78] : memref<4096x768xf32, #tpu.memory_space<hbm>> -> memref<8x768xf32, #tpu.memory_space<hbm>>
        tpu.enqueue_dma source(%arg10 : memref<8x768xf32, #tpu.memory_space<vmem>>) target(%dma_start3A_79 : memref<8x768xf32, #tpu.memory_space<hbm>>) target_semaphore(%run_scoped3A : memref<!tpu.dma_semaphore, #tpu.memory_space<semaphore_mem>>)
        %dma_wait3A_80 = arith.constant 0 : i32
        %dma_wait3A_81 = tpu.memref_slice %arg5[%add3A_74, %dma_wait3A_80] : memref<4096x768xf32, #tpu.memory_space<hbm>> -> memref<8x768xf32, #tpu.memory_space<hbm>>
        %dma_wait3A_82 = arith.constant 0 : i32
        %dma_wait3A_83 = tpu.memref_slice %arg5[%add3A_74, %dma_wait3A_82] : memref<4096x768xf32, #tpu.memory_space<hbm>> -> memref<8x768xf32, #tpu.memory_space<hbm>>
        tpu.wait_dma2 semaphore(%run_scoped3A : memref<!tpu.dma_semaphore, #tpu.memory_space<semaphore_mem>>) src(%arg10 : memref<8x768xf32, #tpu.memory_space<vmem>>) dst(%dma_wait3A_83 : memref<8x768xf32, #tpu.memory_space<hbm>>)
        tpu.yield
      }) : () -> ()
      %scan3A_75 = arith.constant 0 : i32
      scf.yield %scan3A_75 : i32
    }
    %scan3A_14 = arith.constant 8 : i32
    %dma_wait3A = arith.constant 0 : i32
    %dma_wait3A_15 = arith.constant 0 : i32
    %dma_wait3A_16 = tpu.memref_slice %arg2[%dma_wait3A, %dma_wait3A_15] : memref<8192x768xf32, #tpu.memory_space<hbm>> -> memref<64x768xf32, #tpu.memory_space<hbm>>
    %dma_wait3A_17 = arith.constant 0 : i32
    %dma_wait3A_18 = arith.constant 0 : i32
    %dma_wait3A_19 = tpu.memref_slice %arg2[%dma_wait3A_17, %dma_wait3A_18] : memref<8192x768xf32, #tpu.memory_space<hbm>> -> memref<64x768xf32, #tpu.memory_space<hbm>>
    tpu.wait_dma2 semaphore(%arg11 : memref<!tpu.dma_semaphore, #tpu.memory_space<semaphore_mem>>) src(%dma_wait3A_19 : memref<64x768xf32, #tpu.memory_space<hbm>>) dst(%arg8 : memref<64x768xf32, #tpu.memory_space<vmem>>)
    return
  }
}

module attributes {stable_mosaic.version = 14 : i64} {
  func.func @_proj_body(%arg0: i32, %arg1: i32, %arg2: memref<1x512x768xf32, #tpu.memory_space<vmem>>, %arg3: memref<768x768xf32, #tpu.memory_space<vmem>>, %arg4: memref<1x768xf32, #tpu.memory_space<vmem>>, %arg5: memref<768x768xf32, #tpu.memory_space<vmem>>, %arg6: memref<1x768xf32, #tpu.memory_space<vmem>>, %arg7: memref<768x768xf32, #tpu.memory_space<vmem>>, %arg8: memref<1x768xf32, #tpu.memory_space<vmem>>, %arg9: memref<1x512x768xf32, #tpu.memory_space<vmem>>, %arg10: memref<1x512x768xf32, #tpu.memory_space<vmem>>, %arg11: memref<1x512x768xf32, #tpu.memory_space<vmem>>) attributes {dimension_semantics = [#tpu.dimension_semantics<arbitrary>, #tpu.dimension_semantics<arbitrary>], iteration_bounds = array<i64: 2, 8>, scalar_prefetch = 0 : i64, scratch_operands = 0 : i64, tpu.core_type = #tpu.core_type<tc>, window_params = [{transform_indices = @transform_0, window_bounds = array<i64: 1, 512, 768>}, {pipeline_mode = #tpu.pipeline_mode<synchronous>, transform_indices = @transform_1, window_bounds = array<i64: 768, 768>}, {pipeline_mode = #tpu.pipeline_mode<synchronous>, transform_indices = @transform_2, window_bounds = array<i64: 1, 768>}, {pipeline_mode = #tpu.pipeline_mode<synchronous>, transform_indices = @transform_3, window_bounds = array<i64: 768, 768>}, {pipeline_mode = #tpu.pipeline_mode<synchronous>, transform_indices = @transform_4, window_bounds = array<i64: 1, 768>}, {pipeline_mode = #tpu.pipeline_mode<synchronous>, transform_indices = @transform_5, window_bounds = array<i64: 768, 768>}, {pipeline_mode = #tpu.pipeline_mode<synchronous>, transform_indices = @transform_6, window_bounds = array<i64: 1, 768>}, {transform_indices = @transform_7, window_bounds = array<i64: 1, 512, 768>}, {transform_indices = @transform_8, window_bounds = array<i64: 1, 512, 768>}, {transform_indices = @transform_9, window_bounds = array<i64: 1, 512, 768>}]} {
    %get3A = arith.constant 0 : index
    %get3A_0 = arith.constant 0 : index
    %get3A_1 = arith.constant 0 : index
    %get3A_2 = vector.load %arg2[%get3A, %get3A_0, %get3A_1] : memref<1x512x768xf32, #tpu.memory_space<vmem>>, vector<1x512x768xf32>
    %get3A_3 = vector.shape_cast %get3A_2 : vector<1x512x768xf32> to vector<512x768xf32>
    %get3A_4 = arith.constant 0 : index
    %get3A_5 = arith.constant 0 : index
    %get3A_6 = vector.load %arg3[%get3A_4, %get3A_5] : memref<768x768xf32, #tpu.memory_space<vmem>>, vector<768x768xf32>
    %dot_general3A = arith.constant dense<0.000000e+00> : vector<512x768xf32>
    %dot_general3A_7 = tpu.matmul %get3A_3, %get3A_6, %dot_general3A {dimension_numbers = #tpu.dot_dimension_numbers<[1], [1], [0], [0], [0, 0, 1, 0], [], []>, transpose_lhs_hint = false} : vector<512x768xf32>, vector<768x768xf32>, vector<512x768xf32> -> vector<512x768xf32>
    %get3A_8 = arith.constant 0 : index
    %get3A_9 = arith.constant 0 : index
    %get3A_10 = vector.load %arg4[%get3A_8, %get3A_9] : memref<1x768xf32, #tpu.memory_space<vmem>>, vector<1x768xf32>
    %add3A = vector.broadcast %get3A_10 : vector<1x768xf32> to vector<512x768xf32>
    %add3A_11 = arith.addf %dot_general3A_7, %add3A : vector<512x768xf32>
    %mul3A = arith.mulf %add3A_11, %add3A_11 : vector<512x768xf32>
    %reduce_sum3A = arith.constant dense<0.000000e+00> : vector<512xf32>
    %reduce_sum3A_12 = vector.multi_reduction <add>, %mul3A, %reduce_sum3A [1] : vector<512x768xf32> to vector<512xf32>
    %broadcast_in_dim3A = vector.shape_cast %reduce_sum3A_12 : vector<512xf32> to vector<512x1xf32>
    %sqrt3A = math.sqrt %broadcast_in_dim3A : vector<512x1xf32>
    %max3A = arith.constant 9.99999996E-13 : f32
    %max3A_13 = vector.broadcast %max3A : f32 to vector<512x1xf32>
    %max3A_14 = arith.maximumf %sqrt3A, %max3A_13 : vector<512x1xf32>
    %div3A = vector.broadcast %max3A_14 : vector<512x1xf32> to vector<512x768xf32>
    %div3A_15 = arith.divf %add3A_11, %div3A : vector<512x768xf32>
    %swap3A = arith.constant 0 : index
    %swap3A_16 = arith.constant 0 : index
    %swap3A_17 = arith.constant 0 : index
    %swap3A_18 = vector.load %arg9[%swap3A, %swap3A_16, %swap3A_17] : memref<1x512x768xf32, #tpu.memory_space<vmem>>, vector<1x512x768xf32>
    %swap3A_19 = vector.shape_cast %swap3A_18 : vector<1x512x768xf32> to vector<512x768xf32>
    %swap3A_20 = vector.shape_cast %div3A_15 : vector<512x768xf32> to vector<1x512x768xf32>
    tpu.vector_store %arg9[%swap3A, %swap3A_16, %swap3A_17], %swap3A_20 {strides = array<i32>} : memref<1x512x768xf32, #tpu.memory_space<vmem>>, vector<1x512x768xf32>,
    %get3A_21 = arith.constant 0 : index
    %get3A_22 = arith.constant 0 : index
    %get3A_23 = vector.load %arg5[%get3A_21, %get3A_22] : memref<768x768xf32, #tpu.memory_space<vmem>>, vector<768x768xf32>
    %dot_general3A_24 = arith.constant dense<0.000000e+00> : vector<512x768xf32>
    %dot_general3A_25 = tpu.matmul %get3A_3, %get3A_23, %dot_general3A_24 {dimension_numbers = #tpu.dot_dimension_numbers<[1], [1], [0], [0], [0, 0, 1, 0], [], []>, transpose_lhs_hint = false} : vector<512x768xf32>, vector<768x768xf32>, vector<512x768xf32> -> vector<512x768xf32>
    %get3A_26 = arith.constant 0 : index
    %get3A_27 = arith.constant 0 : index
    %get3A_28 = vector.load %arg6[%get3A_26, %get3A_27] : memref<1x768xf32, #tpu.memory_space<vmem>>, vector<1x768xf32>
    %add3A_29 = vector.broadcast %get3A_28 : vector<1x768xf32> to vector<512x768xf32>
    %add3A_30 = arith.addf %dot_general3A_25, %add3A_29 : vector<512x768xf32>
    %mul3A_31 = arith.mulf %add3A_30, %add3A_30 : vector<512x768xf32>
    %reduce_sum3A_32 = arith.constant dense<0.000000e+00> : vector<512xf32>
    %reduce_sum3A_33 = vector.multi_reduction <add>, %mul3A_31, %reduce_sum3A_32 [1] : vector<512x768xf32> to vector<512xf32>
    %broadcast_in_dim3A_34 = vector.shape_cast %reduce_sum3A_33 : vector<512xf32> to vector<512x1xf32>
    %sqrt3A_35 = math.sqrt %broadcast_in_dim3A_34 : vector<512x1xf32>
    %max3A_36 = arith.constant 9.99999996E-13 : f32
    %max3A_37 = vector.broadcast %max3A_36 : f32 to vector<512x1xf32>
    %max3A_38 = arith.maximumf %sqrt3A_35, %max3A_37 : vector<512x1xf32>
    %div3A_39 = vector.broadcast %max3A_38 : vector<512x1xf32> to vector<512x768xf32>
    %div3A_40 = arith.divf %add3A_30, %div3A_39 : vector<512x768xf32>
    %swap3A_41 = arith.constant 0 : index
    %swap3A_42 = arith.constant 0 : index
    %swap3A_43 = arith.constant 0 : index
    %swap3A_44 = vector.load %arg10[%swap3A_41, %swap3A_42, %swap3A_43] : memref<1x512x768xf32, #tpu.memory_space<vmem>>, vector<1x512x768xf32>
    %swap3A_45 = vector.shape_cast %swap3A_44 : vector<1x512x768xf32> to vector<512x768xf32>
    %swap3A_46 = vector.shape_cast %div3A_40 : vector<512x768xf32> to vector<1x512x768xf32>
    tpu.vector_store %arg10[%swap3A_41, %swap3A_42, %swap3A_43], %swap3A_46 {strides = array<i32>} : memref<1x512x768xf32, #tpu.memory_space<vmem>>, vector<1x512x768xf32>,
    %get3A_47 = arith.constant 0 : index
    %get3A_48 = arith.constant 0 : index
    %get3A_49 = vector.load %arg7[%get3A_47, %get3A_48] : memref<768x768xf32, #tpu.memory_space<vmem>>, vector<768x768xf32>
    %dot_general3A_50 = arith.constant dense<0.000000e+00> : vector<512x768xf32>
    %dot_general3A_51 = tpu.matmul %get3A_3, %get3A_49, %dot_general3A_50 {dimension_numbers = #tpu.dot_dimension_numbers<[1], [1], [0], [0], [0, 0, 1, 0], [], []>, transpose_lhs_hint = false} : vector<512x768xf32>, vector<768x768xf32>, vector<512x768xf32> -> vector<512x768xf32>
    %get3A_52 = arith.constant 0 : index
    %get3A_53 = arith.constant 0 : index
    %get3A_54 = vector.load %arg8[%get3A_52, %get3A_53] : memref<1x768xf32, #tpu.memory_space<vmem>>, vector<1x768xf32>
    %add3A_55 = vector.broadcast %get3A_54 : vector<1x768xf32> to vector<512x768xf32>
    %add3A_56 = arith.addf %dot_general3A_51, %add3A_55 : vector<512x768xf32>
    %swap3A_57 = arith.constant 0 : index
    %swap3A_58 = arith.constant 0 : index
    %swap3A_59 = arith.constant 0 : index
    %swap3A_60 = vector.load %arg11[%swap3A_57, %swap3A_58, %swap3A_59] : memref<1x512x768xf32, #tpu.memory_space<vmem>>, vector<1x512x768xf32>
    %swap3A_61 = vector.shape_cast %swap3A_60 : vector<1x512x768xf32> to vector<512x768xf32>
    %swap3A_62 = vector.shape_cast %add3A_56 : vector<512x768xf32> to vector<1x512x768xf32>
    tpu.vector_store %arg11[%swap3A_57, %swap3A_58, %swap3A_59], %swap3A_62 {strides = array<i32>} : memref<1x512x768xf32, #tpu.memory_space<vmem>>, vector<1x512x768xf32>,
    return
  }
  func.func @transform_0(%arg0: i32, %arg1: i32) -> (i32, i32, i32) {
    %c0_i32 = arith.constant 0 : i32
    %c0_i32_0 = arith.constant 0 : i32
    return %arg0, %arg1, %c0_i32 : i32, i32, i32
  }
  func.func @transform_1(%arg0: i32, %arg1: i32) -> (i32, i32) {
    %c0_i32 = arith.constant 0 : i32
    %c0_i32_0 = arith.constant 0 : i32
    %c0_i32_1 = arith.constant 0 : i32
    return %c0_i32, %c0_i32_0 : i32, i32
  }
  func.func @transform_2(%arg0: i32, %arg1: i32) -> (i32, i32) {
    %c0_i32 = arith.constant 0 : i32
    %c0_i32_0 = arith.constant 0 : i32
    %c0_i32_1 = arith.constant 0 : i32
    return %c0_i32, %c0_i32_0 : i32, i32
  }
  func.func @transform_3(%arg0: i32, %arg1: i32) -> (i32, i32) {
    %c0_i32 = arith.constant 0 : i32
    %c0_i32_0 = arith.constant 0 : i32
    %c0_i32_1 = arith.constant 0 : i32
    return %c0_i32, %c0_i32_0 : i32, i32
  }
  func.func @transform_4(%arg0: i32, %arg1: i32) -> (i32, i32) {
    %c0_i32 = arith.constant 0 : i32
    %c0_i32_0 = arith.constant 0 : i32
    %c0_i32_1 = arith.constant 0 : i32
    return %c0_i32, %c0_i32_0 : i32, i32
  }
  func.func @transform_5(%arg0: i32, %arg1: i32) -> (i32, i32) {
    %c0_i32 = arith.constant 0 : i32
    %c0_i32_0 = arith.constant 0 : i32
    %c0_i32_1 = arith.constant 0 : i32
    return %c0_i32, %c0_i32_0 : i32, i32
  }
  func.func @transform_6(%arg0: i32, %arg1: i32) -> (i32, i32) {
    %c0_i32 = arith.constant 0 : i32
    %c0_i32_0 = arith.constant 0 : i32
    %c0_i32_1 = arith.constant 0 : i32
    return %c0_i32, %c0_i32_0 : i32, i32
  }
  func.func @transform_7(%arg0: i32, %arg1: i32) -> (i32, i32, i32) {
    %c0_i32 = arith.constant 0 : i32
    %c0_i32_0 = arith.constant 0 : i32
    return %arg0, %arg1, %c0_i32 : i32, i32, i32
  }
  func.func @transform_8(%arg0: i32, %arg1: i32) -> (i32, i32, i32) {
    %c0_i32 = arith.constant 0 : i32
    %c0_i32_0 = arith.constant 0 : i32
    return %arg0, %arg1, %c0_i32 : i32, i32, i32
  }
  func.func @transform_9(%arg0: i32, %arg1: i32) -> (i32, i32, i32) {
    %c0_i32 = arith.constant 0 : i32
    %c0_i32_0 = arith.constant 0 : i32
    return %arg0, %arg1, %c0_i32 : i32, i32, i32
  }
}

module attributes {stable_mosaic.version = 14 : i64} {
  func.func @_topk_body(%arg0: i32, %arg1: memref<1x512x768xf32, #tpu.memory_space<vmem>>, %arg2: memref<1x4096x768xf32, #tpu.memory_space<vmem>>, %arg3: memref<1x512x8xi32, #tpu.memory_space<vmem>>, %arg4: memref<1x512x8xf32, #tpu.memory_space<vmem>>) attributes {dimension_semantics = [#tpu.dimension_semantics<arbitrary>], iteration_bounds = array<i64: 8>, scalar_prefetch = 0 : i64, scratch_operands = 0 : i64, tpu.core_type = #tpu.core_type<tc>, window_params = [{transform_indices = @transform_0, window_bounds = array<i64: 1, 512, 768>}, {transform_indices = @transform_1, window_bounds = array<i64: 1, 4096, 768>}, {transform_indices = @transform_2, window_bounds = array<i64: 1, 512, 8>}, {transform_indices = @transform_3, window_bounds = array<i64: 1, 512, 8>}]} {
    %mul3A = arith.constant 512 : i32
    %mul3A_0 = arith.muli %arg0, %mul3A : i32
    %get3A = arith.constant 0 : index
    %get3A_1 = arith.constant 0 : index
    %get3A_2 = arith.constant 0 : index
    %get3A_3 = vector.load %arg1[%get3A, %get3A_1, %get3A_2] : memref<1x512x768xf32, #tpu.memory_space<vmem>>, vector<1x512x768xf32>
    %get3A_4 = vector.shape_cast %get3A_3 : vector<1x512x768xf32> to vector<512x768xf32>
    %get3A_5 = arith.constant 0 : index
    %get3A_6 = arith.constant 0 : index
    %get3A_7 = arith.constant 0 : index
    %get3A_8 = vector.load %arg2[%get3A_5, %get3A_6, %get3A_7] : memref<1x4096x768xf32, #tpu.memory_space<vmem>>, vector<1x4096x768xf32>
    %get3A_9 = vector.shape_cast %get3A_8 : vector<1x4096x768xf32> to vector<4096x768xf32>
    %dot_general3A = arith.constant dense<0.000000e+00> : vector<512x4096xf32>
    %dot_general3A_10 = tpu.matmul %get3A_4, %get3A_9, %dot_general3A {dimension_numbers = #tpu.dot_dimension_numbers<[1], [1], [0], [0], [0, 0, 1, 0], [], []>, transpose_lhs_hint = false} : vector<512x768xf32>, vector<4096x768xf32>, vector<512x4096xf32> -> vector<512x4096xf32>
    %iota3A = tpu.iota {dimensions = array<i32: 1>} : vector<512x4096xi32>
    %iota3A_11 = tpu.iota {dimensions = array<i32: 0>} : vector<512x1xi32>
    %add3A = vector.broadcast %mul3A_0 : i32 to vector<512x1xi32>
    %add3A_12 = arith.addi %add3A, %iota3A_11 : vector<512x1xi32>
    %eq3A = arith.constant 0 : i32
    %eq3A_13 = vector.broadcast %eq3A : i32 to vector<512x4096xi32>
    %eq3A_14 = arith.cmpi eq, %iota3A, %eq3A_13 : vector<512x4096xi32>
    %eq3A_15 = vector.broadcast %add3A_12 : vector<512x1xi32> to vector<512x4096xi32>
    %eq3A_16 = arith.cmpi eq, %iota3A, %eq3A_15 : vector<512x4096xi32>
    %or3A = arith.ori %eq3A_14, %eq3A_16 : vector<512x4096xi1>
    %jit3A = arith.constant -1.000000e+09 : f32
    %broadcast_in_dim3A = vector.broadcast %jit3A : f32 to vector<512x4096xf32>
    %select_n3A = arith.select %or3A, %broadcast_in_dim3A, %dot_general3A_10 : vector<512x4096xi1>, vector<512x4096xf32>
    %reduce_max3A = arith.constant dense<0xFF800000> : vector<512xf32>
    %reduce_max3A_17 = vector.multi_reduction <maximumf>, %select_n3A, %reduce_max3A [1] : vector<512x4096xf32> to vector<512xf32>
    %broadcast_in_dim3A_18 = vector.shape_cast %reduce_max3A_17 : vector<512xf32> to vector<512x1xf32>
    %eq3A_19 = vector.broadcast %broadcast_in_dim3A_18 : vector<512x1xf32> to vector<512x4096xf32>
    %eq3A_20 = arith.cmpf oeq, %select_n3A, %eq3A_19 : vector<512x4096xf32>
    %jit3A_21 = arith.constant 1073741824 : i32
    %broadcast_in_dim3A_22 = vector.broadcast %jit3A_21 : i32 to vector<512x4096xi32>
    %select_n3A_23 = arith.select %eq3A_20, %iota3A, %broadcast_in_dim3A_22 : vector<512x4096xi1>, vector<512x4096xi32>
    %reduce_min3A = arith.constant dense<2147483647> : vector<512xi32>
    %reduce_min3A_24 = vector.multi_reduction <minsi>, %select_n3A_23, %reduce_min3A [1] : vector<512x4096xi32> to vector<512xi32>
    %broadcast_in_dim3A_25 = vector.shape_cast %reduce_min3A_24 : vector<512xi32> to vector<512x1xi32>
    %eq3A_26 = vector.broadcast %broadcast_in_dim3A_25 : vector<512x1xi32> to vector<512x4096xi32>
    %eq3A_27 = arith.cmpi eq, %iota3A, %eq3A_26 : vector<512x4096xi32>
    %and3A = arith.andi %eq3A_20, %eq3A_27 : vector<512x4096xi1>
    %jit3A_28 = arith.constant -1.000000e+30 : f32
    %broadcast_in_dim3A_29 = vector.broadcast %jit3A_28 : f32 to vector<512x4096xf32>
    %select_n3A_30 = arith.select %and3A, %broadcast_in_dim3A_29, %select_n3A : vector<512x4096xi1>, vector<512x4096xf32>
    %reduce_max3A_31 = arith.constant dense<0xFF800000> : vector<512xf32>
    %reduce_max3A_32 = vector.multi_reduction <maximumf>, %select_n3A_30, %reduce_max3A_31 [1] : vector<512x4096xf32> to vector<512xf32>
    %broadcast_in_dim3A_33 = vector.shape_cast %reduce_max3A_32 : vector<512xf32> to vector<512x1xf32>
    %eq3A_34 = vector.broadcast %broadcast_in_dim3A_33 : vector<512x1xf32> to vector<512x4096xf32>
    %eq3A_35 = arith.cmpf oeq, %select_n3A_30, %eq3A_34 : vector<512x4096xf32>
    %jit3A_36 = arith.constant 1073741824 : i32
    %broadcast_in_dim3A_37 = vector.broadcast %jit3A_36 : i32 to vector<512x4096xi32>
    %select_n3A_38 = arith.select %eq3A_35, %iota3A, %broadcast_in_dim3A_37 : vector<512x4096xi1>, vector<512x4096xi32>
    %reduce_min3A_39 = arith.constant dense<2147483647> : vector<512xi32>
    %reduce_min3A_40 = vector.multi_reduction <minsi>, %select_n3A_38, %reduce_min3A_39 [1] : vector<512x4096xi32> to vector<512xi32>
    %broadcast_in_dim3A_41 = vector.shape_cast %reduce_min3A_40 : vector<512xi32> to vector<512x1xi32>
    %eq3A_42 = vector.broadcast %broadcast_in_dim3A_41 : vector<512x1xi32> to vector<512x4096xi32>
    %eq3A_43 = arith.cmpi eq, %iota3A, %eq3A_42 : vector<512x4096xi32>
    %and3A_44 = arith.andi %eq3A_35, %eq3A_43 : vector<512x4096xi1>
    %jit3A_45 = arith.constant -1.000000e+30 : f32
    %broadcast_in_dim3A_46 = vector.broadcast %jit3A_45 : f32 to vector<512x4096xf32>
    %select_n3A_47 = arith.select %and3A_44, %broadcast_in_dim3A_46, %select_n3A_30 : vector<512x4096xi1>, vector<512x4096xf32>
    %reduce_max3A_48 = arith.constant dense<0xFF800000> : vector<512xf32>
    %reduce_max3A_49 = vector.multi_reduction <maximumf>, %select_n3A_47, %reduce_max3A_48 [1] : vector<512x4096xf32> to vector<512xf32>
    %broadcast_in_dim3A_50 = vector.shape_cast %reduce_max3A_49 : vector<512xf32> to vector<512x1xf32>
    %eq3A_51 = vector.broadcast %broadcast_in_dim3A_50 : vector<512x1xf32> to vector<512x4096xf32>
    %eq3A_52 = arith.cmpf oeq, %select_n3A_47, %eq3A_51 : vector<512x4096xf32>
    %jit3A_53 = arith.constant 1073741824 : i32
    %broadcast_in_dim3A_54 = vector.broadcast %jit3A_53 : i32 to vector<512x4096xi32>
    %select_n3A_55 = arith.select %eq3A_52, %iota3A, %broadcast_in_dim3A_54 : vector<512x4096xi1>, vector<512x4096xi32>
    %reduce_min3A_56 = arith.constant dense<2147483647> : vector<512xi32>
    %reduce_min3A_57 = vector.multi_reduction <minsi>, %select_n3A_55, %reduce_min3A_56 [1] : vector<512x4096xi32> to vector<512xi32>
    %broadcast_in_dim3A_58 = vector.shape_cast %reduce_min3A_57 : vector<512xi32> to vector<512x1xi32>
    %eq3A_59 = vector.broadcast %broadcast_in_dim3A_58 : vector<512x1xi32> to vector<512x4096xi32>
    %eq3A_60 = arith.cmpi eq, %iota3A, %eq3A_59 : vector<512x4096xi32>
    %and3A_61 = arith.andi %eq3A_52, %eq3A_60 : vector<512x4096xi1>
    %jit3A_62 = arith.constant -1.000000e+30 : f32
    %broadcast_in_dim3A_63 = vector.broadcast %jit3A_62 : f32 to vector<512x4096xf32>
    %select_n3A_64 = arith.select %and3A_61, %broadcast_in_dim3A_63, %select_n3A_47 : vector<512x4096xi1>, vector<512x4096xf32>
    %reduce_max3A_65 = arith.constant dense<0xFF800000> : vector<512xf32>
    %reduce_max3A_66 = vector.multi_reduction <maximumf>, %select_n3A_64, %reduce_max3A_65 [1] : vector<512x4096xf32> to vector<512xf32>
    %broadcast_in_dim3A_67 = vector.shape_cast %reduce_max3A_66 : vector<512xf32> to vector<512x1xf32>
    %eq3A_68 = vector.broadcast %broadcast_in_dim3A_67 : vector<512x1xf32> to vector<512x4096xf32>
    %eq3A_69 = arith.cmpf oeq, %select_n3A_64, %eq3A_68 : vector<512x4096xf32>
    %jit3A_70 = arith.constant 1073741824 : i32
    %broadcast_in_dim3A_71 = vector.broadcast %jit3A_70 : i32 to vector<512x4096xi32>
    %select_n3A_72 = arith.select %eq3A_69, %iota3A, %broadcast_in_dim3A_71 : vector<512x4096xi1>, vector<512x4096xi32>
    %reduce_min3A_73 = arith.constant dense<2147483647> : vector<512xi32>
    %reduce_min3A_74 = vector.multi_reduction <minsi>, %select_n3A_72, %reduce_min3A_73 [1] : vector<512x4096xi32> to vector<512xi32>
    %broadcast_in_dim3A_75 = vector.shape_cast %reduce_min3A_74 : vector<512xi32> to vector<512x1xi32>
    %eq3A_76 = vector.broadcast %broadcast_in_dim3A_75 : vector<512x1xi32> to vector<512x4096xi32>
    %eq3A_77 = arith.cmpi eq, %iota3A, %eq3A_76 : vector<512x4096xi32>
    %and3A_78 = arith.andi %eq3A_69, %eq3A_77 : vector<512x4096xi1>
    %jit3A_79 = arith.constant -1.000000e+30 : f32
    %broadcast_in_dim3A_80 = vector.broadcast %jit3A_79 : f32 to vector<512x4096xf32>
    %select_n3A_81 = arith.select %and3A_78, %broadcast_in_dim3A_80, %select_n3A_64 : vector<512x4096xi1>, vector<512x4096xf32>
    %reduce_max3A_82 = arith.constant dense<0xFF800000> : vector<512xf32>
    %reduce_max3A_83 = vector.multi_reduction <maximumf>, %select_n3A_81, %reduce_max3A_82 [1] : vector<512x4096xf32> to vector<512xf32>
    %broadcast_in_dim3A_84 = vector.shape_cast %reduce_max3A_83 : vector<512xf32> to vector<512x1xf32>
    %eq3A_85 = vector.broadcast %broadcast_in_dim3A_84 : vector<512x1xf32> to vector<512x4096xf32>
    %eq3A_86 = arith.cmpf oeq, %select_n3A_81, %eq3A_85 : vector<512x4096xf32>
    %jit3A_87 = arith.constant 1073741824 : i32
    %broadcast_in_dim3A_88 = vector.broadcast %jit3A_87 : i32 to vector<512x4096xi32>
    %select_n3A_89 = arith.select %eq3A_86, %iota3A, %broadcast_in_dim3A_88 : vector<512x4096xi1>, vector<512x4096xi32>
    %reduce_min3A_90 = arith.constant dense<2147483647> : vector<512xi32>
    %reduce_min3A_91 = vector.multi_reduction <minsi>, %select_n3A_89, %reduce_min3A_90 [1] : vector<512x4096xi32> to vector<512xi32>
    %broadcast_in_dim3A_92 = vector.shape_cast %reduce_min3A_91 : vector<512xi32> to vector<512x1xi32>
    %eq3A_93 = vector.broadcast %broadcast_in_dim3A_92 : vector<512x1xi32> to vector<512x4096xi32>
    %eq3A_94 = arith.cmpi eq, %iota3A, %eq3A_93 : vector<512x4096xi32>
    %and3A_95 = arith.andi %eq3A_86, %eq3A_94 : vector<512x4096xi1>
    %jit3A_96 = arith.constant -1.000000e+30 : f32
    %broadcast_in_dim3A_97 = vector.broadcast %jit3A_96 : f32 to vector<512x4096xf32>
    %select_n3A_98 = arith.select %and3A_95, %broadcast_in_dim3A_97, %select_n3A_81 : vector<512x4096xi1>, vector<512x4096xf32>
    %reduce_max3A_99 = arith.constant dense<0xFF800000> : vector<512xf32>
    %reduce_max3A_100 = vector.multi_reduction <maximumf>, %select_n3A_98, %reduce_max3A_99 [1] : vector<512x4096xf32> to vector<512xf32>
    %broadcast_in_dim3A_101 = vector.shape_cast %reduce_max3A_100 : vector<512xf32> to vector<512x1xf32>
    %eq3A_102 = vector.broadcast %broadcast_in_dim3A_101 : vector<512x1xf32> to vector<512x4096xf32>
    %eq3A_103 = arith.cmpf oeq, %select_n3A_98, %eq3A_102 : vector<512x4096xf32>
    %jit3A_104 = arith.constant 1073741824 : i32
    %broadcast_in_dim3A_105 = vector.broadcast %jit3A_104 : i32 to vector<512x4096xi32>
    %select_n3A_106 = arith.select %eq3A_103, %iota3A, %broadcast_in_dim3A_105 : vector<512x4096xi1>, vector<512x4096xi32>
    %reduce_min3A_107 = arith.constant dense<2147483647> : vector<512xi32>
    %reduce_min3A_108 = vector.multi_reduction <minsi>, %select_n3A_106, %reduce_min3A_107 [1] : vector<512x4096xi32> to vector<512xi32>
    %broadcast_in_dim3A_109 = vector.shape_cast %reduce_min3A_108 : vector<512xi32> to vector<512x1xi32>
    %eq3A_110 = vector.broadcast %broadcast_in_dim3A_109 : vector<512x1xi32> to vector<512x4096xi32>
    %eq3A_111 = arith.cmpi eq, %iota3A, %eq3A_110 : vector<512x4096xi32>
    %and3A_112 = arith.andi %eq3A_103, %eq3A_111 : vector<512x4096xi1>
    %jit3A_113 = arith.constant -1.000000e+30 : f32
    %broadcast_in_dim3A_114 = vector.broadcast %jit3A_113 : f32 to vector<512x4096xf32>
    %select_n3A_115 = arith.select %and3A_112, %broadcast_in_dim3A_114, %select_n3A_98 : vector<512x4096xi1>, vector<512x4096xf32>
    %reduce_max3A_116 = arith.constant dense<0xFF800000> : vector<512xf32>
    %reduce_max3A_117 = vector.multi_reduction <maximumf>, %select_n3A_115, %reduce_max3A_116 [1] : vector<512x4096xf32> to vector<512xf32>
    %broadcast_in_dim3A_118 = vector.shape_cast %reduce_max3A_117 : vector<512xf32> to vector<512x1xf32>
    %eq3A_119 = vector.broadcast %broadcast_in_dim3A_118 : vector<512x1xf32> to vector<512x4096xf32>
    %eq3A_120 = arith.cmpf oeq, %select_n3A_115, %eq3A_119 : vector<512x4096xf32>
    %jit3A_121 = arith.constant 1073741824 : i32
    %broadcast_in_dim3A_122 = vector.broadcast %jit3A_121 : i32 to vector<512x4096xi32>
    %select_n3A_123 = arith.select %eq3A_120, %iota3A, %broadcast_in_dim3A_122 : vector<512x4096xi1>, vector<512x4096xi32>
    %reduce_min3A_124 = arith.constant dense<2147483647> : vector<512xi32>
    %reduce_min3A_125 = vector.multi_reduction <minsi>, %select_n3A_123, %reduce_min3A_124 [1] : vector<512x4096xi32> to vector<512xi32>
    %broadcast_in_dim3A_126 = vector.shape_cast %reduce_min3A_125 : vector<512xi32> to vector<512x1xi32>
    %eq3A_127 = vector.broadcast %broadcast_in_dim3A_126 : vector<512x1xi32> to vector<512x4096xi32>
    %eq3A_128 = arith.cmpi eq, %iota3A, %eq3A_127 : vector<512x4096xi32>
    %and3A_129 = arith.andi %eq3A_120, %eq3A_128 : vector<512x4096xi1>
    %jit3A_130 = arith.constant -1.000000e+30 : f32
    %broadcast_in_dim3A_131 = vector.broadcast %jit3A_130 : f32 to vector<512x4096xf32>
    %select_n3A_132 = arith.select %and3A_129, %broadcast_in_dim3A_131, %select_n3A_115 : vector<512x4096xi1>, vector<512x4096xf32>
    %reduce_max3A_133 = arith.constant dense<0xFF800000> : vector<512xf32>
    %reduce_max3A_134 = vector.multi_reduction <maximumf>, %select_n3A_132, %reduce_max3A_133 [1] : vector<512x4096xf32> to vector<512xf32>
    %broadcast_in_dim3A_135 = vector.shape_cast %reduce_max3A_134 : vector<512xf32> to vector<512x1xf32>
    %eq3A_136 = vector.broadcast %broadcast_in_dim3A_135 : vector<512x1xf32> to vector<512x4096xf32>
    %eq3A_137 = arith.cmpf oeq, %select_n3A_132, %eq3A_136 : vector<512x4096xf32>
    %jit3A_138 = arith.constant 1073741824 : i32
    %broadcast_in_dim3A_139 = vector.broadcast %jit3A_138 : i32 to vector<512x4096xi32>
    %select_n3A_140 = arith.select %eq3A_137, %iota3A, %broadcast_in_dim3A_139 : vector<512x4096xi1>, vector<512x4096xi32>
    %reduce_min3A_141 = arith.constant dense<2147483647> : vector<512xi32>
    %reduce_min3A_142 = vector.multi_reduction <minsi>, %select_n3A_140, %reduce_min3A_141 [1] : vector<512x4096xi32> to vector<512xi32>
    %broadcast_in_dim3A_143 = vector.shape_cast %reduce_min3A_142 : vector<512xi32> to vector<512x1xi32>
    %concatenate3A = tpu.concatenate %broadcast_in_dim3A_18, %broadcast_in_dim3A_33, %broadcast_in_dim3A_50, %broadcast_in_dim3A_67, %broadcast_in_dim3A_84, %broadcast_in_dim3A_101, %broadcast_in_dim3A_118, %broadcast_in_dim3A_135 in 1 : vector<512x1xf32>, vector<512x1xf32>, vector<512x1xf32>, vector<512x1xf32>, vector<512x1xf32>, vector<512x1xf32>, vector<512x1xf32>, vector<512x1xf32> -> vector<512x8xf32>
    %div3A = arith.constant 1.000000e-01 : f32
    %div3A_144 = vector.broadcast %div3A : f32 to vector<512x8xf32>
    %div3A_145 = arith.divf %concatenate3A, %div3A_144 : vector<512x8xf32>
    %reduce_max3A_146 = arith.constant dense<0xFF800000> : vector<512xf32>
    %reduce_max3A_147 = vector.multi_reduction <maximumf>, %div3A_145, %reduce_max3A_146 [1] : vector<512x8xf32> to vector<512xf32>
    %broadcast_in_dim3A_148 = vector.shape_cast %reduce_max3A_147 : vector<512xf32> to vector<512x1xf32>
    %sub3A = vector.broadcast %broadcast_in_dim3A_148 : vector<512x1xf32> to vector<512x8xf32>
    %sub3A_149 = arith.subf %div3A_145, %sub3A : vector<512x8xf32>
    %exp3A = math.exp %sub3A_149 : vector<512x8xf32>
    %reduce_sum3A = arith.constant dense<0.000000e+00> : vector<512xf32>
    %reduce_sum3A_150 = vector.multi_reduction <add>, %exp3A, %reduce_sum3A [1] : vector<512x8xf32> to vector<512xf32>
    %broadcast_in_dim3A_151 = vector.shape_cast %reduce_sum3A_150 : vector<512xf32> to vector<512x1xf32>
    %div3A_152 = vector.broadcast %broadcast_in_dim3A_151 : vector<512x1xf32> to vector<512x8xf32>
    %div3A_153 = arith.divf %exp3A, %div3A_152 : vector<512x8xf32>
    %swap3A = arith.constant 0 : index
    %swap3A_154 = arith.constant 0 : index
    %swap3A_155 = arith.constant 0 : index
    %swap3A_156 = vector.load %arg4[%swap3A, %swap3A_154, %swap3A_155] : memref<1x512x8xf32, #tpu.memory_space<vmem>>, vector<1x512x8xf32>
    %swap3A_157 = vector.shape_cast %swap3A_156 : vector<1x512x8xf32> to vector<512x8xf32>
    %swap3A_158 = vector.shape_cast %div3A_153 : vector<512x8xf32> to vector<1x512x8xf32>
    tpu.vector_store %arg4[%swap3A, %swap3A_154, %swap3A_155], %swap3A_158 {strides = array<i32>} : memref<1x512x8xf32, #tpu.memory_space<vmem>>, vector<1x512x8xf32>,
    %concatenate3A_159 = tpu.concatenate %broadcast_in_dim3A_25, %broadcast_in_dim3A_41, %broadcast_in_dim3A_58, %broadcast_in_dim3A_75, %broadcast_in_dim3A_92, %broadcast_in_dim3A_109, %broadcast_in_dim3A_126, %broadcast_in_dim3A_143 in 1 : vector<512x1xi32>, vector<512x1xi32>, vector<512x1xi32>, vector<512x1xi32>, vector<512x1xi32>, vector<512x1xi32>, vector<512x1xi32>, vector<512x1xi32> -> vector<512x8xi32>
    %sub3A_160 = arith.constant 1 : i32
    %sub3A_161 = vector.broadcast %sub3A_160 : i32 to vector<512x8xi32>
    %sub3A_162 = arith.subi %concatenate3A_159, %sub3A_161 : vector<512x8xi32>
    %swap3A_163 = arith.constant 0 : index
    %swap3A_164 = arith.constant 0 : index
    %swap3A_165 = arith.constant 0 : index
    %swap3A_166 = vector.load %arg3[%swap3A_163, %swap3A_164, %swap3A_165] : memref<1x512x8xi32, #tpu.memory_space<vmem>>, vector<1x512x8xi32>
    %swap3A_167 = vector.shape_cast %swap3A_166 : vector<1x512x8xi32> to vector<512x8xi32>
    %swap3A_168 = vector.shape_cast %sub3A_162 : vector<512x8xi32> to vector<1x512x8xi32>
    tpu.vector_store %arg3[%swap3A_163, %swap3A_164, %swap3A_165], %swap3A_168 {strides = array<i32>} : memref<1x512x8xi32, #tpu.memory_space<vmem>>, vector<1x512x8xi32>,
    return
  }
  func.func @transform_0(%arg0: i32) -> (i32, i32, i32) {
    %c0_i32 = arith.constant 0 : i32
    %c0_i32_0 = arith.constant 0 : i32
    %c0_i32_1 = arith.constant 0 : i32
    return %c0_i32, %arg0, %c0_i32_0 : i32, i32, i32
  }
  func.func @transform_1(%arg0: i32) -> (i32, i32, i32) {
    %c0_i32 = arith.constant 0 : i32
    %c0_i32_0 = arith.constant 0 : i32
    %c0_i32_1 = arith.constant 0 : i32
    %c0_i32_2 = arith.constant 0 : i32
    return %c0_i32, %c0_i32_0, %c0_i32_1 : i32, i32, i32
  }
  func.func @transform_2(%arg0: i32) -> (i32, i32, i32) {
    %c0_i32 = arith.constant 0 : i32
    %c0_i32_0 = arith.constant 0 : i32
    %c0_i32_1 = arith.constant 0 : i32
    return %c0_i32, %arg0, %c0_i32_0 : i32, i32, i32
  }
  func.func @transform_3(%arg0: i32) -> (i32, i32, i32) {
    %c0_i32 = arith.constant 0 : i32
    %c0_i32_0 = arith.constant 0 : i32
    %c0_i32_1 = arith.constant 0 : i32
    return %c0_i32, %arg0, %c0_i32_0 : i32, i32, i32
  }
}

module attributes {stable_mosaic.version = 14 : i64} {
  func.func @_topk_body(%arg0: i32, %arg1: memref<1x512x768xf32, #tpu.memory_space<vmem>>, %arg2: memref<1x4096x768xf32, #tpu.memory_space<vmem>>, %arg3: memref<1x512x8xi32, #tpu.memory_space<vmem>>, %arg4: memref<1x512x8xf32, #tpu.memory_space<vmem>>) attributes {dimension_semantics = [#tpu.dimension_semantics<arbitrary>], iteration_bounds = array<i64: 8>, scalar_prefetch = 0 : i64, scratch_operands = 0 : i64, tpu.core_type = #tpu.core_type<tc>, window_params = [{transform_indices = @transform_0, window_bounds = array<i64: 1, 512, 768>}, {transform_indices = @transform_1, window_bounds = array<i64: 1, 4096, 768>}, {transform_indices = @transform_2, window_bounds = array<i64: 1, 512, 8>}, {transform_indices = @transform_3, window_bounds = array<i64: 1, 512, 8>}]} {
    %mul3A = arith.constant 512 : i32
    %mul3A_0 = arith.muli %arg0, %mul3A : i32
    %get3A = arith.constant 0 : index
    %get3A_1 = arith.constant 0 : index
    %get3A_2 = arith.constant 0 : index
    %get3A_3 = vector.load %arg1[%get3A, %get3A_1, %get3A_2] : memref<1x512x768xf32, #tpu.memory_space<vmem>>, vector<1x512x768xf32>
    %get3A_4 = vector.shape_cast %get3A_3 : vector<1x512x768xf32> to vector<512x768xf32>
    %get3A_5 = arith.constant 0 : index
    %get3A_6 = arith.constant 0 : index
    %get3A_7 = arith.constant 0 : index
    %get3A_8 = vector.load %arg2[%get3A_5, %get3A_6, %get3A_7] : memref<1x4096x768xf32, #tpu.memory_space<vmem>>, vector<1x4096x768xf32>
    %get3A_9 = vector.shape_cast %get3A_8 : vector<1x4096x768xf32> to vector<4096x768xf32>
    %dot_general3A = arith.constant dense<0.000000e+00> : vector<512x4096xf32>
    %dot_general3A_10 = tpu.matmul %get3A_4, %get3A_9, %dot_general3A {dimension_numbers = #tpu.dot_dimension_numbers<[1], [1], [0], [0], [0, 0, 1, 0], [], []>, transpose_lhs_hint = false} : vector<512x768xf32>, vector<4096x768xf32>, vector<512x4096xf32> -> vector<512x4096xf32>
    %iota3A = tpu.iota {dimensions = array<i32: 1>} : vector<512x4096xi32>
    %iota3A_11 = tpu.iota {dimensions = array<i32: 0>} : vector<512x1xi32>
    %add3A = vector.broadcast %mul3A_0 : i32 to vector<512x1xi32>
    %add3A_12 = arith.addi %add3A, %iota3A_11 : vector<512x1xi32>
    %eq3A = arith.constant 0 : i32
    %eq3A_13 = vector.broadcast %eq3A : i32 to vector<512x4096xi32>
    %eq3A_14 = arith.cmpi eq, %iota3A, %eq3A_13 : vector<512x4096xi32>
    %eq3A_15 = vector.broadcast %add3A_12 : vector<512x1xi32> to vector<512x4096xi32>
    %eq3A_16 = arith.cmpi eq, %iota3A, %eq3A_15 : vector<512x4096xi32>
    %or3A = arith.ori %eq3A_14, %eq3A_16 : vector<512x4096xi1>
    %jit3A = arith.constant -1.000000e+09 : f32
    %broadcast_in_dim3A = vector.broadcast %jit3A : f32 to vector<512x4096xf32>
    %select_n3A = arith.select %or3A, %broadcast_in_dim3A, %dot_general3A_10 : vector<512x4096xi1>, vector<512x4096xf32>
    %reduce_max3A = arith.constant dense<0xFF800000> : vector<512xf32>
    %reduce_max3A_17 = vector.multi_reduction <maximumf>, %select_n3A, %reduce_max3A [1] : vector<512x4096xf32> to vector<512xf32>
    %broadcast_in_dim3A_18 = vector.shape_cast %reduce_max3A_17 : vector<512xf32> to vector<512x1xf32>
    %eq3A_19 = vector.broadcast %broadcast_in_dim3A_18 : vector<512x1xf32> to vector<512x4096xf32>
    %eq3A_20 = arith.cmpf oeq, %select_n3A, %eq3A_19 : vector<512x4096xf32>
    %jit3A_21 = arith.constant 1073741824 : i32
    %broadcast_in_dim3A_22 = vector.broadcast %jit3A_21 : i32 to vector<512x4096xi32>
    %select_n3A_23 = arith.select %eq3A_20, %iota3A, %broadcast_in_dim3A_22 : vector<512x4096xi1>, vector<512x4096xi32>
    %reduce_min3A = arith.constant dense<2147483647> : vector<512xi32>
    %reduce_min3A_24 = vector.multi_reduction <minsi>, %select_n3A_23, %reduce_min3A [1] : vector<512x4096xi32> to vector<512xi32>
    %broadcast_in_dim3A_25 = vector.shape_cast %reduce_min3A_24 : vector<512xi32> to vector<512x1xi32>
    %eq3A_26 = vector.broadcast %broadcast_in_dim3A_25 : vector<512x1xi32> to vector<512x4096xi32>
    %eq3A_27 = arith.cmpi eq, %iota3A, %eq3A_26 : vector<512x4096xi32>
    %and3A = arith.andi %eq3A_20, %eq3A_27 : vector<512x4096xi1>
    %jit3A_28 = arith.constant -1.000000e+30 : f32
    %broadcast_in_dim3A_29 = vector.broadcast %jit3A_28 : f32 to vector<512x4096xf32>
    %select_n3A_30 = arith.select %and3A, %broadcast_in_dim3A_29, %select_n3A : vector<512x4096xi1>, vector<512x4096xf32>
    %reduce_max3A_31 = arith.constant dense<0xFF800000> : vector<512xf32>
    %reduce_max3A_32 = vector.multi_reduction <maximumf>, %select_n3A_30, %reduce_max3A_31 [1] : vector<512x4096xf32> to vector<512xf32>
    %broadcast_in_dim3A_33 = vector.shape_cast %reduce_max3A_32 : vector<512xf32> to vector<512x1xf32>
    %eq3A_34 = vector.broadcast %broadcast_in_dim3A_33 : vector<512x1xf32> to vector<512x4096xf32>
    %eq3A_35 = arith.cmpf oeq, %select_n3A_30, %eq3A_34 : vector<512x4096xf32>
    %jit3A_36 = arith.constant 1073741824 : i32
    %broadcast_in_dim3A_37 = vector.broadcast %jit3A_36 : i32 to vector<512x4096xi32>
    %select_n3A_38 = arith.select %eq3A_35, %iota3A, %broadcast_in_dim3A_37 : vector<512x4096xi1>, vector<512x4096xi32>
    %reduce_min3A_39 = arith.constant dense<2147483647> : vector<512xi32>
    %reduce_min3A_40 = vector.multi_reduction <minsi>, %select_n3A_38, %reduce_min3A_39 [1] : vector<512x4096xi32> to vector<512xi32>
    %broadcast_in_dim3A_41 = vector.shape_cast %reduce_min3A_40 : vector<512xi32> to vector<512x1xi32>
    %eq3A_42 = vector.broadcast %broadcast_in_dim3A_41 : vector<512x1xi32> to vector<512x4096xi32>
    %eq3A_43 = arith.cmpi eq, %iota3A, %eq3A_42 : vector<512x4096xi32>
    %and3A_44 = arith.andi %eq3A_35, %eq3A_43 : vector<512x4096xi1>
    %jit3A_45 = arith.constant -1.000000e+30 : f32
    %broadcast_in_dim3A_46 = vector.broadcast %jit3A_45 : f32 to vector<512x4096xf32>
    %select_n3A_47 = arith.select %and3A_44, %broadcast_in_dim3A_46, %select_n3A_30 : vector<512x4096xi1>, vector<512x4096xf32>
    %reduce_max3A_48 = arith.constant dense<0xFF800000> : vector<512xf32>
    %reduce_max3A_49 = vector.multi_reduction <maximumf>, %select_n3A_47, %reduce_max3A_48 [1] : vector<512x4096xf32> to vector<512xf32>
    %broadcast_in_dim3A_50 = vector.shape_cast %reduce_max3A_49 : vector<512xf32> to vector<512x1xf32>
    %eq3A_51 = vector.broadcast %broadcast_in_dim3A_50 : vector<512x1xf32> to vector<512x4096xf32>
    %eq3A_52 = arith.cmpf oeq, %select_n3A_47, %eq3A_51 : vector<512x4096xf32>
    %jit3A_53 = arith.constant 1073741824 : i32
    %broadcast_in_dim3A_54 = vector.broadcast %jit3A_53 : i32 to vector<512x4096xi32>
    %select_n3A_55 = arith.select %eq3A_52, %iota3A, %broadcast_in_dim3A_54 : vector<512x4096xi1>, vector<512x4096xi32>
    %reduce_min3A_56 = arith.constant dense<2147483647> : vector<512xi32>
    %reduce_min3A_57 = vector.multi_reduction <minsi>, %select_n3A_55, %reduce_min3A_56 [1] : vector<512x4096xi32> to vector<512xi32>
    %broadcast_in_dim3A_58 = vector.shape_cast %reduce_min3A_57 : vector<512xi32> to vector<512x1xi32>
    %eq3A_59 = vector.broadcast %broadcast_in_dim3A_58 : vector<512x1xi32> to vector<512x4096xi32>
    %eq3A_60 = arith.cmpi eq, %iota3A, %eq3A_59 : vector<512x4096xi32>
    %and3A_61 = arith.andi %eq3A_52, %eq3A_60 : vector<512x4096xi1>
    %jit3A_62 = arith.constant -1.000000e+30 : f32
    %broadcast_in_dim3A_63 = vector.broadcast %jit3A_62 : f32 to vector<512x4096xf32>
    %select_n3A_64 = arith.select %and3A_61, %broadcast_in_dim3A_63, %select_n3A_47 : vector<512x4096xi1>, vector<512x4096xf32>
    %reduce_max3A_65 = arith.constant dense<0xFF800000> : vector<512xf32>
    %reduce_max3A_66 = vector.multi_reduction <maximumf>, %select_n3A_64, %reduce_max3A_65 [1] : vector<512x4096xf32> to vector<512xf32>
    %broadcast_in_dim3A_67 = vector.shape_cast %reduce_max3A_66 : vector<512xf32> to vector<512x1xf32>
    %eq3A_68 = vector.broadcast %broadcast_in_dim3A_67 : vector<512x1xf32> to vector<512x4096xf32>
    %eq3A_69 = arith.cmpf oeq, %select_n3A_64, %eq3A_68 : vector<512x4096xf32>
    %jit3A_70 = arith.constant 1073741824 : i32
    %broadcast_in_dim3A_71 = vector.broadcast %jit3A_70 : i32 to vector<512x4096xi32>
    %select_n3A_72 = arith.select %eq3A_69, %iota3A, %broadcast_in_dim3A_71 : vector<512x4096xi1>, vector<512x4096xi32>
    %reduce_min3A_73 = arith.constant dense<2147483647> : vector<512xi32>
    %reduce_min3A_74 = vector.multi_reduction <minsi>, %select_n3A_72, %reduce_min3A_73 [1] : vector<512x4096xi32> to vector<512xi32>
    %broadcast_in_dim3A_75 = vector.shape_cast %reduce_min3A_74 : vector<512xi32> to vector<512x1xi32>
    %eq3A_76 = vector.broadcast %broadcast_in_dim3A_75 : vector<512x1xi32> to vector<512x4096xi32>
    %eq3A_77 = arith.cmpi eq, %iota3A, %eq3A_76 : vector<512x4096xi32>
    %and3A_78 = arith.andi %eq3A_69, %eq3A_77 : vector<512x4096xi1>
    %jit3A_79 = arith.constant -1.000000e+30 : f32
    %broadcast_in_dim3A_80 = vector.broadcast %jit3A_79 : f32 to vector<512x4096xf32>
    %select_n3A_81 = arith.select %and3A_78, %broadcast_in_dim3A_80, %select_n3A_64 : vector<512x4096xi1>, vector<512x4096xf32>
    %reduce_max3A_82 = arith.constant dense<0xFF800000> : vector<512xf32>
    %reduce_max3A_83 = vector.multi_reduction <maximumf>, %select_n3A_81, %reduce_max3A_82 [1] : vector<512x4096xf32> to vector<512xf32>
    %broadcast_in_dim3A_84 = vector.shape_cast %reduce_max3A_83 : vector<512xf32> to vector<512x1xf32>
    %eq3A_85 = vector.broadcast %broadcast_in_dim3A_84 : vector<512x1xf32> to vector<512x4096xf32>
    %eq3A_86 = arith.cmpf oeq, %select_n3A_81, %eq3A_85 : vector<512x4096xf32>
    %jit3A_87 = arith.constant 1073741824 : i32
    %broadcast_in_dim3A_88 = vector.broadcast %jit3A_87 : i32 to vector<512x4096xi32>
    %select_n3A_89 = arith.select %eq3A_86, %iota3A, %broadcast_in_dim3A_88 : vector<512x4096xi1>, vector<512x4096xi32>
    %reduce_min3A_90 = arith.constant dense<2147483647> : vector<512xi32>
    %reduce_min3A_91 = vector.multi_reduction <minsi>, %select_n3A_89, %reduce_min3A_90 [1] : vector<512x4096xi32> to vector<512xi32>
    %broadcast_in_dim3A_92 = vector.shape_cast %reduce_min3A_91 : vector<512xi32> to vector<512x1xi32>
    %eq3A_93 = vector.broadcast %broadcast_in_dim3A_92 : vector<512x1xi32> to vector<512x4096xi32>
    %eq3A_94 = arith.cmpi eq, %iota3A, %eq3A_93 : vector<512x4096xi32>
    %and3A_95 = arith.andi %eq3A_86, %eq3A_94 : vector<512x4096xi1>
    %jit3A_96 = arith.constant -1.000000e+30 : f32
    %broadcast_in_dim3A_97 = vector.broadcast %jit3A_96 : f32 to vector<512x4096xf32>
    %select_n3A_98 = arith.select %and3A_95, %broadcast_in_dim3A_97, %select_n3A_81 : vector<512x4096xi1>, vector<512x4096xf32>
    %reduce_max3A_99 = arith.constant dense<0xFF800000> : vector<512xf32>
    %reduce_max3A_100 = vector.multi_reduction <maximumf>, %select_n3A_98, %reduce_max3A_99 [1] : vector<512x4096xf32> to vector<512xf32>
    %broadcast_in_dim3A_101 = vector.shape_cast %reduce_max3A_100 : vector<512xf32> to vector<512x1xf32>
    %eq3A_102 = vector.broadcast %broadcast_in_dim3A_101 : vector<512x1xf32> to vector<512x4096xf32>
    %eq3A_103 = arith.cmpf oeq, %select_n3A_98, %eq3A_102 : vector<512x4096xf32>
    %jit3A_104 = arith.constant 1073741824 : i32
    %broadcast_in_dim3A_105 = vector.broadcast %jit3A_104 : i32 to vector<512x4096xi32>
    %select_n3A_106 = arith.select %eq3A_103, %iota3A, %broadcast_in_dim3A_105 : vector<512x4096xi1>, vector<512x4096xi32>
    %reduce_min3A_107 = arith.constant dense<2147483647> : vector<512xi32>
    %reduce_min3A_108 = vector.multi_reduction <minsi>, %select_n3A_106, %reduce_min3A_107 [1] : vector<512x4096xi32> to vector<512xi32>
    %broadcast_in_dim3A_109 = vector.shape_cast %reduce_min3A_108 : vector<512xi32> to vector<512x1xi32>
    %eq3A_110 = vector.broadcast %broadcast_in_dim3A_109 : vector<512x1xi32> to vector<512x4096xi32>
    %eq3A_111 = arith.cmpi eq, %iota3A, %eq3A_110 : vector<512x4096xi32>
    %and3A_112 = arith.andi %eq3A_103, %eq3A_111 : vector<512x4096xi1>
    %jit3A_113 = arith.constant -1.000000e+30 : f32
    %broadcast_in_dim3A_114 = vector.broadcast %jit3A_113 : f32 to vector<512x4096xf32>
    %select_n3A_115 = arith.select %and3A_112, %broadcast_in_dim3A_114, %select_n3A_98 : vector<512x4096xi1>, vector<512x4096xf32>
    %reduce_max3A_116 = arith.constant dense<0xFF800000> : vector<512xf32>
    %reduce_max3A_117 = vector.multi_reduction <maximumf>, %select_n3A_115, %reduce_max3A_116 [1] : vector<512x4096xf32> to vector<512xf32>
    %broadcast_in_dim3A_118 = vector.shape_cast %reduce_max3A_117 : vector<512xf32> to vector<512x1xf32>
    %eq3A_119 = vector.broadcast %broadcast_in_dim3A_118 : vector<512x1xf32> to vector<512x4096xf32>
    %eq3A_120 = arith.cmpf oeq, %select_n3A_115, %eq3A_119 : vector<512x4096xf32>
    %jit3A_121 = arith.constant 1073741824 : i32
    %broadcast_in_dim3A_122 = vector.broadcast %jit3A_121 : i32 to vector<512x4096xi32>
    %select_n3A_123 = arith.select %eq3A_120, %iota3A, %broadcast_in_dim3A_122 : vector<512x4096xi1>, vector<512x4096xi32>
    %reduce_min3A_124 = arith.constant dense<2147483647> : vector<512xi32>
    %reduce_min3A_125 = vector.multi_reduction <minsi>, %select_n3A_123, %reduce_min3A_124 [1] : vector<512x4096xi32> to vector<512xi32>
    %broadcast_in_dim3A_126 = vector.shape_cast %reduce_min3A_125 : vector<512xi32> to vector<512x1xi32>
    %eq3A_127 = vector.broadcast %broadcast_in_dim3A_126 : vector<512x1xi32> to vector<512x4096xi32>
    %eq3A_128 = arith.cmpi eq, %iota3A, %eq3A_127 : vector<512x4096xi32>
    %and3A_129 = arith.andi %eq3A_120, %eq3A_128 : vector<512x4096xi1>
    %jit3A_130 = arith.constant -1.000000e+30 : f32
    %broadcast_in_dim3A_131 = vector.broadcast %jit3A_130 : f32 to vector<512x4096xf32>
    %select_n3A_132 = arith.select %and3A_129, %broadcast_in_dim3A_131, %select_n3A_115 : vector<512x4096xi1>, vector<512x4096xf32>
    %reduce_max3A_133 = arith.constant dense<0xFF800000> : vector<512xf32>
    %reduce_max3A_134 = vector.multi_reduction <maximumf>, %select_n3A_132, %reduce_max3A_133 [1] : vector<512x4096xf32> to vector<512xf32>
    %broadcast_in_dim3A_135 = vector.shape_cast %reduce_max3A_134 : vector<512xf32> to vector<512x1xf32>
    %eq3A_136 = vector.broadcast %broadcast_in_dim3A_135 : vector<512x1xf32> to vector<512x4096xf32>
    %eq3A_137 = arith.cmpf oeq, %select_n3A_132, %eq3A_136 : vector<512x4096xf32>
    %jit3A_138 = arith.constant 1073741824 : i32
    %broadcast_in_dim3A_139 = vector.broadcast %jit3A_138 : i32 to vector<512x4096xi32>
    %select_n3A_140 = arith.select %eq3A_137, %iota3A, %broadcast_in_dim3A_139 : vector<512x4096xi1>, vector<512x4096xi32>
    %reduce_min3A_141 = arith.constant dense<2147483647> : vector<512xi32>
    %reduce_min3A_142 = vector.multi_reduction <minsi>, %select_n3A_140, %reduce_min3A_141 [1] : vector<512x4096xi32> to vector<512xi32>
    %broadcast_in_dim3A_143 = vector.shape_cast %reduce_min3A_142 : vector<512xi32> to vector<512x1xi32>
    %concatenate3A = tpu.concatenate %broadcast_in_dim3A_18, %broadcast_in_dim3A_33, %broadcast_in_dim3A_50, %broadcast_in_dim3A_67, %broadcast_in_dim3A_84, %broadcast_in_dim3A_101, %broadcast_in_dim3A_118, %broadcast_in_dim3A_135 in 1 : vector<512x1xf32>, vector<512x1xf32>, vector<512x1xf32>, vector<512x1xf32>, vector<512x1xf32>, vector<512x1xf32>, vector<512x1xf32>, vector<512x1xf32> -> vector<512x8xf32>
    %div3A = arith.constant 1.000000e-01 : f32
    %div3A_144 = vector.broadcast %div3A : f32 to vector<512x8xf32>
    %div3A_145 = arith.divf %concatenate3A, %div3A_144 : vector<512x8xf32>
    %reduce_max3A_146 = arith.constant dense<0xFF800000> : vector<512xf32>
    %reduce_max3A_147 = vector.multi_reduction <maximumf>, %div3A_145, %reduce_max3A_146 [1] : vector<512x8xf32> to vector<512xf32>
    %broadcast_in_dim3A_148 = vector.shape_cast %reduce_max3A_147 : vector<512xf32> to vector<512x1xf32>
    %sub3A = vector.broadcast %broadcast_in_dim3A_148 : vector<512x1xf32> to vector<512x8xf32>
    %sub3A_149 = arith.subf %div3A_145, %sub3A : vector<512x8xf32>
    %exp3A = math.exp %sub3A_149 : vector<512x8xf32>
    %reduce_sum3A = arith.constant dense<0.000000e+00> : vector<512xf32>
    %reduce_sum3A_150 = vector.multi_reduction <add>, %exp3A, %reduce_sum3A [1] : vector<512x8xf32> to vector<512xf32>
    %broadcast_in_dim3A_151 = vector.shape_cast %reduce_sum3A_150 : vector<512xf32> to vector<512x1xf32>
    %div3A_152 = vector.broadcast %broadcast_in_dim3A_151 : vector<512x1xf32> to vector<512x8xf32>
    %div3A_153 = arith.divf %exp3A, %div3A_152 : vector<512x8xf32>
    %swap3A = arith.constant 0 : index
    %swap3A_154 = arith.constant 0 : index
    %swap3A_155 = arith.constant 0 : index
    %swap3A_156 = vector.load %arg4[%swap3A, %swap3A_154, %swap3A_155] : memref<1x512x8xf32, #tpu.memory_space<vmem>>, vector<1x512x8xf32>
    %swap3A_157 = vector.shape_cast %swap3A_156 : vector<1x512x8xf32> to vector<512x8xf32>
    %swap3A_158 = vector.shape_cast %div3A_153 : vector<512x8xf32> to vector<1x512x8xf32>
    tpu.vector_store %arg4[%swap3A, %swap3A_154, %swap3A_155], %swap3A_158 {strides = array<i32>} : memref<1x512x8xf32, #tpu.memory_space<vmem>>, vector<1x512x8xf32>,
    %concatenate3A_159 = tpu.concatenate %broadcast_in_dim3A_25, %broadcast_in_dim3A_41, %broadcast_in_dim3A_58, %broadcast_in_dim3A_75, %broadcast_in_dim3A_92, %broadcast_in_dim3A_109, %broadcast_in_dim3A_126, %broadcast_in_dim3A_143 in 1 : vector<512x1xi32>, vector<512x1xi32>, vector<512x1xi32>, vector<512x1xi32>, vector<512x1xi32>, vector<512x1xi32>, vector<512x1xi32>, vector<512x1xi32> -> vector<512x8xi32>
    %sub3A_160 = arith.constant 1 : i32
    %sub3A_161 = vector.broadcast %sub3A_160 : i32 to vector<512x8xi32>
    %sub3A_162 = arith.subi %concatenate3A_159, %sub3A_161 : vector<512x8xi32>
    %swap3A_163 = arith.constant 0 : index
    %swap3A_164 = arith.constant 0 : index
    %swap3A_165 = arith.constant 0 : index
    %swap3A_166 = vector.load %arg3[%swap3A_163, %swap3A_164, %swap3A_165] : memref<1x512x8xi32, #tpu.memory_space<vmem>>, vector<1x512x8xi32>
    %swap3A_167 = vector.shape_cast %swap3A_166 : vector<1x512x8xi32> to vector<512x8xi32>
    %swap3A_168 = vector.shape_cast %sub3A_162 : vector<512x8xi32> to vector<1x512x8xi32>
    tpu.vector_store %arg3[%swap3A_163, %swap3A_164, %swap3A_165], %swap3A_168 {strides = array<i32>} : memref<1x512x8xi32, #tpu.memory_space<vmem>>, vector<1x512x8xi32>,
    return
  }
  func.func @transform_0(%arg0: i32) -> (i32, i32, i32) {
    %c1_i32 = arith.constant 1 : i32
    %c0_i32 = arith.constant 0 : i32
    %c0_i32_0 = arith.constant 0 : i32
    return %c1_i32, %arg0, %c0_i32 : i32, i32, i32
  }
  func.func @transform_1(%arg0: i32) -> (i32, i32, i32) {
    %c1_i32 = arith.constant 1 : i32
    %c0_i32 = arith.constant 0 : i32
    %c0_i32_0 = arith.constant 0 : i32
    %c0_i32_1 = arith.constant 0 : i32
    return %c1_i32, %c0_i32, %c0_i32_0 : i32, i32, i32
  }
  func.func @transform_2(%arg0: i32) -> (i32, i32, i32) {
    %c0_i32 = arith.constant 0 : i32
    %c0_i32_0 = arith.constant 0 : i32
    %c0_i32_1 = arith.constant 0 : i32
    return %c0_i32, %arg0, %c0_i32_0 : i32, i32, i32
  }
  func.func @transform_3(%arg0: i32) -> (i32, i32, i32) {
    %c0_i32 = arith.constant 0 : i32
    %c0_i32_0 = arith.constant 0 : i32
    %c0_i32_1 = arith.constant 0 : i32
    return %c0_i32, %arg0, %c0_i32_0 : i32, i32, i32
  }
}

</mosaic_0001>

<sc_bundles>
// kernel: kernel.10.cloned.1.call-start
scs
__scs_entry_jumppad:
0x0: {  	(pc) =	sbr.rel $0x88, $3  }
0x1: {  	(tag) =	ssettag $0x0;
	lr =	simm.s32 $0x1  }
0x2: {  	[smem:$0x3F9A] =	sst lr;
	_ =	strace $0xD0000000  }
0x3: {  	_ = 	snop  }
0x4: {  	_ = 	snop  }
0x5: {  	_ = 	snop  }
0x6: {  	_ = 	snop  }
0x7: {  	_ = 	snop  }
__scs_overlays_trampoline_lowered:
0x8: {  	[smem:$0x3FA9] =	sst s0  }
0x9: {  	[smem:$0x3FAA] =	sst s1  }
0xa: {  	[smem:$0x3FAB] =	sst s2  }
0xb: {  	[smem:$0x3FAC] =	sst s3  }
0xc: {  	[smem:$0x3FAD] =	sst s4  }
0xd: {  	[smem:$0x3FAE] =	sst s5  }
0xe: {  	[smem:$0x3FAF] =	sst s6  }
0xf: {  	[smem:$0x3FB0] =	sst s7  }
0x10: {  	[smem:$0x3FB1] =	sst s8  }
0x11: {  	[smem:$0x3FB2] =	sst s9;
	s0 =	simm.s32 @!p0 $0x0  }
0x12: {  	s1 =	sld [smem:$0x3F98];
	s0 =	simm.s32 @p0 $0x1  }
0x13: {  	[smem:$0x3FB3] =	sst s0;
	s0 =	simm.s32 @!p1 $0x0  }
0x14: {  	s2 =	sld [smem:$0x3F97];
	s0 =	simm.s32 @p1 $0x1  }
0x15: {  	[smem:$0x3FB4] =	sst s0;
	s0 =	simm.s32 @!p2 $0x0  }
0x16: {  	s3 =	sld [smem:$0x3FDB];
	s0 =	simm.s32 @p2 $0x1  }
0x17: {  	s4 =	simm.s32 $0x1BF5;
	[smem:$0x3FB6] =	sst s0  }
0x18: {  	s0 =	sld [smem:$0x3F99];
	_ =	swait.ge [sflag:s4], $0x0  }
0x19: {  	s7 =	sld [smem:$0x3F9A]  }
0x1a: {  	s8 =	sadd.s32 $0xFFFFE003, lr  }
0x1b: {  	s9 =	sadd.s32 $0xFFFFFEF7, lr;
	s5 =	simm.s32 $0xFFFFFFFF;
	p2 =	slt.u32 s8, $0xFFFFF086  }
0x1c: {  	p1 =	slt.u32 s9, $0xF7A;
	s5 =	simm.s32 @!p2 $0x0  }
0x1d: {  	s5 =	simm.s32 @p1 $0x1;
	p0 =	seq.s32 s7, s2  }
0x1e: {  	s7 =	smul.u32 @!p0 $0xF7A, s2;
	p2 =	seq.s32 @!p0 s5, $0x0  }
0x1f: {  	s9 =	smul.u32 $0xF7A, s1;
	s8 =	simm.s32 @!p0 $0x1BF5;
	p2 =	por !p2, p0  }
0x20: {  	[sflag:s8] =	ssyncset.s32 @!p0 $0xFFFFF086;
	s6 =	sadd.s32 @!p0 s3, s7;
	s7 =	simm.s32 @!p0 $0x108  }
0x21: {  	s3 =	sadd.s32 s3, s9;
	s6 =	sadd.s32 @!p0 $0x88, s6;
	s7 =	simm.s32 @p2 $0x1082  }
0x22: {  	[simem:s7], [sflag:s8] =	dma.local @!p0 [hbm:s6], $0xF7A  }
0x23: {  	s9 =	sor.u32 $0xD0000000, s2;
	s6 =	simm.s32 $0x108;
	_ =	swait.ge @!p0 [sflag:s8], $0x0  }
0x24: {  	s3 =	sadd.s32 $0x88, s3;
	s6 =	simm.s32 @!p1 $0x1082;
	[sflag:s4] =	ssyncset.s32 $0xFFFFF086  }
0x25: {  	[simem:s6], [sflag:s4] =	dma.local [hbm:s3], $0xF7A  }
0x26: {  	[smem:$0x3F9A] =	sst s1;
	(tag) =	ssettag s2;
	_ =	strace s9  }
0x27: {  	s1 =	sld [smem:$0x3FAA]  }
0x28: {  	s2 =	sld [smem:$0x3FAB]  }
0x29: {  	s4 =	sld [smem:$0x3FAD]  }
0x2a: {  	p0 =	seq.s32 s5, $0x0;
	s5 =	sld [smem:$0x3FAE]  }
0x2b: {  	s6 =	sld [smem:$0x3FAF]  }
0x2c: {  	s7 =	sld [smem:$0x3FB0]  }
0x2d: {  	s3 =	simm.s32 $0x108;
	s8 =	sld [smem:$0x3FB1]  }
0x2e: {  	s3 =	simm.s32 @!p0 $0x1082;
	s9 =	sld [smem:$0x3FB2]  }
0x2f: {  	lr =	sadd.s32 s0, s3;
	s0 =	sld [smem:$0x3FA9]  }
0x30: {  	s3 =	sld [smem:$0x3FAC]  }
0x31: {  	[smem:$0x3FB5] =	sst s10  }
0x32: {  	s10 =	sld [smem:$0x3FB3];
	_ =	sdelay $0x3  }
0x33: {  	p0 =	seq.s32 s10, $0x1;
	s10 =	sld [smem:$0x3FB5];
	_ =	sdelay $0x3  }
0x34: {  	[smem:$0x3FB5] =	sst s10  }
0x35: {  	s10 =	sld [smem:$0x3FB4];
	_ =	sdelay $0x3  }
0x36: {  	p1 =	seq.s32 s10, $0x1;
	s10 =	sld [smem:$0x3FB5];
	_ =	sdelay $0x3  }
0x37: {  	[smem:$0x3FB5] =	sst s10  }
0x38: {  	s10 =	sld [smem:$0x3FB6]  }
0x39: {  	_ = 	snop;
	(pc) =	sbr.ind lr, $3  }
0x3a: {  	_ = 	snop  }
0x3b: {  	_ = 	snop  }
0x3c: {  	p2 =	seq.s32 s10, $0x1;
	s10 =	sld [smem:$0x3FB5]  }
0x3d: {  	_ =	shalt  }
0x3e: {  	_ =	shalt  }
0x3f: {  	_ =	shalt  }
0x40: {  	_ =	shalt  }
0x41: {  	_ =	shalt  }
0x42: {  	_ =	shalt  }
0x43: {  	_ =	shalt  }
0x44: {  	_ =	shalt  }
0x45: {  	_ =	shalt  }
0x46: {  	_ =	shalt  }
0x47: {  	_ =	shalt  }
0x48: {  	_ =	shalt  }
0x49: {  	_ =	shalt  }
0x4a: {  	_ =	shalt  }
0x4b: {  	_ =	shalt  }
0x4c: {  	_ =	shalt  }
0x4d: {  	_ =	shalt  }
0x4e: {  	_ =	shalt  }
0x4f: {  	_ =	shalt  }
0x50: {  	_ =	shalt  }
0x51: {  	_ =	shalt  }
0x52: {  	_ =	shalt  }
0x53: {  	_ =	shalt  }
0x54: {  	_ =	shalt  }
0x55: {  	_ =	shalt  }
0x56: {  	_ =	shalt  }
0x57: {  	_ =	shalt  }
0x58: {  	_ =	shalt  }
0x59: {  	_ =	shalt  }
0x5a: {  	_ =	shalt  }
0x5b: {  	_ =	shalt  }
0x5c: {  	_ =	shalt  }
0x5d: {  	_ =	shalt  }
0x5e: {  	_ =	shalt  }
0x5f: {  	_ =	shalt  }
0x60: {  	_ =	shalt  }
0x61: {  	_ =	shalt  }
0x62: {  	_ =	shalt  }
0x63: {  	_ =	shalt  }
0x64: {  	_ =	shalt  }
0x65: {  	_ =	shalt  }
0x66: {  	_ =	shalt  }
0x67: {  	_ =	shalt  }
0x68: {  	_ =	shalt  }
0x69: {  	_ =	shalt  }
0x6a: {  	_ =	shalt  }
0x6b: {  	_ =	shalt  }
0x6c: {  	_ =	shalt  }
0x6d: {  	_ =	shalt  }
0x6e: {  	_ =	shalt  }
0x6f: {  	_ =	shalt  }
0x70: {  	_ =	shalt  }
0x71: {  	_ =	shalt  }
0x72: {  	_ =	shalt  }
0x73: {  	_ =	shalt  }
0x74: {  	_ =	shalt  }
0x75: {  	_ =	shalt  }
0x76: {  	_ =	shalt  }
0x77: {  	_ =	shalt  }
0x78: {  	_ =	shalt  }
0x79: {  	_ =	shalt  }
0x7a: {  	_ =	shalt  }
0x7b: {  	_ =	shalt  }
0x7c: {  	_ =	shalt  }
0x7d: {  	_ =	shalt  }
0x7e: {  	_ =	shalt  }
0x7f: {  	_ =	shalt  }
0x80: {  	_ =	shalt  }
0x81: {  	_ =	shalt  }
0x82: {  	_ =	shalt  }
0x83: {  	_ =	shalt  }
0x84: {  	_ =	shalt  }
0x85: {  	_ =	shalt  }
0x86: {  	_ =	shalt  }
0x87: {  	_ =	shalt  }
.Lfunc_end0:
.L_simem_size_0:
called_computation.1_lowered:
.L_overlay_start_0:
0x88: {  	s2 =	sld [smem:$0x3FD9]  }
0x89: {  	s3 =	sld [smem:$0x3FFE];
	_ =	sdelay $0x1  }
0x8a: {  	s1 =	srdreg.scid  }
0x8b: {  	s0 =	sand.u32 $0x1, s1  }
0x8c: {  	s15 =	sshll.u32 s0, $0xA;
	s2 =	sadd.s32 s3, s2  }
0x8d: {  	s2 =	sadd.s32 s2, s15  }
0x8e: {  	[smem:$0x3FC1] =	sst s2  }
0x8f: {  	_ = 	snop  }
0x90: {  	s2 =	sld [smem:$0x3FD0];
	_ =	sdelay $0x2  }
0x91: {  	s16 =	simm.s32 $0xB;
	s4 =	simm.s32 $0x10  }
0x92: {  	[smem:s4], [sflag:s16] =	dma.local [hbm:s2], $0x1  }
0x93: {  	_ =	swait.eq [sflag:s16], $0x1  }
0x94: {  	[sflag:s16] =	ssyncset.done $0x0  }
0x95: {  	[sflag:s16] =	ssyncadd.s32 $0xFFFFFFFF  }
0x96: {  	s17 =	sld [smem:$0x12];
	(tm) =	ssettm $0x1  }
0x97: {  	s18 =	sld [smem:$0x3FFB];
	_ =	sdelay $0x3  }
0x98: {  	_ =	strace s18  }
0x99: {  	s2 =	sld [smem:$0x3FFC];
	_ =	sdelay $0x3  }
0x9a: {  	_ =	strace s2  }
0x9b: {  	s2 =	sld [smem:$0x3FFD];
	_ =	sdelay $0x3  }
0x9c: {  	_ =	strace s2  }
0x9d: {  	_ =	strace $0x8FFFFFFF  }
0x9e: {  	s19 =	sld [smem:$0x3FDB];
	_ =	sdelay $0x1  }
0x9f: {  	s20 =	simm.s32 $_scs_section_size  }
0xa0: {  	s5 =	simm.s32 $_size__tile_overlayer_lowered;
	s6 =	simm.s32 $_tile_overlayer_lowered  }
0xa1: {  	s7 =	simm.s32 $0x1BFF;
	s21 =	sshll.u32 s6, $0x1;
	s4 =	sadd.s32 s20, s19  }
0xa2: {  	s22 =	simm.s32 $0x0;
	s5 =	sshll.u32 s5, $0x1;
	s6 =	sadd.s32 s21, s4  }
0xa3: {  	[timem:s22], [sflag:s7] =	dma.local [hbm:s6], s5  }
0xa4: {  	_ =	swait.ge [sflag:s7], s5  }
0xa5: {  	s5 =	ssub.s32 $0x0, s5;
	[sflag:s7] =	ssyncset.done $0x0  }
0xa6: {  	[sflag:s7] =	ssyncadd.s32 s5;
	_ =	sdelay $0x1  }
0xa7: {  	s23 =	simm.s32 $0x1B8B  }
0xa8: {  	_ =	swait.ge [sflag:s23], $0x1  }
0xa9: {  	[sflag:s23] =	ssyncset.done $0x0  }
0xaa: {  	[sflag:s23] =	ssyncadd.s32 $0xFFFFFFFF  }
0xab: {  	s5 =	sld [smem:$0x0]  }
0xac: {  	s6 =	sand.u32 $0xFFFFFFFE, s1  }
0xad: {  	p0 =	sne.s32 s1, s6  }
0xae: {  	s6 =	sshll.u32 @p0 s6, $0xE  }
0xaf: {  	s6 =	sadd.s32 @p0 $0x11B8D, s6;
	s7 =	sshll.u32 @p0 s5, $0x11  }
0xb0: {  	s6 =	sor.u32 @p0 s7, s6  }
0xb1: {  	[sflag:s6] =	ssyncadd.remote.s32 @p0 $0x1;
	_ =	sdelay $0x1  }
0xb2: {  	s6 =	simm.s32 @p0 $0x1B8D  }
0xb3: {  	_ =	swait.eq @p0 [sflag:s6], $0x1  }
0xb4: {  	[sflag:s6] =	ssyncadd.s32 @p0 $0xFFFFFFFF  }
0xb5: {  	s7 =	sshll.u32 @!p0 s1, $0xE  }
0xb6: {  	s7 =	sor.u32 @!p0 $0x4000, s7;
	s6 =	simm.s32 @!p0 $0x1B8D  }
0xb7: {  	s5 =	sshll.u32 @!p0 s5, $0x11;
	s7 =	sadd.s32 @!p0 $0x11B8D, s7;
	_ =	swait.eq @!p0 [sflag:s6], $0x1  }
0xb8: {  	s5 =	sor.u32 @!p0 s5, s7;
	[sflag:s6] =	ssyncadd.s32 @!p0 $0xFFFFFFFF  }
0xb9: {  	s25 =	simm.s32 $0x1B8E;
	s24 =	sld [smem:$0x3FFE];
	[sflag:s5] =	ssyncadd.remote.s32 @!p0 $0x1  }
0xba: {  	s26 =	simm.s32 $execute0_lowered;
	[smem:$0x3FD2] =	sst s25  }
0xbb: {  	s6 =	sshll.u32 s26, $0x1;
	_ =	strace $0x80000049;
	[dreg:$0x1] =	wrdreg $0xFFFFFFFF  }
0xbc: {  	s28 =	simm.s32 $_size_execute0_lowered;
	s4 =	sadd.s32 s4, s6;
	[dreg:$0x0] =	wrdreg $0x0  }
0xbd: {  	s6 =	sshll.u32 s28, $0x1;
	[dreg:$0x2] =	wrdreg s4  }
0xbe: {  	[dreg:$0x3] =	wrdreg s6  }
0xbf: {  	[dreg:$0x4] =	wrdreg $0xC0  }
0xc0: {  	_ =	task [dreg:s22], $0x5FFFF  }
0xc1: {  	[dreg:$0x1] =	wrdreg $0xFFFFFFFF  }
0xc2: {  	[dreg:$0x0] =	wrdreg $0x60  }
0xc3: {  	[dreg:$0x2] =	wrdreg s24  }
0xc4: {  	[dreg:$0x3] =	wrdreg s17  }
0xc5: {  	[dreg:$0x4] =	wrdreg $0xA  }
0xc6: {  	_ =	task.clear_ibuf [dreg:s22], $0x5FFFF;
	_ =	strace $0x90000049  }
0xc7: {  	s29 =	simm.s32 $0xA;
	_ =	strace $0x8000004B  }
0xc8: {  	_ =	swait.ge [sflag:s29], $0x1  }
0xc9: {  	[sflag:s29] =	ssyncadd.s32 $0xFFFFFFFF  }
0xca: {  	_ =	strace $0x9000004B  }
0xcb: {  	_ =	sfence  }
0xcc: {  	s30 =	sld [smem:$0x0];
	_ =	sdelay $0x2  }
0xcd: {  	s31 =	sshll.u32 s1, $0xD;
	s1 =	sshrl.u32 s1, $0x2  }
0xce: {  	s4 =	sand.u32 $0x4000, s31;
	s1 =	sadd.s32 s1, s30  }
0xcf: {  	s0 =	sor.u32 s4, s0;
	s1 =	sshll.u32 s1, $0x11  }
0xd0: {  	s0 =	sor.u32 s1, s0  }
0xd1: {  	s0 =	sadd.s32 $0x8F2B, s0  }
0xd2: {  	[sflag:s0] =	ssyncadd.remote.s32 $0x1  }
0xd3: {  	_ =	sfence.sel $0xFFFF  }
0xd4: {  	[dreg:$0x0] =	wrdreg $0xFFFFFFFF;
	(pc) =	sbr.abs _section_cstart, $3  }
0xd5: {  	[dreg:$0x1] =	wrdreg $0xFFFFFFFF  }
0xd6: {  	_ =	task.clear_ibuf [dreg:s22], $0x2FFFF;
	_ =	strace $0x9FFFFFFF  }
0xd7: {  	(tm) =	ssettm $0x7FFFFFFF  }
tec
execute0_lowered:
.L_overlay_start_1:
0x0: {  	(tag) =	ssettag $0x1  }
0x1: {  	s0 =	rddreg [dreg:$0x0]  }
0x2: {  	s1 =	rddreg [dreg:$0x1];
	s4 =	simm.s32 $0x0;
	s3 =	srdreg.scid  }
0x3: {  	s2 =	stileid.u32;
	s12 =	simm.s32 $0x3;
	s15 =	simm.s32 $0x1  }
0x4: {  	s23 =	simm.s32 $0x18800;
	s19 =	simm.s32 $0x2;
	[smem:$0x7FF] =	sst s4  }
0x5: {  	s3 =	sand.u32 $0x1, s3;
	s29 =	sshll.u32 s2, $0x1;
	s5 =	sadd.s32 $0x2A00, s0  }
0x6: {  	_ =	strace $0x8000004A;
	s6 =	sor.u32 s3, s29;
	s7 =	ssub.s32 $0x2, s3  }
0x7: {  	s3 =	sadd.s32 $0x181A00, s0;
	s4 =	sshll.u32 s6, $0x7;
	s8 =	sshrl.u32 s7, $0x1  }
0x8: {  	s10 =	sshll.u32 s6, $0x4;
	s9 =	sadd.s32 s4, s0;
	s1 =	sadd.s32 s1, s4  }
0x9: {  	v2 =	vlaneseq.u32;
	s7 =	ssub.s32 s7, s8;
	[dreg:$0x3] =	wrdreg s1;
	s30 =	sadd.s32 $0x1A00, s9  }
0xa: {  	vm0 =	vmmov $0xffff;
	v1 =	vshrl.u32 v2, $0x3;
	s8 =	sadd.s32 $0x181B00, s0;
	s31 =	smax.u32 s7, $0x1;
	[dreg:$0x4] =	wrdreg s30  }
0xb: {  	v0 =	vand.u32 $0x7, v2;
	v2 =	vor.u32 $0x8, v2;
	v1 =	vmul.u32 $0x8, v1;
	s9 =	sadd.s32 $0x181C00, s0;
	s1 =	simm.s32 $0x0;
	[dreg:$0x5] =	wrdreg s31  }
.LBB2_1:
0xc: {  	[dreg:$0x6] =	wrdreg s1  }
0xd: {  	s0 =	simm.s32 $0x0;
	s24 =	rddreg [dreg:$0x3]  }
0xe: {  	[tilespmem:s0], [sflag:$0x3] =	stream.linear.gather [hbm4b:s24+s0], $0x400, $0x38;
	[tilespmem:$0x1A000] =	vst v63  }
0xf: {  	_ =	swait.ge [sflag:s12], $0x400  }
0x10: {  	[sflag:s12] =	ssyncset.done $0x0  }
0x11: {  	s2 =	simm.s32 $0x400;
	s25 =	rddreg [dreg:$0x4];
	[sflag:s12] =	ssyncadd.s32 $0xFFFFFC00  }
0x12: {  	[tilespmem:s2], [sflag:$0x3] =	stream.linear.gather [hbm4b:s25+s0], $0x400, $0x38;
	[tilespmem:$0x1A000] =	vst v63  }
0x13: {  	_ =	swait.ge [sflag:s12], $0x400  }
0x14: {  	[sflag:s12] =	ssyncset.done $0x0  }
0x15: {  	[sflag:s12] =	ssyncadd.s32 $0xFFFFFC00  }
0x16: {  	v3 =	vld [tilespmem:$0x0];
	_ =	sdelay $0x4  }
0x17: {  	v4 =	vshrl.u32 v3, $0x3  }
0x18: {  	v4 =	vmul.u32 $0x30, v4  }
0x19: {  	v3 =	vand.u32 $0x7, v3  }
0x1a: {  	v3 =	vor.u32 v3, v4  }
0x1b: {  	v4 =	vperm.xlane v3, v0;
	_ =	sdelay $0x1  }
0x1c: {  	v4 =	vadd.s32 v1, v4;
	_ =	sdelay $0x3  }
0x1d: {  	s26 =	simm.s32 $0x800;
	v3 =	vperm.xlane v3, v2  }
0x1e: {  	[tilespmem:s26], [sflag:$0x1] =	stream.indirect_vreg.gather [hbm4b:s3+s0], $0x80, v4, vm0, $0xb8;
	[tilespmem:$0x1A000] =	vst v63  }
0x1f: {  	s28 =	simm.s32 $0x1000;
	v3 =	vadd.s32 v1, v3  }
0x20: {  	[tilespmem:s28], [sflag:$0x1] =	stream.indirect_vreg.gather [hbm4b:s8+s0], $0x80, v4, vm0, $0xb8;
	[tilespmem:$0x1A000] =	vst v63  }
0x21: {  	s29 =	simm.s32 $0x1800  }
0x22: {  	[tilespmem:s29], [sflag:$0x1] =	stream.indirect_vreg.gather [hbm4b:s9+s0], $0x80, v4, vm0, $0xb8;
	[tilespmem:$0x1A000] =	vst v63  }
0x23: {  	s30 =	simm.s32 $0x2000  }
0x24: {  	[tilespmem:s30], [sflag:$0x1] =	stream.indirect_vreg.gather [hbm4b:s3+s0], $0x80, v3, vm0, $0xb8;
	[tilespmem:$0x1A000] =	vst v63  }
0x25: {  	s31 =	simm.s32 $0x2800  }
0x26: {  	[tilespmem:s31], [sflag:$0x1] =	stream.indirect_vreg.gather [hbm4b:s8+s0], $0x80, v3, vm0, $0xb8;
	[tilespmem:$0x1A000] =	vst v63  }
0x27: {  	s2 =	simm.s32 $0x3000  }
0x28: {  	[tilespmem:s2], [sflag:$0x1] =	stream.indirect_vreg.gather [hbm4b:s9+s0], $0x80, v3, vm0, $0xb8;
	[tilespmem:$0x1A000] =	vst v63  }
0x29: {  	v3 =	vld [tilespmem:$0x10];
	_ =	sdelay $0x4  }
0x2a: {  	v61 =	vshrl.u32 v3, $0x3  }
0x2b: {  	v4 =	vmul.u32 $0x30, v61  }
0x2c: {  	v3 =	vand.u32 $0x7, v3  }
0x2d: {  	v3 =	vor.u32 v3, v4  }
0x2e: {  	v4 =	vperm.xlane v3, v0;
	_ =	sdelay $0x1  }
0x2f: {  	v4 =	vadd.s32 v1, v4;
	_ =	sdelay $0x3  }
0x30: {  	s6 =	simm.s32 $0x3800;
	v3 =	vperm.xlane v3, v2  }
0x31: {  	[tilespmem:s6], [sflag:$0x1] =	stream.indirect_vreg.gather [hbm4b:s3+s0], $0x80, v4, vm0, $0xb8;
	[tilespmem:$0x1A000] =	vst v63  }
0x32: {  	s7 =	simm.s32 $0x4000;
	v3 =	vadd.s32 v1, v3  }
0x33: {  	[tilespmem:s7], [sflag:$0x1] =	stream.indirect_vreg.gather [hbm4b:s8+s0], $0x80, v4, vm0, $0xb8;
	[tilespmem:$0x1A000] =	vst v63  }
0x34: {  	s11 =	simm.s32 $0x4800  }
0x35: {  	[tilespmem:s11], [sflag:$0x1] =	stream.indirect_vreg.gather [hbm4b:s9+s0], $0x80, v4, vm0, $0xb8;
	[tilespmem:$0x1A000] =	vst v63  }
0x36: {  	s13 =	simm.s32 $0x5000  }
0x37: {  	[tilespmem:s13], [sflag:$0x1] =	stream.indirect_vreg.gather [hbm4b:s3+s0], $0x80, v3, vm0, $0xb8;
	[tilespmem:$0x1A000] =	vst v63  }
0x38: {  	s14 =	simm.s32 $0x5800  }
0x39: {  	[tilespmem:s14], [sflag:$0x1] =	stream.indirect_vreg.gather [hbm4b:s8+s0], $0x80, v3, vm0, $0xb8;
	[tilespmem:$0x1A000] =	vst v63  }
0x3a: {  	s16 =	simm.s32 $0x6000  }
0x3b: {  	[tilespmem:s16], [sflag:$0x1] =	stream.indirect_vreg.gather [hbm4b:s9+s0], $0x80, v3, vm0, $0xb8;
	[tilespmem:$0x1A000] =	vst v63  }
0x3c: {  	v3 =	vld [tilespmem:$0x20];
	_ =	sdelay $0x4  }
0x3d: {  	v62 =	vshrl.u32 v3, $0x3  }
0x3e: {  	v4 =	vmul.u32 $0x30, v62  }
0x3f: {  	v3 =	vand.u32 $0x7, v3  }
0x40: {  	v3 =	vor.u32 v3, v4  }
0x41: {  	v4 =	vperm.xlane v3, v0;
	_ =	sdelay $0x1  }
0x42: {  	v4 =	vadd.s32 v1, v4;
	_ =	sdelay $0x3  }
0x43: {  	s17 =	simm.s32 $0x6800;
	v3 =	vperm.xlane v3, v2  }
0x44: {  	[tilespmem:s17], [sflag:$0x1] =	stream.indirect_vreg.gather [hbm4b:s3+s0], $0x80, v4, vm0, $0xb8;
	[tilespmem:$0x1A000] =	vst v63  }
0x45: {  	s18 =	simm.s32 $0x7000;
	v3 =	vadd.s32 v1, v3  }
0x46: {  	[tilespmem:s18], [sflag:$0x1] =	stream.indirect_vreg.gather [hbm4b:s8+s0], $0x80, v4, vm0, $0xb8;
	[tilespmem:$0x1A000] =	vst v63  }
0x47: {  	s20 =	simm.s32 $0x7800  }
0x48: {  	[tilespmem:s20], [sflag:$0x1] =	stream.indirect_vreg.gather [hbm4b:s9+s0], $0x80, v4, vm0, $0xb8;
	[tilespmem:$0x1A000] =	vst v63  }
0x49: {  	s21 =	simm.s32 $0x8000  }
0x4a: {  	[tilespmem:s21], [sflag:$0x1] =	stream.indirect_vreg.gather [hbm4b:s3+s0], $0x80, v3, vm0, $0xb8;
	[tilespmem:$0x1A000] =	vst v63  }
0x4b: {  	s22 =	simm.s32 $0x8800  }
0x4c: {  	[tilespmem:s22], [sflag:$0x1] =	stream.indirect_vreg.gather [hbm4b:s8+s0], $0x80, v3, vm0, $0xb8;
	[tilespmem:$0x1A000] =	vst v63  }
0x4d: {  	s24 =	simm.s32 $0x9000  }
0x4e: {  	[tilespmem:s24], [sflag:$0x1] =	stream.indirect_vreg.gather [hbm4b:s9+s0], $0x80, v3, vm0, $0xb8;
	[tilespmem:$0x1A000] =	vst v63  }
0x4f: {  	v3 =	vld [tilespmem:$0x30];
	_ =	sdelay $0x4  }
0x50: {  	v63 =	vshrl.u32 v3, $0x3  }
0x51: {  	v4 =	vmul.u32 $0x30, v63  }
0x52: {  	v3 =	vand.u32 $0x7, v3  }
0x53: {  	v3 =	vor.u32 v3, v4  }
0x54: {  	v4 =	vperm.xlane v3, v0;
	_ =	sdelay $0x1  }
0x55: {  	v4 =	vadd.s32 v1, v4;
	_ =	sdelay $0x3  }
0x56: {  	s25 =	simm.s32 $0x9800;
	v3 =	vperm.xlane v3, v2  }
0x57: {  	[tilespmem:s25], [sflag:$0x1] =	stream.indirect_vreg.gather [hbm4b:s3+s0], $0x80, v4, vm0, $0xb8;
	[tilespmem:$0x1A000] =	vst v63  }
0x58: {  	s26 =	simm.s32 $0xA000;
	v3 =	vadd.s32 v1, v3  }
0x59: {  	[tilespmem:s26], [sflag:$0x1] =	stream.indirect_vreg.gather [hbm4b:s8+s0], $0x80, v4, vm0, $0xb8;
	[tilespmem:$0x1A000] =	vst v63  }
0x5a: {  	s28 =	simm.s32 $0xA800  }
0x5b: {  	[tilespmem:s28], [sflag:$0x1] =	stream.indirect_vreg.gather [hbm4b:s9+s0], $0x80, v4, vm0, $0xb8;
	[tilespmem:$0x1A000] =	vst v63  }
0x5c: {  	s29 =	simm.s32 $0xB000  }
0x5d: {  	[tilespmem:s29], [sflag:$0x1] =	stream.indirect_vreg.gather [hbm4b:s3+s0], $0x80, v3, vm0, $0xb8;
	[tilespmem:$0x1A000] =	vst v63  }
0x5e: {  	s30 =	simm.s32 $0xB800  }
0x5f: {  	[tilespmem:s30], [sflag:$0x1] =	stream.indirect_vreg.gather [hbm4b:s8+s0], $0x80, v3, vm0, $0xb8;
	[tilespmem:$0x1A000] =	vst v63  }
0x60: {  	s31 =	simm.s32 $0xC000;
	s24 =	simm.s32 $0x0  }
0x61: {  	[tilespmem:s31], [sflag:$0x1] =	stream.indirect_vreg.gather [hbm4b:s9+s0], $0x80, v3, vm0, $0xb8;
	[tilespmem:$0x1A000] =	vst v63  }
.LBB2_2:
0x62: {  	s17 =	sshllo.u32 s24, $0x1  }
0x63: {  	s25 =	sshll.u32 s17, $0x6  }
0x64: {  	v3 =	vld [tilespmem:s25+$0x0];
	_ =	sdelay $0x4  }
0x65: {  	v4 =	vshrl.u32 v3, $0x3  }
0x66: {  	v4 =	vmul.u32 $0x30, v4  }
0x67: {  	v3 =	vand.u32 $0x7, v3  }
0x68: {  	v3 =	vor.u32 v3, v4  }
0x69: {  	v4 =	vperm.xlane v3, v0;
	_ =	sdelay $0x1  }
0x6a: {  	v4 =	vadd.s32 v1, v4;
	_ =	sdelay $0x3  }
0x6b: {  	s26 =	simm.s32 $0x0;
	s0 =	simm.s32 $0xC800;
	v3 =	vperm.xlane v3, v2  }
0x6c: {  	[tilespmem:s0], [sflag:$0x2] =	stream.indirect_vreg.gather [hbm4b:s3+s26], $0x80, v4, vm0, $0xb8;
	[tilespmem:$0x1A000] =	vst v63  }
0x6d: {  	s14 =	simm.s32 $0xD000;
	v3 =	vadd.s32 v1, v3  }
0x6e: {  	[tilespmem:s14], [sflag:$0x2] =	stream.indirect_vreg.gather [hbm4b:s8+s26], $0x80, v4, vm0, $0xb8;
	[tilespmem:$0x1A000] =	vst v63  }
0x6f: {  	s16 =	simm.s32 $0xD800  }
0x70: {  	[tilespmem:s16], [sflag:$0x2] =	stream.indirect_vreg.gather [hbm4b:s9+s26], $0x80, v4, vm0, $0xb8;
	[tilespmem:$0x1A000] =	vst v63  }
0x71: {  	s18 =	simm.s32 $0xE000  }
0x72: {  	[tilespmem:s18], [sflag:$0x2] =	stream.indirect_vreg.gather [hbm4b:s3+s26], $0x80, v3, vm0, $0xb8;
	[tilespmem:$0x1A000] =	vst v63  }
0x73: {  	s20 =	simm.s32 $0xE800  }
0x74: {  	[tilespmem:s20], [sflag:$0x2] =	stream.indirect_vreg.gather [hbm4b:s8+s26], $0x80, v3, vm0, $0xb8;
	[tilespmem:$0x1A000] =	vst v63  }
0x75: {  	s21 =	simm.s32 $0xF000  }
0x76: {  	[tilespmem:s21], [sflag:$0x2] =	stream.indirect_vreg.gather [hbm4b:s9+s26], $0x80, v3, vm0, $0xb8;
	[tilespmem:$0x1A000] =	vst v63  }
0x77: {  	v3 =	vld [tilespmem:s25+$0x10];
	_ =	sdelay $0x4  }
0x78: {  	v4 =	vshrl.u32 v3, $0x3  }
0x79: {  	v4 =	vmul.u32 $0x30, v4  }
0x7a: {  	v3 =	vand.u32 $0x7, v3  }
0x7b: {  	v3 =	vor.u32 v3, v4  }
0x7c: {  	v4 =	vperm.xlane v3, v0;
	_ =	sdelay $0x1  }
0x7d: {  	v4 =	vadd.s32 v1, v4;
	_ =	sdelay $0x3  }
0x7e: {  	s22 =	simm.s32 $0xF800;
	v3 =	vperm.xlane v3, v2  }
0x7f: {  	[tilespmem:s22], [sflag:$0x2] =	stream.indirect_vreg.gather [hbm4b:s3+s26], $0x80, v4, vm0, $0xb8;
	[tilespmem:$0x1A000] =	vst v63  }
0x80: {  	s29 =	simm.s32 $0x10000;
	v3 =	vadd.s32 v1, v3  }
0x81: {  	[tilespmem:s29], [sflag:$0x2] =	stream.indirect_vreg.gather [hbm4b:s8+s26], $0x80, v4, vm0, $0xb8;
	[tilespmem:$0x1A000] =	vst v63  }
0x82: {  	s30 =	simm.s32 $0x10800  }
0x83: {  	[tilespmem:s30], [sflag:$0x2] =	stream.indirect_vreg.gather [hbm4b:s9+s26], $0x80, v4, vm0, $0xb8;
	[tilespmem:$0x1A000] =	vst v63  }
0x84: {  	s31 =	simm.s32 $0x11000  }
0x85: {  	[tilespmem:s31], [sflag:$0x2] =	stream.indirect_vreg.gather [hbm4b:s3+s26], $0x80, v3, vm0, $0xb8;
	[tilespmem:$0x1A000] =	vst v63  }
0x86: {  	s1 =	simm.s32 $0x11800  }
0x87: {  	[tilespmem:s1], [sflag:$0x2] =	stream.indirect_vreg.gather [hbm4b:s8+s26], $0x80, v3, vm0, $0xb8;
	[tilespmem:$0x1A000] =	vst v63  }
0x88: {  	s2 =	simm.s32 $0x12000  }
0x89: {  	[tilespmem:s2], [sflag:$0x2] =	stream.indirect_vreg.gather [hbm4b:s9+s26], $0x80, v3, vm0, $0xb8;
	[tilespmem:$0x1A000] =	vst v63  }
0x8a: {  	v3 =	vld [tilespmem:s25+$0x20];
	_ =	sdelay $0x4  }
0x8b: {  	v4 =	vshrl.u32 v3, $0x3  }
0x8c: {  	v4 =	vmul.u32 $0x30, v4  }
0x8d: {  	v3 =	vand.u32 $0x7, v3  }
0x8e: {  	v3 =	vor.u32 v3, v4  }
0x8f: {  	v4 =	vperm.xlane v3, v0;
	_ =	sdelay $0x1  }
0x90: {  	v4 =	vadd.s32 v1, v4;
	_ =	sdelay $0x3  }
0x91: {  	s6 =	simm.s32 $0x12800;
	v3 =	vperm.xlane v3, v2  }
0x92: {  	[tilespmem:s6], [sflag:$0x2] =	stream.indirect_vreg.gather [hbm4b:s3+s26], $0x80, v4, vm0, $0xb8;
	[tilespmem:$0x1A000] =	vst v63  }
0x93: {  	s7 =	simm.s32 $0x13000;
	v3 =	vadd.s32 v1, v3  }
0x94: {  	[tilespmem:s7], [sflag:$0x2] =	stream.indirect_vreg.gather [hbm4b:s8+s26], $0x80, v4, vm0, $0xb8;
	[tilespmem:$0x1A000] =	vst v63  }
0x95: {  	s11 =	simm.s32 $0x13800  }
0x96: {  	[tilespmem:s11], [sflag:$0x2] =	stream.indirect_vreg.gather [hbm4b:s9+s26], $0x80, v4, vm0, $0xb8;
	[tilespmem:$0x1A000] =	vst v63  }
0x97: {  	s13 =	simm.s32 $0x14000  }
0x98: {  	[tilespmem:s13], [sflag:$0x2] =	stream.indirect_vreg.gather [hbm4b:s3+s26], $0x80, v3, vm0, $0xb8;
	[tilespmem:$0x1A000] =	vst v63  }
0x99: {  	s14 =	simm.s32 $0x14800  }
0x9a: {  	[tilespmem:s14], [sflag:$0x2] =	stream.indirect_vreg.gather [hbm4b:s8+s26], $0x80, v3, vm0, $0xb8;
	[tilespmem:$0x1A000] =	vst v63  }
0x9b: {  	s16 =	simm.s32 $0x15000  }
0x9c: {  	[tilespmem:s16], [sflag:$0x2] =	stream.indirect_vreg.gather [hbm4b:s9+s26], $0x80, v3, vm0, $0xb8;
	[tilespmem:$0x1A000] =	vst v63  }
0x9d: {  	v3 =	vld [tilespmem:s25+$0x30];
	_ =	sdelay $0x4  }
0x9e: {  	v4 =	vshrl.u32 v3, $0x3  }
0x9f: {  	v4 =	vmul.u32 $0x30, v4  }
0xa0: {  	v3 =	vand.u32 $0x7, v3  }
0xa1: {  	v3 =	vor.u32 v3, v4  }
0xa2: {  	v4 =	vperm.xlane v3, v0;
	_ =	sdelay $0x1  }
0xa3: {  	v4 =	vadd.s32 v1, v4;
	_ =	sdelay $0x3  }
0xa4: {  	s18 =	simm.s32 $0x15800;
	v3 =	vperm.xlane v3, v2  }
0xa5: {  	[tilespmem:s18], [sflag:$0x2] =	stream.indirect_vreg.gather [hbm4b:s3+s26], $0x80, v4, vm0, $0xb8;
	[tilespmem:$0x1A000] =	vst v63  }
0xa6: {  	s20 =	simm.s32 $0x16000;
	v3 =	vadd.s32 v1, v3  }
0xa7: {  	[tilespmem:s20], [sflag:$0x2] =	stream.indirect_vreg.gather [hbm4b:s8+s26], $0x80, v4, vm0, $0xb8;
	[tilespmem:$0x1A000] =	vst v63  }
0xa8: {  	s21 =	simm.s32 $0x16800  }
0xa9: {  	[tilespmem:s21], [sflag:$0x2] =	stream.indirect_vreg.gather [hbm4b:s9+s26], $0x80, v4, vm0, $0xb8;
	[tilespmem:$0x1A000] =	vst v63  }
0xaa: {  	s22 =	simm.s32 $0x17000  }
0xab: {  	[tilespmem:s22], [sflag:$0x2] =	stream.indirect_vreg.gather [hbm4b:s3+s26], $0x80, v3, vm0, $0xb8;
	[tilespmem:$0x1A000] =	vst v63  }
0xac: {  	s29 =	simm.s32 $0x17800  }
0xad: {  	[tilespmem:s29], [sflag:$0x2] =	stream.indirect_vreg.gather [hbm4b:s8+s26], $0x80, v3, vm0, $0xb8;
	[tilespmem:$0x1A000] =	vst v63  }
0xae: {  	s30 =	simm.s32 $0x18000;
	s20 =	sshll.u32 s24, $0x9  }
0xaf: {  	[tilespmem:s30], [sflag:$0x2] =	stream.indirect_vreg.gather [hbm4b:s9+s26], $0x80, v3, vm0, $0xb8;
	[tilespmem:$0x1A000] =	vst v63  }
0xb0: {  	s31 =	sshrl.u32 s20, $0x2;
	_ =	swait.ge [sflag:s15], $0xC000  }
0xb1: {  	s0 =	sadd.s32 $0x400, s31;
	[sflag:s15] =	ssyncset.done $0x0  }
0xb2: {  	s28 =	simm.s32 $0x0;
	v3 =	vmov s0;
	[sflag:s15] =	ssyncadd.s32 $0xFFFF4000  }
.LBB2_3:
0xb3: {  	s0 =	smul.u32 $0x6000, s28;
	_ =	sdelay $0x1  }
0xb4: {  	s0 =	sshra.s32 s0, $0x2  }
0xb5: {  	s6 =	sshll.u32 s28, $0x3;
	s13 =	sand.u32 $0x1C00, s26;
	s16 =	sadd.s32 $0x800, s0  }
0xb6: {  	s1 =	sand.u32 $0x40, s26;
	s18 =	sand.u32 $0x30, s6;
	s0 =	sadd.s32 s13, s16  }
0xb7: {  	v11 =	vld.idx.msk [tilespmem:v3+s18+$0x0 ss:$0x1], $0xffff;
	s22 =	sadd.s32 s1, s0  }
0xb8: {  	v7 =	vld [tilespmem:s22+$0x0]  }
0xb9: {  	v8 =	vld [tilespmem:s22+$0x80]  }
0xba: {  	s21 =	sor.u32 $0x1, s6  }
0xbb: {  	v4 =	vmov s6;
	s2 =	sor.u32 $0x2, s6;
	v5 =	vmov s21;
	v9 =	vld [tilespmem:s22+$0x100]  }
0xbc: {  	v6 =	vmov s2;
	v4 =	vperm.xlane v11, v4;
	v5 =	vperm.xlane v11, v5  }
0xbd: {  	v10 =	vld [tilespmem:s22+$0x180];
	v6 =	vperm.xlane v11, v6  }
0xbe: {  	s7 =	sor.u32 $0x3, s6;
	v12 =	vmul.f32 v7, v4;
	v8 =	vmul.f32 v8, v5  }
0xbf: {  	v13 =	vld [tilespmem:s22+$0x200];
	v7 =	vmov s7  }
0xc0: {  	s11 =	sor.u32 $0x4, s6;
	v9 =	vmul.f32 v9, v6;
	v7 =	vperm.xlane v11, v7;
	v12 =	vadd.f32 v8, v12  }
0xc1: {  	v14 =	vld [tilespmem:s22+$0x280];
	v8 =	vmov s11  }
0xc2: {  	s14 =	sor.u32 $0x5, s6;
	v8 =	vperm.xlane v11, v8;
	v10 =	vmul.f32 v10, v7;
	v12 =	vadd.f32 v9, v12  }
0xc3: {  	v15 =	vld [tilespmem:s22+$0x300];
	v9 =	vmov s14  }
0xc4: {  	s6 =	sor.u32 $0x6, s6;
	v9 =	vperm.xlane v11, v9;
	v13 =	vmul.f32 v13, v8;
	v12 =	vadd.f32 v10, v12  }
0xc5: {  	v16 =	vld [tilespmem:s22+$0x380];
	v10 =	vmov s6  }
0xc6: {  	s21 =	sshllo.u32 s28, $0x3;
	v10 =	vperm.xlane v11, v10;
	v12 =	vadd.f32 v13, v12;
	v13 =	vmul.f32 v14, v9  }
0xc7: {  	v14 =	vmov s21  }
0xc8: {  	v11 =	vperm.xlane v11, v14;
	v12 =	vadd.f32 v13, v12;
	v13 =	vmul.f32 v15, v10  }
0xc9: {  	s22 =	sshll.u32 s28, $0x7  }
0xca: {  	s6 =	sand.u32 $0x3FFFFF80, s22;
	v12 =	vadd.f32 v13, v12;
	v13 =	vmul.f32 v16, v11  }
0xcb: {  	s29 =	sadd.s32 $0x18800, s6  }
0xcc: {  	s6 =	sadd.s32 s13, s29;
	v12 =	vadd.f32 v13, v12  }
0xcd: {  	s2 =	sor.u32 $0x10, s1;
	s13 =	sadd.s32 s1, s6  }
0xce: {  	s7 =	sadd.s32 s2, s0;
	[tilespmem:s13+$0x0] =	vst v12  }
0xcf: {  	v12 =	vld [tilespmem:s7+$0x0]  }
0xd0: {  	v13 =	vld [tilespmem:s7+$0x80];
	_ =	sdelay $0x1  }
0xd1: {  	v14 =	vld [tilespmem:s7+$0x100];
	_ =	sdelay $0x1  }
0xd2: {  	v15 =	vld [tilespmem:s7+$0x180]  }
0xd3: {  	v12 =	vmul.f32 v12, v4;
	v13 =	vmul.f32 v13, v5  }
0xd4: {  	v59 =	vld [tilespmem:s7+$0x200]  }
0xd5: {  	v12 =	vadd.f32 v13, v12;
	v13 =	vmul.f32 v14, v6  }
0xd6: {  	v14 =	vld [tilespmem:s7+$0x280]  }
0xd7: {  	v12 =	vadd.f32 v13, v12;
	v13 =	vmul.f32 v15, v7  }
0xd8: {  	v15 =	vld [tilespmem:s7+$0x300]  }
0xd9: {  	v12 =	vadd.f32 v13, v12;
	v13 =	vmul.f32 v59, v8  }
0xda: {  	v60 =	vld [tilespmem:s7+$0x380]  }
0xdb: {  	v12 =	vadd.f32 v13, v12;
	v13 =	vmul.f32 v14, v9;
	_ =	sdelay $0x1  }
0xdc: {  	v12 =	vadd.f32 v13, v12;
	v13 =	vmul.f32 v15, v10;
	_ =	sdelay $0x1  }
0xdd: {  	v12 =	vadd.f32 v13, v12;
	v13 =	vmul.f32 v60, v11;
	_ =	sdelay $0x1  }
0xde: {  	v12 =	vadd.f32 v13, v12  }
0xdf: {  	s14 =	sor.u32 $0x20, s1;
	s11 =	sadd.s32 s2, s6  }
0xe0: {  	s21 =	sadd.s32 s14, s0;
	[tilespmem:s11+$0x0] =	vst v12  }
0xe1: {  	v12 =	vld [tilespmem:s21+$0x0]  }
0xe2: {  	v13 =	vld [tilespmem:s21+$0x80];
	_ =	sdelay $0x1  }
0xe3: {  	v14 =	vld [tilespmem:s21+$0x100];
	_ =	sdelay $0x1  }
0xe4: {  	v15 =	vld [tilespmem:s21+$0x180]  }
0xe5: {  	v12 =	vmul.f32 v12, v4;
	v13 =	vmul.f32 v13, v5  }
0xe6: {  	v61 =	vld [tilespmem:s21+$0x200]  }
0xe7: {  	v12 =	vadd.f32 v13, v12;
	v13 =	vmul.f32 v14, v6  }
0xe8: {  	v14 =	vld [tilespmem:s21+$0x280]  }
0xe9: {  	v12 =	vadd.f32 v13, v12;
	v13 =	vmul.f32 v15, v7  }
0xea: {  	v15 =	vld [tilespmem:s21+$0x300]  }
0xeb: {  	v12 =	vadd.f32 v13, v12;
	v13 =	vmul.f32 v61, v8  }
0xec: {  	v62 =	vld [tilespmem:s21+$0x380]  }
0xed: {  	v12 =	vadd.f32 v13, v12;
	v13 =	vmul.f32 v14, v9;
	_ =	sdelay $0x1  }
0xee: {  	v12 =	vadd.f32 v13, v12;
	v13 =	vmul.f32 v15, v10;
	_ =	sdelay $0x1  }
0xef: {  	v12 =	vadd.f32 v13, v12;
	v13 =	vmul.f32 v62, v11;
	_ =	sdelay $0x1  }
0xf0: {  	v12 =	vadd.f32 v13, v12  }
0xf1: {  	s1 =	sor.u32 $0x30, s1;
	s22 =	sadd.s32 s14, s6  }
0xf2: {  	s0 =	sadd.s32 s1, s0;
	[tilespmem:s22+$0x0] =	vst v12  }
0xf3: {  	v12 =	vld [tilespmem:s0+$0x0]  }
0xf4: {  	v13 =	vld [tilespmem:s0+$0x80];
	_ =	sdelay $0x1  }
0xf5: {  	v14 =	vld [tilespmem:s0+$0x100];
	_ =	sdelay $0x1  }
0xf6: {  	v15 =	vld [tilespmem:s0+$0x180]  }
0xf7: {  	v12 =	vmul.f32 v12, v4;
	v13 =	vmul.f32 v13, v5  }
0xf8: {  	v63 =	vld [tilespmem:s0+$0x200]  }
0xf9: {  	v14 =	vmul.f32 v14, v6;
	v12 =	vadd.f32 v13, v12  }
0xfa: {  	v13 =	vld [tilespmem:s0+$0x280]  }
0xfb: {  	v17 =	vld [tilespmem:s0+$0x300];
	v15 =	vmul.f32 v15, v7;
	v12 =	vadd.f32 v14, v12  }
0xfc: {  	v14 =	vld [tilespmem:s0+$0x380]  }
0xfd: {  	v16 =	vmul.f32 v63, v8;
	v12 =	vadd.f32 v15, v12;
	_ =	sdelay $0x1  }
0xfe: {  	v15 =	vmul.f32 v13, v9;
	v16 =	vadd.f32 v16, v12  }
0xff: {  	s30 =	simm.s32 $0x0  }
0x100: {  	s31 =	simm.s32 $0x0;
	s21 =	sadd.s32 s1, s6;
	s0 =	simm.s32 $0x0;
	v13 =	vmul.f32 v17, v10;
	v12 =	vmul.f32 v14, v11;
	v14 =	vadd.f32 v15, v16  }
.LBB2_4:
0x101: {  	s30 =	sadd.s32 $0x4, s30;
	s31 =	sadd.s32 $0x200, s31;
	s0 =	sadd.s32 $0x40, s0  }
0x102: {  	p0 =	slt.u32 s30, $0x2C;
	v13 =	vadd.f32 v13, v14  }
0x103: {  	s1 =	sand.u32 $0x1C00, s31  }
0x104: {  	s22 =	sand.u32 $0x40, s0;
	s18 =	sadd.s32 s1, s16;
	s7 =	sadd.s32 s1, s29;
	v12 =	vadd.f32 v12, v13  }
0x105: {  	s2 =	sor.u32 $0x10, s22;
	s11 =	sadd.s32 s22, s18;
	s14 =	sadd.s32 s22, s7  }
0x106: {  	s6 =	sor.u32 $0x20, s22;
	s1 =	sor.u32 $0x30, s22;
	s13 =	sadd.s32 s2, s7;
	[tilespmem:s21+$0x0] =	vst v12  }
0x107: {  	s22 =	sadd.s32 s6, s7;
	s21 =	sadd.s32 s1, s7;
	v12 =	vld [tilespmem:s11+$0x0]  }
0x108: {  	v13 =	vld [tilespmem:s11+$0x80];
	_ =	sdelay $0x1  }
0x109: {  	v14 =	vld [tilespmem:s11+$0x100];
	_ =	sdelay $0x1  }
0x10a: {  	v15 =	vld [tilespmem:s11+$0x180]  }
0x10b: {  	v12 =	vmul.f32 v12, v4;
	v13 =	vmul.f32 v13, v5  }
0x10c: {  	v16 =	vld [tilespmem:s11+$0x200]  }
0x10d: {  	v12 =	vadd.f32 v13, v12;
	v13 =	vmul.f32 v14, v6  }
0x10e: {  	v14 =	vld [tilespmem:s11+$0x280]  }
0x10f: {  	v12 =	vadd.f32 v13, v12;
	v13 =	vmul.f32 v15, v7  }
0x110: {  	v15 =	vld [tilespmem:s11+$0x300]  }
0x111: {  	v12 =	vadd.f32 v13, v12;
	v13 =	vmul.f32 v16, v8  }
0x112: {  	v16 =	vld [tilespmem:s11+$0x380]  }
0x113: {  	v12 =	vadd.f32 v13, v12;
	v13 =	vmul.f32 v14, v9;
	_ =	sdelay $0x1  }
0x114: {  	v12 =	vadd.f32 v13, v12;
	v13 =	vmul.f32 v15, v10;
	_ =	sdelay $0x1  }
0x115: {  	v12 =	vadd.f32 v13, v12;
	v13 =	vmul.f32 v16, v11;
	_ =	sdelay $0x1  }
0x116: {  	v12 =	vadd.f32 v13, v12;
	_ =	sdelay $0x1  }
0x117: {  	s2 =	sadd.s32 s2, s18;
	[tilespmem:s14+$0x0] =	vst v12  }
0x118: {  	v12 =	vld [tilespmem:s2+$0x0]  }
0x119: {  	v13 =	vld [tilespmem:s2+$0x80];
	_ =	sdelay $0x1  }
0x11a: {  	v14 =	vld [tilespmem:s2+$0x100];
	_ =	sdelay $0x1  }
0x11b: {  	v15 =	vld [tilespmem:s2+$0x180]  }
0x11c: {  	v12 =	vmul.f32 v12, v4;
	v13 =	vmul.f32 v13, v5  }
0x11d: {  	v16 =	vld [tilespmem:s2+$0x200]  }
0x11e: {  	v12 =	vadd.f32 v13, v12;
	v13 =	vmul.f32 v14, v6  }
0x11f: {  	v14 =	vld [tilespmem:s2+$0x280]  }
0x120: {  	v12 =	vadd.f32 v13, v12;
	v13 =	vmul.f32 v15, v7  }
0x121: {  	v15 =	vld [tilespmem:s2+$0x300]  }
0x122: {  	v12 =	vadd.f32 v13, v12;
	v13 =	vmul.f32 v16, v8  }
0x123: {  	v16 =	vld [tilespmem:s2+$0x380]  }
0x124: {  	v12 =	vadd.f32 v13, v12;
	v13 =	vmul.f32 v14, v9;
	_ =	sdelay $0x1  }
0x125: {  	v12 =	vadd.f32 v13, v12;
	v13 =	vmul.f32 v15, v10;
	_ =	sdelay $0x1  }
0x126: {  	v12 =	vadd.f32 v13, v12;
	v13 =	vmul.f32 v16, v11;
	_ =	sdelay $0x1  }
0x127: {  	v12 =	vadd.f32 v13, v12;
	_ =	sdelay $0x1  }
0x128: {  	s2 =	sadd.s32 s6, s18;
	[tilespmem:s13+$0x0] =	vst v12  }
0x129: {  	v12 =	vld [tilespmem:s2+$0x0]  }
0x12a: {  	v13 =	vld [tilespmem:s2+$0x80];
	_ =	sdelay $0x1  }
0x12b: {  	v14 =	vld [tilespmem:s2+$0x100];
	_ =	sdelay $0x1  }
0x12c: {  	v12 =	vmul.f32 v12, v4;
	v15 =	vld [tilespmem:s2+$0x180]  }
0x12d: {  	v13 =	vmul.f32 v13, v5  }
0x12e: {  	v16 =	vld [tilespmem:s2+$0x200]  }
0x12f: {  	v12 =	vadd.f32 v13, v12;
	v13 =	vmul.f32 v14, v6  }
0x130: {  	v14 =	vld [tilespmem:s2+$0x280]  }
0x131: {  	v12 =	vadd.f32 v13, v12;
	v13 =	vmul.f32 v15, v7  }
0x132: {  	v15 =	vld [tilespmem:s2+$0x300]  }
0x133: {  	v12 =	vadd.f32 v13, v12;
	v13 =	vmul.f32 v16, v8  }
0x134: {  	v16 =	vld [tilespmem:s2+$0x380]  }
0x135: {  	v12 =	vadd.f32 v13, v12;
	v13 =	vmul.f32 v14, v9;
	_ =	sdelay $0x1  }
0x136: {  	v12 =	vadd.f32 v13, v12;
	v13 =	vmul.f32 v15, v10;
	_ =	sdelay $0x1  }
0x137: {  	v12 =	vadd.f32 v13, v12;
	v13 =	vmul.f32 v16, v11;
	_ =	sdelay $0x1  }
0x138: {  	v12 =	vadd.f32 v13, v12;
	_ =	sdelay $0x1  }
0x139: {  	s1 =	sadd.s32 s1, s18;
	[tilespmem:s22+$0x0] =	vst v12  }
0x13a: {  	v12 =	vld [tilespmem:s1+$0x0]  }
0x13b: {  	v13 =	vld [tilespmem:s1+$0x80]  }
0x13c: {  	v14 =	vld [tilespmem:s1+$0x100]  }
0x13d: {  	v15 =	vld [tilespmem:s1+$0x180]  }
0x13e: {  	v16 =	vld [tilespmem:s1+$0x200]  }
0x13f: {  	v12 =	vmul.f32 v12, v4;
	v17 =	vld [tilespmem:s1+$0x280]  }
0x140: {  	v13 =	vmul.f32 v13, v5;
	v18 =	vld [tilespmem:s1+$0x300]  }
0x141: {  	v14 =	vmul.f32 v14, v6;
	v19 =	vld [tilespmem:s1+$0x380]  }
0x142: {  	v12 =	vadd.f32 v13, v12  }
0x143: {  	v13 =	vmul.f32 v15, v7  }
0x144: {  	v12 =	vadd.f32 v14, v12  }
0x145: {  	v14 =	vmul.f32 v16, v8  }
.Ltmp0:
0x146: {  	v13 =	vadd.f32 v13, v12;
	v12 =	vmul.f32 v19, v11;
	(pc) =	sbr.rel @p0 .LBB2_4-.Ltmp0, $4  }
0x147: {  	v15 =	vmul.f32 v17, v9  }
0x148: {  	v14 =	vadd.f32 v14, v13  }
0x149: {  	v13 =	vmul.f32 v18, v10  }
0x14a: {  	v14 =	vadd.f32 v15, v14  }
0x14b: {  	s28 =	sadd.s32 $0x1, s28  }
0x14c: {  	p0 =	sne.s32 s28, $0x8  }
.Ltmp1:
0x14d: {  	v4 =	vadd.f32 v13, v14;
	(pc) =	sbr.rel @p0 .LBB2_3-.Ltmp1, $3  }
0x14e: {  	_ = 	snop  }
0x14f: {  	v4 =	vadd.f32 v12, v4;
	_ =	sdelay $0x1  }
0x150: {  	[tilespmem:s21+$0x0] =	vst v4  }
0x151: {  	s0 =	sshll.u32 s24, $0x4  }
0x152: {  	s0 =	sadd.s32 s4, s0  }
0x153: {  	s0 =	sshrl.u32 s0, $0x3  }
0x154: {  	s0 =	smul.u32 $0x300, s0;
	_ =	sdelay $0x1  }
0x155: {  	s26 =	simm.s32 $0x0;
	s0 =	sadd.s32 s5, s0  }
0x156: {  	[hbm4b:s0+s26] =	stream.linear.scatter [tilespmem:s23], [sflag:$0x3], $0x1800, $0x38;
	[tilespmem:$0x1A000] =	vst v63  }
0x157: {  	s14 =	sadd.s32 $0x200, s20;
	_ =	swait.ge [sflag:s12], $0x1800  }
0x158: {  	s0 =	sand.u32 $0xE00, s14;
	[sflag:s12] =	ssyncset.done $0x0  }
0x159: {  	s0 =	sshrl.u32 s0, $0x2;
	[sflag:s12] =	ssyncadd.s32 $0xFFFFE800  }
0x15a: {  	v3 =	vld [tilespmem:s0+$0x0];
	_ =	sdelay $0x4  }
0x15b: {  	v4 =	vshrl.u32 v3, $0x3  }
0x15c: {  	v4 =	vmul.u32 $0x30, v4  }
0x15d: {  	v3 =	vand.u32 $0x7, v3  }
0x15e: {  	v3 =	vor.u32 v3, v4  }
0x15f: {  	v4 =	vperm.xlane v3, v0;
	_ =	sdelay $0x1  }
0x160: {  	v4 =	vadd.s32 v1, v4;
	_ =	sdelay $0x3  }
0x161: {  	s1 =	simm.s32 $0x800;
	v3 =	vperm.xlane v3, v2  }
0x162: {  	[tilespmem:s1], [sflag:$0x1] =	stream.indirect_vreg.gather [hbm4b:s3+s26], $0x80, v4, vm0, $0xb8;
	[tilespmem:$0x1A000] =	vst v63  }
0x163: {  	s16 =	simm.s32 $0x1000;
	v3 =	vadd.s32 v1, v3  }
0x164: {  	[tilespmem:s16], [sflag:$0x1] =	stream.indirect_vreg.gather [hbm4b:s8+s26], $0x80, v4, vm0, $0xb8;
	[tilespmem:$0x1A000] =	vst v63  }
0x165: {  	s18 =	simm.s32 $0x1800  }
0x166: {  	[tilespmem:s18], [sflag:$0x1] =	stream.indirect_vreg.gather [hbm4b:s9+s26], $0x80, v4, vm0, $0xb8;
	[tilespmem:$0x1A000] =	vst v63  }
0x167: {  	s20 =	simm.s32 $0x2000  }
0x168: {  	[tilespmem:s20], [sflag:$0x1] =	stream.indirect_vreg.gather [hbm4b:s3+s26], $0x80, v3, vm0, $0xb8;
	[tilespmem:$0x1A000] =	vst v63  }
0x169: {  	s21 =	simm.s32 $0x2800  }
0x16a: {  	[tilespmem:s21], [sflag:$0x1] =	stream.indirect_vreg.gather [hbm4b:s8+s26], $0x80, v3, vm0, $0xb8;
	[tilespmem:$0x1A000] =	vst v63  }
0x16b: {  	s22 =	simm.s32 $0x3000  }
0x16c: {  	[tilespmem:s22], [sflag:$0x1] =	stream.indirect_vreg.gather [hbm4b:s9+s26], $0x80, v3, vm0, $0xb8;
	[tilespmem:$0x1A000] =	vst v63  }
0x16d: {  	v3 =	vld [tilespmem:s0+$0x10];
	_ =	sdelay $0x4  }
0x16e: {  	v4 =	vshrl.u32 v3, $0x3  }
0x16f: {  	v4 =	vmul.u32 $0x30, v4  }
0x170: {  	v3 =	vand.u32 $0x7, v3  }
0x171: {  	v3 =	vor.u32 v3, v4  }
0x172: {  	v4 =	vperm.xlane v3, v0;
	_ =	sdelay $0x1  }
0x173: {  	v4 =	vadd.s32 v1, v4;
	_ =	sdelay $0x3  }
0x174: {  	s28 =	simm.s32 $0x3800;
	v3 =	vperm.xlane v3, v2  }
0x175: {  	[tilespmem:s28], [sflag:$0x1] =	stream.indirect_vreg.gather [hbm4b:s3+s26], $0x80, v4, vm0, $0xb8;
	[tilespmem:$0x1A000] =	vst v63  }
0x176: {  	s29 =	simm.s32 $0x4000;
	v3 =	vadd.s32 v1, v3  }
0x177: {  	[tilespmem:s29], [sflag:$0x1] =	stream.indirect_vreg.gather [hbm4b:s8+s26], $0x80, v4, vm0, $0xb8;
	[tilespmem:$0x1A000] =	vst v63  }
0x178: {  	s30 =	simm.s32 $0x4800  }
0x179: {  	[tilespmem:s30], [sflag:$0x1] =	stream.indirect_vreg.gather [hbm4b:s9+s26], $0x80, v4, vm0, $0xb8;
	[tilespmem:$0x1A000] =	vst v63  }
0x17a: {  	s31 =	simm.s32 $0x5000  }
0x17b: {  	[tilespmem:s31], [sflag:$0x1] =	stream.indirect_vreg.gather [hbm4b:s3+s26], $0x80, v3, vm0, $0xb8;
	[tilespmem:$0x1A000] =	vst v63  }
0x17c: {  	s2 =	simm.s32 $0x5800  }
0x17d: {  	[tilespmem:s2], [sflag:$0x1] =	stream.indirect_vreg.gather [hbm4b:s8+s26], $0x80, v3, vm0, $0xb8;
	[tilespmem:$0x1A000] =	vst v63  }
0x17e: {  	s6 =	simm.s32 $0x6000  }
0x17f: {  	[tilespmem:s6], [sflag:$0x1] =	stream.indirect_vreg.gather [hbm4b:s9+s26], $0x80, v3, vm0, $0xb8;
	[tilespmem:$0x1A000] =	vst v63  }
0x180: {  	v3 =	vld [tilespmem:s0+$0x20];
	_ =	sdelay $0x4  }
0x181: {  	v4 =	vshrl.u32 v3, $0x3  }
0x182: {  	v4 =	vmul.u32 $0x30, v4  }
0x183: {  	v3 =	vand.u32 $0x7, v3  }
0x184: {  	v3 =	vor.u32 v3, v4  }
0x185: {  	v4 =	vperm.xlane v3, v0;
	_ =	sdelay $0x1  }
0x186: {  	v4 =	vadd.s32 v1, v4;
	_ =	sdelay $0x3  }
0x187: {  	s7 =	simm.s32 $0x6800;
	v3 =	vperm.xlane v3, v2  }
0x188: {  	[tilespmem:s7], [sflag:$0x1] =	stream.indirect_vreg.gather [hbm4b:s3+s26], $0x80, v4, vm0, $0xb8;
	[tilespmem:$0x1A000] =	vst v63  }
0x189: {  	s11 =	simm.s32 $0x7000;
	v3 =	vadd.s32 v1, v3  }
0x18a: {  	[tilespmem:s11], [sflag:$0x1] =	stream.indirect_vreg.gather [hbm4b:s8+s26], $0x80, v4, vm0, $0xb8;
	[tilespmem:$0x1A000] =	vst v63  }
0x18b: {  	s13 =	simm.s32 $0x7800  }
0x18c: {  	[tilespmem:s13], [sflag:$0x1] =	stream.indirect_vreg.gather [hbm4b:s9+s26], $0x80, v4, vm0, $0xb8;
	[tilespmem:$0x1A000] =	vst v63  }
0x18d: {  	s14 =	simm.s32 $0x8000  }
0x18e: {  	[tilespmem:s14], [sflag:$0x1] =	stream.indirect_vreg.gather [hbm4b:s3+s26], $0x80, v3, vm0, $0xb8;
	[tilespmem:$0x1A000] =	vst v63  }
0x18f: {  	s16 =	simm.s32 $0x8800  }
0x190: {  	[tilespmem:s16], [sflag:$0x1] =	stream.indirect_vreg.gather [hbm4b:s8+s26], $0x80, v3, vm0, $0xb8;
	[tilespmem:$0x1A000] =	vst v63  }
0x191: {  	s18 =	simm.s32 $0x9000  }
0x192: {  	[tilespmem:s18], [sflag:$0x1] =	stream.indirect_vreg.gather [hbm4b:s9+s26], $0x80, v3, vm0, $0xb8;
	[tilespmem:$0x1A000] =	vst v63  }
0x193: {  	v3 =	vld [tilespmem:s0+$0x30];
	_ =	sdelay $0x4  }
0x194: {  	v4 =	vshrl.u32 v3, $0x3  }
0x195: {  	v4 =	vmul.u32 $0x30, v4  }
0x196: {  	v3 =	vand.u32 $0x7, v3  }
0x197: {  	v3 =	vor.u32 v3, v4  }
0x198: {  	v4 =	vperm.xlane v3, v0;
	_ =	sdelay $0x1  }
0x199: {  	v4 =	vadd.s32 v1, v4;
	_ =	sdelay $0x3  }
0x19a: {  	s20 =	simm.s32 $0x9800;
	v3 =	vperm.xlane v3, v2  }
0x19b: {  	[tilespmem:s20], [sflag:$0x1] =	stream.indirect_vreg.gather [hbm4b:s3+s26], $0x80, v4, vm0, $0xb8;
	[tilespmem:$0x1A000] =	vst v63  }
0x19c: {  	s21 =	simm.s32 $0xA000;
	v3 =	vadd.s32 v1, v3  }
0x19d: {  	[tilespmem:s21], [sflag:$0x1] =	stream.indirect_vreg.gather [hbm4b:s8+s26], $0x80, v4, vm0, $0xb8;
	[tilespmem:$0x1A000] =	vst v63  }
0x19e: {  	s22 =	simm.s32 $0xA800  }
0x19f: {  	[tilespmem:s22], [sflag:$0x1] =	stream.indirect_vreg.gather [hbm4b:s9+s26], $0x80, v4, vm0, $0xb8;
	[tilespmem:$0x1A000] =	vst v63  }
0x1a0: {  	s28 =	simm.s32 $0xB000  }
0x1a1: {  	[tilespmem:s28], [sflag:$0x1] =	stream.indirect_vreg.gather [hbm4b:s3+s26], $0x80, v3, vm0, $0xb8;
	[tilespmem:$0x1A000] =	vst v63  }
0x1a2: {  	s29 =	simm.s32 $0xB800  }
0x1a3: {  	[tilespmem:s29], [sflag:$0x1] =	stream.indirect_vreg.gather [hbm4b:s8+s26], $0x80, v3, vm0, $0xb8;
	[tilespmem:$0x1A000] =	vst v63  }
0x1a4: {  	s30 =	simm.s32 $0xC000  }
0x1a5: {  	[tilespmem:s30], [sflag:$0x1] =	stream.indirect_vreg.gather [hbm4b:s9+s26], $0x80, v3, vm0, $0xb8;
	[tilespmem:$0x1A000] =	vst v63  }
0x1a6: {  	_ =	swait.ge [sflag:s19], $0xC000  }
0x1a7: {  	s31 =	sadd.s32 $0x400, s25;
	[sflag:s19] =	ssyncset.done $0x0  }
0x1a8: {  	s20 =	simm.s32 $0x0;
	v3 =	vmov s31;
	[sflag:s19] =	ssyncadd.s32 $0xFFFF4000  }
.LBB2_7:
0x1a9: {  	s0 =	smul.u32 $0x6000, s20;
	_ =	sdelay $0x1  }
0x1aa: {  	s0 =	sshra.s32 s0, $0x2  }
0x1ab: {  	s2 =	sshll.u32 s20, $0x3;
	s6 =	sand.u32 $0x1C00, s26;
	s16 =	sadd.s32 $0xC800, s0  }
0x1ac: {  	s1 =	sand.u32 $0x40, s26;
	s7 =	sand.u32 $0x30, s2;
	s0 =	sadd.s32 s6, s16  }
0x1ad: {  	v11 =	vld.idx.msk [tilespmem:v3+s7+$0x0 ss:$0x1], $0xffff;
	s21 =	sadd.s32 s1, s0  }
0x1ae: {  	v7 =	vld [tilespmem:s21+$0x0]  }
0x1af: {  	v8 =	vld [tilespmem:s21+$0x80]  }
0x1b0: {  	s11 =	sor.u32 $0x1, s2  }
0x1b1: {  	v4 =	vmov s2;
	s22 =	sor.u32 $0x2, s2;
	v5 =	vmov s11;
	v9 =	vld [tilespmem:s21+$0x100]  }
0x1b2: {  	v6 =	vmov s22;
	v4 =	vperm.xlane v11, v4;
	v5 =	vperm.xlane v11, v5  }
0x1b3: {  	v10 =	vld [tilespmem:s21+$0x180];
	v6 =	vperm.xlane v11, v6  }
0x1b4: {  	s25 =	sor.u32 $0x3, s2;
	v12 =	vmul.f32 v7, v4;
	v8 =	vmul.f32 v8, v5  }
0x1b5: {  	v13 =	vld [tilespmem:s21+$0x200];
	v7 =	vmov s25  }
0x1b6: {  	s30 =	sor.u32 $0x4, s2;
	v9 =	vmul.f32 v9, v6;
	v7 =	vperm.xlane v11, v7;
	v12 =	vadd.f32 v8, v12  }
0x1b7: {  	v14 =	vld [tilespmem:s21+$0x280];
	v8 =	vmov s30  }
0x1b8: {  	s31 =	sor.u32 $0x5, s2;
	v8 =	vperm.xlane v11, v8;
	v10 =	vmul.f32 v10, v7;
	v12 =	vadd.f32 v9, v12  }
0x1b9: {  	v15 =	vld [tilespmem:s21+$0x300];
	v9 =	vmov s31  }
0x1ba: {  	s2 =	sor.u32 $0x6, s2;
	v9 =	vperm.xlane v11, v9;
	v13 =	vmul.f32 v13, v8;
	v12 =	vadd.f32 v10, v12  }
0x1bb: {  	v16 =	vld [tilespmem:s21+$0x380];
	v10 =	vmov s2  }
0x1bc: {  	s7 =	sshllo.u32 s20, $0x3;
	v10 =	vperm.xlane v11, v10;
	v12 =	vadd.f32 v13, v12;
	v13 =	vmul.f32 v14, v9  }
0x1bd: {  	v14 =	vmov s7  }
0x1be: {  	v11 =	vperm.xlane v11, v14;
	v12 =	vadd.f32 v13, v12;
	v13 =	vmul.f32 v15, v10  }
0x1bf: {  	s11 =	sshll.u32 s20, $0x7  }
0x1c0: {  	s2 =	sand.u32 $0x3FFFFF80, s11;
	v12 =	vadd.f32 v13, v12;
	v13 =	vmul.f32 v16, v11  }
0x1c1: {  	s25 =	sadd.s32 $0x18800, s2  }
0x1c2: {  	s6 =	sadd.s32 s6, s25;
	v12 =	vadd.f32 v13, v12  }
0x1c3: {  	s14 =	sor.u32 $0x10, s1;
	s13 =	sadd.s32 s1, s6  }
0x1c4: {  	s18 =	sadd.s32 s14, s0;
	[tilespmem:s13+$0x0] =	vst v12  }
0x1c5: {  	v12 =	vld [tilespmem:s18+$0x0]  }
0x1c6: {  	v13 =	vld [tilespmem:s18+$0x80];
	_ =	sdelay $0x1  }
0x1c7: {  	v14 =	vld [tilespmem:s18+$0x100];
	_ =	sdelay $0x1  }
0x1c8: {  	v15 =	vld [tilespmem:s18+$0x180]  }
0x1c9: {  	v12 =	vmul.f32 v12, v4;
	v13 =	vmul.f32 v13, v5  }
0x1ca: {  	v59 =	vld [tilespmem:s18+$0x200]  }
0x1cb: {  	v12 =	vadd.f32 v13, v12;
	v13 =	vmul.f32 v14, v6  }
0x1cc: {  	v14 =	vld [tilespmem:s18+$0x280]  }
0x1cd: {  	v12 =	vadd.f32 v13, v12;
	v13 =	vmul.f32 v15, v7  }
0x1ce: {  	v15 =	vld [tilespmem:s18+$0x300]  }
0x1cf: {  	v12 =	vadd.f32 v13, v12;
	v13 =	vmul.f32 v59, v8  }
0x1d0: {  	v60 =	vld [tilespmem:s18+$0x380]  }
0x1d1: {  	v12 =	vadd.f32 v13, v12;
	v13 =	vmul.f32 v14, v9;
	_ =	sdelay $0x1  }
0x1d2: {  	v12 =	vadd.f32 v13, v12;
	v13 =	vmul.f32 v15, v10;
	_ =	sdelay $0x1  }
0x1d3: {  	v12 =	vadd.f32 v13, v12;
	v13 =	vmul.f32 v60, v11;
	_ =	sdelay $0x1  }
0x1d4: {  	v12 =	vadd.f32 v13, v12  }
0x1d5: {  	s22 =	sor.u32 $0x20, s1;
	s21 =	sadd.s32 s14, s6  }
0x1d6: {  	s30 =	sadd.s32 s22, s0;
	[tilespmem:s21+$0x0] =	vst v12  }
0x1d7: {  	v12 =	vld [tilespmem:s30+$0x0]  }
0x1d8: {  	v13 =	vld [tilespmem:s30+$0x80];
	_ =	sdelay $0x1  }
0x1d9: {  	v14 =	vld [tilespmem:s30+$0x100];
	_ =	sdelay $0x1  }
0x1da: {  	v15 =	vld [tilespmem:s30+$0x180]  }
0x1db: {  	v12 =	vmul.f32 v12, v4;
	v13 =	vmul.f32 v13, v5  }
0x1dc: {  	v61 =	vld [tilespmem:s30+$0x200]  }
0x1dd: {  	v12 =	vadd.f32 v13, v12;
	v13 =	vmul.f32 v14, v6  }
0x1de: {  	v14 =	vld [tilespmem:s30+$0x280]  }
0x1df: {  	v12 =	vadd.f32 v13, v12;
	v13 =	vmul.f32 v15, v7  }
0x1e0: {  	v15 =	vld [tilespmem:s30+$0x300]  }
0x1e1: {  	v12 =	vadd.f32 v13, v12;
	v13 =	vmul.f32 v61, v8  }
0x1e2: {  	v62 =	vld [tilespmem:s30+$0x380]  }
0x1e3: {  	v12 =	vadd.f32 v13, v12;
	v13 =	vmul.f32 v14, v9;
	_ =	sdelay $0x1  }
0x1e4: {  	v12 =	vadd.f32 v13, v12;
	v13 =	vmul.f32 v15, v10;
	_ =	sdelay $0x1  }
0x1e5: {  	v12 =	vadd.f32 v13, v12;
	v13 =	vmul.f32 v62, v11;
	_ =	sdelay $0x1  }
0x1e6: {  	v12 =	vadd.f32 v13, v12  }
0x1e7: {  	s1 =	sor.u32 $0x30, s1;
	s31 =	sadd.s32 s22, s6  }
0x1e8: {  	s0 =	sadd.s32 s1, s0;
	[tilespmem:s31+$0x0] =	vst v12  }
0x1e9: {  	v12 =	vld [tilespmem:s0+$0x0]  }
0x1ea: {  	v13 =	vld [tilespmem:s0+$0x80];
	_ =	sdelay $0x1  }
0x1eb: {  	v14 =	vld [tilespmem:s0+$0x100];
	_ =	sdelay $0x1  }
0x1ec: {  	v15 =	vld [tilespmem:s0+$0x180]  }
0x1ed: {  	v12 =	vmul.f32 v12, v4;
	v13 =	vmul.f32 v13, v5  }
0x1ee: {  	v63 =	vld [tilespmem:s0+$0x200]  }
0x1ef: {  	v14 =	vmul.f32 v14, v6;
	v12 =	vadd.f32 v13, v12  }
0x1f0: {  	v13 =	vld [tilespmem:s0+$0x280]  }
0x1f1: {  	v17 =	vld [tilespmem:s0+$0x300];
	v15 =	vmul.f32 v15, v7;
	v12 =	vadd.f32 v14, v12  }
0x1f2: {  	v14 =	vld [tilespmem:s0+$0x380]  }
0x1f3: {  	v16 =	vmul.f32 v63, v8;
	v12 =	vadd.f32 v15, v12;
	_ =	sdelay $0x1  }
0x1f4: {  	v15 =	vmul.f32 v13, v9;
	v16 =	vadd.f32 v16, v12  }
0x1f5: {  	s28 =	simm.s32 $0x0  }
0x1f6: {  	s29 =	simm.s32 $0x0;
	s21 =	sadd.s32 s1, s6;
	s0 =	simm.s32 $0x0;
	v13 =	vmul.f32 v17, v10;
	v12 =	vmul.f32 v14, v11;
	v14 =	vadd.f32 v15, v16  }
.LBB2_8:
0x1f7: {  	s28 =	sadd.s32 $0x4, s28;
	s29 =	sadd.s32 $0x200, s29;
	s0 =	sadd.s32 $0x40, s0  }
0x1f8: {  	p0 =	slt.u32 s28, $0x2C;
	v13 =	vadd.f32 v13, v14  }
0x1f9: {  	s1 =	sand.u32 $0x1C00, s29  }
0x1fa: {  	s2 =	sand.u32 $0x40, s0;
	s18 =	sadd.s32 s1, s16;
	s7 =	sadd.s32 s1, s25;
	v12 =	vadd.f32 v12, v13  }
0x1fb: {  	s30 =	sor.u32 $0x10, s2;
	s11 =	sadd.s32 s2, s18;
	s14 =	sadd.s32 s2, s7  }
0x1fc: {  	s13 =	sor.u32 $0x20, s2;
	s1 =	sor.u32 $0x30, s2;
	s6 =	sadd.s32 s30, s7;
	[tilespmem:s21+$0x0] =	vst v12  }
0x1fd: {  	s22 =	sadd.s32 s13, s7;
	s21 =	sadd.s32 s1, s7;
	v12 =	vld [tilespmem:s11+$0x0]  }
0x1fe: {  	v13 =	vld [tilespmem:s11+$0x80];
	_ =	sdelay $0x1  }
0x1ff: {  	v14 =	vld [tilespmem:s11+$0x100];
	_ =	sdelay $0x1  }
0x200: {  	v15 =	vld [tilespmem:s11+$0x180]  }
0x201: {  	v12 =	vmul.f32 v12, v4;
	v13 =	vmul.f32 v13, v5  }
0x202: {  	v16 =	vld [tilespmem:s11+$0x200]  }
0x203: {  	v12 =	vadd.f32 v13, v12;
	v13 =	vmul.f32 v14, v6  }
0x204: {  	v14 =	vld [tilespmem:s11+$0x280]  }
0x205: {  	v12 =	vadd.f32 v13, v12;
	v13 =	vmul.f32 v15, v7  }
0x206: {  	v15 =	vld [tilespmem:s11+$0x300]  }
0x207: {  	v12 =	vadd.f32 v13, v12;
	v13 =	vmul.f32 v16, v8  }
0x208: {  	v16 =	vld [tilespmem:s11+$0x380]  }
0x209: {  	v12 =	vadd.f32 v13, v12;
	v13 =	vmul.f32 v14, v9;
	_ =	sdelay $0x1  }
0x20a: {  	v12 =	vadd.f32 v13, v12;
	v13 =	vmul.f32 v15, v10;
	_ =	sdelay $0x1  }
0x20b: {  	v12 =	vadd.f32 v13, v12;
	v13 =	vmul.f32 v16, v11;
	_ =	sdelay $0x1  }
0x20c: {  	v12 =	vadd.f32 v13, v12;
	_ =	sdelay $0x1  }
0x20d: {  	s2 =	sadd.s32 s30, s18;
	[tilespmem:s14+$0x0] =	vst v12  }
0x20e: {  	v12 =	vld [tilespmem:s2+$0x0]  }
0x20f: {  	v13 =	vld [tilespmem:s2+$0x80];
	_ =	sdelay $0x1  }
0x210: {  	v14 =	vld [tilespmem:s2+$0x100];
	_ =	sdelay $0x1  }
0x211: {  	v15 =	vld [tilespmem:s2+$0x180]  }
0x212: {  	v12 =	vmul.f32 v12, v4;
	v13 =	vmul.f32 v13, v5  }
0x213: {  	v16 =	vld [tilespmem:s2+$0x200]  }
0x214: {  	v12 =	vadd.f32 v13, v12;
	v13 =	vmul.f32 v14, v6  }
0x215: {  	v14 =	vld [tilespmem:s2+$0x280]  }
0x216: {  	v12 =	vadd.f32 v13, v12;
	v13 =	vmul.f32 v15, v7  }
0x217: {  	v15 =	vld [tilespmem:s2+$0x300]  }
0x218: {  	v12 =	vadd.f32 v13, v12;
	v13 =	vmul.f32 v16, v8  }
0x219: {  	v16 =	vld [tilespmem:s2+$0x380]  }
0x21a: {  	v12 =	vadd.f32 v13, v12;
	v13 =	vmul.f32 v14, v9;
	_ =	sdelay $0x1  }
0x21b: {  	v12 =	vadd.f32 v13, v12;
	v13 =	vmul.f32 v15, v10;
	_ =	sdelay $0x1  }
0x21c: {  	v12 =	vadd.f32 v13, v12;
	v13 =	vmul.f32 v16, v11;
	_ =	sdelay $0x1  }
0x21d: {  	v12 =	vadd.f32 v13, v12;
	_ =	sdelay $0x1  }
0x21e: {  	s2 =	sadd.s32 s13, s18;
	[tilespmem:s6+$0x0] =	vst v12  }
0x21f: {  	v12 =	vld [tilespmem:s2+$0x0]  }
0x220: {  	v13 =	vld [tilespmem:s2+$0x80];
	_ =	sdelay $0x1  }
0x221: {  	v14 =	vld [tilespmem:s2+$0x100];
	_ =	sdelay $0x1  }
0x222: {  	v12 =	vmul.f32 v12, v4;
	v15 =	vld [tilespmem:s2+$0x180]  }
0x223: {  	v13 =	vmul.f32 v13, v5  }
0x224: {  	v16 =	vld [tilespmem:s2+$0x200]  }
0x225: {  	v12 =	vadd.f32 v13, v12;
	v13 =	vmul.f32 v14, v6  }
0x226: {  	v14 =	vld [tilespmem:s2+$0x280]  }
0x227: {  	v12 =	vadd.f32 v13, v12;
	v13 =	vmul.f32 v15, v7  }
0x228: {  	v15 =	vld [tilespmem:s2+$0x300]  }
0x229: {  	v12 =	vadd.f32 v13, v12;
	v13 =	vmul.f32 v16, v8  }
0x22a: {  	v16 =	vld [tilespmem:s2+$0x380]  }
0x22b: {  	v12 =	vadd.f32 v13, v12;
	v13 =	vmul.f32 v14, v9;
	_ =	sdelay $0x1  }
0x22c: {  	v12 =	vadd.f32 v13, v12;
	v13 =	vmul.f32 v15, v10;
	_ =	sdelay $0x1  }
0x22d: {  	v12 =	vadd.f32 v13, v12;
	v13 =	vmul.f32 v16, v11;
	_ =	sdelay $0x1  }
0x22e: {  	v12 =	vadd.f32 v13, v12;
	_ =	sdelay $0x1  }
0x22f: {  	s1 =	sadd.s32 s1, s18;
	[tilespmem:s22+$0x0] =	vst v12  }
0x230: {  	v12 =	vld [tilespmem:s1+$0x0]  }
0x231: {  	v13 =	vld [tilespmem:s1+$0x80]  }
0x232: {  	v14 =	vld [tilespmem:s1+$0x100]  }
0x233: {  	v15 =	vld [tilespmem:s1+$0x180]  }
0x234: {  	v16 =	vld [tilespmem:s1+$0x200]  }
0x235: {  	v12 =	vmul.f32 v12, v4;
	v17 =	vld [tilespmem:s1+$0x280]  }
0x236: {  	v13 =	vmul.f32 v13, v5;
	v18 =	vld [tilespmem:s1+$0x300]  }
0x237: {  	v14 =	vmul.f32 v14, v6;
	v19 =	vld [tilespmem:s1+$0x380]  }
0x238: {  	v12 =	vadd.f32 v13, v12  }
0x239: {  	v13 =	vmul.f32 v15, v7  }
0x23a: {  	v12 =	vadd.f32 v14, v12  }
0x23b: {  	v14 =	vmul.f32 v16, v8  }
.Ltmp2:
0x23c: {  	v13 =	vadd.f32 v13, v12;
	v12 =	vmul.f32 v19, v11;
	(pc) =	sbr.rel @p0 .LBB2_8-.Ltmp2, $4  }
0x23d: {  	v15 =	vmul.f32 v17, v9  }
0x23e: {  	v14 =	vadd.f32 v14, v13  }
0x23f: {  	v13 =	vmul.f32 v18, v10  }
0x240: {  	v14 =	vadd.f32 v15, v14  }
0x241: {  	s20 =	sadd.s32 $0x1, s20  }
0x242: {  	p0 =	sne.s32 s20, $0x8  }
.Ltmp3:
0x243: {  	v4 =	vadd.f32 v13, v14;
	(pc) =	sbr.rel @p0 .LBB2_7-.Ltmp3, $3  }
0x244: {  	_ = 	snop  }
0x245: {  	v4 =	vadd.f32 v12, v4;
	_ =	sdelay $0x1  }
0x246: {  	[tilespmem:s21+$0x0] =	vst v4  }
0x247: {  	s0 =	sadd.s32 s10, s17  }
0x248: {  	s24 =	sadd.s32 $0x1, s24;
	s0 =	smul.u32 $0x300, s0  }
0x249: {  	p0 =	sne.s32 s24, $0x8  }
.Ltmp4:
0x24a: {  	s1 =	simm.s32 $0x0;
	s0 =	sadd.s32 s5, s0;
	(pc) =	sbr.rel @p0 .LBB2_2-.Ltmp4, $4  }
0x24b: {  	[hbm4b:s0+s1] =	stream.linear.scatter [tilespmem:s23], [sflag:$0x3], $0x1800, $0x38;
	[tilespmem:$0x1A000] =	vst v63  }
0x24c: {  	_ =	swait.ge [sflag:s12], $0x1800  }
0x24d: {  	[sflag:s12] =	ssyncset.done $0x0  }
0x24e: {  	[sflag:s12] =	ssyncadd.s32 $0xFFFFE800  }
0x24f: {  	_ =	swait.ge [sflag:s15], $0xC000  }
0x250: {  	s1 =	rddreg [dreg:$0x6]  }
0x251: {  	s0 =	rddreg [dreg:$0x5];
	s1 =	sadd.s32 $0x1, s1  }
0x252: {  	p0 =	sne.s32 s1, s0  }
.Ltmp5:
0x253: {  	_ = 	snop;
	(pc) =	sbr.rel @p0 .LBB2_1-.Ltmp5, $3  }
0x254: {  	_ =	sdelay $0x1  }
0x255: {  	[sflag:s15] =	ssyncset.done $0x0  }
0x256: {  	[sflag:s15] =	ssyncadd.s32 $0xFFFF4000  }
0x257: {  	_ =	sfence.sel $0x180000  }
0x258: {  	[bflag:$0x0] =	sbarrier.arrive $0xFFFF  }
0x259: {  	_ =	strace $0x9000004A  }
0x25a: {  	s0 =	stileid.u32;
	[bflag:$0x2] =	sbarrier.arrive $0xFFFF  }
0x25b: {  	p0 =	sne.s32 s0, $0x0;
	s0 =	rddreg [dreg:$0x2]  }
0x25c: {  	s0 =	sadd.s32 @!p0 $0x100000, s0  }
0x25d: {  	[sflag:s0] =	ssyncadd.tile.s32 @!p0 $0x1;
	_ =	shalt  }
.Lfunc_end2:
_tile_overlayer_lowered:
.L_overlay_start_2:
0x25e: {  	(tag) =	ssettag $0x2  }
0x25f: {  	s0 =	rddreg [dreg:$0x0];
	s2 =	stileid.u32  }
0x260: {  	s1 =	rddreg [dreg:$0x1];
	p0 =	sne.s32 s2, $0x0  }
0x261: {  	s3 =	rddreg [dreg:$0x2];
	[bflag:$0x3] =	sbarrier.arrive $0xFFFF;
	s2 =	simm.s32 @!p0 $0x1C03  }
0x262: {  	[timem:s3], [sflag:s2] =	dma.local @!p0 [hbm:s0], s1  }
0x263: {  	s0 =	simm.s32 @!p0 $0x3  }
0x264: {  	_ =	swait.ge @!p0 [sflag:s0], s1  }
0x265: {  	s1 =	ssub.s32 @!p0 $0x0, s1;
	[sflag:s0] =	ssyncset.done @!p0 $0x0  }
0x266: {  	[sflag:s0] =	ssyncadd.s32 @!p0 s1  }
0x267: {  	[bflag:$0x3] =	sbarrier.arrive $0xFFFF  }
0x268: {  	_ =	shalt  }

// kernel: kernel.7.cloned.1.call-start
scs
__scs_entry_jumppad:
0x0: {  	(pc) =	sbr.rel $0x88, $3  }
0x1: {  	(tag) =	ssettag $0x0;
	lr =	simm.s32 $0x1  }
0x2: {  	[smem:$0x3F9A] =	sst lr;
	_ =	strace $0xD0000000  }
0x3: {  	_ = 	snop  }
0x4: {  	_ = 	snop  }
0x5: {  	_ = 	snop  }
0x6: {  	_ = 	snop  }
0x7: {  	_ = 	snop  }
__scs_overlays_trampoline_lowered:
0x8: {  	[smem:$0x3FA9] =	sst s0  }
0x9: {  	[smem:$0x3FAA] =	sst s1  }
0xa: {  	[smem:$0x3FAB] =	sst s2  }
0xb: {  	[smem:$0x3FAC] =	sst s3  }
0xc: {  	[smem:$0x3FAD] =	sst s4  }
0xd: {  	[smem:$0x3FAE] =	sst s5  }
0xe: {  	[smem:$0x3FAF] =	sst s6  }
0xf: {  	[smem:$0x3FB0] =	sst s7  }
0x10: {  	[smem:$0x3FB1] =	sst s8  }
0x11: {  	[smem:$0x3FB2] =	sst s9;
	s0 =	simm.s32 @!p0 $0x0  }
0x12: {  	s1 =	sld [smem:$0x3F98];
	s0 =	simm.s32 @p0 $0x1  }
0x13: {  	[smem:$0x3FB3] =	sst s0;
	s0 =	simm.s32 @!p1 $0x0  }
0x14: {  	s2 =	sld [smem:$0x3F97];
	s0 =	simm.s32 @p1 $0x1  }
0x15: {  	[smem:$0x3FB4] =	sst s0;
	s0 =	simm.s32 @!p2 $0x0  }
0x16: {  	s3 =	sld [smem:$0x3FDB];
	s0 =	simm.s32 @p2 $0x1  }
0x17: {  	s4 =	simm.s32 $0x1BF5;
	[smem:$0x3FB6] =	sst s0  }
0x18: {  	s0 =	sld [smem:$0x3F99];
	_ =	swait.ge [sflag:s4], $0x0  }
0x19: {  	s7 =	sld [smem:$0x3F9A]  }
0x1a: {  	s8 =	sadd.s32 $0xFFFFE003, lr  }
0x1b: {  	s9 =	sadd.s32 $0xFFFFFEF7, lr;
	s5 =	simm.s32 $0xFFFFFFFF;
	p2 =	slt.u32 s8, $0xFFFFF086  }
0x1c: {  	p1 =	slt.u32 s9, $0xF7A;
	s5 =	simm.s32 @!p2 $0x0  }
0x1d: {  	s5 =	simm.s32 @p1 $0x1;
	p0 =	seq.s32 s7, s2  }
0x1e: {  	s7 =	smul.u32 @!p0 $0xF7A, s2;
	p2 =	seq.s32 @!p0 s5, $0x0  }
0x1f: {  	s9 =	smul.u32 $0xF7A, s1;
	s8 =	simm.s32 @!p0 $0x1BF5;
	p2 =	por !p2, p0  }
0x20: {  	[sflag:s8] =	ssyncset.s32 @!p0 $0xFFFFF086;
	s6 =	sadd.s32 @!p0 s3, s7;
	s7 =	simm.s32 @!p0 $0x108  }
0x21: {  	s3 =	sadd.s32 s3, s9;
	s6 =	sadd.s32 @!p0 $0x88, s6;
	s7 =	simm.s32 @p2 $0x1082  }
0x22: {  	[simem:s7], [sflag:s8] =	dma.local @!p0 [hbm:s6], $0xF7A  }
0x23: {  	s9 =	sor.u32 $0xD0000000, s2;
	s6 =	simm.s32 $0x108;
	_ =	swait.ge @!p0 [sflag:s8], $0x0  }
0x24: {  	s3 =	sadd.s32 $0x88, s3;
	s6 =	simm.s32 @!p1 $0x1082;
	[sflag:s4] =	ssyncset.s32 $0xFFFFF086  }
0x25: {  	[simem:s6], [sflag:s4] =	dma.local [hbm:s3], $0xF7A  }
0x26: {  	[smem:$0x3F9A] =	sst s1;
	(tag) =	ssettag s2;
	_ =	strace s9  }
0x27: {  	s1 =	sld [smem:$0x3FAA]  }
0x28: {  	s2 =	sld [smem:$0x3FAB]  }
0x29: {  	s4 =	sld [smem:$0x3FAD]  }
0x2a: {  	p0 =	seq.s32 s5, $0x0;
	s5 =	sld [smem:$0x3FAE]  }
0x2b: {  	s6 =	sld [smem:$0x3FAF]  }
0x2c: {  	s7 =	sld [smem:$0x3FB0]  }
0x2d: {  	s3 =	simm.s32 $0x108;
	s8 =	sld [smem:$0x3FB1]  }
0x2e: {  	s3 =	simm.s32 @!p0 $0x1082;
	s9 =	sld [smem:$0x3FB2]  }
0x2f: {  	lr =	sadd.s32 s0, s3;
	s0 =	sld [smem:$0x3FA9]  }
0x30: {  	s3 =	sld [smem:$0x3FAC]  }
0x31: {  	[smem:$0x3FB5] =	sst s10  }
0x32: {  	s10 =	sld [smem:$0x3FB3];
	_ =	sdelay $0x3  }
0x33: {  	p0 =	seq.s32 s10, $0x1;
	s10 =	sld [smem:$0x3FB5];
	_ =	sdelay $0x3  }
0x34: {  	[smem:$0x3FB5] =	sst s10  }
0x35: {  	s10 =	sld [smem:$0x3FB4];
	_ =	sdelay $0x3  }
0x36: {  	p1 =	seq.s32 s10, $0x1;
	s10 =	sld [smem:$0x3FB5];
	_ =	sdelay $0x3  }
0x37: {  	[smem:$0x3FB5] =	sst s10  }
0x38: {  	s10 =	sld [smem:$0x3FB6]  }
0x39: {  	_ = 	snop;
	(pc) =	sbr.ind lr, $3  }
0x3a: {  	_ = 	snop  }
0x3b: {  	_ = 	snop  }
0x3c: {  	p2 =	seq.s32 s10, $0x1;
	s10 =	sld [smem:$0x3FB5]  }
0x3d: {  	_ =	shalt  }
0x3e: {  	_ =	shalt  }
0x3f: {  	_ =	shalt  }
0x40: {  	_ =	shalt  }
0x41: {  	_ =	shalt  }
0x42: {  	_ =	shalt  }
0x43: {  	_ =	shalt  }
0x44: {  	_ =	shalt  }
0x45: {  	_ =	shalt  }
0x46: {  	_ =	shalt  }
0x47: {  	_ =	shalt  }
0x48: {  	_ =	shalt  }
0x49: {  	_ =	shalt  }
0x4a: {  	_ =	shalt  }
0x4b: {  	_ =	shalt  }
0x4c: {  	_ =	shalt  }
0x4d: {  	_ =	shalt  }
0x4e: {  	_ =	shalt  }
0x4f: {  	_ =	shalt  }
0x50: {  	_ =	shalt  }
0x51: {  	_ =	shalt  }
0x52: {  	_ =	shalt  }
0x53: {  	_ =	shalt  }
0x54: {  	_ =	shalt  }
0x55: {  	_ =	shalt  }
0x56: {  	_ =	shalt  }
0x57: {  	_ =	shalt  }
0x58: {  	_ =	shalt  }
0x59: {  	_ =	shalt  }
0x5a: {  	_ =	shalt  }
0x5b: {  	_ =	shalt  }
0x5c: {  	_ =	shalt  }
0x5d: {  	_ =	shalt  }
0x5e: {  	_ =	shalt  }
0x5f: {  	_ =	shalt  }
0x60: {  	_ =	shalt  }
0x61: {  	_ =	shalt  }
0x62: {  	_ =	shalt  }
0x63: {  	_ =	shalt  }
0x64: {  	_ =	shalt  }
0x65: {  	_ =	shalt  }
0x66: {  	_ =	shalt  }
0x67: {  	_ =	shalt  }
0x68: {  	_ =	shalt  }
0x69: {  	_ =	shalt  }
0x6a: {  	_ =	shalt  }
0x6b: {  	_ =	shalt  }
0x6c: {  	_ =	shalt  }
0x6d: {  	_ =	shalt  }
0x6e: {  	_ =	shalt  }
0x6f: {  	_ =	shalt  }
0x70: {  	_ =	shalt  }
0x71: {  	_ =	shalt  }
0x72: {  	_ =	shalt  }
0x73: {  	_ =	shalt  }
0x74: {  	_ =	shalt  }
0x75: {  	_ =	shalt  }
0x76: {  	_ =	shalt  }
0x77: {  	_ =	shalt  }
0x78: {  	_ =	shalt  }
0x79: {  	_ =	shalt  }
0x7a: {  	_ =	shalt  }
0x7b: {  	_ =	shalt  }
0x7c: {  	_ =	shalt  }
0x7d: {  	_ =	shalt  }
0x7e: {  	_ =	shalt  }
0x7f: {  	_ =	shalt  }
0x80: {  	_ =	shalt  }
0x81: {  	_ =	shalt  }
0x82: {  	_ =	shalt  }
0x83: {  	_ =	shalt  }
0x84: {  	_ =	shalt  }
0x85: {  	_ =	shalt  }
0x86: {  	_ =	shalt  }
0x87: {  	_ =	shalt  }
.Lfunc_end0:
.L_simem_size_0:
called_computation_lowered:
.L_overlay_start_0:
0x88: {  	s2 =	sld [smem:$0x3FD9]  }
0x89: {  	s3 =	sld [smem:$0x3FFE];
	_ =	sdelay $0x1  }
0x8a: {  	s1 =	srdreg.scid  }
0x8b: {  	s0 =	sand.u32 $0x1, s1  }
0x8c: {  	s16 =	sshll.u32 s0, $0xA;
	s2 =	sadd.s32 s3, s2  }
0x8d: {  	s2 =	sadd.s32 s2, s16  }
0x8e: {  	[smem:$0x3FC1] =	sst s2  }
0x8f: {  	_ = 	snop  }
0x90: {  	(tm) =	ssettm $0x1  }
0x91: {  	s17 =	sld [smem:$0x3FFB];
	_ =	sdelay $0x3  }
0x92: {  	_ =	strace s17  }
0x93: {  	s2 =	sld [smem:$0x3FFC];
	_ =	sdelay $0x3  }
0x94: {  	_ =	strace s2  }
0x95: {  	s2 =	sld [smem:$0x3FFD];
	_ =	sdelay $0x3  }
0x96: {  	_ =	strace s2  }
0x97: {  	_ =	strace $0x8FFFFFFF  }
0x98: {  	s18 =	sld [smem:$0x3FDB];
	_ =	sdelay $0x1  }
0x99: {  	s19 =	simm.s32 $_scs_section_size  }
0x9a: {  	s4 =	simm.s32 $_size__tile_overlayer_lowered;
	s5 =	simm.s32 $_tile_overlayer_lowered  }
0x9b: {  	s22 =	simm.s32 $0x1BFF;
	s21 =	sshll.u32 s5, $0x1;
	s2 =	sadd.s32 s19, s18  }
0x9c: {  	s6 =	simm.s32 $0x0;
	s20 =	sshll.u32 s4, $0x1;
	s4 =	sadd.s32 s21, s2  }
0x9d: {  	[timem:s6], [sflag:s22] =	dma.local [hbm:s4], s20  }
0x9e: {  	_ =	swait.ge [sflag:s22], s20  }
0x9f: {  	s3 =	ssub.s32 $0x0, s20;
	[sflag:s22] =	ssyncset.done $0x0  }
0xa0: {  	[sflag:s22] =	ssyncadd.s32 s3;
	_ =	sdelay $0x1  }
0xa1: {  	s23 =	simm.s32 $0x1B8B  }
0xa2: {  	_ =	swait.ge [sflag:s23], $0x1  }
0xa3: {  	[sflag:s23] =	ssyncset.done $0x0  }
0xa4: {  	s25 =	simm.s32 $0x1B8E;
	s24 =	sld [smem:$0x3FFE];
	[sflag:s23] =	ssyncadd.s32 $0xFFFFFFFF  }
0xa5: {  	s26 =	simm.s32 $execute0_lowered;
	[smem:$0x3FD2] =	sst s25  }
0xa6: {  	s4 =	sshll.u32 s26, $0x1;
	_ =	strace $0x80000046;
	[dreg:$0x1] =	wrdreg $0xFFFFFFFF  }
0xa7: {  	s28 =	simm.s32 $_size_execute0_lowered;
	s2 =	sadd.s32 s2, s4;
	[dreg:$0x0] =	wrdreg $0x0  }
0xa8: {  	s4 =	sshll.u32 s28, $0x1;
	[dreg:$0x2] =	wrdreg s2  }
0xa9: {  	[dreg:$0x3] =	wrdreg s4  }
0xaa: {  	[dreg:$0x4] =	wrdreg $0xC0  }
0xab: {  	_ =	task [dreg:s6], $0x5FFFF  }
0xac: {  	[dreg:$0x1] =	wrdreg $0xFFFFFFFF  }
0xad: {  	[dreg:$0x0] =	wrdreg $0x60  }
0xae: {  	[dreg:$0x2] =	wrdreg s24  }
0xaf: {  	[dreg:$0x3] =	wrdreg $0x9  }
0xb0: {  	_ =	task.clear_ibuf [dreg:s6], $0x4FFFF;
	_ =	strace $0x90000046  }
0xb1: {  	s29 =	simm.s32 $0x9;
	_ =	strace $0x80000048  }
0xb2: {  	_ =	swait.ge [sflag:s29], $0x1  }
0xb3: {  	[sflag:s29] =	ssyncadd.s32 $0xFFFFFFFF  }
0xb4: {  	_ =	strace $0x90000048  }
0xb5: {  	_ =	sfence  }
0xb6: {  	s30 =	sld [smem:$0x0];
	_ =	sdelay $0x2  }
0xb7: {  	s31 =	sshll.u32 s1, $0xD;
	s1 =	sshrl.u32 s1, $0x2  }
0xb8: {  	s3 =	sand.u32 $0x4000, s31;
	s1 =	sadd.s32 s1, s30  }
0xb9: {  	s0 =	sor.u32 s3, s0;
	s1 =	sshll.u32 s1, $0x11  }
0xba: {  	s0 =	sor.u32 s1, s0  }
0xbb: {  	s0 =	sadd.s32 $0x8F2B, s0  }
0xbc: {  	[sflag:s0] =	ssyncadd.remote.s32 $0x1  }
0xbd: {  	_ =	sfence.sel $0xFFFF  }
0xbe: {  	[dreg:$0x0] =	wrdreg $0xFFFFFFFF;
	(pc) =	sbr.abs _section_cstart, $3  }
0xbf: {  	[dreg:$0x1] =	wrdreg $0xFFFFFFFF  }
0xc0: {  	_ =	task.clear_ibuf [dreg:s6], $0x2FFFF;
	_ =	strace $0x9FFFFFFF  }
0xc1: {  	(tm) =	ssettm $0x7FFFFFFF  }
tec
execute0_lowered:
.L_overlay_start_1:
0x0: {  	(tag) =	ssettag $0x1  }
0x1: {  	s0 =	rddreg [dreg:$0x0]  }
0x2: {  	s1 =	srdreg.scid;
	s2 =	stileid.u32  }
0x3: {  	s4 =	simm.s32 $0x0;
	s12 =	simm.s32 $0x3;
	s15 =	simm.s32 $0x1  }
0x4: {  	s23 =	simm.s32 $0x18800;
	s1 =	sand.u32 $0x1, s1;
	s3 =	sshll.u32 s2, $0x1  }
0x5: {  	s19 =	simm.s32 $0x2;
	[smem:$0x7FF] =	sst s4;
	s6 =	sor.u32 s1, s3  }
0x6: {  	s4 =	sadd.s32 $0x181A00, s0;
	s5 =	sadd.s32 $0x243A00, s0;
	s3 =	sshll.u32 s6, $0x7  }
0x7: {  	s9 =	sadd.s32 $0x181C00, s0;
	s1 =	ssub.s32 $0x2, s1;
	s7 =	sadd.s32 s3, s0  }
0x8: {  	_ =	strace $0x80000047;
	s8 =	sshrl.u32 s1, $0x1;
	s29 =	sadd.s32 $0x242A00, s7  }
0x9: {  	v2 =	vlaneseq.u32;
	s1 =	ssub.s32 s1, s8;
	s30 =	sadd.s32 $0x241A00, s7;
	[dreg:$0x2] =	wrdreg s29  }
0xa: {  	vm0 =	vmmov $0xffff;
	v1 =	vshrl.u32 v2, $0x3;
	s10 =	sshll.u32 s6, $0x4;
	s31 =	smax.u32 s1, $0x1;
	[dreg:$0x3] =	wrdreg s30  }
0xb: {  	v0 =	vand.u32 $0x7, v2;
	v2 =	vor.u32 $0x8, v2;
	v1 =	vmul.u32 $0x8, v1;
	s8 =	sadd.s32 $0x181B00, s0;
	s1 =	simm.s32 $0x0;
	[dreg:$0x4] =	wrdreg s31  }
.LBB2_1:
0xc: {  	[dreg:$0x5] =	wrdreg s1  }
0xd: {  	s0 =	simm.s32 $0x0;
	s24 =	rddreg [dreg:$0x2]  }
0xe: {  	[tilespmem:s0], [sflag:$0x3] =	stream.linear.gather [hbm4b:s24+s0], $0x400, $0x38;
	[tilespmem:$0x1A000] =	vst v63  }
0xf: {  	_ =	swait.ge [sflag:s12], $0x400  }
0x10: {  	[sflag:s12] =	ssyncset.done $0x0  }
0x11: {  	s2 =	simm.s32 $0x400;
	s25 =	rddreg [dreg:$0x3];
	[sflag:s12] =	ssyncadd.s32 $0xFFFFFC00  }
0x12: {  	[tilespmem:s2], [sflag:$0x3] =	stream.linear.gather [hbm4b:s25+s0], $0x400, $0x38;
	[tilespmem:$0x1A000] =	vst v63  }
0x13: {  	_ =	swait.ge [sflag:s12], $0x400  }
0x14: {  	[sflag:s12] =	ssyncset.done $0x0  }
0x15: {  	[sflag:s12] =	ssyncadd.s32 $0xFFFFFC00  }
0x16: {  	v3 =	vld [tilespmem:$0x0];
	_ =	sdelay $0x4  }
0x17: {  	v4 =	vshrl.u32 v3, $0x3  }
0x18: {  	v4 =	vmul.u32 $0x30, v4  }
0x19: {  	v3 =	vand.u32 $0x7, v3  }
0x1a: {  	v3 =	vor.u32 v3, v4  }
0x1b: {  	v4 =	vperm.xlane v3, v0;
	_ =	sdelay $0x1  }
0x1c: {  	v4 =	vadd.s32 v1, v4;
	_ =	sdelay $0x3  }
0x1d: {  	s26 =	simm.s32 $0x800;
	v3 =	vperm.xlane v3, v2  }
0x1e: {  	[tilespmem:s26], [sflag:$0x1] =	stream.indirect_vreg.gather [hbm4b:s4+s0], $0x80, v4, vm0, $0xb8;
	[tilespmem:$0x1A000] =	vst v63  }
0x1f: {  	s28 =	simm.s32 $0x1000;
	v3 =	vadd.s32 v1, v3  }
0x20: {  	[tilespmem:s28], [sflag:$0x1] =	stream.indirect_vreg.gather [hbm4b:s8+s0], $0x80, v4, vm0, $0xb8;
	[tilespmem:$0x1A000] =	vst v63  }
0x21: {  	s29 =	simm.s32 $0x1800  }
0x22: {  	[tilespmem:s29], [sflag:$0x1] =	stream.indirect_vreg.gather [hbm4b:s9+s0], $0x80, v4, vm0, $0xb8;
	[tilespmem:$0x1A000] =	vst v63  }
0x23: {  	s30 =	simm.s32 $0x2000  }
0x24: {  	[tilespmem:s30], [sflag:$0x1] =	stream.indirect_vreg.gather [hbm4b:s4+s0], $0x80, v3, vm0, $0xb8;
	[tilespmem:$0x1A000] =	vst v63  }
0x25: {  	s31 =	simm.s32 $0x2800  }
0x26: {  	[tilespmem:s31], [sflag:$0x1] =	stream.indirect_vreg.gather [hbm4b:s8+s0], $0x80, v3, vm0, $0xb8;
	[tilespmem:$0x1A000] =	vst v63  }
0x27: {  	s2 =	simm.s32 $0x3000  }
0x28: {  	[tilespmem:s2], [sflag:$0x1] =	stream.indirect_vreg.gather [hbm4b:s9+s0], $0x80, v3, vm0, $0xb8;
	[tilespmem:$0x1A000] =	vst v63  }
0x29: {  	v3 =	vld [tilespmem:$0x10];
	_ =	sdelay $0x4  }
0x2a: {  	v61 =	vshrl.u32 v3, $0x3  }
0x2b: {  	v4 =	vmul.u32 $0x30, v61  }
0x2c: {  	v3 =	vand.u32 $0x7, v3  }
0x2d: {  	v3 =	vor.u32 v3, v4  }
0x2e: {  	v4 =	vperm.xlane v3, v0;
	_ =	sdelay $0x1  }
0x2f: {  	v4 =	vadd.s32 v1, v4;
	_ =	sdelay $0x3  }
0x30: {  	s6 =	simm.s32 $0x3800;
	v3 =	vperm.xlane v3, v2  }
0x31: {  	[tilespmem:s6], [sflag:$0x1] =	stream.indirect_vreg.gather [hbm4b:s4+s0], $0x80, v4, vm0, $0xb8;
	[tilespmem:$0x1A000] =	vst v63  }
0x32: {  	s7 =	simm.s32 $0x4000;
	v3 =	vadd.s32 v1, v3  }
0x33: {  	[tilespmem:s7], [sflag:$0x1] =	stream.indirect_vreg.gather [hbm4b:s8+s0], $0x80, v4, vm0, $0xb8;
	[tilespmem:$0x1A000] =	vst v63  }
0x34: {  	s11 =	simm.s32 $0x4800  }
0x35: {  	[tilespmem:s11], [sflag:$0x1] =	stream.indirect_vreg.gather [hbm4b:s9+s0], $0x80, v4, vm0, $0xb8;
	[tilespmem:$0x1A000] =	vst v63  }
0x36: {  	s13 =	simm.s32 $0x5000  }
0x37: {  	[tilespmem:s13], [sflag:$0x1] =	stream.indirect_vreg.gather [hbm4b:s4+s0], $0x80, v3, vm0, $0xb8;
	[tilespmem:$0x1A000] =	vst v63  }
0x38: {  	s14 =	simm.s32 $0x5800  }
0x39: {  	[tilespmem:s14], [sflag:$0x1] =	stream.indirect_vreg.gather [hbm4b:s8+s0], $0x80, v3, vm0, $0xb8;
	[tilespmem:$0x1A000] =	vst v63  }
0x3a: {  	s16 =	simm.s32 $0x6000  }
0x3b: {  	[tilespmem:s16], [sflag:$0x1] =	stream.indirect_vreg.gather [hbm4b:s9+s0], $0x80, v3, vm0, $0xb8;
	[tilespmem:$0x1A000] =	vst v63  }
0x3c: {  	v3 =	vld [tilespmem:$0x20];
	_ =	sdelay $0x4  }
0x3d: {  	v62 =	vshrl.u32 v3, $0x3  }
0x3e: {  	v4 =	vmul.u32 $0x30, v62  }
0x3f: {  	v3 =	vand.u32 $0x7, v3  }
0x40: {  	v3 =	vor.u32 v3, v4  }
0x41: {  	v4 =	vperm.xlane v3, v0;
	_ =	sdelay $0x1  }
0x42: {  	v4 =	vadd.s32 v1, v4;
	_ =	sdelay $0x3  }
0x43: {  	s17 =	simm.s32 $0x6800;
	v3 =	vperm.xlane v3, v2  }
0x44: {  	[tilespmem:s17], [sflag:$0x1] =	stream.indirect_vreg.gather [hbm4b:s4+s0], $0x80, v4, vm0, $0xb8;
	[tilespmem:$0x1A000] =	vst v63  }
0x45: {  	s18 =	simm.s32 $0x7000;
	v3 =	vadd.s32 v1, v3  }
0x46: {  	[tilespmem:s18], [sflag:$0x1] =	stream.indirect_vreg.gather [hbm4b:s8+s0], $0x80, v4, vm0, $0xb8;
	[tilespmem:$0x1A000] =	vst v63  }
0x47: {  	s20 =	simm.s32 $0x7800  }
0x48: {  	[tilespmem:s20], [sflag:$0x1] =	stream.indirect_vreg.gather [hbm4b:s9+s0], $0x80, v4, vm0, $0xb8;
	[tilespmem:$0x1A000] =	vst v63  }
0x49: {  	s21 =	simm.s32 $0x8000  }
0x4a: {  	[tilespmem:s21], [sflag:$0x1] =	stream.indirect_vreg.gather [hbm4b:s4+s0], $0x80, v3, vm0, $0xb8;
	[tilespmem:$0x1A000] =	vst v63  }
0x4b: {  	s22 =	simm.s32 $0x8800  }
0x4c: {  	[tilespmem:s22], [sflag:$0x1] =	stream.indirect_vreg.gather [hbm4b:s8+s0], $0x80, v3, vm0, $0xb8;
	[tilespmem:$0x1A000] =	vst v63  }
0x4d: {  	s24 =	simm.s32 $0x9000  }
0x4e: {  	[tilespmem:s24], [sflag:$0x1] =	stream.indirect_vreg.gather [hbm4b:s9+s0], $0x80, v3, vm0, $0xb8;
	[tilespmem:$0x1A000] =	vst v63  }
0x4f: {  	v3 =	vld [tilespmem:$0x30];
	_ =	sdelay $0x4  }
0x50: {  	v63 =	vshrl.u32 v3, $0x3  }
0x51: {  	v4 =	vmul.u32 $0x30, v63  }
0x52: {  	v3 =	vand.u32 $0x7, v3  }
0x53: {  	v3 =	vor.u32 v3, v4  }
0x54: {  	v4 =	vperm.xlane v3, v0;
	_ =	sdelay $0x1  }
0x55: {  	v4 =	vadd.s32 v1, v4;
	_ =	sdelay $0x3  }
0x56: {  	s25 =	simm.s32 $0x9800;
	v3 =	vperm.xlane v3, v2  }
0x57: {  	[tilespmem:s25], [sflag:$0x1] =	stream.indirect_vreg.gather [hbm4b:s4+s0], $0x80, v4, vm0, $0xb8;
	[tilespmem:$0x1A000] =	vst v63  }
0x58: {  	s26 =	simm.s32 $0xA000;
	v3 =	vadd.s32 v1, v3  }
0x59: {  	[tilespmem:s26], [sflag:$0x1] =	stream.indirect_vreg.gather [hbm4b:s8+s0], $0x80, v4, vm0, $0xb8;
	[tilespmem:$0x1A000] =	vst v63  }
0x5a: {  	s28 =	simm.s32 $0xA800  }
0x5b: {  	[tilespmem:s28], [sflag:$0x1] =	stream.indirect_vreg.gather [hbm4b:s9+s0], $0x80, v4, vm0, $0xb8;
	[tilespmem:$0x1A000] =	vst v63  }
0x5c: {  	s29 =	simm.s32 $0xB000  }
0x5d: {  	[tilespmem:s29], [sflag:$0x1] =	stream.indirect_vreg.gather [hbm4b:s4+s0], $0x80, v3, vm0, $0xb8;
	[tilespmem:$0x1A000] =	vst v63  }
0x5e: {  	s30 =	simm.s32 $0xB800  }
0x5f: {  	[tilespmem:s30], [sflag:$0x1] =	stream.indirect_vreg.gather [hbm4b:s8+s0], $0x80, v3, vm0, $0xb8;
	[tilespmem:$0x1A000] =	vst v63  }
0x60: {  	s31 =	simm.s32 $0xC000;
	s24 =	simm.s32 $0x0  }
0x61: {  	[tilespmem:s31], [sflag:$0x1] =	stream.indirect_vreg.gather [hbm4b:s9+s0], $0x80, v3, vm0, $0xb8;
	[tilespmem:$0x1A000] =	vst v63  }
.LBB2_2:
0x62: {  	s17 =	sshllo.u32 s24, $0x1  }
0x63: {  	s25 =	sshll.u32 s17, $0x6  }
0x64: {  	v3 =	vld [tilespmem:s25+$0x0];
	_ =	sdelay $0x4  }
0x65: {  	v4 =	vshrl.u32 v3, $0x3  }
0x66: {  	v4 =	vmul.u32 $0x30, v4  }
0x67: {  	v3 =	vand.u32 $0x7, v3  }
0x68: {  	v3 =	vor.u32 v3, v4  }
0x69: {  	v4 =	vperm.xlane v3, v0;
	_ =	sdelay $0x1  }
0x6a: {  	v4 =	vadd.s32 v1, v4;
	_ =	sdelay $0x3  }
0x6b: {  	s26 =	simm.s32 $0x0;
	s0 =	simm.s32 $0xC800;
	v3 =	vperm.xlane v3, v2  }
0x6c: {  	[tilespmem:s0], [sflag:$0x2] =	stream.indirect_vreg.gather [hbm4b:s4+s26], $0x80, v4, vm0, $0xb8;
	[tilespmem:$0x1A000] =	vst v63  }
0x6d: {  	s14 =	simm.s32 $0xD000;
	v3 =	vadd.s32 v1, v3  }
0x6e: {  	[tilespmem:s14], [sflag:$0x2] =	stream.indirect_vreg.gather [hbm4b:s8+s26], $0x80, v4, vm0, $0xb8;
	[tilespmem:$0x1A000] =	vst v63  }
0x6f: {  	s16 =	simm.s32 $0xD800  }
0x70: {  	[tilespmem:s16], [sflag:$0x2] =	stream.indirect_vreg.gather [hbm4b:s9+s26], $0x80, v4, vm0, $0xb8;
	[tilespmem:$0x1A000] =	vst v63  }
0x71: {  	s18 =	simm.s32 $0xE000  }
0x72: {  	[tilespmem:s18], [sflag:$0x2] =	stream.indirect_vreg.gather [hbm4b:s4+s26], $0x80, v3, vm0, $0xb8;
	[tilespmem:$0x1A000] =	vst v63  }
0x73: {  	s20 =	simm.s32 $0xE800  }
0x74: {  	[tilespmem:s20], [sflag:$0x2] =	stream.indirect_vreg.gather [hbm4b:s8+s26], $0x80, v3, vm0, $0xb8;
	[tilespmem:$0x1A000] =	vst v63  }
0x75: {  	s21 =	simm.s32 $0xF000  }
0x76: {  	[tilespmem:s21], [sflag:$0x2] =	stream.indirect_vreg.gather [hbm4b:s9+s26], $0x80, v3, vm0, $0xb8;
	[tilespmem:$0x1A000] =	vst v63  }
0x77: {  	v3 =	vld [tilespmem:s25+$0x10];
	_ =	sdelay $0x4  }
0x78: {  	v4 =	vshrl.u32 v3, $0x3  }
0x79: {  	v4 =	vmul.u32 $0x30, v4  }
0x7a: {  	v3 =	vand.u32 $0x7, v3  }
0x7b: {  	v3 =	vor.u32 v3, v4  }
0x7c: {  	v4 =	vperm.xlane v3, v0;
	_ =	sdelay $0x1  }
0x7d: {  	v4 =	vadd.s32 v1, v4;
	_ =	sdelay $0x3  }
0x7e: {  	s22 =	simm.s32 $0xF800;
	v3 =	vperm.xlane v3, v2  }
0x7f: {  	[tilespmem:s22], [sflag:$0x2] =	stream.indirect_vreg.gather [hbm4b:s4+s26], $0x80, v4, vm0, $0xb8;
	[tilespmem:$0x1A000] =	vst v63  }
0x80: {  	s29 =	simm.s32 $0x10000;
	v3 =	vadd.s32 v1, v3  }
0x81: {  	[tilespmem:s29], [sflag:$0x2] =	stream.indirect_vreg.gather [hbm4b:s8+s26], $0x80, v4, vm0, $0xb8;
	[tilespmem:$0x1A000] =	vst v63  }
0x82: {  	s30 =	simm.s32 $0x10800  }
0x83: {  	[tilespmem:s30], [sflag:$0x2] =	stream.indirect_vreg.gather [hbm4b:s9+s26], $0x80, v4, vm0, $0xb8;
	[tilespmem:$0x1A000] =	vst v63  }
0x84: {  	s31 =	simm.s32 $0x11000  }
0x85: {  	[tilespmem:s31], [sflag:$0x2] =	stream.indirect_vreg.gather [hbm4b:s4+s26], $0x80, v3, vm0, $0xb8;
	[tilespmem:$0x1A000] =	vst v63  }
0x86: {  	s1 =	simm.s32 $0x11800  }
0x87: {  	[tilespmem:s1], [sflag:$0x2] =	stream.indirect_vreg.gather [hbm4b:s8+s26], $0x80, v3, vm0, $0xb8;
	[tilespmem:$0x1A000] =	vst v63  }
0x88: {  	s2 =	simm.s32 $0x12000  }
0x89: {  	[tilespmem:s2], [sflag:$0x2] =	stream.indirect_vreg.gather [hbm4b:s9+s26], $0x80, v3, vm0, $0xb8;
	[tilespmem:$0x1A000] =	vst v63  }
0x8a: {  	v3 =	vld [tilespmem:s25+$0x20];
	_ =	sdelay $0x4  }
0x8b: {  	v4 =	vshrl.u32 v3, $0x3  }
0x8c: {  	v4 =	vmul.u32 $0x30, v4  }
0x8d: {  	v3 =	vand.u32 $0x7, v3  }
0x8e: {  	v3 =	vor.u32 v3, v4  }
0x8f: {  	v4 =	vperm.xlane v3, v0;
	_ =	sdelay $0x1  }
0x90: {  	v4 =	vadd.s32 v1, v4;
	_ =	sdelay $0x3  }
0x91: {  	s6 =	simm.s32 $0x12800;
	v3 =	vperm.xlane v3, v2  }
0x92: {  	[tilespmem:s6], [sflag:$0x2] =	stream.indirect_vreg.gather [hbm4b:s4+s26], $0x80, v4, vm0, $0xb8;
	[tilespmem:$0x1A000] =	vst v63  }
0x93: {  	s7 =	simm.s32 $0x13000;
	v3 =	vadd.s32 v1, v3  }
0x94: {  	[tilespmem:s7], [sflag:$0x2] =	stream.indirect_vreg.gather [hbm4b:s8+s26], $0x80, v4, vm0, $0xb8;
	[tilespmem:$0x1A000] =	vst v63  }
0x95: {  	s11 =	simm.s32 $0x13800  }
0x96: {  	[tilespmem:s11], [sflag:$0x2] =	stream.indirect_vreg.gather [hbm4b:s9+s26], $0x80, v4, vm0, $0xb8;
	[tilespmem:$0x1A000] =	vst v63  }
0x97: {  	s13 =	simm.s32 $0x14000  }
0x98: {  	[tilespmem:s13], [sflag:$0x2] =	stream.indirect_vreg.gather [hbm4b:s4+s26], $0x80, v3, vm0, $0xb8;
	[tilespmem:$0x1A000] =	vst v63  }
0x99: {  	s14 =	simm.s32 $0x14800  }
0x9a: {  	[tilespmem:s14], [sflag:$0x2] =	stream.indirect_vreg.gather [hbm4b:s8+s26], $0x80, v3, vm0, $0xb8;
	[tilespmem:$0x1A000] =	vst v63  }
0x9b: {  	s16 =	simm.s32 $0x15000  }
0x9c: {  	[tilespmem:s16], [sflag:$0x2] =	stream.indirect_vreg.gather [hbm4b:s9+s26], $0x80, v3, vm0, $0xb8;
	[tilespmem:$0x1A000] =	vst v63  }
0x9d: {  	v3 =	vld [tilespmem:s25+$0x30];
	_ =	sdelay $0x4  }
0x9e: {  	v4 =	vshrl.u32 v3, $0x3  }
0x9f: {  	v4 =	vmul.u32 $0x30, v4  }
0xa0: {  	v3 =	vand.u32 $0x7, v3  }
0xa1: {  	v3 =	vor.u32 v3, v4  }
0xa2: {  	v4 =	vperm.xlane v3, v0;
	_ =	sdelay $0x1  }
0xa3: {  	v4 =	vadd.s32 v1, v4;
	_ =	sdelay $0x3  }
0xa4: {  	s18 =	simm.s32 $0x15800;
	v3 =	vperm.xlane v3, v2  }
0xa5: {  	[tilespmem:s18], [sflag:$0x2] =	stream.indirect_vreg.gather [hbm4b:s4+s26], $0x80, v4, vm0, $0xb8;
	[tilespmem:$0x1A000] =	vst v63  }
0xa6: {  	s20 =	simm.s32 $0x16000;
	v3 =	vadd.s32 v1, v3  }
0xa7: {  	[tilespmem:s20], [sflag:$0x2] =	stream.indirect_vreg.gather [hbm4b:s8+s26], $0x80, v4, vm0, $0xb8;
	[tilespmem:$0x1A000] =	vst v63  }
0xa8: {  	s21 =	simm.s32 $0x16800  }
0xa9: {  	[tilespmem:s21], [sflag:$0x2] =	stream.indirect_vreg.gather [hbm4b:s9+s26], $0x80, v4, vm0, $0xb8;
	[tilespmem:$0x1A000] =	vst v63  }
0xaa: {  	s22 =	simm.s32 $0x17000  }
0xab: {  	[tilespmem:s22], [sflag:$0x2] =	stream.indirect_vreg.gather [hbm4b:s4+s26], $0x80, v3, vm0, $0xb8;
	[tilespmem:$0x1A000] =	vst v63  }
0xac: {  	s29 =	simm.s32 $0x17800  }
0xad: {  	[tilespmem:s29], [sflag:$0x2] =	stream.indirect_vreg.gather [hbm4b:s8+s26], $0x80, v3, vm0, $0xb8;
	[tilespmem:$0x1A000] =	vst v63  }
0xae: {  	s30 =	simm.s32 $0x18000;
	s20 =	sshll.u32 s24, $0x9  }
0xaf: {  	[tilespmem:s30], [sflag:$0x2] =	stream.indirect_vreg.gather [hbm4b:s9+s26], $0x80, v3, vm0, $0xb8;
	[tilespmem:$0x1A000] =	vst v63  }
0xb0: {  	s31 =	sshrl.u32 s20, $0x2;
	_ =	swait.ge [sflag:s15], $0xC000  }
0xb1: {  	s0 =	sadd.s32 $0x400, s31;
	[sflag:s15] =	ssyncset.done $0x0  }
0xb2: {  	s28 =	simm.s32 $0x0;
	v3 =	vmov s0;
	[sflag:s15] =	ssyncadd.s32 $0xFFFF4000  }
.LBB2_3:
0xb3: {  	s0 =	smul.u32 $0x6000, s28;
	_ =	sdelay $0x1  }
0xb4: {  	s0 =	sshra.s32 s0, $0x2  }
0xb5: {  	s6 =	sshll.u32 s28, $0x3;
	s13 =	sand.u32 $0x1C00, s26;
	s16 =	sadd.s32 $0x800, s0  }
0xb6: {  	s1 =	sand.u32 $0x40, s26;
	s18 =	sand.u32 $0x30, s6;
	s0 =	sadd.s32 s13, s16  }
0xb7: {  	v11 =	vld.idx.msk [tilespmem:v3+s18+$0x0 ss:$0x1], $0xffff;
	s22 =	sadd.s32 s1, s0  }
0xb8: {  	v7 =	vld [tilespmem:s22+$0x0]  }
0xb9: {  	v8 =	vld [tilespmem:s22+$0x80]  }
0xba: {  	s21 =	sor.u32 $0x1, s6  }
0xbb: {  	v4 =	vmov s6;
	s2 =	sor.u32 $0x2, s6;
	v5 =	vmov s21;
	v9 =	vld [tilespmem:s22+$0x100]  }
0xbc: {  	v6 =	vmov s2;
	v4 =	vperm.xlane v11, v4;
	v5 =	vperm.xlane v11, v5  }
0xbd: {  	v10 =	vld [tilespmem:s22+$0x180];
	v6 =	vperm.xlane v11, v6  }
0xbe: {  	s7 =	sor.u32 $0x3, s6;
	v12 =	vmul.f32 v7, v4;
	v8 =	vmul.f32 v8, v5  }
0xbf: {  	v13 =	vld [tilespmem:s22+$0x200];
	v7 =	vmov s7  }
0xc0: {  	s11 =	sor.u32 $0x4, s6;
	v9 =	vmul.f32 v9, v6;
	v7 =	vperm.xlane v11, v7;
	v12 =	vadd.f32 v8, v12  }
0xc1: {  	v14 =	vld [tilespmem:s22+$0x280];
	v8 =	vmov s11  }
0xc2: {  	s14 =	sor.u32 $0x5, s6;
	v8 =	vperm.xlane v11, v8;
	v10 =	vmul.f32 v10, v7;
	v12 =	vadd.f32 v9, v12  }
0xc3: {  	v15 =	vld [tilespmem:s22+$0x300];
	v9 =	vmov s14  }
0xc4: {  	s6 =	sor.u32 $0x6, s6;
	v9 =	vperm.xlane v11, v9;
	v13 =	vmul.f32 v13, v8;
	v12 =	vadd.f32 v10, v12  }
0xc5: {  	v16 =	vld [tilespmem:s22+$0x380];
	v10 =	vmov s6  }
0xc6: {  	s21 =	sshllo.u32 s28, $0x3;
	v10 =	vperm.xlane v11, v10;
	v12 =	vadd.f32 v13, v12;
	v13 =	vmul.f32 v14, v9  }
0xc7: {  	v14 =	vmov s21  }
0xc8: {  	v11 =	vperm.xlane v11, v14;
	v12 =	vadd.f32 v13, v12;
	v13 =	vmul.f32 v15, v10  }
0xc9: {  	s22 =	sshll.u32 s28, $0x7  }
0xca: {  	s6 =	sand.u32 $0x3FFFFF80, s22;
	v12 =	vadd.f32 v13, v12;
	v13 =	vmul.f32 v16, v11  }
0xcb: {  	s29 =	sadd.s32 $0x18800, s6  }
0xcc: {  	s6 =	sadd.s32 s13, s29;
	v12 =	vadd.f32 v13, v12  }
0xcd: {  	s2 =	sor.u32 $0x10, s1;
	s13 =	sadd.s32 s1, s6  }
0xce: {  	s7 =	sadd.s32 s2, s0;
	[tilespmem:s13+$0x0] =	vst v12  }
0xcf: {  	v12 =	vld [tilespmem:s7+$0x0]  }
0xd0: {  	v13 =	vld [tilespmem:s7+$0x80];
	_ =	sdelay $0x1  }
0xd1: {  	v14 =	vld [tilespmem:s7+$0x100];
	_ =	sdelay $0x1  }
0xd2: {  	v15 =	vld [tilespmem:s7+$0x180]  }
0xd3: {  	v12 =	vmul.f32 v12, v4;
	v13 =	vmul.f32 v13, v5  }
0xd4: {  	v59 =	vld [tilespmem:s7+$0x200]  }
0xd5: {  	v12 =	vadd.f32 v13, v12;
	v13 =	vmul.f32 v14, v6  }
0xd6: {  	v14 =	vld [tilespmem:s7+$0x280]  }
0xd7: {  	v12 =	vadd.f32 v13, v12;
	v13 =	vmul.f32 v15, v7  }
0xd8: {  	v15 =	vld [tilespmem:s7+$0x300]  }
0xd9: {  	v12 =	vadd.f32 v13, v12;
	v13 =	vmul.f32 v59, v8  }
0xda: {  	v60 =	vld [tilespmem:s7+$0x380]  }
0xdb: {  	v12 =	vadd.f32 v13, v12;
	v13 =	vmul.f32 v14, v9;
	_ =	sdelay $0x1  }
0xdc: {  	v12 =	vadd.f32 v13, v12;
	v13 =	vmul.f32 v15, v10;
	_ =	sdelay $0x1  }
0xdd: {  	v12 =	vadd.f32 v13, v12;
	v13 =	vmul.f32 v60, v11;
	_ =	sdelay $0x1  }
0xde: {  	v12 =	vadd.f32 v13, v12  }
0xdf: {  	s14 =	sor.u32 $0x20, s1;
	s11 =	sadd.s32 s2, s6  }
0xe0: {  	s21 =	sadd.s32 s14, s0;
	[tilespmem:s11+$0x0] =	vst v12  }
0xe1: {  	v12 =	vld [tilespmem:s21+$0x0]  }
0xe2: {  	v13 =	vld [tilespmem:s21+$0x80];
	_ =	sdelay $0x1  }
0xe3: {  	v14 =	vld [tilespmem:s21+$0x100];
	_ =	sdelay $0x1  }
0xe4: {  	v15 =	vld [tilespmem:s21+$0x180]  }
0xe5: {  	v12 =	vmul.f32 v12, v4;
	v13 =	vmul.f32 v13, v5  }
0xe6: {  	v61 =	vld [tilespmem:s21+$0x200]  }
0xe7: {  	v12 =	vadd.f32 v13, v12;
	v13 =	vmul.f32 v14, v6  }
0xe8: {  	v14 =	vld [tilespmem:s21+$0x280]  }
0xe9: {  	v12 =	vadd.f32 v13, v12;
	v13 =	vmul.f32 v15, v7  }
0xea: {  	v15 =	vld [tilespmem:s21+$0x300]  }
0xeb: {  	v12 =	vadd.f32 v13, v12;
	v13 =	vmul.f32 v61, v8  }
0xec: {  	v62 =	vld [tilespmem:s21+$0x380]  }
0xed: {  	v12 =	vadd.f32 v13, v12;
	v13 =	vmul.f32 v14, v9;
	_ =	sdelay $0x1  }
0xee: {  	v12 =	vadd.f32 v13, v12;
	v13 =	vmul.f32 v15, v10;
	_ =	sdelay $0x1  }
0xef: {  	v12 =	vadd.f32 v13, v12;
	v13 =	vmul.f32 v62, v11;
	_ =	sdelay $0x1  }
0xf0: {  	v12 =	vadd.f32 v13, v12  }
0xf1: {  	s1 =	sor.u32 $0x30, s1;
	s22 =	sadd.s32 s14, s6  }
0xf2: {  	s0 =	sadd.s32 s1, s0;
	[tilespmem:s22+$0x0] =	vst v12  }
0xf3: {  	v12 =	vld [tilespmem:s0+$0x0]  }
0xf4: {  	v13 =	vld [tilespmem:s0+$0x80];
	_ =	sdelay $0x1  }
0xf5: {  	v14 =	vld [tilespmem:s0+$0x100];
	_ =	sdelay $0x1  }
0xf6: {  	v15 =	vld [tilespmem:s0+$0x180]  }
0xf7: {  	v12 =	vmul.f32 v12, v4;
	v13 =	vmul.f32 v13, v5  }
0xf8: {  	v63 =	vld [tilespmem:s0+$0x200]  }
0xf9: {  	v14 =	vmul.f32 v14, v6;
	v12 =	vadd.f32 v13, v12  }
0xfa: {  	v13 =	vld [tilespmem:s0+$0x280]  }
0xfb: {  	v17 =	vld [tilespmem:s0+$0x300];
	v15 =	vmul.f32 v15, v7;
	v12 =	vadd.f32 v14, v12  }
0xfc: {  	v14 =	vld [tilespmem:s0+$0x380]  }
0xfd: {  	v16 =	vmul.f32 v63, v8;
	v12 =	vadd.f32 v15, v12;
	_ =	sdelay $0x1  }
0xfe: {  	v15 =	vmul.f32 v13, v9;
	v16 =	vadd.f32 v16, v12  }
0xff: {  	s30 =	simm.s32 $0x0  }
0x100: {  	s31 =	simm.s32 $0x0;
	s21 =	sadd.s32 s1, s6;
	s0 =	simm.s32 $0x0;
	v13 =	vmul.f32 v17, v10;
	v12 =	vmul.f32 v14, v11;
	v14 =	vadd.f32 v15, v16  }
.LBB2_4:
0x101: {  	s30 =	sadd.s32 $0x4, s30;
	s31 =	sadd.s32 $0x200, s31;
	s0 =	sadd.s32 $0x40, s0  }
0x102: {  	p0 =	slt.u32 s30, $0x2C;
	v13 =	vadd.f32 v13, v14  }
0x103: {  	s1 =	sand.u32 $0x1C00, s31  }
0x104: {  	s22 =	sand.u32 $0x40, s0;
	s18 =	sadd.s32 s1, s16;
	s7 =	sadd.s32 s1, s29;
	v12 =	vadd.f32 v12, v13  }
0x105: {  	s2 =	sor.u32 $0x10, s22;
	s11 =	sadd.s32 s22, s18;
	s14 =	sadd.s32 s22, s7  }
0x106: {  	s6 =	sor.u32 $0x20, s22;
	s1 =	sor.u32 $0x30, s22;
	s13 =	sadd.s32 s2, s7;
	[tilespmem:s21+$0x0] =	vst v12  }
0x107: {  	s22 =	sadd.s32 s6, s7;
	s21 =	sadd.s32 s1, s7;
	v12 =	vld [tilespmem:s11+$0x0]  }
0x108: {  	v13 =	vld [tilespmem:s11+$0x80];
	_ =	sdelay $0x1  }
0x109: {  	v14 =	vld [tilespmem:s11+$0x100];
	_ =	sdelay $0x1  }
0x10a: {  	v15 =	vld [tilespmem:s11+$0x180]  }
0x10b: {  	v12 =	vmul.f32 v12, v4;
	v13 =	vmul.f32 v13, v5  }
0x10c: {  	v16 =	vld [tilespmem:s11+$0x200]  }
0x10d: {  	v12 =	vadd.f32 v13, v12;
	v13 =	vmul.f32 v14, v6  }
0x10e: {  	v14 =	vld [tilespmem:s11+$0x280]  }
0x10f: {  	v12 =	vadd.f32 v13, v12;
	v13 =	vmul.f32 v15, v7  }
0x110: {  	v15 =	vld [tilespmem:s11+$0x300]  }
0x111: {  	v12 =	vadd.f32 v13, v12;
	v13 =	vmul.f32 v16, v8  }
0x112: {  	v16 =	vld [tilespmem:s11+$0x380]  }
0x113: {  	v12 =	vadd.f32 v13, v12;
	v13 =	vmul.f32 v14, v9;
	_ =	sdelay $0x1  }
0x114: {  	v12 =	vadd.f32 v13, v12;
	v13 =	vmul.f32 v15, v10;
	_ =	sdelay $0x1  }
0x115: {  	v12 =	vadd.f32 v13, v12;
	v13 =	vmul.f32 v16, v11;
	_ =	sdelay $0x1  }
0x116: {  	v12 =	vadd.f32 v13, v12;
	_ =	sdelay $0x1  }
0x117: {  	s2 =	sadd.s32 s2, s18;
	[tilespmem:s14+$0x0] =	vst v12  }
0x118: {  	v12 =	vld [tilespmem:s2+$0x0]  }
0x119: {  	v13 =	vld [tilespmem:s2+$0x80];
	_ =	sdelay $0x1  }
0x11a: {  	v14 =	vld [tilespmem:s2+$0x100];
	_ =	sdelay $0x1  }
0x11b: {  	v15 =	vld [tilespmem:s2+$0x180]  }
0x11c: {  	v12 =	vmul.f32 v12, v4;
	v13 =	vmul.f32 v13, v5  }
0x11d: {  	v16 =	vld [tilespmem:s2+$0x200]  }
0x11e: {  	v12 =	vadd.f32 v13, v12;
	v13 =	vmul.f32 v14, v6  }
0x11f: {  	v14 =	vld [tilespmem:s2+$0x280]  }
0x120: {  	v12 =	vadd.f32 v13, v12;
	v13 =	vmul.f32 v15, v7  }
0x121: {  	v15 =	vld [tilespmem:s2+$0x300]  }
0x122: {  	v12 =	vadd.f32 v13, v12;
	v13 =	vmul.f32 v16, v8  }
0x123: {  	v16 =	vld [tilespmem:s2+$0x380]  }
0x124: {  	v12 =	vadd.f32 v13, v12;
	v13 =	vmul.f32 v14, v9;
	_ =	sdelay $0x1  }
0x125: {  	v12 =	vadd.f32 v13, v12;
	v13 =	vmul.f32 v15, v10;
	_ =	sdelay $0x1  }
0x126: {  	v12 =	vadd.f32 v13, v12;
	v13 =	vmul.f32 v16, v11;
	_ =	sdelay $0x1  }
0x127: {  	v12 =	vadd.f32 v13, v12;
	_ =	sdelay $0x1  }
0x128: {  	s2 =	sadd.s32 s6, s18;
	[tilespmem:s13+$0x0] =	vst v12  }
0x129: {  	v12 =	vld [tilespmem:s2+$0x0]  }
0x12a: {  	v13 =	vld [tilespmem:s2+$0x80];
	_ =	sdelay $0x1  }
0x12b: {  	v14 =	vld [tilespmem:s2+$0x100];
	_ =	sdelay $0x1  }
0x12c: {  	v12 =	vmul.f32 v12, v4;
	v15 =	vld [tilespmem:s2+$0x180]  }
0x12d: {  	v13 =	vmul.f32 v13, v5  }
0x12e: {  	v16 =	vld [tilespmem:s2+$0x200]  }
0x12f: {  	v12 =	vadd.f32 v13, v12;
	v13 =	vmul.f32 v14, v6  }
0x130: {  	v14 =	vld [tilespmem:s2+$0x280]  }
0x131: {  	v12 =	vadd.f32 v13, v12;
	v13 =	vmul.f32 v15, v7  }
0x132: {  	v15 =	vld [tilespmem:s2+$0x300]  }
0x133: {  	v12 =	vadd.f32 v13, v12;
	v13 =	vmul.f32 v16, v8  }
0x134: {  	v16 =	vld [tilespmem:s2+$0x380]  }
0x135: {  	v12 =	vadd.f32 v13, v12;
	v13 =	vmul.f32 v14, v9;
	_ =	sdelay $0x1  }
0x136: {  	v12 =	vadd.f32 v13, v12;
	v13 =	vmul.f32 v15, v10;
	_ =	sdelay $0x1  }
0x137: {  	v12 =	vadd.f32 v13, v12;
	v13 =	vmul.f32 v16, v11;
	_ =	sdelay $0x1  }
0x138: {  	v12 =	vadd.f32 v13, v12;
	_ =	sdelay $0x1  }
0x139: {  	s1 =	sadd.s32 s1, s18;
	[tilespmem:s22+$0x0] =	vst v12  }
0x13a: {  	v12 =	vld [tilespmem:s1+$0x0]  }
0x13b: {  	v13 =	vld [tilespmem:s1+$0x80]  }
0x13c: {  	v14 =	vld [tilespmem:s1+$0x100]  }
0x13d: {  	v15 =	vld [tilespmem:s1+$0x180]  }
0x13e: {  	v16 =	vld [tilespmem:s1+$0x200]  }
0x13f: {  	v12 =	vmul.f32 v12, v4;
	v17 =	vld [tilespmem:s1+$0x280]  }
0x140: {  	v13 =	vmul.f32 v13, v5;
	v18 =	vld [tilespmem:s1+$0x300]  }
0x141: {  	v14 =	vmul.f32 v14, v6;
	v19 =	vld [tilespmem:s1+$0x380]  }
0x142: {  	v12 =	vadd.f32 v13, v12  }
0x143: {  	v13 =	vmul.f32 v15, v7  }
0x144: {  	v12 =	vadd.f32 v14, v12  }
0x145: {  	v14 =	vmul.f32 v16, v8  }
.Ltmp0:
0x146: {  	v13 =	vadd.f32 v13, v12;
	v12 =	vmul.f32 v19, v11;
	(pc) =	sbr.rel @p0 .LBB2_4-.Ltmp0, $4  }
0x147: {  	v15 =	vmul.f32 v17, v9  }
0x148: {  	v14 =	vadd.f32 v14, v13  }
0x149: {  	v13 =	vmul.f32 v18, v10  }
0x14a: {  	v14 =	vadd.f32 v15, v14  }
0x14b: {  	s28 =	sadd.s32 $0x1, s28  }
0x14c: {  	p0 =	sne.s32 s28, $0x8  }
.Ltmp1:
0x14d: {  	v4 =	vadd.f32 v13, v14;
	(pc) =	sbr.rel @p0 .LBB2_3-.Ltmp1, $3  }
0x14e: {  	_ = 	snop  }
0x14f: {  	v4 =	vadd.f32 v12, v4;
	_ =	sdelay $0x1  }
0x150: {  	[tilespmem:s21+$0x0] =	vst v4  }
0x151: {  	s0 =	sshll.u32 s24, $0x4  }
0x152: {  	s0 =	sadd.s32 s3, s0  }
0x153: {  	s0 =	sshrl.u32 s0, $0x3  }
0x154: {  	s0 =	smul.u32 $0x300, s0;
	_ =	sdelay $0x1  }
0x155: {  	s26 =	simm.s32 $0x0;
	s0 =	sadd.s32 s5, s0  }
0x156: {  	[hbm4b:s0+s26] =	stream.linear.scatter [tilespmem:s23], [sflag:$0x3], $0x1800, $0x38;
	[tilespmem:$0x1A000] =	vst v63  }
0x157: {  	s14 =	sadd.s32 $0x200, s20;
	_ =	swait.ge [sflag:s12], $0x1800  }
0x158: {  	s0 =	sand.u32 $0xE00, s14;
	[sflag:s12] =	ssyncset.done $0x0  }
0x159: {  	s0 =	sshrl.u32 s0, $0x2;
	[sflag:s12] =	ssyncadd.s32 $0xFFFFE800  }
0x15a: {  	v3 =	vld [tilespmem:s0+$0x0];
	_ =	sdelay $0x4  }
0x15b: {  	v4 =	vshrl.u32 v3, $0x3  }
0x15c: {  	v4 =	vmul.u32 $0x30, v4  }
0x15d: {  	v3 =	vand.u32 $0x7, v3  }
0x15e: {  	v3 =	vor.u32 v3, v4  }
0x15f: {  	v4 =	vperm.xlane v3, v0;
	_ =	sdelay $0x1  }
0x160: {  	v4 =	vadd.s32 v1, v4;
	_ =	sdelay $0x3  }
0x161: {  	s1 =	simm.s32 $0x800;
	v3 =	vperm.xlane v3, v2  }
0x162: {  	[tilespmem:s1], [sflag:$0x1] =	stream.indirect_vreg.gather [hbm4b:s4+s26], $0x80, v4, vm0, $0xb8;
	[tilespmem:$0x1A000] =	vst v63  }
0x163: {  	s16 =	simm.s32 $0x1000;
	v3 =	vadd.s32 v1, v3  }
0x164: {  	[tilespmem:s16], [sflag:$0x1] =	stream.indirect_vreg.gather [hbm4b:s8+s26], $0x80, v4, vm0, $0xb8;
	[tilespmem:$0x1A000] =	vst v63  }
0x165: {  	s18 =	simm.s32 $0x1800  }
0x166: {  	[tilespmem:s18], [sflag:$0x1] =	stream.indirect_vreg.gather [hbm4b:s9+s26], $0x80, v4, vm0, $0xb8;
	[tilespmem:$0x1A000] =	vst v63  }
0x167: {  	s20 =	simm.s32 $0x2000  }
0x168: {  	[tilespmem:s20], [sflag:$0x1] =	stream.indirect_vreg.gather [hbm4b:s4+s26], $0x80, v3, vm0, $0xb8;
	[tilespmem:$0x1A000] =	vst v63  }
0x169: {  	s21 =	simm.s32 $0x2800  }
0x16a: {  	[tilespmem:s21], [sflag:$0x1] =	stream.indirect_vreg.gather [hbm4b:s8+s26], $0x80, v3, vm0, $0xb8;
	[tilespmem:$0x1A000] =	vst v63  }
0x16b: {  	s22 =	simm.s32 $0x3000  }
0x16c: {  	[tilespmem:s22], [sflag:$0x1] =	stream.indirect_vreg.gather [hbm4b:s9+s26], $0x80, v3, vm0, $0xb8;
	[tilespmem:$0x1A000] =	vst v63  }
0x16d: {  	v3 =	vld [tilespmem:s0+$0x10];
	_ =	sdelay $0x4  }
0x16e: {  	v4 =	vshrl.u32 v3, $0x3  }
0x16f: {  	v4 =	vmul.u32 $0x30, v4  }
0x170: {  	v3 =	vand.u32 $0x7, v3  }
0x171: {  	v3 =	vor.u32 v3, v4  }
0x172: {  	v4 =	vperm.xlane v3, v0;
	_ =	sdelay $0x1  }
0x173: {  	v4 =	vadd.s32 v1, v4;
	_ =	sdelay $0x3  }
0x174: {  	s28 =	simm.s32 $0x3800;
	v3 =	vperm.xlane v3, v2  }
0x175: {  	[tilespmem:s28], [sflag:$0x1] =	stream.indirect_vreg.gather [hbm4b:s4+s26], $0x80, v4, vm0, $0xb8;
	[tilespmem:$0x1A000] =	vst v63  }
0x176: {  	s29 =	simm.s32 $0x4000;
	v3 =	vadd.s32 v1, v3  }
0x177: {  	[tilespmem:s29], [sflag:$0x1] =	stream.indirect_vreg.gather [hbm4b:s8+s26], $0x80, v4, vm0, $0xb8;
	[tilespmem:$0x1A000] =	vst v63  }
0x178: {  	s30 =	simm.s32 $0x4800  }
0x179: {  	[tilespmem:s30], [sflag:$0x1] =	stream.indirect_vreg.gather [hbm4b:s9+s26], $0x80, v4, vm0, $0xb8;
	[tilespmem:$0x1A000] =	vst v63  }
0x17a: {  	s31 =	simm.s32 $0x5000  }
0x17b: {  	[tilespmem:s31], [sflag:$0x1] =	stream.indirect_vreg.gather [hbm4b:s4+s26], $0x80, v3, vm0, $0xb8;
	[tilespmem:$0x1A000] =	vst v63  }
0x17c: {  	s2 =	simm.s32 $0x5800  }
0x17d: {  	[tilespmem:s2], [sflag:$0x1] =	stream.indirect_vreg.gather [hbm4b:s8+s26], $0x80, v3, vm0, $0xb8;
	[tilespmem:$0x1A000] =	vst v63  }
0x17e: {  	s6 =	simm.s32 $0x6000  }
0x17f: {  	[tilespmem:s6], [sflag:$0x1] =	stream.indirect_vreg.gather [hbm4b:s9+s26], $0x80, v3, vm0, $0xb8;
	[tilespmem:$0x1A000] =	vst v63  }
0x180: {  	v3 =	vld [tilespmem:s0+$0x20];
	_ =	sdelay $0x4  }
0x181: {  	v4 =	vshrl.u32 v3, $0x3  }
0x182: {  	v4 =	vmul.u32 $0x30, v4  }
0x183: {  	v3 =	vand.u32 $0x7, v3  }
0x184: {  	v3 =	vor.u32 v3, v4  }
0x185: {  	v4 =	vperm.xlane v3, v0;
	_ =	sdelay $0x1  }
0x186: {  	v4 =	vadd.s32 v1, v4;
	_ =	sdelay $0x3  }
0x187: {  	s7 =	simm.s32 $0x6800;
	v3 =	vperm.xlane v3, v2  }
0x188: {  	[tilespmem:s7], [sflag:$0x1] =	stream.indirect_vreg.gather [hbm4b:s4+s26], $0x80, v4, vm0, $0xb8;
	[tilespmem:$0x1A000] =	vst v63  }
0x189: {  	s11 =	simm.s32 $0x7000;
	v3 =	vadd.s32 v1, v3  }
0x18a: {  	[tilespmem:s11], [sflag:$0x1] =	stream.indirect_vreg.gather [hbm4b:s8+s26], $0x80, v4, vm0, $0xb8;
	[tilespmem:$0x1A000] =	vst v63  }
0x18b: {  	s13 =	simm.s32 $0x7800  }
0x18c: {  	[tilespmem:s13], [sflag:$0x1] =	stream.indirect_vreg.gather [hbm4b:s9+s26], $0x80, v4, vm0, $0xb8;
	[tilespmem:$0x1A000] =	vst v63  }
0x18d: {  	s14 =	simm.s32 $0x8000  }
0x18e: {  	[tilespmem:s14], [sflag:$0x1] =	stream.indirect_vreg.gather [hbm4b:s4+s26], $0x80, v3, vm0, $0xb8;
	[tilespmem:$0x1A000] =	vst v63  }
0x18f: {  	s16 =	simm.s32 $0x8800  }
0x190: {  	[tilespmem:s16], [sflag:$0x1] =	stream.indirect_vreg.gather [hbm4b:s8+s26], $0x80, v3, vm0, $0xb8;
	[tilespmem:$0x1A000] =	vst v63  }
0x191: {  	s18 =	simm.s32 $0x9000  }
0x192: {  	[tilespmem:s18], [sflag:$0x1] =	stream.indirect_vreg.gather [hbm4b:s9+s26], $0x80, v3, vm0, $0xb8;
	[tilespmem:$0x1A000] =	vst v63  }
0x193: {  	v3 =	vld [tilespmem:s0+$0x30];
	_ =	sdelay $0x4  }
0x194: {  	v4 =	vshrl.u32 v3, $0x3  }
0x195: {  	v4 =	vmul.u32 $0x30, v4  }
0x196: {  	v3 =	vand.u32 $0x7, v3  }
0x197: {  	v3 =	vor.u32 v3, v4  }
0x198: {  	v4 =	vperm.xlane v3, v0;
	_ =	sdelay $0x1  }
0x199: {  	v4 =	vadd.s32 v1, v4;
	_ =	sdelay $0x3  }
0x19a: {  	s20 =	simm.s32 $0x9800;
	v3 =	vperm.xlane v3, v2  }
0x19b: {  	[tilespmem:s20], [sflag:$0x1] =	stream.indirect_vreg.gather [hbm4b:s4+s26], $0x80, v4, vm0, $0xb8;
	[tilespmem:$0x1A000] =	vst v63  }
0x19c: {  	s21 =	simm.s32 $0xA000;
	v3 =	vadd.s32 v1, v3  }
0x19d: {  	[tilespmem:s21], [sflag:$0x1] =	stream.indirect_vreg.gather [hbm4b:s8+s26], $0x80, v4, vm0, $0xb8;
	[tilespmem:$0x1A000] =	vst v63  }
0x19e: {  	s22 =	simm.s32 $0xA800  }
0x19f: {  	[tilespmem:s22], [sflag:$0x1] =	stream.indirect_vreg.gather [hbm4b:s9+s26], $0x80, v4, vm0, $0xb8;
	[tilespmem:$0x1A000] =	vst v63  }
0x1a0: {  	s28 =	simm.s32 $0xB000  }
0x1a1: {  	[tilespmem:s28], [sflag:$0x1] =	stream.indirect_vreg.gather [hbm4b:s4+s26], $0x80, v3, vm0, $0xb8;
	[tilespmem:$0x1A000] =	vst v63  }
0x1a2: {  	s29 =	simm.s32 $0xB800  }
0x1a3: {  	[tilespmem:s29], [sflag:$0x1] =	stream.indirect_vreg.gather [hbm4b:s8+s26], $0x80, v3, vm0, $0xb8;
	[tilespmem:$0x1A000] =	vst v63  }
0x1a4: {  	s30 =	simm.s32 $0xC000  }
0x1a5: {  	[tilespmem:s30], [sflag:$0x1] =	stream.indirect_vreg.gather [hbm4b:s9+s26], $0x80, v3, vm0, $0xb8;
	[tilespmem:$0x1A000] =	vst v63  }
0x1a6: {  	_ =	swait.ge [sflag:s19], $0xC000  }
0x1a7: {  	s31 =	sadd.s32 $0x400, s25;
	[sflag:s19] =	ssyncset.done $0x0  }
0x1a8: {  	s20 =	simm.s32 $0x0;
	v3 =	vmov s31;
	[sflag:s19] =	ssyncadd.s32 $0xFFFF4000  }
.LBB2_7:
0x1a9: {  	s0 =	smul.u32 $0x6000, s20;
	_ =	sdelay $0x1  }
0x1aa: {  	s0 =	sshra.s32 s0, $0x2  }
0x1ab: {  	s2 =	sshll.u32 s20, $0x3;
	s6 =	sand.u32 $0x1C00, s26;
	s16 =	sadd.s32 $0xC800, s0  }
0x1ac: {  	s1 =	sand.u32 $0x40, s26;
	s7 =	sand.u32 $0x30, s2;
	s0 =	sadd.s32 s6, s16  }
0x1ad: {  	v11 =	vld.idx.msk [tilespmem:v3+s7+$0x0 ss:$0x1], $0xffff;
	s21 =	sadd.s32 s1, s0  }
0x1ae: {  	v7 =	vld [tilespmem:s21+$0x0]  }
0x1af: {  	v8 =	vld [tilespmem:s21+$0x80]  }
0x1b0: {  	s11 =	sor.u32 $0x1, s2  }
0x1b1: {  	v4 =	vmov s2;
	s22 =	sor.u32 $0x2, s2;
	v5 =	vmov s11;
	v9 =	vld [tilespmem:s21+$0x100]  }
0x1b2: {  	v6 =	vmov s22;
	v4 =	vperm.xlane v11, v4;
	v5 =	vperm.xlane v11, v5  }
0x1b3: {  	v10 =	vld [tilespmem:s21+$0x180];
	v6 =	vperm.xlane v11, v6  }
0x1b4: {  	s25 =	sor.u32 $0x3, s2;
	v12 =	vmul.f32 v7, v4;
	v8 =	vmul.f32 v8, v5  }
0x1b5: {  	v13 =	vld [tilespmem:s21+$0x200];
	v7 =	vmov s25  }
0x1b6: {  	s30 =	sor.u32 $0x4, s2;
	v9 =	vmul.f32 v9, v6;
	v7 =	vperm.xlane v11, v7;
	v12 =	vadd.f32 v8, v12  }
0x1b7: {  	v14 =	vld [tilespmem:s21+$0x280];
	v8 =	vmov s30  }
0x1b8: {  	s31 =	sor.u32 $0x5, s2;
	v8 =	vperm.xlane v11, v8;
	v10 =	vmul.f32 v10, v7;
	v12 =	vadd.f32 v9, v12  }
0x1b9: {  	v15 =	vld [tilespmem:s21+$0x300];
	v9 =	vmov s31  }
0x1ba: {  	s2 =	sor.u32 $0x6, s2;
	v9 =	vperm.xlane v11, v9;
	v13 =	vmul.f32 v13, v8;
	v12 =	vadd.f32 v10, v12  }
0x1bb: {  	v16 =	vld [tilespmem:s21+$0x380];
	v10 =	vmov s2  }
0x1bc: {  	s7 =	sshllo.u32 s20, $0x3;
	v10 =	vperm.xlane v11, v10;
	v12 =	vadd.f32 v13, v12;
	v13 =	vmul.f32 v14, v9  }
0x1bd: {  	v14 =	vmov s7  }
0x1be: {  	v11 =	vperm.xlane v11, v14;
	v12 =	vadd.f32 v13, v12;
	v13 =	vmul.f32 v15, v10  }
0x1bf: {  	s11 =	sshll.u32 s20, $0x7  }
0x1c0: {  	s2 =	sand.u32 $0x3FFFFF80, s11;
	v12 =	vadd.f32 v13, v12;
	v13 =	vmul.f32 v16, v11  }
0x1c1: {  	s25 =	sadd.s32 $0x18800, s2  }
0x1c2: {  	s6 =	sadd.s32 s6, s25;
	v12 =	vadd.f32 v13, v12  }
0x1c3: {  	s14 =	sor.u32 $0x10, s1;
	s13 =	sadd.s32 s1, s6  }
0x1c4: {  	s18 =	sadd.s32 s14, s0;
	[tilespmem:s13+$0x0] =	vst v12  }
0x1c5: {  	v12 =	vld [tilespmem:s18+$0x0]  }
0x1c6: {  	v13 =	vld [tilespmem:s18+$0x80];
	_ =	sdelay $0x1  }
0x1c7: {  	v14 =	vld [tilespmem:s18+$0x100];
	_ =	sdelay $0x1  }
0x1c8: {  	v15 =	vld [tilespmem:s18+$0x180]  }
0x1c9: {  	v12 =	vmul.f32 v12, v4;
	v13 =	vmul.f32 v13, v5  }
0x1ca: {  	v59 =	vld [tilespmem:s18+$0x200]  }
0x1cb: {  	v12 =	vadd.f32 v13, v12;
	v13 =	vmul.f32 v14, v6  }
0x1cc: {  	v14 =	vld [tilespmem:s18+$0x280]  }
0x1cd: {  	v12 =	vadd.f32 v13, v12;
	v13 =	vmul.f32 v15, v7  }
0x1ce: {  	v15 =	vld [tilespmem:s18+$0x300]  }
0x1cf: {  	v12 =	vadd.f32 v13, v12;
	v13 =	vmul.f32 v59, v8  }
0x1d0: {  	v60 =	vld [tilespmem:s18+$0x380]  }
0x1d1: {  	v12 =	vadd.f32 v13, v12;
	v13 =	vmul.f32 v14, v9;
	_ =	sdelay $0x1  }
0x1d2: {  	v12 =	vadd.f32 v13, v12;
	v13 =	vmul.f32 v15, v10;
	_ =	sdelay $0x1  }
0x1d3: {  	v12 =	vadd.f32 v13, v12;
	v13 =	vmul.f32 v60, v11;
	_ =	sdelay $0x1  }
0x1d4: {  	v12 =	vadd.f32 v13, v12  }
0x1d5: {  	s22 =	sor.u32 $0x20, s1;
	s21 =	sadd.s32 s14, s6  }
0x1d6: {  	s30 =	sadd.s32 s22, s0;
	[tilespmem:s21+$0x0] =	vst v12  }
0x1d7: {  	v12 =	vld [tilespmem:s30+$0x0]  }
0x1d8: {  	v13 =	vld [tilespmem:s30+$0x80];
	_ =	sdelay $0x1  }
0x1d9: {  	v14 =	vld [tilespmem:s30+$0x100];
	_ =	sdelay $0x1  }
0x1da: {  	v15 =	vld [tilespmem:s30+$0x180]  }
0x1db: {  	v12 =	vmul.f32 v12, v4;
	v13 =	vmul.f32 v13, v5  }
0x1dc: {  	v61 =	vld [tilespmem:s30+$0x200]  }
0x1dd: {  	v12 =	vadd.f32 v13, v12;
	v13 =	vmul.f32 v14, v6  }
0x1de: {  	v14 =	vld [tilespmem:s30+$0x280]  }
0x1df: {  	v12 =	vadd.f32 v13, v12;
	v13 =	vmul.f32 v15, v7  }
0x1e0: {  	v15 =	vld [tilespmem:s30+$0x300]  }
0x1e1: {  	v12 =	vadd.f32 v13, v12;
	v13 =	vmul.f32 v61, v8  }
0x1e2: {  	v62 =	vld [tilespmem:s30+$0x380]  }
0x1e3: {  	v12 =	vadd.f32 v13, v12;
	v13 =	vmul.f32 v14, v9;
	_ =	sdelay $0x1  }
0x1e4: {  	v12 =	vadd.f32 v13, v12;
	v13 =	vmul.f32 v15, v10;
	_ =	sdelay $0x1  }
0x1e5: {  	v12 =	vadd.f32 v13, v12;
	v13 =	vmul.f32 v62, v11;
	_ =	sdelay $0x1  }
0x1e6: {  	v12 =	vadd.f32 v13, v12  }
0x1e7: {  	s1 =	sor.u32 $0x30, s1;
	s31 =	sadd.s32 s22, s6  }
0x1e8: {  	s0 =	sadd.s32 s1, s0;
	[tilespmem:s31+$0x0] =	vst v12  }
0x1e9: {  	v12 =	vld [tilespmem:s0+$0x0]  }
0x1ea: {  	v13 =	vld [tilespmem:s0+$0x80];
	_ =	sdelay $0x1  }
0x1eb: {  	v14 =	vld [tilespmem:s0+$0x100];
	_ =	sdelay $0x1  }
0x1ec: {  	v15 =	vld [tilespmem:s0+$0x180]  }
0x1ed: {  	v12 =	vmul.f32 v12, v4;
	v13 =	vmul.f32 v13, v5  }
0x1ee: {  	v63 =	vld [tilespmem:s0+$0x200]  }
0x1ef: {  	v14 =	vmul.f32 v14, v6;
	v12 =	vadd.f32 v13, v12  }
0x1f0: {  	v13 =	vld [tilespmem:s0+$0x280]  }
0x1f1: {  	v17 =	vld [tilespmem:s0+$0x300];
	v15 =	vmul.f32 v15, v7;
	v12 =	vadd.f32 v14, v12  }
0x1f2: {  	v14 =	vld [tilespmem:s0+$0x380]  }
0x1f3: {  	v16 =	vmul.f32 v63, v8;
	v12 =	vadd.f32 v15, v12;
	_ =	sdelay $0x1  }
0x1f4: {  	v15 =	vmul.f32 v13, v9;
	v16 =	vadd.f32 v16, v12  }
0x1f5: {  	s28 =	simm.s32 $0x0  }
0x1f6: {  	s29 =	simm.s32 $0x0;
	s21 =	sadd.s32 s1, s6;
	s0 =	simm.s32 $0x0;
	v13 =	vmul.f32 v17, v10;
	v12 =	vmul.f32 v14, v11;
	v14 =	vadd.f32 v15, v16  }
.LBB2_8:
0x1f7: {  	s28 =	sadd.s32 $0x4, s28;
	s29 =	sadd.s32 $0x200, s29;
	s0 =	sadd.s32 $0x40, s0  }
0x1f8: {  	p0 =	slt.u32 s28, $0x2C;
	v13 =	vadd.f32 v13, v14  }
0x1f9: {  	s1 =	sand.u32 $0x1C00, s29  }
0x1fa: {  	s2 =	sand.u32 $0x40, s0;
	s18 =	sadd.s32 s1, s16;
	s7 =	sadd.s32 s1, s25;
	v12 =	vadd.f32 v12, v13  }
0x1fb: {  	s30 =	sor.u32 $0x10, s2;
	s11 =	sadd.s32 s2, s18;
	s14 =	sadd.s32 s2, s7  }
0x1fc: {  	s13 =	sor.u32 $0x20, s2;
	s1 =	sor.u32 $0x30, s2;
	s6 =	sadd.s32 s30, s7;
	[tilespmem:s21+$0x0] =	vst v12  }
0x1fd: {  	s22 =	sadd.s32 s13, s7;
	s21 =	sadd.s32 s1, s7;
	v12 =	vld [tilespmem:s11+$0x0]  }
0x1fe: {  	v13 =	vld [tilespmem:s11+$0x80];
	_ =	sdelay $0x1  }
0x1ff: {  	v14 =	vld [tilespmem:s11+$0x100];
	_ =	sdelay $0x1  }
0x200: {  	v15 =	vld [tilespmem:s11+$0x180]  }
0x201: {  	v12 =	vmul.f32 v12, v4;
	v13 =	vmul.f32 v13, v5  }
0x202: {  	v16 =	vld [tilespmem:s11+$0x200]  }
0x203: {  	v12 =	vadd.f32 v13, v12;
	v13 =	vmul.f32 v14, v6  }
0x204: {  	v14 =	vld [tilespmem:s11+$0x280]  }
0x205: {  	v12 =	vadd.f32 v13, v12;
	v13 =	vmul.f32 v15, v7  }
0x206: {  	v15 =	vld [tilespmem:s11+$0x300]  }
0x207: {  	v12 =	vadd.f32 v13, v12;
	v13 =	vmul.f32 v16, v8  }
0x208: {  	v16 =	vld [tilespmem:s11+$0x380]  }
0x209: {  	v12 =	vadd.f32 v13, v12;
	v13 =	vmul.f32 v14, v9;
	_ =	sdelay $0x1  }
0x20a: {  	v12 =	vadd.f32 v13, v12;
	v13 =	vmul.f32 v15, v10;
	_ =	sdelay $0x1  }
0x20b: {  	v12 =	vadd.f32 v13, v12;
	v13 =	vmul.f32 v16, v11;
	_ =	sdelay $0x1  }
0x20c: {  	v12 =	vadd.f32 v13, v12;
	_ =	sdelay $0x1  }
0x20d: {  	s2 =	sadd.s32 s30, s18;
	[tilespmem:s14+$0x0] =	vst v12  }
0x20e: {  	v12 =	vld [tilespmem:s2+$0x0]  }
0x20f: {  	v13 =	vld [tilespmem:s2+$0x80];
	_ =	sdelay $0x1  }
0x210: {  	v14 =	vld [tilespmem:s2+$0x100];
	_ =	sdelay $0x1  }
0x211: {  	v15 =	vld [tilespmem:s2+$0x180]  }
0x212: {  	v12 =	vmul.f32 v12, v4;
	v13 =	vmul.f32 v13, v5  }
0x213: {  	v16 =	vld [tilespmem:s2+$0x200]  }
0x214: {  	v12 =	vadd.f32 v13, v12;
	v13 =	vmul.f32 v14, v6  }
0x215: {  	v14 =	vld [tilespmem:s2+$0x280]  }
0x216: {  	v12 =	vadd.f32 v13, v12;
	v13 =	vmul.f32 v15, v7  }
0x217: {  	v15 =	vld [tilespmem:s2+$0x300]  }
0x218: {  	v12 =	vadd.f32 v13, v12;
	v13 =	vmul.f32 v16, v8  }
0x219: {  	v16 =	vld [tilespmem:s2+$0x380]  }
0x21a: {  	v12 =	vadd.f32 v13, v12;
	v13 =	vmul.f32 v14, v9;
	_ =	sdelay $0x1  }
0x21b: {  	v12 =	vadd.f32 v13, v12;
	v13 =	vmul.f32 v15, v10;
	_ =	sdelay $0x1  }
0x21c: {  	v12 =	vadd.f32 v13, v12;
	v13 =	vmul.f32 v16, v11;
	_ =	sdelay $0x1  }
0x21d: {  	v12 =	vadd.f32 v13, v12;
	_ =	sdelay $0x1  }
0x21e: {  	s2 =	sadd.s32 s13, s18;
	[tilespmem:s6+$0x0] =	vst v12  }
0x21f: {  	v12 =	vld [tilespmem:s2+$0x0]  }
0x220: {  	v13 =	vld [tilespmem:s2+$0x80];
	_ =	sdelay $0x1  }
0x221: {  	v14 =	vld [tilespmem:s2+$0x100];
	_ =	sdelay $0x1  }
0x222: {  	v12 =	vmul.f32 v12, v4;
	v15 =	vld [tilespmem:s2+$0x180]  }
0x223: {  	v13 =	vmul.f32 v13, v5  }
0x224: {  	v16 =	vld [tilespmem:s2+$0x200]  }
0x225: {  	v12 =	vadd.f32 v13, v12;
	v13 =	vmul.f32 v14, v6  }
0x226: {  	v14 =	vld [tilespmem:s2+$0x280]  }
0x227: {  	v12 =	vadd.f32 v13, v12;
	v13 =	vmul.f32 v15, v7  }
0x228: {  	v15 =	vld [tilespmem:s2+$0x300]  }
0x229: {  	v12 =	vadd.f32 v13, v12;
	v13 =	vmul.f32 v16, v8  }
0x22a: {  	v16 =	vld [tilespmem:s2+$0x380]  }
0x22b: {  	v12 =	vadd.f32 v13, v12;
	v13 =	vmul.f32 v14, v9;
	_ =	sdelay $0x1  }
0x22c: {  	v12 =	vadd.f32 v13, v12;
	v13 =	vmul.f32 v15, v10;
	_ =	sdelay $0x1  }
0x22d: {  	v12 =	vadd.f32 v13, v12;
	v13 =	vmul.f32 v16, v11;
	_ =	sdelay $0x1  }
0x22e: {  	v12 =	vadd.f32 v13, v12;
	_ =	sdelay $0x1  }
0x22f: {  	s1 =	sadd.s32 s1, s18;
	[tilespmem:s22+$0x0] =	vst v12  }
0x230: {  	v12 =	vld [tilespmem:s1+$0x0]  }
0x231: {  	v13 =	vld [tilespmem:s1+$0x80]  }
0x232: {  	v14 =	vld [tilespmem:s1+$0x100]  }
0x233: {  	v15 =	vld [tilespmem:s1+$0x180]  }
0x234: {  	v16 =	vld [tilespmem:s1+$0x200]  }
0x235: {  	v12 =	vmul.f32 v12, v4;
	v17 =	vld [tilespmem:s1+$0x280]  }
0x236: {  	v13 =	vmul.f32 v13, v5;
	v18 =	vld [tilespmem:s1+$0x300]  }
0x237: {  	v14 =	vmul.f32 v14, v6;
	v19 =	vld [tilespmem:s1+$0x380]  }
0x238: {  	v12 =	vadd.f32 v13, v12  }
0x239: {  	v13 =	vmul.f32 v15, v7  }
0x23a: {  	v12 =	vadd.f32 v14, v12  }
0x23b: {  	v14 =	vmul.f32 v16, v8  }
.Ltmp2:
0x23c: {  	v13 =	vadd.f32 v13, v12;
	v12 =	vmul.f32 v19, v11;
	(pc) =	sbr.rel @p0 .LBB2_8-.Ltmp2, $4  }
0x23d: {  	v15 =	vmul.f32 v17, v9  }
0x23e: {  	v14 =	vadd.f32 v14, v13  }
0x23f: {  	v13 =	vmul.f32 v18, v10  }
0x240: {  	v14 =	vadd.f32 v15, v14  }
0x241: {  	s20 =	sadd.s32 $0x1, s20  }
0x242: {  	p0 =	sne.s32 s20, $0x8  }
.Ltmp3:
0x243: {  	v4 =	vadd.f32 v13, v14;
	(pc) =	sbr.rel @p0 .LBB2_7-.Ltmp3, $3  }
0x244: {  	_ = 	snop  }
0x245: {  	v4 =	vadd.f32 v12, v4;
	_ =	sdelay $0x1  }
0x246: {  	[tilespmem:s21+$0x0] =	vst v4  }
0x247: {  	s0 =	sadd.s32 s10, s17  }
0x248: {  	s24 =	sadd.s32 $0x1, s24;
	s0 =	smul.u32 $0x300, s0  }
0x249: {  	p0 =	sne.s32 s24, $0x8  }
.Ltmp4:
0x24a: {  	s1 =	simm.s32 $0x0;
	s0 =	sadd.s32 s5, s0;
	(pc) =	sbr.rel @p0 .LBB2_2-.Ltmp4, $4  }
0x24b: {  	[hbm4b:s0+s1] =	stream.linear.scatter [tilespmem:s23], [sflag:$0x3], $0x1800, $0x38;
	[tilespmem:$0x1A000] =	vst v63  }
0x24c: {  	_ =	swait.ge [sflag:s12], $0x1800  }
0x24d: {  	[sflag:s12] =	ssyncset.done $0x0  }
0x24e: {  	[sflag:s12] =	ssyncadd.s32 $0xFFFFE800  }
0x24f: {  	_ =	swait.ge [sflag:s15], $0xC000  }
0x250: {  	s1 =	rddreg [dreg:$0x5]  }
0x251: {  	s0 =	rddreg [dreg:$0x4];
	s1 =	sadd.s32 $0x1, s1  }
0x252: {  	p0 =	sne.s32 s1, s0  }
.Ltmp5:
0x253: {  	_ = 	snop;
	(pc) =	sbr.rel @p0 .LBB2_1-.Ltmp5, $3  }
0x254: {  	_ =	sdelay $0x1  }
0x255: {  	[sflag:s15] =	ssyncset.done $0x0  }
0x256: {  	[sflag:s15] =	ssyncadd.s32 $0xFFFF4000  }
0x257: {  	_ =	sfence.sel $0x180000  }
0x258: {  	[bflag:$0x0] =	sbarrier.arrive $0xFFFF  }
0x259: {  	_ =	strace $0x90000047  }
0x25a: {  	s0 =	stileid.u32;
	[bflag:$0x2] =	sbarrier.arrive $0xFFFF  }
0x25b: {  	p0 =	sne.s32 s0, $0x0;
	s0 =	rddreg [dreg:$0x1]  }
0x25c: {  	s0 =	sadd.s32 @!p0 $0x100000, s0  }
0x25d: {  	[sflag:s0] =	ssyncadd.tile.s32 @!p0 $0x1;
	_ =	shalt  }
.Lfunc_end2:
_tile_overlayer_lowered:
.L_overlay_start_2:
0x25e: {  	(tag) =	ssettag $0x2  }
0x25f: {  	s0 =	rddreg [dreg:$0x0];
	s2 =	stileid.u32  }
0x260: {  	s1 =	rddreg [dreg:$0x1];
	p0 =	sne.s32 s2, $0x0  }
0x261: {  	s3 =	rddreg [dreg:$0x2];
	[bflag:$0x3] =	sbarrier.arrive $0xFFFF;
	s2 =	simm.s32 @!p0 $0x1C03  }
0x262: {  	[timem:s3], [sflag:s2] =	dma.local @!p0 [hbm:s0], s1  }
0x263: {  	s0 =	simm.s32 @!p0 $0x3  }
0x264: {  	_ =	swait.ge @!p0 [sflag:s0], s1  }
0x265: {  	s1 =	ssub.s32 @!p0 $0x0, s1;
	[sflag:s0] =	ssyncset.done @!p0 $0x0  }
0x266: {  	[sflag:s0] =	ssyncadd.s32 @!p0 s1  }
0x267: {  	[bflag:$0x3] =	sbarrier.arrive $0xFFFF  }
0x268: {  	_ =	shalt  }

</sc_bundles>
